<compile_context>
chip_gen: v7x
topology: tpu7x:2x2x1
jax: 0.10.2.dev20260603
libtpu: 0.0.44.dev20260713+nightly
codegen_flags: <defaults>
</compile_context>

<pallas_src>
import functools

import jax
import jax.numpy as jnp
from jax import lax
from jax.experimental import pallas as pl
from jax.experimental.pallas import tpu as pltpu
from jax.experimental.pallas import tpu_sc as plsc

N = 10000
E = 320000
NFEAT = 128
NHID = 16
HEADS = 8
NCLASS = 10
CLUSTER = 20
NTRAIN = 5000

_C1 = 64
_C2 = 80
_D1 = 144
_D2 = 112
_NTILE = 16
_RPT = 624
_TAIL = N - _NTILE * _RPT
_LANE = 16
_SC_PARAMS = pltpu.CompilerParams(use_tc_tiling_on_sc=False)


_BM = 1000


def _lrelu(t):
    return jnp.where(t >= 0.0, t, 0.2 * t)


def _tc_pre1(x, W1, att_s, att_d):

    def body(x_ref, w_ref, as_ref, ad_ref, t1_ref, adst_ref):
        h = jnp.dot(x_ref[...], w_ref[...], preferred_element_type=jnp.float32)
        hr = h.reshape(_BM, HEADS, NHID)
        asb = jnp.sum(hr * as_ref[...], axis=-1)
        adb = jnp.sum(hr * ad_ref[...], axis=-1)
        z8 = jnp.zeros((_BM, 8), jnp.float32)
        t1_ref[...] = jnp.concatenate([h, asb, z8], axis=1)
        adst_ref[...] = jnp.concatenate([adb, z8], axis=1)

    return pl.pallas_call(
        body,
        grid=(N // _BM,),
        in_specs=[
            pl.BlockSpec((_BM, NFEAT), lambda i: (i, 0)),
            pl.BlockSpec((NFEAT, NFEAT), lambda i: (0, 0)),
            pl.BlockSpec((1, HEADS, NHID), lambda i: (0, 0, 0)),
            pl.BlockSpec((1, HEADS, NHID), lambda i: (0, 0, 0)),
        ],
        out_specs=[
            pl.BlockSpec((_BM, _D1), lambda i: (i, 0)),
            pl.BlockSpec((_BM, _LANE), lambda i: (i, 0)),
        ],
        out_shape=[
            jax.ShapeDtypeStruct((N, _D1), jnp.float32),
            jax.ShapeDtypeStruct((N, _LANE), jnp.float32),
        ],
    )(x, W1, att_s, att_d)


def _tc_post1(acc, t1, adst, b1):

    def body(acc_ref, t1_ref, adst_ref, b1_ref, o_ref):
        accs = acc_ref[0] + acc_ref[1]
        h = t1_ref[:, :128]
        a_s = t1_ref[:, 128:136]
        a_d = adst_ref[:, :8]
        ws = jnp.exp(_lrelu(a_s + a_d))
        hr = h.reshape(_BM, HEADS, NHID)
        num = accs[:, :128].reshape(_BM, HEADS, NHID) + ws[:, :, None] * hr
        den = accs[:, 128:136] + ws
        h1 = (num / (den[:, :, None] + 1e-16)).reshape(_BM, 128) + b1_ref[...]
        o_ref[...] = jnp.where(h1 > 0.0, h1, jnp.exp(h1) - 1.0)

    return pl.pallas_call(
        body,
        grid=(N // _BM,),
        in_specs=[
            pl.BlockSpec((2, _BM, _D1), lambda i: (0, i, 0)),
            pl.BlockSpec((_BM, _D1), lambda i: (i, 0)),
            pl.BlockSpec((_BM, _LANE), lambda i: (i, 0)),
            pl.BlockSpec((1, 128), lambda i: (0, 0)),
        ],
        out_specs=pl.BlockSpec((_BM, 128), lambda i: (i, 0)),
        out_shape=jax.ShapeDtypeStruct((N, 128), jnp.float32),
    )(acc, t1, adst, b1.reshape(1, 128))


def _tc_pre2(h1, W2a, W2b, x1b, x1a, vs2, vd2):

    def body(h1_ref, wa_ref, wb_ref, x1b_ref, x1a_ref, vs_ref, vd_ref,
             t2_ref, adst_ref):
        lo = jnp.dot(h1_ref[...], wa_ref[...],
                     preferred_element_type=jnp.float32) + x1b_ref[...]
        hi = jnp.dot(h1_ref[...], wb_ref[...],
                     preferred_element_type=jnp.float32) + x1a_ref[...]
        z11 = jnp.zeros((_BM, 11), jnp.float32)
        for j, h2 in enumerate((lo, hi)):
            a_s = jnp.sum(h2 * vs_ref[...], axis=1, keepdims=True)
            a_d = jnp.sum(h2 * vd_ref[...], axis=1, keepdims=True)
            t2_ref[j] = jnp.concatenate([h2, a_s, z11], axis=1)
            adst_ref[j] = jnp.broadcast_to(a_d, (_BM, _LANE))

    return pl.pallas_call(
        body,
        grid=(N // _BM,),
        in_specs=[
            pl.BlockSpec((_BM, 128), lambda i: (i, 0)),
            pl.BlockSpec((128, 100), lambda i: (0, 0)),
            pl.BlockSpec((128, 100), lambda i: (0, 0)),
            pl.BlockSpec((_BM, 100), lambda i: (i, 0)),
            pl.BlockSpec((_BM, 100), lambda i: (i, 0)),
            pl.BlockSpec((1, 100), lambda i: (0, 0)),
            pl.BlockSpec((1, 100), lambda i: (0, 0)),
        ],
        out_specs=[
            pl.BlockSpec((2, _BM, _D2), lambda i: (0, i, 0)),
            pl.BlockSpec((2, _BM, _LANE), lambda i: (0, i, 0)),
        ],
        out_shape=[
            jax.ShapeDtypeStruct((2, N, _D2), jnp.float32),
            jax.ShapeDtypeStruct((2, N, _LANE), jnp.float32),
        ],
    )(h1, W2a, W2b, x1b, x1a, vs2.reshape(1, 100), vd2.reshape(1, 100))


def _tc_post2(acc2, t2, adst2, b2):

    def body(acc_ref, t2_ref, adst_ref, b2_ref, o_ref):
        for j in range(2):
            h2 = t2_ref[j, :, :100]
            a_s = t2_ref[j, :, 100:101]
            a_d = adst_ref[j, :, 0:1]
            ws = jnp.exp(_lrelu(a_s + a_d))
            num = acc_ref[j, :, :100] + ws * h2
            den = acc_ref[j, :, 100:101] + ws
            o_ref[j] = num / (den + 1e-16) + b2_ref[...]

    return pl.pallas_call(
        body,
        grid=(N // _BM,),
        in_specs=[
            pl.BlockSpec((2, _BM, _D2), lambda i: (0, i, 0)),
            pl.BlockSpec((2, _BM, _D2), lambda i: (0, i, 0)),
            pl.BlockSpec((2, _BM, _LANE), lambda i: (0, i, 0)),
            pl.BlockSpec((1, 100), lambda i: (0, 0)),
        ],
        out_specs=pl.BlockSpec((2, _BM, 100), lambda i: (0, i, 0)),
        out_shape=jax.ShapeDtypeStruct((2, N, 100), jnp.float32),
    )(acc2, t2, adst2, b2.reshape(1, 100))


def _splat(v, lane):
    idx = jnp.full((_LANE, 1), lane, dtype=jnp.int32)
    return lax.gather(
        v, idx,
        lax.GatherDimensionNumbers(offset_dims=(), collapsed_slice_dims=(0,),
                                   start_index_map=(0,)),
        slice_sizes=(1,), mode=lax.GatherScatterMode.PROMISE_IN_BOUNDS)


def _zero_tile_slice(stage, acc, s, d, cc):
    zv = jnp.zeros((_LANE,), jnp.float32)

    def zrow(i, _):
        for hh in range(d // _LANE):
            stage[i, pl.ds(_LANE * hh, _LANE)] = zv
        return 0

    lax.fori_loop(0, cc, zrow, 0)
    r0 = s * _RPT
    nfull = _RPT // cc
    rem = _RPT - nfull * cc

    def zcp(j, _):
        pltpu.sync_copy(stage, acc.at[pl.ds(r0 + j * cc, cc)])
        return 0

    lax.fori_loop(0, nfull, zcp, 0)
    if rem:
        pltpu.sync_copy(stage.at[pl.ds(0, rem)], acc.at[pl.ds(r0 + nfull * cc, rem)])

    @pl.when(s == _NTILE - 1)
    def _():
        pltpu.sync_copy(stage.at[pl.ds(0, _TAIL)],
                        acc.at[pl.ds(_NTILE * _RPT, _TAIL)])


def _copy_out_tile(acc, out_h, c, s):
    r0 = s * _RPT
    pltpu.sync_copy(acc.at[pl.ds(r0, _RPT)], out_h.at[c, pl.ds(r0, _RPT)])

    @pl.when(s == _NTILE - 1)
    def _():
        pltpu.sync_copy(acc.at[pl.ds(_NTILE * _RPT, _TAIL)],
                        out_h.at[c, pl.ds(_NTILE * _RPT, _TAIL)])


def _sc_gat1(t1, adst, src, dst):
    nfull = (E // 2 // _NTILE) // _C1
    nlast = (E // 2 - 15 * nfull * _C1) // _C1
    mesh = plsc.VectorSubcoreMesh(core_axis_name="c", subcore_axis_name="s")

    bank = [
        pltpu.VMEM((_C1,), jnp.int32),
        pltpu.VMEM((_C1,), jnp.int32),
        pltpu.VMEM((_C1,), jnp.int32),
        pltpu.VMEM((_C1, _D1), jnp.float32),
        pltpu.VMEM((_C1, _LANE), jnp.float32),
        pltpu.VMEM((_C1, _D1), jnp.float32),
        pltpu.SemaphoreType.DMA,
        pltpu.SemaphoreType.DMA,
    ]

    @functools.partial(
        pl.kernel, mesh=mesh, compiler_params=_SC_PARAMS,
        out_type=jax.ShapeDtypeStruct((2, N, _D1), jnp.float32),
        scratch_types=[pltpu.VMEM_SHARED((N, _D1), jnp.float32)] + bank + bank,
    )
    def k(t1_h, adst_h, src_h, dst_h, out_h, acc,
          sidx0, didx0, sdidx0, srows0, arows0, stage0, sem0, ssem0,
          sidx1, didx1, sdidx1, srows1, arows1, stage1, sem1, ssem1):
        c = lax.axis_index("c")
        s = lax.axis_index("s")
        banks = [(sidx0, didx0, sdidx0, srows0, arows0, stage0, sem0, ssem0),
                 (sidx1, didx1, sdidx1, srows1, arows1, stage1, sem1, ssem1)]

        base = c * (E // 2) + s * (nfull * _C1)
        npair = jnp.where(s == _NTILE - 1, nlast // 2, nfull // 2)

        def load_and_start(b, chunk_idx):
            sidx, didx, _, srows, arows, _, sem, _ = banks[b]
            off = base + chunk_idx * _C1
            pltpu.sync_copy(src_h.at[pl.ds(off, _C1)], sidx)
            pltpu.sync_copy(dst_h.at[pl.ds(off, _C1)], didx)
            pltpu.async_copy(t1_h.at[sidx], srows, sem)
            pltpu.async_copy(adst_h.at[didx], arows, sem)

        def wait_gathers(b):
            sidx, didx, _, srows, arows, _, sem, _ = banks[b]
            pltpu.make_async_copy(t1_h.at[sidx], srows, sem).wait()
            pltpu.make_async_copy(adst_h.at[didx], arows, sem).wait()

        def wait_scatter(b):
            _, _, sdidx, _, _, stage, _, ssem = banks[b]
            pltpu.make_async_copy(stage, acc.at[sdidx], ssem).wait()

        def compute_scatter(b):
            _, didx, sdidx, srows, arows, stage, _, ssem = banks[b]

            @plsc.parallel_loop(0, _C1, unroll=8)
            def edge(e):
                av = srows[e, pl.ds(128, _LANE)]
                bv = arows[e, pl.ds(0, _LANE)]
                t = av + bv
                t = jnp.where(t >= 0.0, t, 0.2 * t)
                w = jnp.exp(t)
                for hh in range(HEADS):
                    sp = _splat(w, hh)
                    stage[e, pl.ds(_LANE * hh, _LANE)] = (
                        sp * srows[e, pl.ds(_LANE * hh, _LANE)])
                stage[e, pl.ds(128, _LANE)] = w

            @plsc.parallel_loop(0, _C1 // _LANE, unroll=4)
            def cpidx(v):
                sl = pl.ds(_LANE * v, _LANE)
                sdidx[sl] = didx[sl]

            pltpu.async_copy(stage, acc.at[sdidx], sem=ssem, add=True)

        load_and_start(0, 0)
        _zero_tile_slice(stage1, acc, s, _D1, _C1)
        plsc.subcore_barrier()

        def pair(i, _):
            load_and_start(1, 2 * i + 1)
            wait_gathers(0)

            @pl.when(i > 0)
            def _():
                wait_scatter(0)

            compute_scatter(0)

            @pl.when(i + 1 < npair)
            def _():
                load_and_start(0, 2 * i + 2)

            wait_gathers(1)

            @pl.when(i > 0)
            def _():
                wait_scatter(1)

            compute_scatter(1)
            return 0

        lax.fori_loop(0, npair, pair, 0)
        wait_scatter(0)
        wait_scatter(1)
        plsc.subcore_barrier()
        _copy_out_tile(acc, out_h, c, s)

    return k(t1, adst, src, dst)


def _sc_gat2(t2, adst2, src, dst):
    nfull = (E // _NTILE) // _C2
    mesh = plsc.VectorSubcoreMesh(core_axis_name="c", subcore_axis_name="s")

    bank = [
        pltpu.VMEM((_C2,), jnp.int32),
        pltpu.VMEM((_C2,), jnp.int32),
        pltpu.VMEM((_C2,), jnp.int32),
        pltpu.VMEM((_C2,), jnp.int32),
        pltpu.VMEM((_C2, _D2), jnp.float32),
        pltpu.VMEM((_C2, _LANE), jnp.float32),
        pltpu.VMEM((_C2, _D2), jnp.float32),
        pltpu.SemaphoreType.DMA,
        pltpu.SemaphoreType.DMA,
    ]

    @functools.partial(
        pl.kernel, mesh=mesh, compiler_params=_SC_PARAMS,
        out_type=jax.ShapeDtypeStruct((2, N, _D2), jnp.float32),
        scratch_types=[pltpu.VMEM_SHARED((N, _D2), jnp.float32)] + bank + bank,
    )
    def k(t2_h, adst_h, src_h, dst_h, out_h, acc,
          gidx0, didx0, gdidx0, sdidx0, srows0, arows0, stage0, sem0, ssem0,
          gidx1, didx1, gdidx1, sdidx1, srows1, arows1, stage1, sem1, ssem1):
        c = lax.axis_index("c")
        s = lax.axis_index("s")
        banks = [
            (gidx0, didx0, gdidx0, sdidx0, srows0, arows0, stage0, sem0, ssem0),
            (gidx1, didx1, gdidx1, sdidx1, srows1, arows1, stage1, sem1, ssem1)]

        base = s * (nfull * _C2)
        npair = nfull // 2
        voff = c * N
        lane4 = jnp.arange(_LANE, dtype=jnp.int32) == 4

        def load_and_start(b, chunk_idx):
            gidx, didx, gdidx, _, srows, arows, _, sem, _ = banks[b]
            off = base + chunk_idx * _C2
            pltpu.sync_copy(src_h.at[pl.ds(off, _C2)], gidx)
            pltpu.sync_copy(dst_h.at[pl.ds(off, _C2)], didx)

            @plsc.parallel_loop(0, _C2 // _LANE, unroll=4)
            def shift(v):
                sl = pl.ds(_LANE * v, _LANE)
                gidx[sl] = gidx[sl] + voff
                gdidx[sl] = didx[sl] + voff

            pltpu.async_copy(t2_h.at[gidx], srows, sem)
            pltpu.async_copy(adst_h.at[gdidx], arows, sem)

        def wait_gathers(b):
            gidx, _, gdidx, _, srows, arows, _, sem, _ = banks[b]
            pltpu.make_async_copy(t2_h.at[gidx], srows, sem).wait()
            pltpu.make_async_copy(adst_h.at[gdidx], arows, sem).wait()

        def wait_scatter(b):
            _, _, _, sdidx, _, _, stage, _, ssem = banks[b]
            pltpu.make_async_copy(stage, acc.at[sdidx], ssem).wait()

        def compute_scatter(b):
            _, didx, _, sdidx, srows, arows, stage, _, ssem = banks[b]

            @plsc.parallel_loop(0, _C2, unroll=16)
            def edge(e):
                rv6 = srows[e, pl.ds(96, _LANE)]
                t = rv6 + arows[e, pl.ds(0, _LANE)]
                t = jnp.where(t >= 0.0, t, 0.2 * t)
                w = jnp.exp(t)
                sp = _splat(w, 4)
                for kk in range(7):
                    sv = sp * srows[e, pl.ds(_LANE * kk, _LANE)]
                    if kk == 6:
                        sv = jnp.where(lane4, sp, sv)
                    stage[e, pl.ds(_LANE * kk, _LANE)] = sv

            @plsc.parallel_loop(0, _C2 // _LANE, unroll=5)
            def cpidx(v):
                sl = pl.ds(_LANE * v, _LANE)
                sdidx[sl] = didx[sl]

            pltpu.async_copy(stage, acc.at[sdidx], sem=ssem, add=True)

        load_and_start(0, 0)
        _zero_tile_slice(stage1, acc, s, _D2, _C2)
        plsc.subcore_barrier()

        def pair(i, _):
            load_and_start(1, 2 * i + 1)
            wait_gathers(0)

            @pl.when(i > 0)
            def _():
                wait_scatter(0)

            compute_scatter(0)

            @pl.when(i + 1 < npair)
            def _():
                load_and_start(0, 2 * i + 2)

            wait_gathers(1)

            @pl.when(i > 0)
            def _():
                wait_scatter(1)

            compute_scatter(1)
            return 0

        lax.fori_loop(0, npair, pair, 0)
        wait_scatter(0)
        wait_scatter(1)
        plsc.subcore_barrier()
        _copy_out_tile(acc, out_h, c, s)

    return k(t2, adst2, src, dst)


def kernel(x, edge_index, cluster_id, cluster_index, W1, att_src1, att_dst1, b1,
           W2, att_src2, att_dst2, b2):
    src = edge_index[0].astype(jnp.int32)
    dst = edge_index[1].astype(jnp.int32)

    t1, adst_tab = _tc_pre1(x, W1, att_src1, att_dst1)
    acc = _sc_gat1(t1, adst_tab, src, dst)
    h1 = _tc_post1(acc, t1, adst_tab, b1)

    sel_id = cluster_id[cluster_index]
    sel_x = h1[cluster_index]
    cf = (sel_id.T @ sel_x) / sel_id.sum(0)[:, None]
    cidx = jnp.argmax(cluster_id, axis=1)

    W2a, W2b = W2[:128], W2[128:]
    cfA = cf @ W2a
    cfB = cf @ W2b
    x1b = cfB[cidx]
    x1a = cfA[cidx]
    t2, adst2_tab = _tc_pre2(h1, W2a, W2b, x1b, x1a,
                             att_src2.reshape(-1), att_dst2.reshape(-1))

    acc2 = _sc_gat2(t2.reshape(2 * N, _D2),
                    adst2_tab.reshape(2 * N, _LANE), src, dst)

    out = _tc_post2(acc2, t2, adst2_tab, b2)
    return out.reshape(2 * N, NCLASS * NCLASS)

# --- scband reference (transcript-rebuilt; emitter-appended) ---
"""Pipeline reference for scband-gat-44770739093839 (READ-ONLY COPY).

The authoritative reference and input builder live on the scoring server;
editing this copy changes nothing except your own understanding.
"""

import jax, jax.numpy as jnp
import numpy as np

N = 10000
E = 320000
NFEAT = 128
NHID = 16
HEADS = 8
NCLASS = 10
CLUSTER = 20
NTRAIN = 5000


def gat_conv(x, edge_index, W, att_src, att_dst, bias, heads, out_ch, concat, num_nodes):
    # PyG-style GATConv (v1), eval mode (no dropout), add_self_loops=True
    h = (x @ W).reshape(num_nodes, heads, out_ch)
    loop = jnp.arange(num_nodes)
    src = jnp.concatenate([edge_index[0], loop])
    dst = jnp.concatenate([edge_index[1], loop])
    a_src = jnp.sum(h * att_src, axis=-1)  # [N, H]
    a_dst = jnp.sum(h * att_dst, axis=-1)  # [N, H]
    alpha = jax.nn.leaky_relu(a_src[src] + a_dst[dst], negative_slope=0.2)  # [E', H]
    amax = jax.ops.segment_max(alpha, dst, num_segments=num_nodes)
    amax = jnp.where(jnp.isfinite(amax), amax, 0.0)
    amax = jax.lax.stop_gradient(amax)
    ex = jnp.exp(alpha - amax[dst])
    denom = jax.ops.segment_sum(ex, dst, num_segments=num_nodes)
    coef = ex / (denom[dst] + 1e-16)
    out = jax.ops.segment_sum(h[src] * coef[:, :, None], dst, num_segments=num_nodes)
    if concat:
        out = out.reshape(num_nodes, heads * out_ch)
    else:
        out = out.mean(axis=1)
    return out + bias


def setup_inputs(seed: int = 0) -> dict:
    key = jax.random.key(seed)
    ks = jax.random.split(key, 12)
    x = jax.random.normal(ks[0], (N, NFEAT), dtype=jnp.float32)
    edge_index = jax.random.randint(ks[1], (2, E), 0, N)
    cluster_id = jax.random.uniform(ks[2], (N, CLUSTER), dtype=jnp.float32)
    cluster_index = jax.random.randint(ks[3], (NTRAIN,), 0, N)
    s1 = 1.0 / np.sqrt(NFEAT)
    W1 = jax.random.normal(ks[4], (NFEAT, HEADS * NHID), dtype=jnp.float32) * s1
    att_src1 = jax.random.normal(ks[5], (1, HEADS, NHID), dtype=jnp.float32) * 0.1
    att_dst1 = jax.random.normal(ks[6], (1, HEADS, NHID), dtype=jnp.float32) * 0.1
    b1 = jnp.zeros((HEADS * NHID,), dtype=jnp.float32)
    in2 = 2 * NHID * HEADS
    out2 = NCLASS * NCLASS
    s2 = 1.0 / np.sqrt(in2)
    W2 = jax.random.normal(ks[7], (in2, 1 * out2), dtype=jnp.float32) * s2
    att_src2 = jax.random.normal(ks[8], (1, 1, out2), dtype=jnp.float32) * 0.1
    att_dst2 = jax.random.normal(ks[9], (1, 1, out2), dtype=jnp.float32) * 0.1
    b2 = jnp.zeros((out2,), dtype=jnp.float32)
    return {"x": x, "edge_index": edge_index, "cluster_id": cluster_id,
            "cluster_index": cluster_index, "W1": W1, "att_src1": att_src1,
            "att_dst1": att_dst1, "b1": b1, "W2": W2, "att_src2": att_src2,
            "att_dst2": att_dst2, "b2": b2}


def reference(x, edge_index, cluster_id, cluster_index, W1, att_src1, att_dst1, b1,
              W2, att_src2, att_dst2, b2):
    # eval-mode forward, is_val=False branch; dropout is identity
    h = gat_conv(x, edge_index, W1, att_src1, att_dst1, b1, HEADS, NHID, True, N)
    h = jax.nn.elu(h)
    sel_id = cluster_id[cluster_index]          # [T, CLUSTER]
    sel_x = h[cluster_index]                    # [T, HEADS*NHID]
    cluster_features = (sel_id.T @ sel_x) / sel_id.sum(0)[:, None]
    x1 = cluster_features[jnp.argmax(cluster_id, axis=1)]  # [N, HEADS*NHID]
    xcat = jnp.concatenate([jnp.concatenate([h, x1], axis=1),
                            jnp.concatenate([x1, h], axis=1)], axis=0)  # [2N, 2*H*NHID]
    ei2 = jnp.concatenate([edge_index, edge_index + N], axis=1)
    out = gat_conv(xcat, ei2, W2, att_src2, att_dst2, b2, 1, NCLASS * NCLASS, False, 2 * N)
    return out

if __name__ == "__main__":
    import jax
    _d = setup_inputs()
    print(jax.jit(kernel)(*tuple(_d.values())))

</pallas_src>

<mosaic_0001>
#map = affine_map<(d0, d1) -> (0, 0)>
#map1 = affine_map<(d0, d1) -> (0)>
#map2 = affine_map<(d0, d1) -> (0, 0, 0)>
module attributes {stable_mosaic.version = 14 : i64} {
  func.func @k(%arg0: i32, %arg1: i32, %arg2: memref<10000x144xf32, #tpu.memory_space<hbm>>, %arg3: memref<10000x16xf32, #tpu.memory_space<hbm>>, %arg4: memref<320000xi32, #tpu.memory_space<hbm>>, %arg5: memref<320000xi32, #tpu.memory_space<hbm>>, %arg6: memref<2x10000x144xf32, #tpu.memory_space<hbm>>, %arg7: memref<10000x144xf32, #tpu.memory_space<vmem_shared>>, %arg8: memref<64xi32, #tpu.memory_space<vmem>>, %arg9: memref<64xi32, #tpu.memory_space<vmem>>, %arg10: memref<64xi32, #tpu.memory_space<vmem>>, %arg11: memref<64x144xf32, #tpu.memory_space<vmem>>, %arg12: memref<64x16xf32, #tpu.memory_space<vmem>>, %arg13: memref<64x144xf32, #tpu.memory_space<vmem>>, %arg14: memref<!tpu.dma_semaphore, #tpu.memory_space<semaphore_mem>>, %arg15: memref<!tpu.dma_semaphore, #tpu.memory_space<semaphore_mem>>, %arg16: memref<64xi32, #tpu.memory_space<vmem>>, %arg17: memref<64xi32, #tpu.memory_space<vmem>>, %arg18: memref<64xi32, #tpu.memory_space<vmem>>, %arg19: memref<64x144xf32, #tpu.memory_space<vmem>>, %arg20: memref<64x16xf32, #tpu.memory_space<vmem>>, %arg21: memref<64x144xf32, #tpu.memory_space<vmem>>, %arg22: memref<!tpu.dma_semaphore, #tpu.memory_space<semaphore_mem>>, %arg23: memref<!tpu.dma_semaphore, #tpu.memory_space<semaphore_mem>>) attributes {dimension_semantics = [#tpu.dimension_semantics<core_parallel>, #tpu.dimension_semantics<subcore_parallel>], iteration_bounds = array<i64: 2, 16>, scalar_prefetch = 0 : i64, scratch_operands = 17 : i64, tpu.core_type = #tpu.core_type<sc_vector_subcore>, window_params = [{transform_indices = #map}, {transform_indices = #map}, {transform_indices = #map1}, {transform_indices = #map1}, {transform_indices = #map2}]} {
    %mul3A = arith.constant 160000 : i32
    %mul3A_0 = arith.muli %arg0, %mul3A : i32
    %mul3A_1 = arith.constant 9984 : i32
    %mul3A_2 = arith.muli %arg1, %mul3A_1 : i32
    %add3A = arith.addi %mul3A_0, %mul3A_2 : i32
    %eq3A = arith.constant 15 : i32
    %eq3A_3 = arith.cmpi eq, %arg1, %eq3A : i32
    %jit3A = arith.constant 80 : i32
    %jit3A_4 = arith.constant 78 : i32
    %select_n3A = arith.select %eq3A_3, %jit3A, %jit3A_4 : i32
    %add3A_5 = arith.constant 0 : i32
    %add3A_6 = arith.addi %add3A, %add3A_5 : i32
    "tpu.region"() ({
      %run_scoped3A = tpu.sem_alloc : memref<!tpu.dma_semaphore, #tpu.memory_space<semaphore_mem>>
      %dma_start3A_57 = tpu.memref_slice %arg4[%add3A_6] : memref<320000xi32, #tpu.memory_space<hbm>> -> memref<64xi32, #tpu.memory_space<hbm>>
      %dma_start3A_58 = tpu.memref_slice %arg4[%add3A_6] : memref<320000xi32, #tpu.memory_space<hbm>> -> memref<64xi32, #tpu.memory_space<hbm>>
      tpu.enqueue_dma source(%dma_start3A_58 : memref<64xi32, #tpu.memory_space<hbm>>) target(%arg8 : memref<64xi32, #tpu.memory_space<vmem>>) target_semaphore(%run_scoped3A : memref<!tpu.dma_semaphore, #tpu.memory_space<semaphore_mem>>)
      %dma_wait3A_59 = tpu.memref_slice %arg4[%add3A_6] : memref<320000xi32, #tpu.memory_space<hbm>> -> memref<64xi32, #tpu.memory_space<hbm>>
      %dma_wait3A_60 = tpu.memref_slice %arg4[%add3A_6] : memref<320000xi32, #tpu.memory_space<hbm>> -> memref<64xi32, #tpu.memory_space<hbm>>
      tpu.wait_dma2 semaphore(%run_scoped3A : memref<!tpu.dma_semaphore, #tpu.memory_space<semaphore_mem>>) src(%dma_wait3A_60 : memref<64xi32, #tpu.memory_space<hbm>>) dst(%arg8 : memref<64xi32, #tpu.memory_space<vmem>>)
      tpu.yield
    }) : () -> ()
    "tpu.region"() ({
      %run_scoped3A = tpu.sem_alloc : memref<!tpu.dma_semaphore, #tpu.memory_space<semaphore_mem>>
      %dma_start3A_57 = tpu.memref_slice %arg5[%add3A_6] : memref<320000xi32, #tpu.memory_space<hbm>> -> memref<64xi32, #tpu.memory_space<hbm>>
      %dma_start3A_58 = tpu.memref_slice %arg5[%add3A_6] : memref<320000xi32, #tpu.memory_space<hbm>> -> memref<64xi32, #tpu.memory_space<hbm>>
      tpu.enqueue_dma source(%dma_start3A_58 : memref<64xi32, #tpu.memory_space<hbm>>) target(%arg9 : memref<64xi32, #tpu.memory_space<vmem>>) target_semaphore(%run_scoped3A : memref<!tpu.dma_semaphore, #tpu.memory_space<semaphore_mem>>)
      %dma_wait3A_59 = tpu.memref_slice %arg5[%add3A_6] : memref<320000xi32, #tpu.memory_space<hbm>> -> memref<64xi32, #tpu.memory_space<hbm>>
      %dma_wait3A_60 = tpu.memref_slice %arg5[%add3A_6] : memref<320000xi32, #tpu.memory_space<hbm>> -> memref<64xi32, #tpu.memory_space<hbm>>
      tpu.wait_dma2 semaphore(%run_scoped3A : memref<!tpu.dma_semaphore, #tpu.memory_space<semaphore_mem>>) src(%dma_wait3A_60 : memref<64xi32, #tpu.memory_space<hbm>>) dst(%arg9 : memref<64xi32, #tpu.memory_space<vmem>>)
      tpu.yield
    }) : () -> ()
    %dma_start3A = arith.constant 0 : i32
    %dma_start3A_7 = arith.constant 0 : i32
    %dma_start3A_8 = tpu.memref_slice %arg2[%dma_start3A, %dma_start3A_7] : memref<10000x144xf32, #tpu.memory_space<hbm>> -> memref<10000x144xf32, #tpu.memory_space<hbm>>
    tpu.enqueue_indirect_dma source(%dma_start3A_8 : memref<10000x144xf32, #tpu.memory_space<hbm>>) target(%arg11 : memref<64x144xf32, #tpu.memory_space<vmem>>) offsets(%arg8 : memref<64xi32, #tpu.memory_space<vmem>>) semaphore(%arg14 : memref<!tpu.dma_semaphore, #tpu.memory_space<semaphore_mem>>)
    %dma_start3A_9 = arith.constant 0 : i32
    %dma_start3A_10 = arith.constant 0 : i32
    %dma_start3A_11 = tpu.memref_slice %arg3[%dma_start3A_9, %dma_start3A_10] : memref<10000x16xf32, #tpu.memory_space<hbm>> -> memref<10000x16xf32, #tpu.memory_space<hbm>>
    tpu.enqueue_indirect_dma source(%dma_start3A_11 : memref<10000x16xf32, #tpu.memory_space<hbm>>) target(%arg12 : memref<64x16xf32, #tpu.memory_space<vmem>>) offsets(%arg9 : memref<64xi32, #tpu.memory_space<vmem>>) semaphore(%arg14 : memref<!tpu.dma_semaphore, #tpu.memory_space<semaphore_mem>>)
    %broadcast_in_dim3A = arith.constant 0.000000e+00 : f32
    %broadcast_in_dim3A_12 = vector.broadcast %broadcast_in_dim3A : f32 to vector<16xf32>
    %scan3A = arith.constant 0 : i32
    %scan3A_13 = arith.constant 0 : i32
    %scan3A_14 = arith.constant 64 : i32
    %scan3A_15 = arith.addi %scan3A_13, %scan3A_14 : i32
    %scan3A_16 = arith.constant 1 : i32
    %scan3A_17 = scf.for %scan3A_57 = %scan3A_13 to %scan3A_15 step %scan3A_16 iter_args(%scan3A_58 = %scan3A) -> (i32)  : i32 {
      %swap3A = arith.index_cast %scan3A_57 : i32 to index
      %swap3A_59 = arith.constant 0 : index
      %swap3A_60 = tpu.vector_load %arg21[%swap3A, %swap3A_59] {strides = array<i32>} : memref<64x144xf32, #tpu.memory_space<vmem>>, vector<1x16xf32>,
      %swap3A_61 = vector.shape_cast %swap3A_60 : vector<1x16xf32> to vector<16xf32>
      %swap3A_62 = vector.shape_cast %broadcast_in_dim3A_12 : vector<16xf32> to vector<1x16xf32>
      tpu.vector_store %arg21[%swap3A, %swap3A_59], %swap3A_62 {strides = array<i32>} : memref<64x144xf32, #tpu.memory_space<vmem>>, vector<1x16xf32>,
      %swap3A_63 = arith.index_cast %scan3A_57 : i32 to index
      %swap3A_64 = arith.constant 16 : index
      %swap3A_65 = tpu.vector_load %arg21[%swap3A_63, %swap3A_64] {strides = array<i32>} : memref<64x144xf32, #tpu.memory_space<vmem>>, vector<1x16xf32>,
      %swap3A_66 = vector.shape_cast %swap3A_65 : vector<1x16xf32> to vector<16xf32>
      %swap3A_67 = vector.shape_cast %broadcast_in_dim3A_12 : vector<16xf32> to vector<1x16xf32>
      tpu.vector_store %arg21[%swap3A_63, %swap3A_64], %swap3A_67 {strides = array<i32>} : memref<64x144xf32, #tpu.memory_space<vmem>>, vector<1x16xf32>,
      %swap3A_68 = arith.index_cast %scan3A_57 : i32 to index
      %swap3A_69 = arith.constant 32 : index
      %swap3A_70 = tpu.vector_load %arg21[%swap3A_68, %swap3A_69] {strides = array<i32>} : memref<64x144xf32, #tpu.memory_space<vmem>>, vector<1x16xf32>,
      %swap3A_71 = vector.shape_cast %swap3A_70 : vector<1x16xf32> to vector<16xf32>
      %swap3A_72 = vector.shape_cast %broadcast_in_dim3A_12 : vector<16xf32> to vector<1x16xf32>
      tpu.vector_store %arg21[%swap3A_68, %swap3A_69], %swap3A_72 {strides = array<i32>} : memref<64x144xf32, #tpu.memory_space<vmem>>, vector<1x16xf32>,
      %swap3A_73 = arith.index_cast %scan3A_57 : i32 to index
      %swap3A_74 = arith.constant 48 : index
      %swap3A_75 = tpu.vector_load %arg21[%swap3A_73, %swap3A_74] {strides = array<i32>} : memref<64x144xf32, #tpu.memory_space<vmem>>, vector<1x16xf32>,
      %swap3A_76 = vector.shape_cast %swap3A_75 : vector<1x16xf32> to vector<16xf32>
      %swap3A_77 = vector.shape_cast %broadcast_in_dim3A_12 : vector<16xf32> to vector<1x16xf32>
      tpu.vector_store %arg21[%swap3A_73, %swap3A_74], %swap3A_77 {strides = array<i32>} : memref<64x144xf32, #tpu.memory_space<vmem>>, vector<1x16xf32>,
      %swap3A_78 = arith.index_cast %scan3A_57 : i32 to index
      %swap3A_79 = arith.constant 64 : index
      %swap3A_80 = tpu.vector_load %arg21[%swap3A_78, %swap3A_79] {strides = array<i32>} : memref<64x144xf32, #tpu.memory_space<vmem>>, vector<1x16xf32>,
      %swap3A_81 = vector.shape_cast %swap3A_80 : vector<1x16xf32> to vector<16xf32>
      %swap3A_82 = vector.shape_cast %broadcast_in_dim3A_12 : vector<16xf32> to vector<1x16xf32>
      tpu.vector_store %arg21[%swap3A_78, %swap3A_79], %swap3A_82 {strides = array<i32>} : memref<64x144xf32, #tpu.memory_space<vmem>>, vector<1x16xf32>,
      %swap3A_83 = arith.index_cast %scan3A_57 : i32 to index
      %swap3A_84 = arith.constant 80 : index
      %swap3A_85 = tpu.vector_load %arg21[%swap3A_83, %swap3A_84] {strides = array<i32>} : memref<64x144xf32, #tpu.memory_space<vmem>>, vector<1x16xf32>,
      %swap3A_86 = vector.shape_cast %swap3A_85 : vector<1x16xf32> to vector<16xf32>
      %swap3A_87 = vector.shape_cast %broadcast_in_dim3A_12 : vector<16xf32> to vector<1x16xf32>
      tpu.vector_store %arg21[%swap3A_83, %swap3A_84], %swap3A_87 {strides = array<i32>} : memref<64x144xf32, #tpu.memory_space<vmem>>, vector<1x16xf32>,
      %swap3A_88 = arith.index_cast %scan3A_57 : i32 to index
      %swap3A_89 = arith.constant 96 : index
      %swap3A_90 = tpu.vector_load %arg21[%swap3A_88, %swap3A_89] {strides = array<i32>} : memref<64x144xf32, #tpu.memory_space<vmem>>, vector<1x16xf32>,
      %swap3A_91 = vector.shape_cast %swap3A_90 : vector<1x16xf32> to vector<16xf32>
      %swap3A_92 = vector.shape_cast %broadcast_in_dim3A_12 : vector<16xf32> to vector<1x16xf32>
      tpu.vector_store %arg21[%swap3A_88, %swap3A_89], %swap3A_92 {strides = array<i32>} : memref<64x144xf32, #tpu.memory_space<vmem>>, vector<1x16xf32>,
      %swap3A_93 = arith.index_cast %scan3A_57 : i32 to index
      %swap3A_94 = arith.constant 112 : index
      %swap3A_95 = tpu.vector_load %arg21[%swap3A_93, %swap3A_94] {strides = array<i32>} : memref<64x144xf32, #tpu.memory_space<vmem>>, vector<1x16xf32>,
      %swap3A_96 = vector.shape_cast %swap3A_95 : vector<1x16xf32> to vector<16xf32>
      %swap3A_97 = vector.shape_cast %broadcast_in_dim3A_12 : vector<16xf32> to vector<1x16xf32>
      tpu.vector_store %arg21[%swap3A_93, %swap3A_94], %swap3A_97 {strides = array<i32>} : memref<64x144xf32, #tpu.memory_space<vmem>>, vector<1x16xf32>,
      %swap3A_98 = arith.index_cast %scan3A_57 : i32 to index
      %swap3A_99 = arith.constant 128 : index
      %swap3A_100 = tpu.vector_load %arg21[%swap3A_98, %swap3A_99] {strides = array<i32>} : memref<64x144xf32, #tpu.memory_space<vmem>>, vector<1x16xf32>,
      %swap3A_101 = vector.shape_cast %swap3A_100 : vector<1x16xf32> to vector<16xf32>
      %swap3A_102 = vector.shape_cast %broadcast_in_dim3A_12 : vector<16xf32> to vector<1x16xf32>
      tpu.vector_store %arg21[%swap3A_98, %swap3A_99], %swap3A_102 {strides = array<i32>} : memref<64x144xf32, #tpu.memory_space<vmem>>, vector<1x16xf32>,
      %scan3A_103 = arith.constant 0 : i32
      scf.yield %scan3A_103 : i32
    }
    %scan3A_18 = arith.constant 64 : i32
    %mul3A_19 = arith.constant 624 : i32
    %mul3A_20 = arith.muli %arg1, %mul3A_19 : i32
    %scan3A_21 = arith.constant 0 : i32
    %scan3A_22 = arith.constant 0 : i32
    %scan3A_23 = arith.constant 9 : i32
    %scan3A_24 = arith.addi %scan3A_22, %scan3A_23 : i32
    %scan3A_25 = arith.constant 1 : i32
    %scan3A_26 = scf.for %scan3A_57 = %scan3A_22 to %scan3A_24 step %scan3A_25 iter_args(%scan3A_58 = %scan3A_21) -> (i32)  : i32 {
      %mul3A_59 = arith.constant 64 : i32
      %mul3A_60 = arith.muli %scan3A_57, %mul3A_59 : i32
      %add3A_61 = arith.addi %mul3A_20, %mul3A_60 : i32
      "tpu.region"() ({
        %run_scoped3A = tpu.sem_alloc : memref<!tpu.dma_semaphore, #tpu.memory_space<semaphore_mem>>
        %dma_start3A_63 = arith.constant 0 : i32
        %dma_start3A_64 = tpu.memref_slice %arg7[%add3A_61, %dma_start3A_63] : memref<10000x144xf32, #tpu.memory_space<vmem_shared>> -> memref<64x144xf32, #tpu.memory_space<vmem_shared>>
        %dma_start3A_65 = arith.constant 0 : i32
        %dma_start3A_66 = tpu.memref_slice %arg7[%add3A_61, %dma_start3A_65] : memref<10000x144xf32, #tpu.memory_space<vmem_shared>> -> memref<64x144xf32, #tpu.memory_space<vmem_shared>>
        tpu.enqueue_dma source(%arg21 : memref<64x144xf32, #tpu.memory_space<vmem>>) target(%dma_start3A_66 : memref<64x144xf32, #tpu.memory_space<vmem_shared>>) target_semaphore(%run_scoped3A : memref<!tpu.dma_semaphore, #tpu.memory_space<semaphore_mem>>)
        %dma_wait3A_67 = arith.constant 0 : i32
        %dma_wait3A_68 = tpu.memref_slice %arg7[%add3A_61, %dma_wait3A_67] : memref<10000x144xf32, #tpu.memory_space<vmem_shared>> -> memref<64x144xf32, #tpu.memory_space<vmem_shared>>
        %dma_wait3A_69 = arith.constant 0 : i32
        %dma_wait3A_70 = tpu.memref_slice %arg7[%add3A_61, %dma_wait3A_69] : memref<10000x144xf32, #tpu.memory_space<vmem_shared>> -> memref<64x144xf32, #tpu.memory_space<vmem_shared>>
        tpu.wait_dma2 semaphore(%run_scoped3A : memref<!tpu.dma_semaphore, #tpu.memory_space<semaphore_mem>>) src(%arg21 : memref<64x144xf32, #tpu.memory_space<vmem>>) dst(%dma_wait3A_70 : memref<64x144xf32, #tpu.memory_space<vmem_shared>>)
        tpu.yield
      }) : () -> ()
      %scan3A_62 = arith.constant 0 : i32
      scf.yield %scan3A_62 : i32
    }
    %scan3A_27 = arith.constant 9 : i32
    %add3A_28 = arith.constant 576 : i32
    %add3A_29 = arith.addi %mul3A_20, %add3A_28 : i32
    "tpu.region"() ({
      %run_scoped3A = tpu.sem_alloc : memref<!tpu.dma_semaphore, #tpu.memory_space<semaphore_mem>>
      %dma_start3A_57 = arith.constant 0 : i32
      %dma_start3A_58 = arith.constant 0 : i32
      %dma_start3A_59 = tpu.memref_slice %arg21[%dma_start3A_57, %dma_start3A_58] : memref<64x144xf32, #tpu.memory_space<vmem>> -> memref<48x144xf32, #tpu.memory_space<vmem>>
      %dma_start3A_60 = arith.constant 0 : i32
      %dma_start3A_61 = tpu.memref_slice %arg7[%add3A_29, %dma_start3A_60] : memref<10000x144xf32, #tpu.memory_space<vmem_shared>> -> memref<48x144xf32, #tpu.memory_space<vmem_shared>>
      %dma_start3A_62 = arith.constant 0 : i32
      %dma_start3A_63 = tpu.memref_slice %arg7[%add3A_29, %dma_start3A_62] : memref<10000x144xf32, #tpu.memory_space<vmem_shared>> -> memref<48x144xf32, #tpu.memory_space<vmem_shared>>
      %dma_start3A_64 = arith.constant 0 : i32
      %dma_start3A_65 = arith.constant 0 : i32
      %dma_start3A_66 = tpu.memref_slice %arg21[%dma_start3A_64, %dma_start3A_65] : memref<64x144xf32, #tpu.memory_space<vmem>> -> memref<48x144xf32, #tpu.memory_space<vmem>>
      tpu.enqueue_dma source(%dma_start3A_66 : memref<48x144xf32, #tpu.memory_space<vmem>>) target(%dma_start3A_63 : memref<48x144xf32, #tpu.memory_space<vmem_shared>>) target_semaphore(%run_scoped3A : memref<!tpu.dma_semaphore, #tpu.memory_space<semaphore_mem>>)
      %dma_wait3A_67 = arith.constant 0 : i32
      %dma_wait3A_68 = arith.constant 0 : i32
      %dma_wait3A_69 = tpu.memref_slice %arg21[%dma_wait3A_67, %dma_wait3A_68] : memref<64x144xf32, #tpu.memory_space<vmem>> -> memref<48x144xf32, #tpu.memory_space<vmem>>
      %dma_wait3A_70 = arith.constant 0 : i32
      %dma_wait3A_71 = tpu.memref_slice %arg7[%add3A_29, %dma_wait3A_70] : memref<10000x144xf32, #tpu.memory_space<vmem_shared>> -> memref<48x144xf32, #tpu.memory_space<vmem_shared>>
      %dma_wait3A_72 = arith.constant 0 : i32
      %dma_wait3A_73 = tpu.memref_slice %arg7[%add3A_29, %dma_wait3A_72] : memref<10000x144xf32, #tpu.memory_space<vmem_shared>> -> memref<48x144xf32, #tpu.memory_space<vmem_shared>>
      %dma_wait3A_74 = arith.constant 0 : i32
      %dma_wait3A_75 = arith.constant 0 : i32
      %dma_wait3A_76 = tpu.memref_slice %arg21[%dma_wait3A_74, %dma_wait3A_75] : memref<64x144xf32, #tpu.memory_space<vmem>> -> memref<48x144xf32, #tpu.memory_space<vmem>>
      tpu.wait_dma2 semaphore(%run_scoped3A : memref<!tpu.dma_semaphore, #tpu.memory_space<semaphore_mem>>) src(%dma_wait3A_76 : memref<48x144xf32, #tpu.memory_space<vmem>>) dst(%dma_wait3A_73 : memref<48x144xf32, #tpu.memory_space<vmem_shared>>)
      tpu.yield
    }) : () -> ()
    %eq3A_30 = arith.constant 15 : i32
    %eq3A_31 = arith.cmpi eq, %arg1, %eq3A_30 : i32
    %convert_element_type3A = arith.extui %eq3A_31 : i1 to i32
    %cond3A = arith.constant 0 : i32
    %cond3A_32 = arith.cmpi ne, %convert_element_type3A, %cond3A : i32
    scf.if %cond3A_32 {
      "tpu.region"() ({
        %run_scoped3A = tpu.sem_alloc : memref<!tpu.dma_semaphore, #tpu.memory_space<semaphore_mem>>
        %dma_start3A_57 = arith.constant 0 : i32
        %dma_start3A_58 = arith.constant 0 : i32
        %dma_start3A_59 = tpu.memref_slice %arg21[%dma_start3A_57, %dma_start3A_58] : memref<64x144xf32, #tpu.memory_space<vmem>> -> memref<16x144xf32, #tpu.memory_space<vmem>>
        %dma_start3A_60 = arith.constant 9984 : i32
        %dma_start3A_61 = arith.constant 0 : i32
        %dma_start3A_62 = tpu.memref_slice %arg7[%dma_start3A_60, %dma_start3A_61] : memref<10000x144xf32, #tpu.memory_space<vmem_shared>> -> memref<16x144xf32, #tpu.memory_space<vmem_shared>>
        %dma_start3A_63 = arith.constant 9984 : i32
        %dma_start3A_64 = arith.constant 0 : i32
        %dma_start3A_65 = tpu.memref_slice %arg7[%dma_start3A_63, %dma_start3A_64] : memref<10000x144xf32, #tpu.memory_space<vmem_shared>> -> memref<16x144xf32, #tpu.memory_space<vmem_shared>>
        %dma_start3A_66 = arith.constant 0 : i32
        %dma_start3A_67 = arith.constant 0 : i32
        %dma_start3A_68 = tpu.memref_slice %arg21[%dma_start3A_66, %dma_start3A_67] : memref<64x144xf32, #tpu.memory_space<vmem>> -> memref<16x144xf32, #tpu.memory_space<vmem>>
        tpu.enqueue_dma source(%dma_start3A_68 : memref<16x144xf32, #tpu.memory_space<vmem>>) target(%dma_start3A_65 : memref<16x144xf32, #tpu.memory_space<vmem_shared>>) target_semaphore(%run_scoped3A : memref<!tpu.dma_semaphore, #tpu.memory_space<semaphore_mem>>)
        %dma_wait3A_69 = arith.constant 0 : i32
        %dma_wait3A_70 = arith.constant 0 : i32
        %dma_wait3A_71 = tpu.memref_slice %arg21[%dma_wait3A_69, %dma_wait3A_70] : memref<64x144xf32, #tpu.memory_space<vmem>> -> memref<16x144xf32, #tpu.memory_space<vmem>>
        %dma_wait3A_72 = arith.constant 9984 : i32
        %dma_wait3A_73 = arith.constant 0 : i32
        %dma_wait3A_74 = tpu.memref_slice %arg7[%dma_wait3A_72, %dma_wait3A_73] : memref<10000x144xf32, #tpu.memory_space<vmem_shared>> -> memref<16x144xf32, #tpu.memory_space<vmem_shared>>
        %dma_wait3A_75 = arith.constant 9984 : i32
        %dma_wait3A_76 = arith.constant 0 : i32
        %dma_wait3A_77 = tpu.memref_slice %arg7[%dma_wait3A_75, %dma_wait3A_76] : memref<10000x144xf32, #tpu.memory_space<vmem_shared>> -> memref<16x144xf32, #tpu.memory_space<vmem_shared>>
        %dma_wait3A_78 = arith.constant 0 : i32
        %dma_wait3A_79 = arith.constant 0 : i32
        %dma_wait3A_80 = tpu.memref_slice %arg21[%dma_wait3A_78, %dma_wait3A_79] : memref<64x144xf32, #tpu.memory_space<vmem>> -> memref<16x144xf32, #tpu.memory_space<vmem>>
        tpu.wait_dma2 semaphore(%run_scoped3A : memref<!tpu.dma_semaphore, #tpu.memory_space<semaphore_mem>>) src(%dma_wait3A_80 : memref<16x144xf32, #tpu.memory_space<vmem>>) dst(%dma_wait3A_77 : memref<16x144xf32, #tpu.memory_space<vmem_shared>>)
        tpu.yield
      }) : () -> ()
    } else {
    }
    %barrier3A = arith.constant 0 : index
    tpu.barrier barrier_id(%barrier3A)
    %while3A = arith.constant 0 : i32
    %while3A_33 = arith.constant 0 : i32
    %while3A_34 = arith.subi %select_n3A, %while3A : i32
    %while3A_35 = arith.addi %while3A, %while3A_34 : i32
    %while3A_36 = arith.constant 1 : i32
    %while3A_37 = arith.divsi %while3A_34, %while3A_36 : i32
    %while3A_38 = arith.muli %while3A_37, %while3A_36 : i32
    %while3A_39 = arith.addi %while3A, %while3A_38 : i32
    %while3A_40 = arith.constant 1 : i32
    %while3A_41 = scf.for %while3A_57 = %while3A to %while3A_39 step %while3A_40 iter_args(%while3A_58 = %while3A_33) -> (i32)  : i32 {
      %mul3A_59 = arith.constant 2 : i32
      %mul3A_60 = arith.muli %mul3A_59, %while3A_57 : i32
      %add3A_61 = arith.constant 1 : i32
      %add3A_62 = arith.addi %mul3A_60, %add3A_61 : i32
      %mul3A_63 = arith.constant 64 : i32
      %mul3A_64 = arith.muli %add3A_62, %mul3A_63 : i32
      %add3A_65 = arith.addi %add3A, %mul3A_64 : i32
      "tpu.region"() ({
        %run_scoped3A = tpu.sem_alloc : memref<!tpu.dma_semaphore, #tpu.memory_space<semaphore_mem>>
        %dma_start3A_116 = tpu.memref_slice %arg4[%add3A_65] : memref<320000xi32, #tpu.memory_space<hbm>> -> memref<64xi32, #tpu.memory_space<hbm>>
        %dma_start3A_117 = tpu.memref_slice %arg4[%add3A_65] : memref<320000xi32, #tpu.memory_space<hbm>> -> memref<64xi32, #tpu.memory_space<hbm>>
        tpu.enqueue_dma source(%dma_start3A_117 : memref<64xi32, #tpu.memory_space<hbm>>) target(%arg16 : memref<64xi32, #tpu.memory_space<vmem>>) target_semaphore(%run_scoped3A : memref<!tpu.dma_semaphore, #tpu.memory_space<semaphore_mem>>)
        %dma_wait3A_118 = tpu.memref_slice %arg4[%add3A_65] : memref<320000xi32, #tpu.memory_space<hbm>> -> memref<64xi32, #tpu.memory_space<hbm>>
        %dma_wait3A_119 = tpu.memref_slice %arg4[%add3A_65] : memref<320000xi32, #tpu.memory_space<hbm>> -> memref<64xi32, #tpu.memory_space<hbm>>
        tpu.wait_dma2 semaphore(%run_scoped3A : memref<!tpu.dma_semaphore, #tpu.memory_space<semaphore_mem>>) src(%dma_wait3A_119 : memref<64xi32, #tpu.memory_space<hbm>>) dst(%arg16 : memref<64xi32, #tpu.memory_space<vmem>>)
        tpu.yield
      }) : () -> ()
      "tpu.region"() ({
        %run_scoped3A = tpu.sem_alloc : memref<!tpu.dma_semaphore, #tpu.memory_space<semaphore_mem>>
        %dma_start3A_116 = tpu.memref_slice %arg5[%add3A_65] : memref<320000xi32, #tpu.memory_space<hbm>> -> memref<64xi32, #tpu.memory_space<hbm>>
        %dma_start3A_117 = tpu.memref_slice %arg5[%add3A_65] : memref<320000xi32, #tpu.memory_space<hbm>> -> memref<64xi32, #tpu.memory_space<hbm>>
        tpu.enqueue_dma source(%dma_start3A_117 : memref<64xi32, #tpu.memory_space<hbm>>) target(%arg17 : memref<64xi32, #tpu.memory_space<vmem>>) target_semaphore(%run_scoped3A : memref<!tpu.dma_semaphore, #tpu.memory_space<semaphore_mem>>)
        %dma_wait3A_118 = tpu.memref_slice %arg5[%add3A_65] : memref<320000xi32, #tpu.memory_space<hbm>> -> memref<64xi32, #tpu.memory_space<hbm>>
        %dma_wait3A_119 = tpu.memref_slice %arg5[%add3A_65] : memref<320000xi32, #tpu.memory_space<hbm>> -> memref<64xi32, #tpu.memory_space<hbm>>
        tpu.wait_dma2 semaphore(%run_scoped3A : memref<!tpu.dma_semaphore, #tpu.memory_space<semaphore_mem>>) src(%dma_wait3A_119 : memref<64xi32, #tpu.memory_space<hbm>>) dst(%arg17 : memref<64xi32, #tpu.memory_space<vmem>>)
        tpu.yield
      }) : () -> ()
      %dma_start3A_66 = arith.constant 0 : i32
      %dma_start3A_67 = arith.constant 0 : i32
      %dma_start3A_68 = tpu.memref_slice %arg2[%dma_start3A_66, %dma_start3A_67] : memref<10000x144xf32, #tpu.memory_space<hbm>> -> memref<10000x144xf32, #tpu.memory_space<hbm>>
      tpu.enqueue_indirect_dma source(%dma_start3A_68 : memref<10000x144xf32, #tpu.memory_space<hbm>>) target(%arg19 : memref<64x144xf32, #tpu.memory_space<vmem>>) offsets(%arg16 : memref<64xi32, #tpu.memory_space<vmem>>) semaphore(%arg22 : memref<!tpu.dma_semaphore, #tpu.memory_space<semaphore_mem>>)
      %dma_start3A_69 = arith.constant 0 : i32
      %dma_start3A_70 = arith.constant 0 : i32
      %dma_start3A_71 = tpu.memref_slice %arg3[%dma_start3A_69, %dma_start3A_70] : memref<10000x16xf32, #tpu.memory_space<hbm>> -> memref<10000x16xf32, #tpu.memory_space<hbm>>
      tpu.enqueue_indirect_dma source(%dma_start3A_71 : memref<10000x16xf32, #tpu.memory_space<hbm>>) target(%arg20 : memref<64x16xf32, #tpu.memory_space<vmem>>) offsets(%arg17 : memref<64xi32, #tpu.memory_space<vmem>>) semaphore(%arg22 : memref<!tpu.dma_semaphore, #tpu.memory_space<semaphore_mem>>)
      %dma_wait3A_72 = arith.constant 0 : i32
      %dma_wait3A_73 = arith.constant 0 : i32
      %dma_wait3A_74 = tpu.memref_slice %arg2[%dma_wait3A_72, %dma_wait3A_73] : memref<10000x144xf32, #tpu.memory_space<hbm>> -> memref<10000x144xf32, #tpu.memory_space<hbm>>
      tpu.wait_indirect_dma semaphore(%arg14 : memref<!tpu.dma_semaphore, #tpu.memory_space<semaphore_mem>>) src(%dma_wait3A_74 : memref<10000x144xf32, #tpu.memory_space<hbm>>) dst(%arg11 : memref<64x144xf32, #tpu.memory_space<vmem>>)
      %dma_wait3A_75 = arith.constant 0 : i32
      %dma_wait3A_76 = arith.constant 0 : i32
      %dma_wait3A_77 = tpu.memref_slice %arg3[%dma_wait3A_75, %dma_wait3A_76] : memref<10000x16xf32, #tpu.memory_space<hbm>> -> memref<10000x16xf32, #tpu.memory_space<hbm>>
      tpu.wait_indirect_dma semaphore(%arg14 : memref<!tpu.dma_semaphore, #tpu.memory_space<semaphore_mem>>) src(%dma_wait3A_77 : memref<10000x16xf32, #tpu.memory_space<hbm>>) dst(%arg12 : memref<64x16xf32, #tpu.memory_space<vmem>>)
      %gt3A = arith.constant 0 : i32
      %gt3A_78 = arith.cmpi sgt, %while3A_57, %gt3A : i32
      %convert_element_type3A_79 = arith.extui %gt3A_78 : i1 to i32
      %cond3A_80 = arith.constant 0 : i32
      %cond3A_81 = arith.cmpi ne, %convert_element_type3A_79, %cond3A_80 : i32
      scf.if %cond3A_81 {
        %dma_wait3A_116 = arith.constant 0 : i32
        %dma_wait3A_117 = arith.constant 0 : i32
        %dma_wait3A_118 = tpu.memref_slice %arg7[%dma_wait3A_116, %dma_wait3A_117] : memref<10000x144xf32, #tpu.memory_space<vmem_shared>> -> memref<10000x144xf32, #tpu.memory_space<vmem_shared>>
        tpu.wait_indirect_dma semaphore(%arg15 : memref<!tpu.dma_semaphore, #tpu.memory_space<semaphore_mem>>) src(%arg13 : memref<64x144xf32, #tpu.memory_space<vmem>>) dst(%dma_wait3A_118 : memref<10000x144xf32, #tpu.memory_space<vmem_shared>>)
      } else {
      }
      %parallel_loop3A = arith.constant 0 : i32
      %parallel_loop3A_82 = arith.constant 64 : i32
      %parallel_loop3A_83 = arith.constant 1 : i32
      scf.for %parallel_loop3A_116 = %parallel_loop3A to %parallel_loop3A_82 step %parallel_loop3A_83  : i32 {
        %parallel_loop3A_117 = arith.index_cast %parallel_loop3A_116 : i32 to index
        %parallel_loop3A_118 = arith.constant 128 : index
        %parallel_loop3A_119 = tpu.vector_load %arg11[%parallel_loop3A_117, %parallel_loop3A_118] {strides = array<i32>} : memref<64x144xf32, #tpu.memory_space<vmem>>, vector<1x16xf32>,
        %parallel_loop3A_120 = vector.shape_cast %parallel_loop3A_119 : vector<1x16xf32> to vector<16xf32>
        %parallel_loop3A_121 = arith.index_cast %parallel_loop3A_116 : i32 to index
        %parallel_loop3A_122 = arith.constant 0 : index
        %parallel_loop3A_123 = tpu.vector_load %arg12[%parallel_loop3A_121, %parallel_loop3A_122] {strides = array<i32>} : memref<64x16xf32, #tpu.memory_space<vmem>>, vector<1x16xf32>,
        %parallel_loop3A_124 = vector.shape_cast %parallel_loop3A_123 : vector<1x16xf32> to vector<16xf32>
        %parallel_loop3A_125 = arith.addf %parallel_loop3A_120, %parallel_loop3A_124 : vector<16xf32>
        %parallel_loop3A_126 = arith.constant 0.000000e+00 : f32
        %parallel_loop3A_127 = vector.broadcast %parallel_loop3A_126 : f32 to vector<16xf32>
        %parallel_loop3A_128 = arith.cmpf oge, %parallel_loop3A_125, %parallel_loop3A_127 : vector<16xf32>
        %parallel_loop3A_129 = arith.constant 2.000000e-01 : f32
        %parallel_loop3A_130 = vector.broadcast %parallel_loop3A_129 : f32 to vector<16xf32>
        %parallel_loop3A_131 = arith.mulf %parallel_loop3A_130, %parallel_loop3A_125 : vector<16xf32>
        %parallel_loop3A_132 = arith.select %parallel_loop3A_128, %parallel_loop3A_125, %parallel_loop3A_131 : vector<16xi1>, vector<16xf32>
        %parallel_loop3A_133 = math.exp %parallel_loop3A_132 : vector<16xf32>
        %parallel_loop3A_134 = arith.constant 0 : i32
        %parallel_loop3A_135 = vector.broadcast %parallel_loop3A_134 : i32 to vector<16x1xi32>
        %parallel_loop3A_136 = vector.shape_cast %parallel_loop3A_135 : vector<16x1xi32> to vector<16xi32>
        %parallel_loop3A_137 = tpu.dynamic_gather %parallel_loop3A_133[%parallel_loop3A_136] in [0] : vector<16xf32>, vector<16xi32> -> vector<16xf32>
        %parallel_loop3A_138 = arith.index_cast %parallel_loop3A_116 : i32 to index
        %parallel_loop3A_139 = arith.constant 0 : index
        %parallel_loop3A_140 = tpu.vector_load %arg11[%parallel_loop3A_138, %parallel_loop3A_139] {strides = array<i32>} : memref<64x144xf32, #tpu.memory_space<vmem>>, vector<1x16xf32>,
        %parallel_loop3A_141 = vector.shape_cast %parallel_loop3A_140 : vector<1x16xf32> to vector<16xf32>
        %parallel_loop3A_142 = arith.mulf %parallel_loop3A_137, %parallel_loop3A_141 : vector<16xf32>
        %parallel_loop3A_143 = arith.index_cast %parallel_loop3A_116 : i32 to index
        %parallel_loop3A_144 = arith.constant 0 : index
        %parallel_loop3A_145 = tpu.vector_load %arg13[%parallel_loop3A_143, %parallel_loop3A_144] {strides = array<i32>} : memref<64x144xf32, #tpu.memory_space<vmem>>, vector<1x16xf32>,
        %parallel_loop3A_146 = vector.shape_cast %parallel_loop3A_145 : vector<1x16xf32> to vector<16xf32>
        %parallel_loop3A_147 = vector.shape_cast %parallel_loop3A_142 : vector<16xf32> to vector<1x16xf32>
        tpu.vector_store %arg13[%parallel_loop3A_143, %parallel_loop3A_144], %parallel_loop3A_147 {strides = array<i32>} : memref<64x144xf32, #tpu.memory_space<vmem>>, vector<1x16xf32>,
        %parallel_loop3A_148 = arith.constant 1 : i32
        %parallel_loop3A_149 = vector.broadcast %parallel_loop3A_148 : i32 to vector<16x1xi32>
        %parallel_loop3A_150 = vector.shape_cast %parallel_loop3A_149 : vector<16x1xi32> to vector<16xi32>
        %parallel_loop3A_151 = tpu.dynamic_gather %parallel_loop3A_133[%parallel_loop3A_150] in [0] : vector<16xf32>, vector<16xi32> -> vector<16xf32>
        %parallel_loop3A_152 = arith.index_cast %parallel_loop3A_116 : i32 to index
        %parallel_loop3A_153 = arith.constant 16 : index
        %parallel_loop3A_154 = tpu.vector_load %arg11[%parallel_loop3A_152, %parallel_loop3A_153] {strides = array<i32>} : memref<64x144xf32, #tpu.memory_space<vmem>>, vector<1x16xf32>,
        %parallel_loop3A_155 = vector.shape_cast %parallel_loop3A_154 : vector<1x16xf32> to vector<16xf32>
        %parallel_loop3A_156 = arith.mulf %parallel_loop3A_151, %parallel_loop3A_155 : vector<16xf32>
        %parallel_loop3A_157 = arith.index_cast %parallel_loop3A_116 : i32 to index
        %parallel_loop3A_158 = arith.constant 16 : index
        %parallel_loop3A_159 = tpu.vector_load %arg13[%parallel_loop3A_157, %parallel_loop3A_158] {strides = array<i32>} : memref<64x144xf32, #tpu.memory_space<vmem>>, vector<1x16xf32>,
        %parallel_loop3A_160 = vector.shape_cast %parallel_loop3A_159 : vector<1x16xf32> to vector<16xf32>
        %parallel_loop3A_161 = vector.shape_cast %parallel_loop3A_156 : vector<16xf32> to vector<1x16xf32>
        tpu.vector_store %arg13[%parallel_loop3A_157, %parallel_loop3A_158], %parallel_loop3A_161 {strides = array<i32>} : memref<64x144xf32, #tpu.memory_space<vmem>>, vector<1x16xf32>,
        %parallel_loop3A_162 = arith.constant 2 : i32
        %parallel_loop3A_163 = vector.broadcast %parallel_loop3A_162 : i32 to vector<16x1xi32>
        %parallel_loop3A_164 = vector.shape_cast %parallel_loop3A_163 : vector<16x1xi32> to vector<16xi32>
        %parallel_loop3A_165 = tpu.dynamic_gather %parallel_loop3A_133[%parallel_loop3A_164] in [0] : vector<16xf32>, vector<16xi32> -> vector<16xf32>
        %parallel_loop3A_166 = arith.index_cast %parallel_loop3A_116 : i32 to index
        %parallel_loop3A_167 = arith.constant 32 : index
        %parallel_loop3A_168 = tpu.vector_load %arg11[%parallel_loop3A_166, %parallel_loop3A_167] {strides = array<i32>} : memref<64x144xf32, #tpu.memory_space<vmem>>, vector<1x16xf32>,
        %parallel_loop3A_169 = vector.shape_cast %parallel_loop3A_168 : vector<1x16xf32> to vector<16xf32>
        %parallel_loop3A_170 = arith.mulf %parallel_loop3A_165, %parallel_loop3A_169 : vector<16xf32>
        %parallel_loop3A_171 = arith.index_cast %parallel_loop3A_116 : i32 to index
        %parallel_loop3A_172 = arith.constant 32 : index
        %parallel_loop3A_173 = tpu.vector_load %arg13[%parallel_loop3A_171, %parallel_loop3A_172] {strides = array<i32>} : memref<64x144xf32, #tpu.memory_space<vmem>>, vector<1x16xf32>,
        %parallel_loop3A_174 = vector.shape_cast %parallel_loop3A_173 : vector<1x16xf32> to vector<16xf32>
        %parallel_loop3A_175 = vector.shape_cast %parallel_loop3A_170 : vector<16xf32> to vector<1x16xf32>
        tpu.vector_store %arg13[%parallel_loop3A_171, %parallel_loop3A_172], %parallel_loop3A_175 {strides = array<i32>} : memref<64x144xf32, #tpu.memory_space<vmem>>, vector<1x16xf32>,
        %parallel_loop3A_176 = arith.constant 3 : i32
        %parallel_loop3A_177 = vector.broadcast %parallel_loop3A_176 : i32 to vector<16x1xi32>
        %parallel_loop3A_178 = vector.shape_cast %parallel_loop3A_177 : vector<16x1xi32> to vector<16xi32>
        %parallel_loop3A_179 = tpu.dynamic_gather %parallel_loop3A_133[%parallel_loop3A_178] in [0] : vector<16xf32>, vector<16xi32> -> vector<16xf32>
        %parallel_loop3A_180 = arith.index_cast %parallel_loop3A_116 : i32 to index
        %parallel_loop3A_181 = arith.constant 48 : index
        %parallel_loop3A_182 = tpu.vector_load %arg11[%parallel_loop3A_180, %parallel_loop3A_181] {strides = array<i32>} : memref<64x144xf32, #tpu.memory_space<vmem>>, vector<1x16xf32>,
        %parallel_loop3A_183 = vector.shape_cast %parallel_loop3A_182 : vector<1x16xf32> to vector<16xf32>
        %parallel_loop3A_184 = arith.mulf %parallel_loop3A_179, %parallel_loop3A_183 : vector<16xf32>
        %parallel_loop3A_185 = arith.index_cast %parallel_loop3A_116 : i32 to index
        %parallel_loop3A_186 = arith.constant 48 : index
        %parallel_loop3A_187 = tpu.vector_load %arg13[%parallel_loop3A_185, %parallel_loop3A_186] {strides = array<i32>} : memref<64x144xf32, #tpu.memory_space<vmem>>, vector<1x16xf32>,
        %parallel_loop3A_188 = vector.shape_cast %parallel_loop3A_187 : vector<1x16xf32> to vector<16xf32>
        %parallel_loop3A_189 = vector.shape_cast %parallel_loop3A_184 : vector<16xf32> to vector<1x16xf32>
        tpu.vector_store %arg13[%parallel_loop3A_185, %parallel_loop3A_186], %parallel_loop3A_189 {strides = array<i32>} : memref<64x144xf32, #tpu.memory_space<vmem>>, vector<1x16xf32>,
        %parallel_loop3A_190 = arith.constant 4 : i32
        %parallel_loop3A_191 = vector.broadcast %parallel_loop3A_190 : i32 to vector<16x1xi32>
        %parallel_loop3A_192 = vector.shape_cast %parallel_loop3A_191 : vector<16x1xi32> to vector<16xi32>
        %parallel_loop3A_193 = tpu.dynamic_gather %parallel_loop3A_133[%parallel_loop3A_192] in [0] : vector<16xf32>, vector<16xi32> -> vector<16xf32>
        %parallel_loop3A_194 = arith.index_cast %parallel_loop3A_116 : i32 to index
        %parallel_loop3A_195 = arith.constant 64 : index
        %parallel_loop3A_196 = tpu.vector_load %arg11[%parallel_loop3A_194, %parallel_loop3A_195] {strides = array<i32>} : memref<64x144xf32, #tpu.memory_space<vmem>>, vector<1x16xf32>,
        %parallel_loop3A_197 = vector.shape_cast %parallel_loop3A_196 : vector<1x16xf32> to vector<16xf32>
        %parallel_loop3A_198 = arith.mulf %parallel_loop3A_193, %parallel_loop3A_197 : vector<16xf32>
        %parallel_loop3A_199 = arith.index_cast %parallel_loop3A_116 : i32 to index
        %parallel_loop3A_200 = arith.constant 64 : index
        %parallel_loop3A_201 = tpu.vector_load %arg13[%parallel_loop3A_199, %parallel_loop3A_200] {strides = array<i32>} : memref<64x144xf32, #tpu.memory_space<vmem>>, vector<1x16xf32>,
        %parallel_loop3A_202 = vector.shape_cast %parallel_loop3A_201 : vector<1x16xf32> to vector<16xf32>
        %parallel_loop3A_203 = vector.shape_cast %parallel_loop3A_198 : vector<16xf32> to vector<1x16xf32>
        tpu.vector_store %arg13[%parallel_loop3A_199, %parallel_loop3A_200], %parallel_loop3A_203 {strides = array<i32>} : memref<64x144xf32, #tpu.memory_space<vmem>>, vector<1x16xf32>,
        %parallel_loop3A_204 = arith.constant 5 : i32
        %parallel_loop3A_205 = vector.broadcast %parallel_loop3A_204 : i32 to vector<16x1xi32>
        %parallel_loop3A_206 = vector.shape_cast %parallel_loop3A_205 : vector<16x1xi32> to vector<16xi32>
        %parallel_loop3A_207 = tpu.dynamic_gather %parallel_loop3A_133[%parallel_loop3A_206] in [0] : vector<16xf32>, vector<16xi32> -> vector<16xf32>
        %parallel_loop3A_208 = arith.index_cast %parallel_loop3A_116 : i32 to index
        %parallel_loop3A_209 = arith.constant 80 : index
        %parallel_loop3A_210 = tpu.vector_load %arg11[%parallel_loop3A_208, %parallel_loop3A_209] {strides = array<i32>} : memref<64x144xf32, #tpu.memory_space<vmem>>, vector<1x16xf32>,
        %parallel_loop3A_211 = vector.shape_cast %parallel_loop3A_210 : vector<1x16xf32> to vector<16xf32>
        %parallel_loop3A_212 = arith.mulf %parallel_loop3A_207, %parallel_loop3A_211 : vector<16xf32>
        %parallel_loop3A_213 = arith.index_cast %parallel_loop3A_116 : i32 to index
        %parallel_loop3A_214 = arith.constant 80 : index
        %parallel_loop3A_215 = tpu.vector_load %arg13[%parallel_loop3A_213, %parallel_loop3A_214] {strides = array<i32>} : memref<64x144xf32, #tpu.memory_space<vmem>>, vector<1x16xf32>,
        %parallel_loop3A_216 = vector.shape_cast %parallel_loop3A_215 : vector<1x16xf32> to vector<16xf32>
        %parallel_loop3A_217 = vector.shape_cast %parallel_loop3A_212 : vector<16xf32> to vector<1x16xf32>
        tpu.vector_store %arg13[%parallel_loop3A_213, %parallel_loop3A_214], %parallel_loop3A_217 {strides = array<i32>} : memref<64x144xf32, #tpu.memory_space<vmem>>, vector<1x16xf32>,
        %parallel_loop3A_218 = arith.constant 6 : i32
        %parallel_loop3A_219 = vector.broadcast %parallel_loop3A_218 : i32 to vector<16x1xi32>
        %parallel_loop3A_220 = vector.shape_cast %parallel_loop3A_219 : vector<16x1xi32> to vector<16xi32>
        %parallel_loop3A_221 = tpu.dynamic_gather %parallel_loop3A_133[%parallel_loop3A_220] in [0] : vector<16xf32>, vector<16xi32> -> vector<16xf32>
        %parallel_loop3A_222 = arith.index_cast %parallel_loop3A_116 : i32 to index
        %parallel_loop3A_223 = arith.constant 96 : index
        %parallel_loop3A_224 = tpu.vector_load %arg11[%parallel_loop3A_222, %parallel_loop3A_223] {strides = array<i32>} : memref<64x144xf32, #tpu.memory_space<vmem>>, vector<1x16xf32>,
        %parallel_loop3A_225 = vector.shape_cast %parallel_loop3A_224 : vector<1x16xf32> to vector<16xf32>
        %parallel_loop3A_226 = arith.mulf %parallel_loop3A_221, %parallel_loop3A_225 : vector<16xf32>
        %parallel_loop3A_227 = arith.index_cast %parallel_loop3A_116 : i32 to index
        %parallel_loop3A_228 = arith.constant 96 : index
        %parallel_loop3A_229 = tpu.vector_load %arg13[%parallel_loop3A_227, %parallel_loop3A_228] {strides = array<i32>} : memref<64x144xf32, #tpu.memory_space<vmem>>, vector<1x16xf32>,
        %parallel_loop3A_230 = vector.shape_cast %parallel_loop3A_229 : vector<1x16xf32> to vector<16xf32>
        %parallel_loop3A_231 = vector.shape_cast %parallel_loop3A_226 : vector<16xf32> to vector<1x16xf32>
        tpu.vector_store %arg13[%parallel_loop3A_227, %parallel_loop3A_228], %parallel_loop3A_231 {strides = array<i32>} : memref<64x144xf32, #tpu.memory_space<vmem>>, vector<1x16xf32>,
        %parallel_loop3A_232 = arith.constant 7 : i32
        %parallel_loop3A_233 = vector.broadcast %parallel_loop3A_232 : i32 to vector<16x1xi32>
        %parallel_loop3A_234 = vector.shape_cast %parallel_loop3A_233 : vector<16x1xi32> to vector<16xi32>
        %parallel_loop3A_235 = tpu.dynamic_gather %parallel_loop3A_133[%parallel_loop3A_234] in [0] : vector<16xf32>, vector<16xi32> -> vector<16xf32>
        %parallel_loop3A_236 = arith.index_cast %parallel_loop3A_116 : i32 to index
        %parallel_loop3A_237 = arith.constant 112 : index
        %parallel_loop3A_238 = tpu.vector_load %arg11[%parallel_loop3A_236, %parallel_loop3A_237] {strides = array<i32>} : memref<64x144xf32, #tpu.memory_space<vmem>>, vector<1x16xf32>,
        %parallel_loop3A_239 = vector.shape_cast %parallel_loop3A_238 : vector<1x16xf32> to vector<16xf32>
        %parallel_loop3A_240 = arith.mulf %parallel_loop3A_235, %parallel_loop3A_239 : vector<16xf32>
        %parallel_loop3A_241 = arith.index_cast %parallel_loop3A_116 : i32 to index
        %parallel_loop3A_242 = arith.constant 112 : index
        %parallel_loop3A_243 = tpu.vector_load %arg13[%parallel_loop3A_241, %parallel_loop3A_242] {strides = array<i32>} : memref<64x144xf32, #tpu.memory_space<vmem>>, vector<1x16xf32>,
        %parallel_loop3A_244 = vector.shape_cast %parallel_loop3A_243 : vector<1x16xf32> to vector<16xf32>
        %parallel_loop3A_245 = vector.shape_cast %parallel_loop3A_240 : vector<16xf32> to vector<1x16xf32>
        tpu.vector_store %arg13[%parallel_loop3A_241, %parallel_loop3A_242], %parallel_loop3A_245 {strides = array<i32>} : memref<64x144xf32, #tpu.memory_space<vmem>>, vector<1x16xf32>,
        %parallel_loop3A_246 = arith.index_cast %parallel_loop3A_116 : i32 to index
        %parallel_loop3A_247 = arith.constant 128 : index
        %parallel_loop3A_248 = tpu.vector_load %arg13[%parallel_loop3A_246, %parallel_loop3A_247] {strides = array<i32>} : memref<64x144xf32, #tpu.memory_space<vmem>>, vector<1x16xf32>,
        %parallel_loop3A_249 = vector.shape_cast %parallel_loop3A_248 : vector<1x16xf32> to vector<16xf32>
        %parallel_loop3A_250 = vector.shape_cast %parallel_loop3A_133 : vector<16xf32> to vector<1x16xf32>
        tpu.vector_store %arg13[%parallel_loop3A_246, %parallel_loop3A_247], %parallel_loop3A_250 {strides = array<i32>} : memref<64x144xf32, #tpu.memory_space<vmem>>, vector<1x16xf32>,
      } {sc.loop_unroll_factor = 8 : i64, sc.parallel_access}
      %parallel_loop3A_84 = arith.constant 0 : i32
      %parallel_loop3A_85 = arith.constant 4 : i32
      %parallel_loop3A_86 = arith.constant 1 : i32
      scf.for %parallel_loop3A_116 = %parallel_loop3A_84 to %parallel_loop3A_85 step %parallel_loop3A_86  : i32 {
        %parallel_loop3A_117 = arith.constant 16 : i32
        %parallel_loop3A_118 = arith.muli %parallel_loop3A_117, %parallel_loop3A_116 : i32
        %parallel_loop3A_119 = arith.index_cast %parallel_loop3A_118 : i32 to index
        %parallel_loop3A_120 = tpu.vector_load %arg9[%parallel_loop3A_119] {strides = array<i32>} : memref<64xi32, #tpu.memory_space<vmem>>, vector<16xi32>,
        %parallel_loop3A_121 = vector.shape_cast %parallel_loop3A_120 : vector<16xi32> to vector<16xi32>
        %parallel_loop3A_122 = arith.index_cast %parallel_loop3A_118 : i32 to index
        %parallel_loop3A_123 = tpu.vector_load %arg10[%parallel_loop3A_122] {strides = array<i32>} : memref<64xi32, #tpu.memory_space<vmem>>, vector<16xi32>,
        %parallel_loop3A_124 = vector.shape_cast %parallel_loop3A_123 : vector<16xi32> to vector<16xi32>
        %parallel_loop3A_125 = vector.shape_cast %parallel_loop3A_121 : vector<16xi32> to vector<16xi32>
        tpu.vector_store %arg10[%parallel_loop3A_122], %parallel_loop3A_125 {strides = array<i32>} : memref<64xi32, #tpu.memory_space<vmem>>, vector<16xi32>,
      } {sc.loop_unroll_factor = 4 : i64, sc.parallel_access}
      %dma_start3A_87 = arith.constant 0 : i32
      %dma_start3A_88 = arith.constant 0 : i32
      %dma_start3A_89 = tpu.memref_slice %arg7[%dma_start3A_87, %dma_start3A_88] : memref<10000x144xf32, #tpu.memory_space<vmem_shared>> -> memref<10000x144xf32, #tpu.memory_space<vmem_shared>>
      tpu.enqueue_indirect_dma source(%arg13 : memref<64x144xf32, #tpu.memory_space<vmem>>) target(%dma_start3A_89 : memref<10000x144xf32, #tpu.memory_space<vmem_shared>>) offsets(%arg10 : memref<64xi32, #tpu.memory_space<vmem>>) semaphore(%arg15 : memref<!tpu.dma_semaphore, #tpu.memory_space<semaphore_mem>>) {add = true}
      %add3A_90 = arith.constant 1 : i32
      %add3A_91 = arith.addi %while3A_57, %add3A_90 : i32
      %lt3A = arith.cmpi slt, %add3A_91, %select_n3A : i32
      %convert_element_type3A_92 = arith.extui %lt3A : i1 to i32
      %cond3A_93 = arith.constant 0 : i32
      %cond3A_94 = arith.cmpi ne, %convert_element_type3A_92, %cond3A_93 : i32
      scf.if %cond3A_94 {
        %mul3A_116 = arith.constant 2 : i32
        %mul3A_117 = arith.muli %mul3A_116, %while3A_57 : i32
        %add3A_118 = arith.constant 2 : i32
        %add3A_119 = arith.addi %mul3A_117, %add3A_118 : i32
        %mul3A_120 = arith.constant 64 : i32
        %mul3A_121 = arith.muli %add3A_119, %mul3A_120 : i32
        %add3A_122 = arith.addi %add3A, %mul3A_121 : i32
        "tpu.region"() ({
          %run_scoped3A = tpu.sem_alloc : memref<!tpu.dma_semaphore, #tpu.memory_space<semaphore_mem>>
          %dma_start3A_129 = tpu.memref_slice %arg4[%add3A_122] : memref<320000xi32, #tpu.memory_space<hbm>> -> memref<64xi32, #tpu.memory_space<hbm>>
          %dma_start3A_130 = tpu.memref_slice %arg4[%add3A_122] : memref<320000xi32, #tpu.memory_space<hbm>> -> memref<64xi32, #tpu.memory_space<hbm>>
          tpu.enqueue_dma source(%dma_start3A_130 : memref<64xi32, #tpu.memory_space<hbm>>) target(%arg8 : memref<64xi32, #tpu.memory_space<vmem>>) target_semaphore(%run_scoped3A : memref<!tpu.dma_semaphore, #tpu.memory_space<semaphore_mem>>)
          %dma_wait3A_131 = tpu.memref_slice %arg4[%add3A_122] : memref<320000xi32, #tpu.memory_space<hbm>> -> memref<64xi32, #tpu.memory_space<hbm>>
          %dma_wait3A_132 = tpu.memref_slice %arg4[%add3A_122] : memref<320000xi32, #tpu.memory_space<hbm>> -> memref<64xi32, #tpu.memory_space<hbm>>
          tpu.wait_dma2 semaphore(%run_scoped3A : memref<!tpu.dma_semaphore, #tpu.memory_space<semaphore_mem>>) src(%dma_wait3A_132 : memref<64xi32, #tpu.memory_space<hbm>>) dst(%arg8 : memref<64xi32, #tpu.memory_space<vmem>>)
          tpu.yield
        }) : () -> ()
        "tpu.region"() ({
          %run_scoped3A = tpu.sem_alloc : memref<!tpu.dma_semaphore, #tpu.memory_space<semaphore_mem>>
          %dma_start3A_129 = tpu.memref_slice %arg5[%add3A_122] : memref<320000xi32, #tpu.memory_space<hbm>> -> memref<64xi32, #tpu.memory_space<hbm>>
          %dma_start3A_130 = tpu.memref_slice %arg5[%add3A_122] : memref<320000xi32, #tpu.memory_space<hbm>> -> memref<64xi32, #tpu.memory_space<hbm>>
          tpu.enqueue_dma source(%dma_start3A_130 : memref<64xi32, #tpu.memory_space<hbm>>) target(%arg9 : memref<64xi32, #tpu.memory_space<vmem>>) target_semaphore(%run_scoped3A : memref<!tpu.dma_semaphore, #tpu.memory_space<semaphore_mem>>)
          %dma_wait3A_131 = tpu.memref_slice %arg5[%add3A_122] : memref<320000xi32, #tpu.memory_space<hbm>> -> memref<64xi32, #tpu.memory_space<hbm>>
          %dma_wait3A_132 = tpu.memref_slice %arg5[%add3A_122] : memref<320000xi32, #tpu.memory_space<hbm>> -> memref<64xi32, #tpu.memory_space<hbm>>
          tpu.wait_dma2 semaphore(%run_scoped3A : memref<!tpu.dma_semaphore, #tpu.memory_space<semaphore_mem>>) src(%dma_wait3A_132 : memref<64xi32, #tpu.memory_space<hbm>>) dst(%arg9 : memref<64xi32, #tpu.memory_space<vmem>>)
          tpu.yield
        }) : () -> ()
        %dma_start3A_123 = arith.constant 0 : i32
        %dma_start3A_124 = arith.constant 0 : i32
        %dma_start3A_125 = tpu.memref_slice %arg2[%dma_start3A_123, %dma_start3A_124] : memref<10000x144xf32, #tpu.memory_space<hbm>> -> memref<10000x144xf32, #tpu.memory_space<hbm>>
        tpu.enqueue_indirect_dma source(%dma_start3A_125 : memref<10000x144xf32, #tpu.memory_space<hbm>>) target(%arg11 : memref<64x144xf32, #tpu.memory_space<vmem>>) offsets(%arg8 : memref<64xi32, #tpu.memory_space<vmem>>) semaphore(%arg14 : memref<!tpu.dma_semaphore, #tpu.memory_space<semaphore_mem>>)
        %dma_start3A_126 = arith.constant 0 : i32
        %dma_start3A_127 = arith.constant 0 : i32
        %dma_start3A_128 = tpu.memref_slice %arg3[%dma_start3A_126, %dma_start3A_127] : memref<10000x16xf32, #tpu.memory_space<hbm>> -> memref<10000x16xf32, #tpu.memory_space<hbm>>
        tpu.enqueue_indirect_dma source(%dma_start3A_128 : memref<10000x16xf32, #tpu.memory_space<hbm>>) target(%arg12 : memref<64x16xf32, #tpu.memory_space<vmem>>) offsets(%arg9 : memref<64xi32, #tpu.memory_space<vmem>>) semaphore(%arg14 : memref<!tpu.dma_semaphore, #tpu.memory_space<semaphore_mem>>)
      } else {
      }
      %dma_wait3A_95 = arith.constant 0 : i32
      %dma_wait3A_96 = arith.constant 0 : i32
      %dma_wait3A_97 = tpu.memref_slice %arg2[%dma_wait3A_95, %dma_wait3A_96] : memref<10000x144xf32, #tpu.memory_space<hbm>> -> memref<10000x144xf32, #tpu.memory_space<hbm>>
      tpu.wait_indirect_dma semaphore(%arg22 : memref<!tpu.dma_semaphore, #tpu.memory_space<semaphore_mem>>) src(%dma_wait3A_97 : memref<10000x144xf32, #tpu.memory_space<hbm>>) dst(%arg19 : memref<64x144xf32, #tpu.memory_space<vmem>>)
      %dma_wait3A_98 = arith.constant 0 : i32
      %dma_wait3A_99 = arith.constant 0 : i32
      %dma_wait3A_100 = tpu.memref_slice %arg3[%dma_wait3A_98, %dma_wait3A_99] : memref<10000x16xf32, #tpu.memory_space<hbm>> -> memref<10000x16xf32, #tpu.memory_space<hbm>>
      tpu.wait_indirect_dma semaphore(%arg22 : memref<!tpu.dma_semaphore, #tpu.memory_space<semaphore_mem>>) src(%dma_wait3A_100 : memref<10000x16xf32, #tpu.memory_space<hbm>>) dst(%arg20 : memref<64x16xf32, #tpu.memory_space<vmem>>)
      %gt3A_101 = arith.constant 0 : i32
      %gt3A_102 = arith.cmpi sgt, %while3A_57, %gt3A_101 : i32
      %convert_element_type3A_103 = arith.extui %gt3A_102 : i1 to i32
      %cond3A_104 = arith.constant 0 : i32
      %cond3A_105 = arith.cmpi ne, %convert_element_type3A_103, %cond3A_104 : i32
      scf.if %cond3A_105 {
        %dma_wait3A_116 = arith.constant 0 : i32
        %dma_wait3A_117 = arith.constant 0 : i32
        %dma_wait3A_118 = tpu.memref_slice %arg7[%dma_wait3A_116, %dma_wait3A_117] : memref<10000x144xf32, #tpu.memory_space<vmem_shared>> -> memref<10000x144xf32, #tpu.memory_space<vmem_shared>>
        tpu.wait_indirect_dma semaphore(%arg23 : memref<!tpu.dma_semaphore, #tpu.memory_space<semaphore_mem>>) src(%arg21 : memref<64x144xf32, #tpu.memory_space<vmem>>) dst(%dma_wait3A_118 : memref<10000x144xf32, #tpu.memory_space<vmem_shared>>)
      } else {
      }
      %parallel_loop3A_106 = arith.constant 0 : i32
      %parallel_loop3A_107 = arith.constant 64 : i32
      %parallel_loop3A_108 = arith.constant 1 : i32
      scf.for %parallel_loop3A_116 = %parallel_loop3A_106 to %parallel_loop3A_107 step %parallel_loop3A_108  : i32 {
        %parallel_loop3A_117 = arith.index_cast %parallel_loop3A_116 : i32 to index
        %parallel_loop3A_118 = arith.constant 128 : index
        %parallel_loop3A_119 = tpu.vector_load %arg19[%parallel_loop3A_117, %parallel_loop3A_118] {strides = array<i32>} : memref<64x144xf32, #tpu.memory_space<vmem>>, vector<1x16xf32>,
        %parallel_loop3A_120 = vector.shape_cast %parallel_loop3A_119 : vector<1x16xf32> to vector<16xf32>
        %parallel_loop3A_121 = arith.index_cast %parallel_loop3A_116 : i32 to index
        %parallel_loop3A_122 = arith.constant 0 : index
        %parallel_loop3A_123 = tpu.vector_load %arg20[%parallel_loop3A_121, %parallel_loop3A_122] {strides = array<i32>} : memref<64x16xf32, #tpu.memory_space<vmem>>, vector<1x16xf32>,
        %parallel_loop3A_124 = vector.shape_cast %parallel_loop3A_123 : vector<1x16xf32> to vector<16xf32>
        %parallel_loop3A_125 = arith.addf %parallel_loop3A_120, %parallel_loop3A_124 : vector<16xf32>
        %parallel_loop3A_126 = arith.constant 0.000000e+00 : f32
        %parallel_loop3A_127 = vector.broadcast %parallel_loop3A_126 : f32 to vector<16xf32>
        %parallel_loop3A_128 = arith.cmpf oge, %parallel_loop3A_125, %parallel_loop3A_127 : vector<16xf32>
        %parallel_loop3A_129 = arith.constant 2.000000e-01 : f32
        %parallel_loop3A_130 = vector.broadcast %parallel_loop3A_129 : f32 to vector<16xf32>
        %parallel_loop3A_131 = arith.mulf %parallel_loop3A_130, %parallel_loop3A_125 : vector<16xf32>
        %parallel_loop3A_132 = arith.select %parallel_loop3A_128, %parallel_loop3A_125, %parallel_loop3A_131 : vector<16xi1>, vector<16xf32>
        %parallel_loop3A_133 = math.exp %parallel_loop3A_132 : vector<16xf32>
        %parallel_loop3A_134 = arith.constant 0 : i32
        %parallel_loop3A_135 = vector.broadcast %parallel_loop3A_134 : i32 to vector<16x1xi32>
        %parallel_loop3A_136 = vector.shape_cast %parallel_loop3A_135 : vector<16x1xi32> to vector<16xi32>
        %parallel_loop3A_137 = tpu.dynamic_gather %parallel_loop3A_133[%parallel_loop3A_136] in [0] : vector<16xf32>, vector<16xi32> -> vector<16xf32>
        %parallel_loop3A_138 = arith.index_cast %parallel_loop3A_116 : i32 to index
        %parallel_loop3A_139 = arith.constant 0 : index
        %parallel_loop3A_140 = tpu.vector_load %arg19[%parallel_loop3A_138, %parallel_loop3A_139] {strides = array<i32>} : memref<64x144xf32, #tpu.memory_space<vmem>>, vector<1x16xf32>,
        %parallel_loop3A_141 = vector.shape_cast %parallel_loop3A_140 : vector<1x16xf32> to vector<16xf32>
        %parallel_loop3A_142 = arith.mulf %parallel_loop3A_137, %parallel_loop3A_141 : vector<16xf32>
        %parallel_loop3A_143 = arith.index_cast %parallel_loop3A_116 : i32 to index
        %parallel_loop3A_144 = arith.constant 0 : index
        %parallel_loop3A_145 = tpu.vector_load %arg21[%parallel_loop3A_143, %parallel_loop3A_144] {strides = array<i32>} : memref<64x144xf32, #tpu.memory_space<vmem>>, vector<1x16xf32>,
        %parallel_loop3A_146 = vector.shape_cast %parallel_loop3A_145 : vector<1x16xf32> to vector<16xf32>
        %parallel_loop3A_147 = vector.shape_cast %parallel_loop3A_142 : vector<16xf32> to vector<1x16xf32>
        tpu.vector_store %arg21[%parallel_loop3A_143, %parallel_loop3A_144], %parallel_loop3A_147 {strides = array<i32>} : memref<64x144xf32, #tpu.memory_space<vmem>>, vector<1x16xf32>,
        %parallel_loop3A_148 = arith.constant 1 : i32
        %parallel_loop3A_149 = vector.broadcast %parallel_loop3A_148 : i32 to vector<16x1xi32>
        %parallel_loop3A_150 = vector.shape_cast %parallel_loop3A_149 : vector<16x1xi32> to vector<16xi32>
        %parallel_loop3A_151 = tpu.dynamic_gather %parallel_loop3A_133[%parallel_loop3A_150] in [0] : vector<16xf32>, vector<16xi32> -> vector<16xf32>
        %parallel_loop3A_152 = arith.index_cast %parallel_loop3A_116 : i32 to index
        %parallel_loop3A_153 = arith.constant 16 : index
        %parallel_loop3A_154 = tpu.vector_load %arg19[%parallel_loop3A_152, %parallel_loop3A_153] {strides = array<i32>} : memref<64x144xf32, #tpu.memory_space<vmem>>, vector<1x16xf32>,
        %parallel_loop3A_155 = vector.shape_cast %parallel_loop3A_154 : vector<1x16xf32> to vector<16xf32>
        %parallel_loop3A_156 = arith.mulf %parallel_loop3A_151, %parallel_loop3A_155 : vector<16xf32>
        %parallel_loop3A_157 = arith.index_cast %parallel_loop3A_116 : i32 to index
        %parallel_loop3A_158 = arith.constant 16 : index
        %parallel_loop3A_159 = tpu.vector_load %arg21[%parallel_loop3A_157, %parallel_loop3A_158] {strides = array<i32>} : memref<64x144xf32, #tpu.memory_space<vmem>>, vector<1x16xf32>,
        %parallel_loop3A_160 = vector.shape_cast %parallel_loop3A_159 : vector<1x16xf32> to vector<16xf32>
        %parallel_loop3A_161 = vector.shape_cast %parallel_loop3A_156 : vector<16xf32> to vector<1x16xf32>
        tpu.vector_store %arg21[%parallel_loop3A_157, %parallel_loop3A_158], %parallel_loop3A_161 {strides = array<i32>} : memref<64x144xf32, #tpu.memory_space<vmem>>, vector<1x16xf32>,
        %parallel_loop3A_162 = arith.constant 2 : i32
        %parallel_loop3A_163 = vector.broadcast %parallel_loop3A_162 : i32 to vector<16x1xi32>
        %parallel_loop3A_164 = vector.shape_cast %parallel_loop3A_163 : vector<16x1xi32> to vector<16xi32>
        %parallel_loop3A_165 = tpu.dynamic_gather %parallel_loop3A_133[%parallel_loop3A_164] in [0] : vector<16xf32>, vector<16xi32> -> vector<16xf32>
        %parallel_loop3A_166 = arith.index_cast %parallel_loop3A_116 : i32 to index
        %parallel_loop3A_167 = arith.constant 32 : index
        %parallel_loop3A_168 = tpu.vector_load %arg19[%parallel_loop3A_166, %parallel_loop3A_167] {strides = array<i32>} : memref<64x144xf32, #tpu.memory_space<vmem>>, vector<1x16xf32>,
        %parallel_loop3A_169 = vector.shape_cast %parallel_loop3A_168 : vector<1x16xf32> to vector<16xf32>
        %parallel_loop3A_170 = arith.mulf %parallel_loop3A_165, %parallel_loop3A_169 : vector<16xf32>
        %parallel_loop3A_171 = arith.index_cast %parallel_loop3A_116 : i32 to index
        %parallel_loop3A_172 = arith.constant 32 : index
        %parallel_loop3A_173 = tpu.vector_load %arg21[%parallel_loop3A_171, %parallel_loop3A_172] {strides = array<i32>} : memref<64x144xf32, #tpu.memory_space<vmem>>, vector<1x16xf32>,
        %parallel_loop3A_174 = vector.shape_cast %parallel_loop3A_173 : vector<1x16xf32> to vector<16xf32>
        %parallel_loop3A_175 = vector.shape_cast %parallel_loop3A_170 : vector<16xf32> to vector<1x16xf32>
        tpu.vector_store %arg21[%parallel_loop3A_171, %parallel_loop3A_172], %parallel_loop3A_175 {strides = array<i32>} : memref<64x144xf32, #tpu.memory_space<vmem>>, vector<1x16xf32>,
        %parallel_loop3A_176 = arith.constant 3 : i32
        %parallel_loop3A_177 = vector.broadcast %parallel_loop3A_176 : i32 to vector<16x1xi32>
        %parallel_loop3A_178 = vector.shape_cast %parallel_loop3A_177 : vector<16x1xi32> to vector<16xi32>
        %parallel_loop3A_179 = tpu.dynamic_gather %parallel_loop3A_133[%parallel_loop3A_178] in [0] : vector<16xf32>, vector<16xi32> -> vector<16xf32>
        %parallel_loop3A_180 = arith.index_cast %parallel_loop3A_116 : i32 to index
        %parallel_loop3A_181 = arith.constant 48 : index
        %parallel_loop3A_182 = tpu.vector_load %arg19[%parallel_loop3A_180, %parallel_loop3A_181] {strides = array<i32>} : memref<64x144xf32, #tpu.memory_space<vmem>>, vector<1x16xf32>,
        %parallel_loop3A_183 = vector.shape_cast %parallel_loop3A_182 : vector<1x16xf32> to vector<16xf32>
        %parallel_loop3A_184 = arith.mulf %parallel_loop3A_179, %parallel_loop3A_183 : vector<16xf32>
        %parallel_loop3A_185 = arith.index_cast %parallel_loop3A_116 : i32 to index
        %parallel_loop3A_186 = arith.constant 48 : index
        %parallel_loop3A_187 = tpu.vector_load %arg21[%parallel_loop3A_185, %parallel_loop3A_186] {strides = array<i32>} : memref<64x144xf32, #tpu.memory_space<vmem>>, vector<1x16xf32>,
        %parallel_loop3A_188 = vector.shape_cast %parallel_loop3A_187 : vector<1x16xf32> to vector<16xf32>
        %parallel_loop3A_189 = vector.shape_cast %parallel_loop3A_184 : vector<16xf32> to vector<1x16xf32>
        tpu.vector_store %arg21[%parallel_loop3A_185, %parallel_loop3A_186], %parallel_loop3A_189 {strides = array<i32>} : memref<64x144xf32, #tpu.memory_space<vmem>>, vector<1x16xf32>,
        %parallel_loop3A_190 = arith.constant 4 : i32
        %parallel_loop3A_191 = vector.broadcast %parallel_loop3A_190 : i32 to vector<16x1xi32>
        %parallel_loop3A_192 = vector.shape_cast %parallel_loop3A_191 : vector<16x1xi32> to vector<16xi32>
        %parallel_loop3A_193 = tpu.dynamic_gather %parallel_loop3A_133[%parallel_loop3A_192] in [0] : vector<16xf32>, vector<16xi32> -> vector<16xf32>
        %parallel_loop3A_194 = arith.index_cast %parallel_loop3A_116 : i32 to index
        %parallel_loop3A_195 = arith.constant 64 : index
        %parallel_loop3A_196 = tpu.vector_load %arg19[%parallel_loop3A_194, %parallel_loop3A_195] {strides = array<i32>} : memref<64x144xf32, #tpu.memory_space<vmem>>, vector<1x16xf32>,
        %parallel_loop3A_197 = vector.shape_cast %parallel_loop3A_196 : vector<1x16xf32> to vector<16xf32>
        %parallel_loop3A_198 = arith.mulf %parallel_loop3A_193, %parallel_loop3A_197 : vector<16xf32>
        %parallel_loop3A_199 = arith.index_cast %parallel_loop3A_116 : i32 to index
        %parallel_loop3A_200 = arith.constant 64 : index
        %parallel_loop3A_201 = tpu.vector_load %arg21[%parallel_loop3A_199, %parallel_loop3A_200] {strides = array<i32>} : memref<64x144xf32, #tpu.memory_space<vmem>>, vector<1x16xf32>,
        %parallel_loop3A_202 = vector.shape_cast %parallel_loop3A_201 : vector<1x16xf32> to vector<16xf32>
        %parallel_loop3A_203 = vector.shape_cast %parallel_loop3A_198 : vector<16xf32> to vector<1x16xf32>
        tpu.vector_store %arg21[%parallel_loop3A_199, %parallel_loop3A_200], %parallel_loop3A_203 {strides = array<i32>} : memref<64x144xf32, #tpu.memory_space<vmem>>, vector<1x16xf32>,
        %parallel_loop3A_204 = arith.constant 5 : i32
        %parallel_loop3A_205 = vector.broadcast %parallel_loop3A_204 : i32 to vector<16x1xi32>
        %parallel_loop3A_206 = vector.shape_cast %parallel_loop3A_205 : vector<16x1xi32> to vector<16xi32>
        %parallel_loop3A_207 = tpu.dynamic_gather %parallel_loop3A_133[%parallel_loop3A_206] in [0] : vector<16xf32>, vector<16xi32> -> vector<16xf32>
        %parallel_loop3A_208 = arith.index_cast %parallel_loop3A_116 : i32 to index
        %parallel_loop3A_209 = arith.constant 80 : index
        %parallel_loop3A_210 = tpu.vector_load %arg19[%parallel_loop3A_208, %parallel_loop3A_209] {strides = array<i32>} : memref<64x144xf32, #tpu.memory_space<vmem>>, vector<1x16xf32>,
        %parallel_loop3A_211 = vector.shape_cast %parallel_loop3A_210 : vector<1x16xf32> to vector<16xf32>
        %parallel_loop3A_212 = arith.mulf %parallel_loop3A_207, %parallel_loop3A_211 : vector<16xf32>
        %parallel_loop3A_213 = arith.index_cast %parallel_loop3A_116 : i32 to index
        %parallel_loop3A_214 = arith.constant 80 : index
        %parallel_loop3A_215 = tpu.vector_load %arg21[%parallel_loop3A_213, %parallel_loop3A_214] {strides = array<i32>} : memref<64x144xf32, #tpu.memory_space<vmem>>, vector<1x16xf32>,
        %parallel_loop3A_216 = vector.shape_cast %parallel_loop3A_215 : vector<1x16xf32> to vector<16xf32>
        %parallel_loop3A_217 = vector.shape_cast %parallel_loop3A_212 : vector<16xf32> to vector<1x16xf32>
        tpu.vector_store %arg21[%parallel_loop3A_213, %parallel_loop3A_214], %parallel_loop3A_217 {strides = array<i32>} : memref<64x144xf32, #tpu.memory_space<vmem>>, vector<1x16xf32>,
        %parallel_loop3A_218 = arith.constant 6 : i32
        %parallel_loop3A_219 = vector.broadcast %parallel_loop3A_218 : i32 to vector<16x1xi32>
        %parallel_loop3A_220 = vector.shape_cast %parallel_loop3A_219 : vector<16x1xi32> to vector<16xi32>
        %parallel_loop3A_221 = tpu.dynamic_gather %parallel_loop3A_133[%parallel_loop3A_220] in [0] : vector<16xf32>, vector<16xi32> -> vector<16xf32>
        %parallel_loop3A_222 = arith.index_cast %parallel_loop3A_116 : i32 to index
        %parallel_loop3A_223 = arith.constant 96 : index
        %parallel_loop3A_224 = tpu.vector_load %arg19[%parallel_loop3A_222, %parallel_loop3A_223] {strides = array<i32>} : memref<64x144xf32, #tpu.memory_space<vmem>>, vector<1x16xf32>,
        %parallel_loop3A_225 = vector.shape_cast %parallel_loop3A_224 : vector<1x16xf32> to vector<16xf32>
        %parallel_loop3A_226 = arith.mulf %parallel_loop3A_221, %parallel_loop3A_225 : vector<16xf32>
        %parallel_loop3A_227 = arith.index_cast %parallel_loop3A_116 : i32 to index
        %parallel_loop3A_228 = arith.constant 96 : index
        %parallel_loop3A_229 = tpu.vector_load %arg21[%parallel_loop3A_227, %parallel_loop3A_228] {strides = array<i32>} : memref<64x144xf32, #tpu.memory_space<vmem>>, vector<1x16xf32>,
        %parallel_loop3A_230 = vector.shape_cast %parallel_loop3A_229 : vector<1x16xf32> to vector<16xf32>
        %parallel_loop3A_231 = vector.shape_cast %parallel_loop3A_226 : vector<16xf32> to vector<1x16xf32>
        tpu.vector_store %arg21[%parallel_loop3A_227, %parallel_loop3A_228], %parallel_loop3A_231 {strides = array<i32>} : memref<64x144xf32, #tpu.memory_space<vmem>>, vector<1x16xf32>,
        %parallel_loop3A_232 = arith.constant 7 : i32
        %parallel_loop3A_233 = vector.broadcast %parallel_loop3A_232 : i32 to vector<16x1xi32>
        %parallel_loop3A_234 = vector.shape_cast %parallel_loop3A_233 : vector<16x1xi32> to vector<16xi32>
        %parallel_loop3A_235 = tpu.dynamic_gather %parallel_loop3A_133[%parallel_loop3A_234] in [0] : vector<16xf32>, vector<16xi32> -> vector<16xf32>
        %parallel_loop3A_236 = arith.index_cast %parallel_loop3A_116 : i32 to index
        %parallel_loop3A_237 = arith.constant 112 : index
        %parallel_loop3A_238 = tpu.vector_load %arg19[%parallel_loop3A_236, %parallel_loop3A_237] {strides = array<i32>} : memref<64x144xf32, #tpu.memory_space<vmem>>, vector<1x16xf32>,
        %parallel_loop3A_239 = vector.shape_cast %parallel_loop3A_238 : vector<1x16xf32> to vector<16xf32>
        %parallel_loop3A_240 = arith.mulf %parallel_loop3A_235, %parallel_loop3A_239 : vector<16xf32>
        %parallel_loop3A_241 = arith.index_cast %parallel_loop3A_116 : i32 to index
        %parallel_loop3A_242 = arith.constant 112 : index
        %parallel_loop3A_243 = tpu.vector_load %arg21[%parallel_loop3A_241, %parallel_loop3A_242] {strides = array<i32>} : memref<64x144xf32, #tpu.memory_space<vmem>>, vector<1x16xf32>,
        %parallel_loop3A_244 = vector.shape_cast %parallel_loop3A_243 : vector<1x16xf32> to vector<16xf32>
        %parallel_loop3A_245 = vector.shape_cast %parallel_loop3A_240 : vector<16xf32> to vector<1x16xf32>
        tpu.vector_store %arg21[%parallel_loop3A_241, %parallel_loop3A_242], %parallel_loop3A_245 {strides = array<i32>} : memref<64x144xf32, #tpu.memory_space<vmem>>, vector<1x16xf32>,
        %parallel_loop3A_246 = arith.index_cast %parallel_loop3A_116 : i32 to index
        %parallel_loop3A_247 = arith.constant 128 : index
        %parallel_loop3A_248 = tpu.vector_load %arg21[%parallel_loop3A_246, %parallel_loop3A_247] {strides = array<i32>} : memref<64x144xf32, #tpu.memory_space<vmem>>, vector<1x16xf32>,
        %parallel_loop3A_249 = vector.shape_cast %parallel_loop3A_248 : vector<1x16xf32> to vector<16xf32>
        %parallel_loop3A_250 = vector.shape_cast %parallel_loop3A_133 : vector<16xf32> to vector<1x16xf32>
        tpu.vector_store %arg21[%parallel_loop3A_246, %parallel_loop3A_247], %parallel_loop3A_250 {strides = array<i32>} : memref<64x144xf32, #tpu.memory_space<vmem>>, vector<1x16xf32>,
      } {sc.loop_unroll_factor = 8 : i64, sc.parallel_access}
      %parallel_loop3A_109 = arith.constant 0 : i32
      %parallel_loop3A_110 = arith.constant 4 : i32
      %parallel_loop3A_111 = arith.constant 1 : i32
      scf.for %parallel_loop3A_116 = %parallel_loop3A_109 to %parallel_loop3A_110 step %parallel_loop3A_111  : i32 {
        %parallel_loop3A_117 = arith.constant 16 : i32
        %parallel_loop3A_118 = arith.muli %parallel_loop3A_117, %parallel_loop3A_116 : i32
        %parallel_loop3A_119 = arith.index_cast %parallel_loop3A_118 : i32 to index
        %parallel_loop3A_120 = tpu.vector_load %arg17[%parallel_loop3A_119] {strides = array<i32>} : memref<64xi32, #tpu.memory_space<vmem>>, vector<16xi32>,
        %parallel_loop3A_121 = vector.shape_cast %parallel_loop3A_120 : vector<16xi32> to vector<16xi32>
        %parallel_loop3A_122 = arith.index_cast %parallel_loop3A_118 : i32 to index
        %parallel_loop3A_123 = tpu.vector_load %arg18[%parallel_loop3A_122] {strides = array<i32>} : memref<64xi32, #tpu.memory_space<vmem>>, vector<16xi32>,
        %parallel_loop3A_124 = vector.shape_cast %parallel_loop3A_123 : vector<16xi32> to vector<16xi32>
        %parallel_loop3A_125 = vector.shape_cast %parallel_loop3A_121 : vector<16xi32> to vector<16xi32>
        tpu.vector_store %arg18[%parallel_loop3A_122], %parallel_loop3A_125 {strides = array<i32>} : memref<64xi32, #tpu.memory_space<vmem>>, vector<16xi32>,
      } {sc.loop_unroll_factor = 4 : i64, sc.parallel_access}
      %dma_start3A_112 = arith.constant 0 : i32
      %dma_start3A_113 = arith.constant 0 : i32
      %dma_start3A_114 = tpu.memref_slice %arg7[%dma_start3A_112, %dma_start3A_113] : memref<10000x144xf32, #tpu.memory_space<vmem_shared>> -> memref<10000x144xf32, #tpu.memory_space<vmem_shared>>
      tpu.enqueue_indirect_dma source(%arg21 : memref<64x144xf32, #tpu.memory_space<vmem>>) target(%dma_start3A_114 : memref<10000x144xf32, #tpu.memory_space<vmem_shared>>) offsets(%arg18 : memref<64xi32, #tpu.memory_space<vmem>>) semaphore(%arg23 : memref<!tpu.dma_semaphore, #tpu.memory_space<semaphore_mem>>) {add = true}
      %while3A_115 = arith.constant 0 : i32
      scf.yield %while3A_115 : i32
    }
    %while3A_42 = arith.constant 1 : i32
    %while3A_43 = scf.for %while3A_57 = %while3A_39 to %while3A_35 step %while3A_42 iter_args(%while3A_58 = %while3A_41) -> (i32)  : i32 {
      %mul3A_59 = arith.constant 2 : i32
      %mul3A_60 = arith.muli %mul3A_59, %while3A_57 : i32
      %add3A_61 = arith.constant 1 : i32
      %add3A_62 = arith.addi %mul3A_60, %add3A_61 : i32
      %mul3A_63 = arith.constant 64 : i32
      %mul3A_64 = arith.muli %add3A_62, %mul3A_63 : i32
      %add3A_65 = arith.addi %add3A, %mul3A_64 : i32
      "tpu.region"() ({
        %run_scoped3A = tpu.sem_alloc : memref<!tpu.dma_semaphore, #tpu.memory_space<semaphore_mem>>
        %dma_start3A_116 = tpu.memref_slice %arg4[%add3A_65] : memref<320000xi32, #tpu.memory_space<hbm>> -> memref<64xi32, #tpu.memory_space<hbm>>
        %dma_start3A_117 = tpu.memref_slice %arg4[%add3A_65] : memref<320000xi32, #tpu.memory_space<hbm>> -> memref<64xi32, #tpu.memory_space<hbm>>
        tpu.enqueue_dma source(%dma_start3A_117 : memref<64xi32, #tpu.memory_space<hbm>>) target(%arg16 : memref<64xi32, #tpu.memory_space<vmem>>) target_semaphore(%run_scoped3A : memref<!tpu.dma_semaphore, #tpu.memory_space<semaphore_mem>>)
        %dma_wait3A_118 = tpu.memref_slice %arg4[%add3A_65] : memref<320000xi32, #tpu.memory_space<hbm>> -> memref<64xi32, #tpu.memory_space<hbm>>
        %dma_wait3A_119 = tpu.memref_slice %arg4[%add3A_65] : memref<320000xi32, #tpu.memory_space<hbm>> -> memref<64xi32, #tpu.memory_space<hbm>>
        tpu.wait_dma2 semaphore(%run_scoped3A : memref<!tpu.dma_semaphore, #tpu.memory_space<semaphore_mem>>) src(%dma_wait3A_119 : memref<64xi32, #tpu.memory_space<hbm>>) dst(%arg16 : memref<64xi32, #tpu.memory_space<vmem>>)
        tpu.yield
      }) : () -> ()
      "tpu.region"() ({
        %run_scoped3A = tpu.sem_alloc : memref<!tpu.dma_semaphore, #tpu.memory_space<semaphore_mem>>
        %dma_start3A_116 = tpu.memref_slice %arg5[%add3A_65] : memref<320000xi32, #tpu.memory_space<hbm>> -> memref<64xi32, #tpu.memory_space<hbm>>
        %dma_start3A_117 = tpu.memref_slice %arg5[%add3A_65] : memref<320000xi32, #tpu.memory_space<hbm>> -> memref<64xi32, #tpu.memory_space<hbm>>
        tpu.enqueue_dma source(%dma_start3A_117 : memref<64xi32, #tpu.memory_space<hbm>>) target(%arg17 : memref<64xi32, #tpu.memory_space<vmem>>) target_semaphore(%run_scoped3A : memref<!tpu.dma_semaphore, #tpu.memory_space<semaphore_mem>>)
        %dma_wait3A_118 = tpu.memref_slice %arg5[%add3A_65] : memref<320000xi32, #tpu.memory_space<hbm>> -> memref<64xi32, #tpu.memory_space<hbm>>
        %dma_wait3A_119 = tpu.memref_slice %arg5[%add3A_65] : memref<320000xi32, #tpu.memory_space<hbm>> -> memref<64xi32, #tpu.memory_space<hbm>>
        tpu.wait_dma2 semaphore(%run_scoped3A : memref<!tpu.dma_semaphore, #tpu.memory_space<semaphore_mem>>) src(%dma_wait3A_119 : memref<64xi32, #tpu.memory_space<hbm>>) dst(%arg17 : memref<64xi32, #tpu.memory_space<vmem>>)
        tpu.yield
      }) : () -> ()
      %dma_start3A_66 = arith.constant 0 : i32
      %dma_start3A_67 = arith.constant 0 : i32
      %dma_start3A_68 = tpu.memref_slice %arg2[%dma_start3A_66, %dma_start3A_67] : memref<10000x144xf32, #tpu.memory_space<hbm>> -> memref<10000x144xf32, #tpu.memory_space<hbm>>
      tpu.enqueue_indirect_dma source(%dma_start3A_68 : memref<10000x144xf32, #tpu.memory_space<hbm>>) target(%arg19 : memref<64x144xf32, #tpu.memory_space<vmem>>) offsets(%arg16 : memref<64xi32, #tpu.memory_space<vmem>>) semaphore(%arg22 : memref<!tpu.dma_semaphore, #tpu.memory_space<semaphore_mem>>)
      %dma_start3A_69 = arith.constant 0 : i32
      %dma_start3A_70 = arith.constant 0 : i32
      %dma_start3A_71 = tpu.memref_slice %arg3[%dma_start3A_69, %dma_start3A_70] : memref<10000x16xf32, #tpu.memory_space<hbm>> -> memref<10000x16xf32, #tpu.memory_space<hbm>>
      tpu.enqueue_indirect_dma source(%dma_start3A_71 : memref<10000x16xf32, #tpu.memory_space<hbm>>) target(%arg20 : memref<64x16xf32, #tpu.memory_space<vmem>>) offsets(%arg17 : memref<64xi32, #tpu.memory_space<vmem>>) semaphore(%arg22 : memref<!tpu.dma_semaphore, #tpu.memory_space<semaphore_mem>>)
      %dma_wait3A_72 = arith.constant 0 : i32
      %dma_wait3A_73 = arith.constant 0 : i32
      %dma_wait3A_74 = tpu.memref_slice %arg2[%dma_wait3A_72, %dma_wait3A_73] : memref<10000x144xf32, #tpu.memory_space<hbm>> -> memref<10000x144xf32, #tpu.memory_space<hbm>>
      tpu.wait_indirect_dma semaphore(%arg14 : memref<!tpu.dma_semaphore, #tpu.memory_space<semaphore_mem>>) src(%dma_wait3A_74 : memref<10000x144xf32, #tpu.memory_space<hbm>>) dst(%arg11 : memref<64x144xf32, #tpu.memory_space<vmem>>)
      %dma_wait3A_75 = arith.constant 0 : i32
      %dma_wait3A_76 = arith.constant 0 : i32
      %dma_wait3A_77 = tpu.memref_slice %arg3[%dma_wait3A_75, %dma_wait3A_76] : memref<10000x16xf32, #tpu.memory_space<hbm>> -> memref<10000x16xf32, #tpu.memory_space<hbm>>
      tpu.wait_indirect_dma semaphore(%arg14 : memref<!tpu.dma_semaphore, #tpu.memory_space<semaphore_mem>>) src(%dma_wait3A_77 : memref<10000x16xf32, #tpu.memory_space<hbm>>) dst(%arg12 : memref<64x16xf32, #tpu.memory_space<vmem>>)
      %gt3A = arith.constant 0 : i32
      %gt3A_78 = arith.cmpi sgt, %while3A_57, %gt3A : i32
      %convert_element_type3A_79 = arith.extui %gt3A_78 : i1 to i32
      %cond3A_80 = arith.constant 0 : i32
      %cond3A_81 = arith.cmpi ne, %convert_element_type3A_79, %cond3A_80 : i32
      scf.if %cond3A_81 {
        %dma_wait3A_116 = arith.constant 0 : i32
        %dma_wait3A_117 = arith.constant 0 : i32
        %dma_wait3A_118 = tpu.memref_slice %arg7[%dma_wait3A_116, %dma_wait3A_117] : memref<10000x144xf32, #tpu.memory_space<vmem_shared>> -> memref<10000x144xf32, #tpu.memory_space<vmem_shared>>
        tpu.wait_indirect_dma semaphore(%arg15 : memref<!tpu.dma_semaphore, #tpu.memory_space<semaphore_mem>>) src(%arg13 : memref<64x144xf32, #tpu.memory_space<vmem>>) dst(%dma_wait3A_118 : memref<10000x144xf32, #tpu.memory_space<vmem_shared>>)
      } else {
      }
      %parallel_loop3A = arith.constant 0 : i32
      %parallel_loop3A_82 = arith.constant 64 : i32
      %parallel_loop3A_83 = arith.constant 1 : i32
      scf.for %parallel_loop3A_116 = %parallel_loop3A to %parallel_loop3A_82 step %parallel_loop3A_83  : i32 {
        %parallel_loop3A_117 = arith.index_cast %parallel_loop3A_116 : i32 to index
        %parallel_loop3A_118 = arith.constant 128 : index
        %parallel_loop3A_119 = tpu.vector_load %arg11[%parallel_loop3A_117, %parallel_loop3A_118] {strides = array<i32>} : memref<64x144xf32, #tpu.memory_space<vmem>>, vector<1x16xf32>,
        %parallel_loop3A_120 = vector.shape_cast %parallel_loop3A_119 : vector<1x16xf32> to vector<16xf32>
        %parallel_loop3A_121 = arith.index_cast %parallel_loop3A_116 : i32 to index
        %parallel_loop3A_122 = arith.constant 0 : index
        %parallel_loop3A_123 = tpu.vector_load %arg12[%parallel_loop3A_121, %parallel_loop3A_122] {strides = array<i32>} : memref<64x16xf32, #tpu.memory_space<vmem>>, vector<1x16xf32>,
        %parallel_loop3A_124 = vector.shape_cast %parallel_loop3A_123 : vector<1x16xf32> to vector<16xf32>
        %parallel_loop3A_125 = arith.addf %parallel_loop3A_120, %parallel_loop3A_124 : vector<16xf32>
        %parallel_loop3A_126 = arith.constant 0.000000e+00 : f32
        %parallel_loop3A_127 = vector.broadcast %parallel_loop3A_126 : f32 to vector<16xf32>
        %parallel_loop3A_128 = arith.cmpf oge, %parallel_loop3A_125, %parallel_loop3A_127 : vector<16xf32>
        %parallel_loop3A_129 = arith.constant 2.000000e-01 : f32
        %parallel_loop3A_130 = vector.broadcast %parallel_loop3A_129 : f32 to vector<16xf32>
        %parallel_loop3A_131 = arith.mulf %parallel_loop3A_130, %parallel_loop3A_125 : vector<16xf32>
        %parallel_loop3A_132 = arith.select %parallel_loop3A_128, %parallel_loop3A_125, %parallel_loop3A_131 : vector<16xi1>, vector<16xf32>
        %parallel_loop3A_133 = math.exp %parallel_loop3A_132 : vector<16xf32>
        %parallel_loop3A_134 = arith.constant 0 : i32
        %parallel_loop3A_135 = vector.broadcast %parallel_loop3A_134 : i32 to vector<16x1xi32>
        %parallel_loop3A_136 = vector.shape_cast %parallel_loop3A_135 : vector<16x1xi32> to vector<16xi32>
        %parallel_loop3A_137 = tpu.dynamic_gather %parallel_loop3A_133[%parallel_loop3A_136] in [0] : vector<16xf32>, vector<16xi32> -> vector<16xf32>
        %parallel_loop3A_138 = arith.index_cast %parallel_loop3A_116 : i32 to index
        %parallel_loop3A_139 = arith.constant 0 : index
        %parallel_loop3A_140 = tpu.vector_load %arg11[%parallel_loop3A_138, %parallel_loop3A_139] {strides = array<i32>} : memref<64x144xf32, #tpu.memory_space<vmem>>, vector<1x16xf32>,
        %parallel_loop3A_141 = vector.shape_cast %parallel_loop3A_140 : vector<1x16xf32> to vector<16xf32>
        %parallel_loop3A_142 = arith.mulf %parallel_loop3A_137, %parallel_loop3A_141 : vector<16xf32>
        %parallel_loop3A_143 = arith.index_cast %parallel_loop3A_116 : i32 to index
        %parallel_loop3A_144 = arith.constant 0 : index
        %parallel_loop3A_145 = tpu.vector_load %arg13[%parallel_loop3A_143, %parallel_loop3A_144] {strides = array<i32>} : memref<64x144xf32, #tpu.memory_space<vmem>>, vector<1x16xf32>,
        %parallel_loop3A_146 = vector.shape_cast %parallel_loop3A_145 : vector<1x16xf32> to vector<16xf32>
        %parallel_loop3A_147 = vector.shape_cast %parallel_loop3A_142 : vector<16xf32> to vector<1x16xf32>
        tpu.vector_store %arg13[%parallel_loop3A_143, %parallel_loop3A_144], %parallel_loop3A_147 {strides = array<i32>} : memref<64x144xf32, #tpu.memory_space<vmem>>, vector<1x16xf32>,
        %parallel_loop3A_148 = arith.constant 1 : i32
        %parallel_loop3A_149 = vector.broadcast %parallel_loop3A_148 : i32 to vector<16x1xi32>
        %parallel_loop3A_150 = vector.shape_cast %parallel_loop3A_149 : vector<16x1xi32> to vector<16xi32>
        %parallel_loop3A_151 = tpu.dynamic_gather %parallel_loop3A_133[%parallel_loop3A_150] in [0] : vector<16xf32>, vector<16xi32> -> vector<16xf32>
        %parallel_loop3A_152 = arith.index_cast %parallel_loop3A_116 : i32 to index
        %parallel_loop3A_153 = arith.constant 16 : index
        %parallel_loop3A_154 = tpu.vector_load %arg11[%parallel_loop3A_152, %parallel_loop3A_153] {strides = array<i32>} : memref<64x144xf32, #tpu.memory_space<vmem>>, vector<1x16xf32>,
        %parallel_loop3A_155 = vector.shape_cast %parallel_loop3A_154 : vector<1x16xf32> to vector<16xf32>
        %parallel_loop3A_156 = arith.mulf %parallel_loop3A_151, %parallel_loop3A_155 : vector<16xf32>
        %parallel_loop3A_157 = arith.index_cast %parallel_loop3A_116 : i32 to index
        %parallel_loop3A_158 = arith.constant 16 : index
        %parallel_loop3A_159 = tpu.vector_load %arg13[%parallel_loop3A_157, %parallel_loop3A_158] {strides = array<i32>} : memref<64x144xf32, #tpu.memory_space<vmem>>, vector<1x16xf32>,
        %parallel_loop3A_160 = vector.shape_cast %parallel_loop3A_159 : vector<1x16xf32> to vector<16xf32>
        %parallel_loop3A_161 = vector.shape_cast %parallel_loop3A_156 : vector<16xf32> to vector<1x16xf32>
        tpu.vector_store %arg13[%parallel_loop3A_157, %parallel_loop3A_158], %parallel_loop3A_161 {strides = array<i32>} : memref<64x144xf32, #tpu.memory_space<vmem>>, vector<1x16xf32>,
        %parallel_loop3A_162 = arith.constant 2 : i32
        %parallel_loop3A_163 = vector.broadcast %parallel_loop3A_162 : i32 to vector<16x1xi32>
        %parallel_loop3A_164 = vector.shape_cast %parallel_loop3A_163 : vector<16x1xi32> to vector<16xi32>
        %parallel_loop3A_165 = tpu.dynamic_gather %parallel_loop3A_133[%parallel_loop3A_164] in [0] : vector<16xf32>, vector<16xi32> -> vector<16xf32>
        %parallel_loop3A_166 = arith.index_cast %parallel_loop3A_116 : i32 to index
        %parallel_loop3A_167 = arith.constant 32 : index
        %parallel_loop3A_168 = tpu.vector_load %arg11[%parallel_loop3A_166, %parallel_loop3A_167] {strides = array<i32>} : memref<64x144xf32, #tpu.memory_space<vmem>>, vector<1x16xf32>,
        %parallel_loop3A_169 = vector.shape_cast %parallel_loop3A_168 : vector<1x16xf32> to vector<16xf32>
        %parallel_loop3A_170 = arith.mulf %parallel_loop3A_165, %parallel_loop3A_169 : vector<16xf32>
        %parallel_loop3A_171 = arith.index_cast %parallel_loop3A_116 : i32 to index
        %parallel_loop3A_172 = arith.constant 32 : index
        %parallel_loop3A_173 = tpu.vector_load %arg13[%parallel_loop3A_171, %parallel_loop3A_172] {strides = array<i32>} : memref<64x144xf32, #tpu.memory_space<vmem>>, vector<1x16xf32>,
        %parallel_loop3A_174 = vector.shape_cast %parallel_loop3A_173 : vector<1x16xf32> to vector<16xf32>
        %parallel_loop3A_175 = vector.shape_cast %parallel_loop3A_170 : vector<16xf32> to vector<1x16xf32>
        tpu.vector_store %arg13[%parallel_loop3A_171, %parallel_loop3A_172], %parallel_loop3A_175 {strides = array<i32>} : memref<64x144xf32, #tpu.memory_space<vmem>>, vector<1x16xf32>,
        %parallel_loop3A_176 = arith.constant 3 : i32
        %parallel_loop3A_177 = vector.broadcast %parallel_loop3A_176 : i32 to vector<16x1xi32>
        %parallel_loop3A_178 = vector.shape_cast %parallel_loop3A_177 : vector<16x1xi32> to vector<16xi32>
        %parallel_loop3A_179 = tpu.dynamic_gather %parallel_loop3A_133[%parallel_loop3A_178] in [0] : vector<16xf32>, vector<16xi32> -> vector<16xf32>
        %parallel_loop3A_180 = arith.index_cast %parallel_loop3A_116 : i32 to index
        %parallel_loop3A_181 = arith.constant 48 : index
        %parallel_loop3A_182 = tpu.vector_load %arg11[%parallel_loop3A_180, %parallel_loop3A_181] {strides = array<i32>} : memref<64x144xf32, #tpu.memory_space<vmem>>, vector<1x16xf32>,
        %parallel_loop3A_183 = vector.shape_cast %parallel_loop3A_182 : vector<1x16xf32> to vector<16xf32>
        %parallel_loop3A_184 = arith.mulf %parallel_loop3A_179, %parallel_loop3A_183 : vector<16xf32>
        %parallel_loop3A_185 = arith.index_cast %parallel_loop3A_116 : i32 to index
        %parallel_loop3A_186 = arith.constant 48 : index
        %parallel_loop3A_187 = tpu.vector_load %arg13[%parallel_loop3A_185, %parallel_loop3A_186] {strides = array<i32>} : memref<64x144xf32, #tpu.memory_space<vmem>>, vector<1x16xf32>,
        %parallel_loop3A_188 = vector.shape_cast %parallel_loop3A_187 : vector<1x16xf32> to vector<16xf32>
        %parallel_loop3A_189 = vector.shape_cast %parallel_loop3A_184 : vector<16xf32> to vector<1x16xf32>
        tpu.vector_store %arg13[%parallel_loop3A_185, %parallel_loop3A_186], %parallel_loop3A_189 {strides = array<i32>} : memref<64x144xf32, #tpu.memory_space<vmem>>, vector<1x16xf32>,
        %parallel_loop3A_190 = arith.constant 4 : i32
        %parallel_loop3A_191 = vector.broadcast %parallel_loop3A_190 : i32 to vector<16x1xi32>
        %parallel_loop3A_192 = vector.shape_cast %parallel_loop3A_191 : vector<16x1xi32> to vector<16xi32>
        %parallel_loop3A_193 = tpu.dynamic_gather %parallel_loop3A_133[%parallel_loop3A_192] in [0] : vector<16xf32>, vector<16xi32> -> vector<16xf32>
        %parallel_loop3A_194 = arith.index_cast %parallel_loop3A_116 : i32 to index
        %parallel_loop3A_195 = arith.constant 64 : index
        %parallel_loop3A_196 = tpu.vector_load %arg11[%parallel_loop3A_194, %parallel_loop3A_195] {strides = array<i32>} : memref<64x144xf32, #tpu.memory_space<vmem>>, vector<1x16xf32>,
        %parallel_loop3A_197 = vector.shape_cast %parallel_loop3A_196 : vector<1x16xf32> to vector<16xf32>
        %parallel_loop3A_198 = arith.mulf %parallel_loop3A_193, %parallel_loop3A_197 : vector<16xf32>
        %parallel_loop3A_199 = arith.index_cast %parallel_loop3A_116 : i32 to index
        %parallel_loop3A_200 = arith.constant 64 : index
        %parallel_loop3A_201 = tpu.vector_load %arg13[%parallel_loop3A_199, %parallel_loop3A_200] {strides = array<i32>} : memref<64x144xf32, #tpu.memory_space<vmem>>, vector<1x16xf32>,
        %parallel_loop3A_202 = vector.shape_cast %parallel_loop3A_201 : vector<1x16xf32> to vector<16xf32>
        %parallel_loop3A_203 = vector.shape_cast %parallel_loop3A_198 : vector<16xf32> to vector<1x16xf32>
        tpu.vector_store %arg13[%parallel_loop3A_199, %parallel_loop3A_200], %parallel_loop3A_203 {strides = array<i32>} : memref<64x144xf32, #tpu.memory_space<vmem>>, vector<1x16xf32>,
        %parallel_loop3A_204 = arith.constant 5 : i32
        %parallel_loop3A_205 = vector.broadcast %parallel_loop3A_204 : i32 to vector<16x1xi32>
        %parallel_loop3A_206 = vector.shape_cast %parallel_loop3A_205 : vector<16x1xi32> to vector<16xi32>
        %parallel_loop3A_207 = tpu.dynamic_gather %parallel_loop3A_133[%parallel_loop3A_206] in [0] : vector<16xf32>, vector<16xi32> -> vector<16xf32>
        %parallel_loop3A_208 = arith.index_cast %parallel_loop3A_116 : i32 to index
        %parallel_loop3A_209 = arith.constant 80 : index
        %parallel_loop3A_210 = tpu.vector_load %arg11[%parallel_loop3A_208, %parallel_loop3A_209] {strides = array<i32>} : memref<64x144xf32, #tpu.memory_space<vmem>>, vector<1x16xf32>,
        %parallel_loop3A_211 = vector.shape_cast %parallel_loop3A_210 : vector<1x16xf32> to vector<16xf32>
        %parallel_loop3A_212 = arith.mulf %parallel_loop3A_207, %parallel_loop3A_211 : vector<16xf32>
        %parallel_loop3A_213 = arith.index_cast %parallel_loop3A_116 : i32 to index
        %parallel_loop3A_214 = arith.constant 80 : index
        %parallel_loop3A_215 = tpu.vector_load %arg13[%parallel_loop3A_213, %parallel_loop3A_214] {strides = array<i32>} : memref<64x144xf32, #tpu.memory_space<vmem>>, vector<1x16xf32>,
        %parallel_loop3A_216 = vector.shape_cast %parallel_loop3A_215 : vector<1x16xf32> to vector<16xf32>
        %parallel_loop3A_217 = vector.shape_cast %parallel_loop3A_212 : vector<16xf32> to vector<1x16xf32>
        tpu.vector_store %arg13[%parallel_loop3A_213, %parallel_loop3A_214], %parallel_loop3A_217 {strides = array<i32>} : memref<64x144xf32, #tpu.memory_space<vmem>>, vector<1x16xf32>,
        %parallel_loop3A_218 = arith.constant 6 : i32
        %parallel_loop3A_219 = vector.broadcast %parallel_loop3A_218 : i32 to vector<16x1xi32>
        %parallel_loop3A_220 = vector.shape_cast %parallel_loop3A_219 : vector<16x1xi32> to vector<16xi32>
        %parallel_loop3A_221 = tpu.dynamic_gather %parallel_loop3A_133[%parallel_loop3A_220] in [0] : vector<16xf32>, vector<16xi32> -> vector<16xf32>
        %parallel_loop3A_222 = arith.index_cast %parallel_loop3A_116 : i32 to index
        %parallel_loop3A_223 = arith.constant 96 : index
        %parallel_loop3A_224 = tpu.vector_load %arg11[%parallel_loop3A_222, %parallel_loop3A_223] {strides = array<i32>} : memref<64x144xf32, #tpu.memory_space<vmem>>, vector<1x16xf32>,
        %parallel_loop3A_225 = vector.shape_cast %parallel_loop3A_224 : vector<1x16xf32> to vector<16xf32>
        %parallel_loop3A_226 = arith.mulf %parallel_loop3A_221, %parallel_loop3A_225 : vector<16xf32>
        %parallel_loop3A_227 = arith.index_cast %parallel_loop3A_116 : i32 to index
        %parallel_loop3A_228 = arith.constant 96 : index
        %parallel_loop3A_229 = tpu.vector_load %arg13[%parallel_loop3A_227, %parallel_loop3A_228] {strides = array<i32>} : memref<64x144xf32, #tpu.memory_space<vmem>>, vector<1x16xf32>,
        %parallel_loop3A_230 = vector.shape_cast %parallel_loop3A_229 : vector<1x16xf32> to vector<16xf32>
        %parallel_loop3A_231 = vector.shape_cast %parallel_loop3A_226 : vector<16xf32> to vector<1x16xf32>
        tpu.vector_store %arg13[%parallel_loop3A_227, %parallel_loop3A_228], %parallel_loop3A_231 {strides = array<i32>} : memref<64x144xf32, #tpu.memory_space<vmem>>, vector<1x16xf32>,
        %parallel_loop3A_232 = arith.constant 7 : i32
        %parallel_loop3A_233 = vector.broadcast %parallel_loop3A_232 : i32 to vector<16x1xi32>
        %parallel_loop3A_234 = vector.shape_cast %parallel_loop3A_233 : vector<16x1xi32> to vector<16xi32>
        %parallel_loop3A_235 = tpu.dynamic_gather %parallel_loop3A_133[%parallel_loop3A_234] in [0] : vector<16xf32>, vector<16xi32> -> vector<16xf32>
        %parallel_loop3A_236 = arith.index_cast %parallel_loop3A_116 : i32 to index
        %parallel_loop3A_237 = arith.constant 112 : index
        %parallel_loop3A_238 = tpu.vector_load %arg11[%parallel_loop3A_236, %parallel_loop3A_237] {strides = array<i32>} : memref<64x144xf32, #tpu.memory_space<vmem>>, vector<1x16xf32>,
        %parallel_loop3A_239 = vector.shape_cast %parallel_loop3A_238 : vector<1x16xf32> to vector<16xf32>
        %parallel_loop3A_240 = arith.mulf %parallel_loop3A_235, %parallel_loop3A_239 : vector<16xf32>
        %parallel_loop3A_241 = arith.index_cast %parallel_loop3A_116 : i32 to index
        %parallel_loop3A_242 = arith.constant 112 : index
        %parallel_loop3A_243 = tpu.vector_load %arg13[%parallel_loop3A_241, %parallel_loop3A_242] {strides = array<i32>} : memref<64x144xf32, #tpu.memory_space<vmem>>, vector<1x16xf32>,
        %parallel_loop3A_244 = vector.shape_cast %parallel_loop3A_243 : vector<1x16xf32> to vector<16xf32>
        %parallel_loop3A_245 = vector.shape_cast %parallel_loop3A_240 : vector<16xf32> to vector<1x16xf32>
        tpu.vector_store %arg13[%parallel_loop3A_241, %parallel_loop3A_242], %parallel_loop3A_245 {strides = array<i32>} : memref<64x144xf32, #tpu.memory_space<vmem>>, vector<1x16xf32>,
        %parallel_loop3A_246 = arith.index_cast %parallel_loop3A_116 : i32 to index
        %parallel_loop3A_247 = arith.constant 128 : index
        %parallel_loop3A_248 = tpu.vector_load %arg13[%parallel_loop3A_246, %parallel_loop3A_247] {strides = array<i32>} : memref<64x144xf32, #tpu.memory_space<vmem>>, vector<1x16xf32>,
        %parallel_loop3A_249 = vector.shape_cast %parallel_loop3A_248 : vector<1x16xf32> to vector<16xf32>
        %parallel_loop3A_250 = vector.shape_cast %parallel_loop3A_133 : vector<16xf32> to vector<1x16xf32>
        tpu.vector_store %arg13[%parallel_loop3A_246, %parallel_loop3A_247], %parallel_loop3A_250 {strides = array<i32>} : memref<64x144xf32, #tpu.memory_space<vmem>>, vector<1x16xf32>,
      } {sc.loop_unroll_factor = 8 : i64, sc.parallel_access}
      %parallel_loop3A_84 = arith.constant 0 : i32
      %parallel_loop3A_85 = arith.constant 4 : i32
      %parallel_loop3A_86 = arith.constant 1 : i32
      scf.for %parallel_loop3A_116 = %parallel_loop3A_84 to %parallel_loop3A_85 step %parallel_loop3A_86  : i32 {
        %parallel_loop3A_117 = arith.constant 16 : i32
        %parallel_loop3A_118 = arith.muli %parallel_loop3A_117, %parallel_loop3A_116 : i32
        %parallel_loop3A_119 = arith.index_cast %parallel_loop3A_118 : i32 to index
        %parallel_loop3A_120 = tpu.vector_load %arg9[%parallel_loop3A_119] {strides = array<i32>} : memref<64xi32, #tpu.memory_space<vmem>>, vector<16xi32>,
        %parallel_loop3A_121 = vector.shape_cast %parallel_loop3A_120 : vector<16xi32> to vector<16xi32>
        %parallel_loop3A_122 = arith.index_cast %parallel_loop3A_118 : i32 to index
        %parallel_loop3A_123 = tpu.vector_load %arg10[%parallel_loop3A_122] {strides = array<i32>} : memref<64xi32, #tpu.memory_space<vmem>>, vector<16xi32>,
        %parallel_loop3A_124 = vector.shape_cast %parallel_loop3A_123 : vector<16xi32> to vector<16xi32>
        %parallel_loop3A_125 = vector.shape_cast %parallel_loop3A_121 : vector<16xi32> to vector<16xi32>
        tpu.vector_store %arg10[%parallel_loop3A_122], %parallel_loop3A_125 {strides = array<i32>} : memref<64xi32, #tpu.memory_space<vmem>>, vector<16xi32>,
      } {sc.loop_unroll_factor = 4 : i64, sc.parallel_access}
      %dma_start3A_87 = arith.constant 0 : i32
      %dma_start3A_88 = arith.constant 0 : i32
      %dma_start3A_89 = tpu.memref_slice %arg7[%dma_start3A_87, %dma_start3A_88] : memref<10000x144xf32, #tpu.memory_space<vmem_shared>> -> memref<10000x144xf32, #tpu.memory_space<vmem_shared>>
      tpu.enqueue_indirect_dma source(%arg13 : memref<64x144xf32, #tpu.memory_space<vmem>>) target(%dma_start3A_89 : memref<10000x144xf32, #tpu.memory_space<vmem_shared>>) offsets(%arg10 : memref<64xi32, #tpu.memory_space<vmem>>) semaphore(%arg15 : memref<!tpu.dma_semaphore, #tpu.memory_space<semaphore_mem>>) {add = true}
      %add3A_90 = arith.constant 1 : i32
      %add3A_91 = arith.addi %while3A_57, %add3A_90 : i32
      %lt3A = arith.cmpi slt, %add3A_91, %select_n3A : i32
      %convert_element_type3A_92 = arith.extui %lt3A : i1 to i32
      %cond3A_93 = arith.constant 0 : i32
      %cond3A_94 = arith.cmpi ne, %convert_element_type3A_92, %cond3A_93 : i32
      scf.if %cond3A_94 {
        %mul3A_116 = arith.constant 2 : i32
        %mul3A_117 = arith.muli %mul3A_116, %while3A_57 : i32
        %add3A_118 = arith.constant 2 : i32
        %add3A_119 = arith.addi %mul3A_117, %add3A_118 : i32
        %mul3A_120 = arith.constant 64 : i32
        %mul3A_121 = arith.muli %add3A_119, %mul3A_120 : i32
        %add3A_122 = arith.addi %add3A, %mul3A_121 : i32
        "tpu.region"() ({
          %run_scoped3A = tpu.sem_alloc : memref<!tpu.dma_semaphore, #tpu.memory_space<semaphore_mem>>
          %dma_start3A_129 = tpu.memref_slice %arg4[%add3A_122] : memref<320000xi32, #tpu.memory_space<hbm>> -> memref<64xi32, #tpu.memory_space<hbm>>
          %dma_start3A_130 = tpu.memref_slice %arg4[%add3A_122] : memref<320000xi32, #tpu.memory_space<hbm>> -> memref<64xi32, #tpu.memory_space<hbm>>
          tpu.enqueue_dma source(%dma_start3A_130 : memref<64xi32, #tpu.memory_space<hbm>>) target(%arg8 : memref<64xi32, #tpu.memory_space<vmem>>) target_semaphore(%run_scoped3A : memref<!tpu.dma_semaphore, #tpu.memory_space<semaphore_mem>>)
          %dma_wait3A_131 = tpu.memref_slice %arg4[%add3A_122] : memref<320000xi32, #tpu.memory_space<hbm>> -> memref<64xi32, #tpu.memory_space<hbm>>
          %dma_wait3A_132 = tpu.memref_slice %arg4[%add3A_122] : memref<320000xi32, #tpu.memory_space<hbm>> -> memref<64xi32, #tpu.memory_space<hbm>>
          tpu.wait_dma2 semaphore(%run_scoped3A : memref<!tpu.dma_semaphore, #tpu.memory_space<semaphore_mem>>) src(%dma_wait3A_132 : memref<64xi32, #tpu.memory_space<hbm>>) dst(%arg8 : memref<64xi32, #tpu.memory_space<vmem>>)
          tpu.yield
        }) : () -> ()
        "tpu.region"() ({
          %run_scoped3A = tpu.sem_alloc : memref<!tpu.dma_semaphore, #tpu.memory_space<semaphore_mem>>
          %dma_start3A_129 = tpu.memref_slice %arg5[%add3A_122] : memref<320000xi32, #tpu.memory_space<hbm>> -> memref<64xi32, #tpu.memory_space<hbm>>
          %dma_start3A_130 = tpu.memref_slice %arg5[%add3A_122] : memref<320000xi32, #tpu.memory_space<hbm>> -> memref<64xi32, #tpu.memory_space<hbm>>
          tpu.enqueue_dma source(%dma_start3A_130 : memref<64xi32, #tpu.memory_space<hbm>>) target(%arg9 : memref<64xi32, #tpu.memory_space<vmem>>) target_semaphore(%run_scoped3A : memref<!tpu.dma_semaphore, #tpu.memory_space<semaphore_mem>>)
          %dma_wait3A_131 = tpu.memref_slice %arg5[%add3A_122] : memref<320000xi32, #tpu.memory_space<hbm>> -> memref<64xi32, #tpu.memory_space<hbm>>
          %dma_wait3A_132 = tpu.memref_slice %arg5[%add3A_122] : memref<320000xi32, #tpu.memory_space<hbm>> -> memref<64xi32, #tpu.memory_space<hbm>>
          tpu.wait_dma2 semaphore(%run_scoped3A : memref<!tpu.dma_semaphore, #tpu.memory_space<semaphore_mem>>) src(%dma_wait3A_132 : memref<64xi32, #tpu.memory_space<hbm>>) dst(%arg9 : memref<64xi32, #tpu.memory_space<vmem>>)
          tpu.yield
        }) : () -> ()
        %dma_start3A_123 = arith.constant 0 : i32
        %dma_start3A_124 = arith.constant 0 : i32
        %dma_start3A_125 = tpu.memref_slice %arg2[%dma_start3A_123, %dma_start3A_124] : memref<10000x144xf32, #tpu.memory_space<hbm>> -> memref<10000x144xf32, #tpu.memory_space<hbm>>
        tpu.enqueue_indirect_dma source(%dma_start3A_125 : memref<10000x144xf32, #tpu.memory_space<hbm>>) target(%arg11 : memref<64x144xf32, #tpu.memory_space<vmem>>) offsets(%arg8 : memref<64xi32, #tpu.memory_space<vmem>>) semaphore(%arg14 : memref<!tpu.dma_semaphore, #tpu.memory_space<semaphore_mem>>)
        %dma_start3A_126 = arith.constant 0 : i32
        %dma_start3A_127 = arith.constant 0 : i32
        %dma_start3A_128 = tpu.memref_slice %arg3[%dma_start3A_126, %dma_start3A_127] : memref<10000x16xf32, #tpu.memory_space<hbm>> -> memref<10000x16xf32, #tpu.memory_space<hbm>>
        tpu.enqueue_indirect_dma source(%dma_start3A_128 : memref<10000x16xf32, #tpu.memory_space<hbm>>) target(%arg12 : memref<64x16xf32, #tpu.memory_space<vmem>>) offsets(%arg9 : memref<64xi32, #tpu.memory_space<vmem>>) semaphore(%arg14 : memref<!tpu.dma_semaphore, #tpu.memory_space<semaphore_mem>>)
      } else {
      }
      %dma_wait3A_95 = arith.constant 0 : i32
      %dma_wait3A_96 = arith.constant 0 : i32
      %dma_wait3A_97 = tpu.memref_slice %arg2[%dma_wait3A_95, %dma_wait3A_96] : memref<10000x144xf32, #tpu.memory_space<hbm>> -> memref<10000x144xf32, #tpu.memory_space<hbm>>
      tpu.wait_indirect_dma semaphore(%arg22 : memref<!tpu.dma_semaphore, #tpu.memory_space<semaphore_mem>>) src(%dma_wait3A_97 : memref<10000x144xf32, #tpu.memory_space<hbm>>) dst(%arg19 : memref<64x144xf32, #tpu.memory_space<vmem>>)
      %dma_wait3A_98 = arith.constant 0 : i32
      %dma_wait3A_99 = arith.constant 0 : i32
      %dma_wait3A_100 = tpu.memref_slice %arg3[%dma_wait3A_98, %dma_wait3A_99] : memref<10000x16xf32, #tpu.memory_space<hbm>> -> memref<10000x16xf32, #tpu.memory_space<hbm>>
      tpu.wait_indirect_dma semaphore(%arg22 : memref<!tpu.dma_semaphore, #tpu.memory_space<semaphore_mem>>) src(%dma_wait3A_100 : memref<10000x16xf32, #tpu.memory_space<hbm>>) dst(%arg20 : memref<64x16xf32, #tpu.memory_space<vmem>>)
      %gt3A_101 = arith.constant 0 : i32
      %gt3A_102 = arith.cmpi sgt, %while3A_57, %gt3A_101 : i32
      %convert_element_type3A_103 = arith.extui %gt3A_102 : i1 to i32
      %cond3A_104 = arith.constant 0 : i32
      %cond3A_105 = arith.cmpi ne, %convert_element_type3A_103, %cond3A_104 : i32
      scf.if %cond3A_105 {
        %dma_wait3A_116 = arith.constant 0 : i32
        %dma_wait3A_117 = arith.constant 0 : i32
        %dma_wait3A_118 = tpu.memref_slice %arg7[%dma_wait3A_116, %dma_wait3A_117] : memref<10000x144xf32, #tpu.memory_space<vmem_shared>> -> memref<10000x144xf32, #tpu.memory_space<vmem_shared>>
        tpu.wait_indirect_dma semaphore(%arg23 : memref<!tpu.dma_semaphore, #tpu.memory_space<semaphore_mem>>) src(%arg21 : memref<64x144xf32, #tpu.memory_space<vmem>>) dst(%dma_wait3A_118 : memref<10000x144xf32, #tpu.memory_space<vmem_shared>>)
      } else {
      }
      %parallel_loop3A_106 = arith.constant 0 : i32
      %parallel_loop3A_107 = arith.constant 64 : i32
      %parallel_loop3A_108 = arith.constant 1 : i32
      scf.for %parallel_loop3A_116 = %parallel_loop3A_106 to %parallel_loop3A_107 step %parallel_loop3A_108  : i32 {
        %parallel_loop3A_117 = arith.index_cast %parallel_loop3A_116 : i32 to index
        %parallel_loop3A_118 = arith.constant 128 : index
        %parallel_loop3A_119 = tpu.vector_load %arg19[%parallel_loop3A_117, %parallel_loop3A_118] {strides = array<i32>} : memref<64x144xf32, #tpu.memory_space<vmem>>, vector<1x16xf32>,
        %parallel_loop3A_120 = vector.shape_cast %parallel_loop3A_119 : vector<1x16xf32> to vector<16xf32>
        %parallel_loop3A_121 = arith.index_cast %parallel_loop3A_116 : i32 to index
        %parallel_loop3A_122 = arith.constant 0 : index
        %parallel_loop3A_123 = tpu.vector_load %arg20[%parallel_loop3A_121, %parallel_loop3A_122] {strides = array<i32>} : memref<64x16xf32, #tpu.memory_space<vmem>>, vector<1x16xf32>,
        %parallel_loop3A_124 = vector.shape_cast %parallel_loop3A_123 : vector<1x16xf32> to vector<16xf32>
        %parallel_loop3A_125 = arith.addf %parallel_loop3A_120, %parallel_loop3A_124 : vector<16xf32>
        %parallel_loop3A_126 = arith.constant 0.000000e+00 : f32
        %parallel_loop3A_127 = vector.broadcast %parallel_loop3A_126 : f32 to vector<16xf32>
        %parallel_loop3A_128 = arith.cmpf oge, %parallel_loop3A_125, %parallel_loop3A_127 : vector<16xf32>
        %parallel_loop3A_129 = arith.constant 2.000000e-01 : f32
        %parallel_loop3A_130 = vector.broadcast %parallel_loop3A_129 : f32 to vector<16xf32>
        %parallel_loop3A_131 = arith.mulf %parallel_loop3A_130, %parallel_loop3A_125 : vector<16xf32>
        %parallel_loop3A_132 = arith.select %parallel_loop3A_128, %parallel_loop3A_125, %parallel_loop3A_131 : vector<16xi1>, vector<16xf32>
        %parallel_loop3A_133 = math.exp %parallel_loop3A_132 : vector<16xf32>
        %parallel_loop3A_134 = arith.constant 0 : i32
        %parallel_loop3A_135 = vector.broadcast %parallel_loop3A_134 : i32 to vector<16x1xi32>
        %parallel_loop3A_136 = vector.shape_cast %parallel_loop3A_135 : vector<16x1xi32> to vector<16xi32>
        %parallel_loop3A_137 = tpu.dynamic_gather %parallel_loop3A_133[%parallel_loop3A_136] in [0] : vector<16xf32>, vector<16xi32> -> vector<16xf32>
        %parallel_loop3A_138 = arith.index_cast %parallel_loop3A_116 : i32 to index
        %parallel_loop3A_139 = arith.constant 0 : index
        %parallel_loop3A_140 = tpu.vector_load %arg19[%parallel_loop3A_138, %parallel_loop3A_139] {strides = array<i32>} : memref<64x144xf32, #tpu.memory_space<vmem>>, vector<1x16xf32>,
        %parallel_loop3A_141 = vector.shape_cast %parallel_loop3A_140 : vector<1x16xf32> to vector<16xf32>
        %parallel_loop3A_142 = arith.mulf %parallel_loop3A_137, %parallel_loop3A_141 : vector<16xf32>
        %parallel_loop3A_143 = arith.index_cast %parallel_loop3A_116 : i32 to index
        %parallel_loop3A_144 = arith.constant 0 : index
        %parallel_loop3A_145 = tpu.vector_load %arg21[%parallel_loop3A_143, %parallel_loop3A_144] {strides = array<i32>} : memref<64x144xf32, #tpu.memory_space<vmem>>, vector<1x16xf32>,
        %parallel_loop3A_146 = vector.shape_cast %parallel_loop3A_145 : vector<1x16xf32> to vector<16xf32>
        %parallel_loop3A_147 = vector.shape_cast %parallel_loop3A_142 : vector<16xf32> to vector<1x16xf32>
        tpu.vector_store %arg21[%parallel_loop3A_143, %parallel_loop3A_144], %parallel_loop3A_147 {strides = array<i32>} : memref<64x144xf32, #tpu.memory_space<vmem>>, vector<1x16xf32>,
        %parallel_loop3A_148 = arith.constant 1 : i32
        %parallel_loop3A_149 = vector.broadcast %parallel_loop3A_148 : i32 to vector<16x1xi32>
        %parallel_loop3A_150 = vector.shape_cast %parallel_loop3A_149 : vector<16x1xi32> to vector<16xi32>
        %parallel_loop3A_151 = tpu.dynamic_gather %parallel_loop3A_133[%parallel_loop3A_150] in [0] : vector<16xf32>, vector<16xi32> -> vector<16xf32>
        %parallel_loop3A_152 = arith.index_cast %parallel_loop3A_116 : i32 to index
        %parallel_loop3A_153 = arith.constant 16 : index
        %parallel_loop3A_154 = tpu.vector_load %arg19[%parallel_loop3A_152, %parallel_loop3A_153] {strides = array<i32>} : memref<64x144xf32, #tpu.memory_space<vmem>>, vector<1x16xf32>,
        %parallel_loop3A_155 = vector.shape_cast %parallel_loop3A_154 : vector<1x16xf32> to vector<16xf32>
        %parallel_loop3A_156 = arith.mulf %parallel_loop3A_151, %parallel_loop3A_155 : vector<16xf32>
        %parallel_loop3A_157 = arith.index_cast %parallel_loop3A_116 : i32 to index
        %parallel_loop3A_158 = arith.constant 16 : index
        %parallel_loop3A_159 = tpu.vector_load %arg21[%parallel_loop3A_157, %parallel_loop3A_158] {strides = array<i32>} : memref<64x144xf32, #tpu.memory_space<vmem>>, vector<1x16xf32>,
        %parallel_loop3A_160 = vector.shape_cast %parallel_loop3A_159 : vector<1x16xf32> to vector<16xf32>
        %parallel_loop3A_161 = vector.shape_cast %parallel_loop3A_156 : vector<16xf32> to vector<1x16xf32>
        tpu.vector_store %arg21[%parallel_loop3A_157, %parallel_loop3A_158], %parallel_loop3A_161 {strides = array<i32>} : memref<64x144xf32, #tpu.memory_space<vmem>>, vector<1x16xf32>,
        %parallel_loop3A_162 = arith.constant 2 : i32
        %parallel_loop3A_163 = vector.broadcast %parallel_loop3A_162 : i32 to vector<16x1xi32>
        %parallel_loop3A_164 = vector.shape_cast %parallel_loop3A_163 : vector<16x1xi32> to vector<16xi32>
        %parallel_loop3A_165 = tpu.dynamic_gather %parallel_loop3A_133[%parallel_loop3A_164] in [0] : vector<16xf32>, vector<16xi32> -> vector<16xf32>
        %parallel_loop3A_166 = arith.index_cast %parallel_loop3A_116 : i32 to index
        %parallel_loop3A_167 = arith.constant 32 : index
        %parallel_loop3A_168 = tpu.vector_load %arg19[%parallel_loop3A_166, %parallel_loop3A_167] {strides = array<i32>} : memref<64x144xf32, #tpu.memory_space<vmem>>, vector<1x16xf32>,
        %parallel_loop3A_169 = vector.shape_cast %parallel_loop3A_168 : vector<1x16xf32> to vector<16xf32>
        %parallel_loop3A_170 = arith.mulf %parallel_loop3A_165, %parallel_loop3A_169 : vector<16xf32>
        %parallel_loop3A_171 = arith.index_cast %parallel_loop3A_116 : i32 to index
        %parallel_loop3A_172 = arith.constant 32 : index
        %parallel_loop3A_173 = tpu.vector_load %arg21[%parallel_loop3A_171, %parallel_loop3A_172] {strides = array<i32>} : memref<64x144xf32, #tpu.memory_space<vmem>>, vector<1x16xf32>,
        %parallel_loop3A_174 = vector.shape_cast %parallel_loop3A_173 : vector<1x16xf32> to vector<16xf32>
        %parallel_loop3A_175 = vector.shape_cast %parallel_loop3A_170 : vector<16xf32> to vector<1x16xf32>
        tpu.vector_store %arg21[%parallel_loop3A_171, %parallel_loop3A_172], %parallel_loop3A_175 {strides = array<i32>} : memref<64x144xf32, #tpu.memory_space<vmem>>, vector<1x16xf32>,
        %parallel_loop3A_176 = arith.constant 3 : i32
        %parallel_loop3A_177 = vector.broadcast %parallel_loop3A_176 : i32 to vector<16x1xi32>
        %parallel_loop3A_178 = vector.shape_cast %parallel_loop3A_177 : vector<16x1xi32> to vector<16xi32>
        %parallel_loop3A_179 = tpu.dynamic_gather %parallel_loop3A_133[%parallel_loop3A_178] in [0] : vector<16xf32>, vector<16xi32> -> vector<16xf32>
        %parallel_loop3A_180 = arith.index_cast %parallel_loop3A_116 : i32 to index
        %parallel_loop3A_181 = arith.constant 48 : index
        %parallel_loop3A_182 = tpu.vector_load %arg19[%parallel_loop3A_180, %parallel_loop3A_181] {strides = array<i32>} : memref<64x144xf32, #tpu.memory_space<vmem>>, vector<1x16xf32>,
        %parallel_loop3A_183 = vector.shape_cast %parallel_loop3A_182 : vector<1x16xf32> to vector<16xf32>
        %parallel_loop3A_184 = arith.mulf %parallel_loop3A_179, %parallel_loop3A_183 : vector<16xf32>
        %parallel_loop3A_185 = arith.index_cast %parallel_loop3A_116 : i32 to index
        %parallel_loop3A_186 = arith.constant 48 : index
        %parallel_loop3A_187 = tpu.vector_load %arg21[%parallel_loop3A_185, %parallel_loop3A_186] {strides = array<i32>} : memref<64x144xf32, #tpu.memory_space<vmem>>, vector<1x16xf32>,
        %parallel_loop3A_188 = vector.shape_cast %parallel_loop3A_187 : vector<1x16xf32> to vector<16xf32>
        %parallel_loop3A_189 = vector.shape_cast %parallel_loop3A_184 : vector<16xf32> to vector<1x16xf32>
        tpu.vector_store %arg21[%parallel_loop3A_185, %parallel_loop3A_186], %parallel_loop3A_189 {strides = array<i32>} : memref<64x144xf32, #tpu.memory_space<vmem>>, vector<1x16xf32>,
        %parallel_loop3A_190 = arith.constant 4 : i32
        %parallel_loop3A_191 = vector.broadcast %parallel_loop3A_190 : i32 to vector<16x1xi32>
        %parallel_loop3A_192 = vector.shape_cast %parallel_loop3A_191 : vector<16x1xi32> to vector<16xi32>
        %parallel_loop3A_193 = tpu.dynamic_gather %parallel_loop3A_133[%parallel_loop3A_192] in [0] : vector<16xf32>, vector<16xi32> -> vector<16xf32>
        %parallel_loop3A_194 = arith.index_cast %parallel_loop3A_116 : i32 to index
        %parallel_loop3A_195 = arith.constant 64 : index
        %parallel_loop3A_196 = tpu.vector_load %arg19[%parallel_loop3A_194, %parallel_loop3A_195] {strides = array<i32>} : memref<64x144xf32, #tpu.memory_space<vmem>>, vector<1x16xf32>,
        %parallel_loop3A_197 = vector.shape_cast %parallel_loop3A_196 : vector<1x16xf32> to vector<16xf32>
        %parallel_loop3A_198 = arith.mulf %parallel_loop3A_193, %parallel_loop3A_197 : vector<16xf32>
        %parallel_loop3A_199 = arith.index_cast %parallel_loop3A_116 : i32 to index
        %parallel_loop3A_200 = arith.constant 64 : index
        %parallel_loop3A_201 = tpu.vector_load %arg21[%parallel_loop3A_199, %parallel_loop3A_200] {strides = array<i32>} : memref<64x144xf32, #tpu.memory_space<vmem>>, vector<1x16xf32>,
        %parallel_loop3A_202 = vector.shape_cast %parallel_loop3A_201 : vector<1x16xf32> to vector<16xf32>
        %parallel_loop3A_203 = vector.shape_cast %parallel_loop3A_198 : vector<16xf32> to vector<1x16xf32>
        tpu.vector_store %arg21[%parallel_loop3A_199, %parallel_loop3A_200], %parallel_loop3A_203 {strides = array<i32>} : memref<64x144xf32, #tpu.memory_space<vmem>>, vector<1x16xf32>,
        %parallel_loop3A_204 = arith.constant 5 : i32
        %parallel_loop3A_205 = vector.broadcast %parallel_loop3A_204 : i32 to vector<16x1xi32>
        %parallel_loop3A_206 = vector.shape_cast %parallel_loop3A_205 : vector<16x1xi32> to vector<16xi32>
        %parallel_loop3A_207 = tpu.dynamic_gather %parallel_loop3A_133[%parallel_loop3A_206] in [0] : vector<16xf32>, vector<16xi32> -> vector<16xf32>
        %parallel_loop3A_208 = arith.index_cast %parallel_loop3A_116 : i32 to index
        %parallel_loop3A_209 = arith.constant 80 : index
        %parallel_loop3A_210 = tpu.vector_load %arg19[%parallel_loop3A_208, %parallel_loop3A_209] {strides = array<i32>} : memref<64x144xf32, #tpu.memory_space<vmem>>, vector<1x16xf32>,
        %parallel_loop3A_211 = vector.shape_cast %parallel_loop3A_210 : vector<1x16xf32> to vector<16xf32>
        %parallel_loop3A_212 = arith.mulf %parallel_loop3A_207, %parallel_loop3A_211 : vector<16xf32>
        %parallel_loop3A_213 = arith.index_cast %parallel_loop3A_116 : i32 to index
        %parallel_loop3A_214 = arith.constant 80 : index
        %parallel_loop3A_215 = tpu.vector_load %arg21[%parallel_loop3A_213, %parallel_loop3A_214] {strides = array<i32>} : memref<64x144xf32, #tpu.memory_space<vmem>>, vector<1x16xf32>,
        %parallel_loop3A_216 = vector.shape_cast %parallel_loop3A_215 : vector<1x16xf32> to vector<16xf32>
        %parallel_loop3A_217 = vector.shape_cast %parallel_loop3A_212 : vector<16xf32> to vector<1x16xf32>
        tpu.vector_store %arg21[%parallel_loop3A_213, %parallel_loop3A_214], %parallel_loop3A_217 {strides = array<i32>} : memref<64x144xf32, #tpu.memory_space<vmem>>, vector<1x16xf32>,
        %parallel_loop3A_218 = arith.constant 6 : i32
        %parallel_loop3A_219 = vector.broadcast %parallel_loop3A_218 : i32 to vector<16x1xi32>
        %parallel_loop3A_220 = vector.shape_cast %parallel_loop3A_219 : vector<16x1xi32> to vector<16xi32>
        %parallel_loop3A_221 = tpu.dynamic_gather %parallel_loop3A_133[%parallel_loop3A_220] in [0] : vector<16xf32>, vector<16xi32> -> vector<16xf32>
        %parallel_loop3A_222 = arith.index_cast %parallel_loop3A_116 : i32 to index
        %parallel_loop3A_223 = arith.constant 96 : index
        %parallel_loop3A_224 = tpu.vector_load %arg19[%parallel_loop3A_222, %parallel_loop3A_223] {strides = array<i32>} : memref<64x144xf32, #tpu.memory_space<vmem>>, vector<1x16xf32>,
        %parallel_loop3A_225 = vector.shape_cast %parallel_loop3A_224 : vector<1x16xf32> to vector<16xf32>
        %parallel_loop3A_226 = arith.mulf %parallel_loop3A_221, %parallel_loop3A_225 : vector<16xf32>
        %parallel_loop3A_227 = arith.index_cast %parallel_loop3A_116 : i32 to index
        %parallel_loop3A_228 = arith.constant 96 : index
        %parallel_loop3A_229 = tpu.vector_load %arg21[%parallel_loop3A_227, %parallel_loop3A_228] {strides = array<i32>} : memref<64x144xf32, #tpu.memory_space<vmem>>, vector<1x16xf32>,
        %parallel_loop3A_230 = vector.shape_cast %parallel_loop3A_229 : vector<1x16xf32> to vector<16xf32>
        %parallel_loop3A_231 = vector.shape_cast %parallel_loop3A_226 : vector<16xf32> to vector<1x16xf32>
        tpu.vector_store %arg21[%parallel_loop3A_227, %parallel_loop3A_228], %parallel_loop3A_231 {strides = array<i32>} : memref<64x144xf32, #tpu.memory_space<vmem>>, vector<1x16xf32>,
        %parallel_loop3A_232 = arith.constant 7 : i32
        %parallel_loop3A_233 = vector.broadcast %parallel_loop3A_232 : i32 to vector<16x1xi32>
        %parallel_loop3A_234 = vector.shape_cast %parallel_loop3A_233 : vector<16x1xi32> to vector<16xi32>
        %parallel_loop3A_235 = tpu.dynamic_gather %parallel_loop3A_133[%parallel_loop3A_234] in [0] : vector<16xf32>, vector<16xi32> -> vector<16xf32>
        %parallel_loop3A_236 = arith.index_cast %parallel_loop3A_116 : i32 to index
        %parallel_loop3A_237 = arith.constant 112 : index
        %parallel_loop3A_238 = tpu.vector_load %arg19[%parallel_loop3A_236, %parallel_loop3A_237] {strides = array<i32>} : memref<64x144xf32, #tpu.memory_space<vmem>>, vector<1x16xf32>,
        %parallel_loop3A_239 = vector.shape_cast %parallel_loop3A_238 : vector<1x16xf32> to vector<16xf32>
        %parallel_loop3A_240 = arith.mulf %parallel_loop3A_235, %parallel_loop3A_239 : vector<16xf32>
        %parallel_loop3A_241 = arith.index_cast %parallel_loop3A_116 : i32 to index
        %parallel_loop3A_242 = arith.constant 112 : index
        %parallel_loop3A_243 = tpu.vector_load %arg21[%parallel_loop3A_241, %parallel_loop3A_242] {strides = array<i32>} : memref<64x144xf32, #tpu.memory_space<vmem>>, vector<1x16xf32>,
        %parallel_loop3A_244 = vector.shape_cast %parallel_loop3A_243 : vector<1x16xf32> to vector<16xf32>
        %parallel_loop3A_245 = vector.shape_cast %parallel_loop3A_240 : vector<16xf32> to vector<1x16xf32>
        tpu.vector_store %arg21[%parallel_loop3A_241, %parallel_loop3A_242], %parallel_loop3A_245 {strides = array<i32>} : memref<64x144xf32, #tpu.memory_space<vmem>>, vector<1x16xf32>,
        %parallel_loop3A_246 = arith.index_cast %parallel_loop3A_116 : i32 to index
        %parallel_loop3A_247 = arith.constant 128 : index
        %parallel_loop3A_248 = tpu.vector_load %arg21[%parallel_loop3A_246, %parallel_loop3A_247] {strides = array<i32>} : memref<64x144xf32, #tpu.memory_space<vmem>>, vector<1x16xf32>,
        %parallel_loop3A_249 = vector.shape_cast %parallel_loop3A_248 : vector<1x16xf32> to vector<16xf32>
        %parallel_loop3A_250 = vector.shape_cast %parallel_loop3A_133 : vector<16xf32> to vector<1x16xf32>
        tpu.vector_store %arg21[%parallel_loop3A_246, %parallel_loop3A_247], %parallel_loop3A_250 {strides = array<i32>} : memref<64x144xf32, #tpu.memory_space<vmem>>, vector<1x16xf32>,
      } {sc.loop_unroll_factor = 8 : i64, sc.parallel_access}
      %parallel_loop3A_109 = arith.constant 0 : i32
      %parallel_loop3A_110 = arith.constant 4 : i32
      %parallel_loop3A_111 = arith.constant 1 : i32
      scf.for %parallel_loop3A_116 = %parallel_loop3A_109 to %parallel_loop3A_110 step %parallel_loop3A_111  : i32 {
        %parallel_loop3A_117 = arith.constant 16 : i32
        %parallel_loop3A_118 = arith.muli %parallel_loop3A_117, %parallel_loop3A_116 : i32
        %parallel_loop3A_119 = arith.index_cast %parallel_loop3A_118 : i32 to index
        %parallel_loop3A_120 = tpu.vector_load %arg17[%parallel_loop3A_119] {strides = array<i32>} : memref<64xi32, #tpu.memory_space<vmem>>, vector<16xi32>,
        %parallel_loop3A_121 = vector.shape_cast %parallel_loop3A_120 : vector<16xi32> to vector<16xi32>
        %parallel_loop3A_122 = arith.index_cast %parallel_loop3A_118 : i32 to index
        %parallel_loop3A_123 = tpu.vector_load %arg18[%parallel_loop3A_122] {strides = array<i32>} : memref<64xi32, #tpu.memory_space<vmem>>, vector<16xi32>,
        %parallel_loop3A_124 = vector.shape_cast %parallel_loop3A_123 : vector<16xi32> to vector<16xi32>
        %parallel_loop3A_125 = vector.shape_cast %parallel_loop3A_121 : vector<16xi32> to vector<16xi32>
        tpu.vector_store %arg18[%parallel_loop3A_122], %parallel_loop3A_125 {strides = array<i32>} : memref<64xi32, #tpu.memory_space<vmem>>, vector<16xi32>,
      } {sc.loop_unroll_factor = 4 : i64, sc.parallel_access}
      %dma_start3A_112 = arith.constant 0 : i32
      %dma_start3A_113 = arith.constant 0 : i32
      %dma_start3A_114 = tpu.memref_slice %arg7[%dma_start3A_112, %dma_start3A_113] : memref<10000x144xf32, #tpu.memory_space<vmem_shared>> -> memref<10000x144xf32, #tpu.memory_space<vmem_shared>>
      tpu.enqueue_indirect_dma source(%arg21 : memref<64x144xf32, #tpu.memory_space<vmem>>) target(%dma_start3A_114 : memref<10000x144xf32, #tpu.memory_space<vmem_shared>>) offsets(%arg18 : memref<64xi32, #tpu.memory_space<vmem>>) semaphore(%arg23 : memref<!tpu.dma_semaphore, #tpu.memory_space<semaphore_mem>>) {add = true}
      %while3A_115 = arith.constant 0 : i32
      scf.yield %while3A_115 : i32
    }
    %dma_wait3A = arith.constant 0 : i32
    %dma_wait3A_44 = arith.constant 0 : i32
    %dma_wait3A_45 = tpu.memref_slice %arg7[%dma_wait3A, %dma_wait3A_44] : memref<10000x144xf32, #tpu.memory_space<vmem_shared>> -> memref<10000x144xf32, #tpu.memory_space<vmem_shared>>
    tpu.wait_indirect_dma semaphore(%arg15 : memref<!tpu.dma_semaphore, #tpu.memory_space<semaphore_mem>>) src(%arg13 : memref<64x144xf32, #tpu.memory_space<vmem>>) dst(%dma_wait3A_45 : memref<10000x144xf32, #tpu.memory_space<vmem_shared>>)
    %dma_wait3A_46 = arith.constant 0 : i32
    %dma_wait3A_47 = arith.constant 0 : i32
    %dma_wait3A_48 = tpu.memref_slice %arg7[%dma_wait3A_46, %dma_wait3A_47] : memref<10000x144xf32, #tpu.memory_space<vmem_shared>> -> memref<10000x144xf32, #tpu.memory_space<vmem_shared>>
    tpu.wait_indirect_dma semaphore(%arg23 : memref<!tpu.dma_semaphore, #tpu.memory_space<semaphore_mem>>) src(%arg21 : memref<64x144xf32, #tpu.memory_space<vmem>>) dst(%dma_wait3A_48 : memref<10000x144xf32, #tpu.memory_space<vmem_shared>>)
    %barrier3A_49 = arith.constant 0 : index
    tpu.barrier barrier_id(%barrier3A_49)
    %mul3A_50 = arith.constant 624 : i32
    %mul3A_51 = arith.muli %arg1, %mul3A_50 : i32
    "tpu.region"() ({
      %run_scoped3A = tpu.sem_alloc : memref<!tpu.dma_semaphore, #tpu.memory_space<semaphore_mem>>
      %dma_start3A_57 = arith.constant 0 : i32
      %dma_start3A_58 = tpu.memref_slice %arg6[%arg0, %mul3A_51, %dma_start3A_57] : memref<2x10000x144xf32, #tpu.memory_space<hbm>> -> memref<1x624x144xf32, #tpu.memory_space<hbm>>
      %dma_start3A_59 = tpu.memref_squeeze %dma_start3A_58 : memref<1x624x144xf32, #tpu.memory_space<hbm>> -> memref<624x144xf32, #tpu.memory_space<hbm>>
      %dma_start3A_60 = arith.constant 0 : i32
      %dma_start3A_61 = tpu.memref_slice %arg7[%mul3A_51, %dma_start3A_60] : memref<10000x144xf32, #tpu.memory_space<vmem_shared>> -> memref<624x144xf32, #tpu.memory_space<vmem_shared>>
      tpu.enqueue_dma source(%dma_start3A_61 : memref<624x144xf32, #tpu.memory_space<vmem_shared>>) target(%dma_start3A_59 : memref<624x144xf32, #tpu.memory_space<hbm>>) target_semaphore(%run_scoped3A : memref<!tpu.dma_semaphore, #tpu.memory_space<semaphore_mem>>)
      %dma_wait3A_62 = arith.constant 0 : i32
      %dma_wait3A_63 = tpu.memref_slice %arg6[%arg0, %mul3A_51, %dma_wait3A_62] : memref<2x10000x144xf32, #tpu.memory_space<hbm>> -> memref<1x624x144xf32, #tpu.memory_space<hbm>>
      %dma_wait3A_64 = tpu.memref_squeeze %dma_wait3A_63 : memref<1x624x144xf32, #tpu.memory_space<hbm>> -> memref<624x144xf32, #tpu.memory_space<hbm>>
      %dma_wait3A_65 = arith.constant 0 : i32
      %dma_wait3A_66 = tpu.memref_slice %arg7[%mul3A_51, %dma_wait3A_65] : memref<10000x144xf32, #tpu.memory_space<vmem_shared>> -> memref<624x144xf32, #tpu.memory_space<vmem_shared>>
      tpu.wait_dma2 semaphore(%run_scoped3A : memref<!tpu.dma_semaphore, #tpu.memory_space<semaphore_mem>>) src(%dma_wait3A_66 : memref<624x144xf32, #tpu.memory_space<vmem_shared>>) dst(%dma_wait3A_64 : memref<624x144xf32, #tpu.memory_space<hbm>>)
      tpu.yield
    }) : () -> ()
    %eq3A_52 = arith.constant 15 : i32
    %eq3A_53 = arith.cmpi eq, %arg1, %eq3A_52 : i32
    %convert_element_type3A_54 = arith.extui %eq3A_53 : i1 to i32
    %cond3A_55 = arith.constant 0 : i32
    %cond3A_56 = arith.cmpi ne, %convert_element_type3A_54, %cond3A_55 : i32
    scf.if %cond3A_56 {
      "tpu.region"() ({
        %run_scoped3A = tpu.sem_alloc : memref<!tpu.dma_semaphore, #tpu.memory_space<semaphore_mem>>
        %dma_start3A_57 = arith.constant 9984 : i32
        %dma_start3A_58 = arith.constant 0 : i32
        %dma_start3A_59 = tpu.memref_slice %arg6[%arg0, %dma_start3A_57, %dma_start3A_58] : memref<2x10000x144xf32, #tpu.memory_space<hbm>> -> memref<1x16x144xf32, #tpu.memory_space<hbm>>
        %dma_start3A_60 = tpu.memref_squeeze %dma_start3A_59 : memref<1x16x144xf32, #tpu.memory_space<hbm>> -> memref<16x144xf32, #tpu.memory_space<hbm>>
        %dma_start3A_61 = arith.constant 9984 : i32
        %dma_start3A_62 = arith.constant 0 : i32
        %dma_start3A_63 = tpu.memref_slice %arg7[%dma_start3A_61, %dma_start3A_62] : memref<10000x144xf32, #tpu.memory_space<vmem_shared>> -> memref<16x144xf32, #tpu.memory_space<vmem_shared>>
        tpu.enqueue_dma source(%dma_start3A_63 : memref<16x144xf32, #tpu.memory_space<vmem_shared>>) target(%dma_start3A_60 : memref<16x144xf32, #tpu.memory_space<hbm>>) target_semaphore(%run_scoped3A : memref<!tpu.dma_semaphore, #tpu.memory_space<semaphore_mem>>)
        %dma_wait3A_64 = arith.constant 9984 : i32
        %dma_wait3A_65 = arith.constant 0 : i32
        %dma_wait3A_66 = tpu.memref_slice %arg6[%arg0, %dma_wait3A_64, %dma_wait3A_65] : memref<2x10000x144xf32, #tpu.memory_space<hbm>> -> memref<1x16x144xf32, #tpu.memory_space<hbm>>
        %dma_wait3A_67 = tpu.memref_squeeze %dma_wait3A_66 : memref<1x16x144xf32, #tpu.memory_space<hbm>> -> memref<16x144xf32, #tpu.memory_space<hbm>>
        %dma_wait3A_68 = arith.constant 9984 : i32
        %dma_wait3A_69 = arith.constant 0 : i32
        %dma_wait3A_70 = tpu.memref_slice %arg7[%dma_wait3A_68, %dma_wait3A_69] : memref<10000x144xf32, #tpu.memory_space<vmem_shared>> -> memref<16x144xf32, #tpu.memory_space<vmem_shared>>
        tpu.wait_dma2 semaphore(%run_scoped3A : memref<!tpu.dma_semaphore, #tpu.memory_space<semaphore_mem>>) src(%dma_wait3A_70 : memref<16x144xf32, #tpu.memory_space<vmem_shared>>) dst(%dma_wait3A_67 : memref<16x144xf32, #tpu.memory_space<hbm>>)
        tpu.yield
      }) : () -> ()
    } else {
    }
    return
  }
}

#map = affine_map<(d0, d1) -> (0, 0)>
#map1 = affine_map<(d0, d1) -> (0)>
#map2 = affine_map<(d0, d1) -> (0, 0, 0)>
module attributes {stable_mosaic.version = 14 : i64} {
  func.func @k(%arg0: i32, %arg1: i32, %arg2: memref<20000x112xf32, #tpu.memory_space<hbm>>, %arg3: memref<20000x16xf32, #tpu.memory_space<hbm>>, %arg4: memref<320000xi32, #tpu.memory_space<hbm>>, %arg5: memref<320000xi32, #tpu.memory_space<hbm>>, %arg6: memref<2x10000x112xf32, #tpu.memory_space<hbm>>, %arg7: memref<10000x112xf32, #tpu.memory_space<vmem_shared>>, %arg8: memref<80xi32, #tpu.memory_space<vmem>>, %arg9: memref<80xi32, #tpu.memory_space<vmem>>, %arg10: memref<80xi32, #tpu.memory_space<vmem>>, %arg11: memref<80xi32, #tpu.memory_space<vmem>>, %arg12: memref<80x112xf32, #tpu.memory_space<vmem>>, %arg13: memref<80x16xf32, #tpu.memory_space<vmem>>, %arg14: memref<80x112xf32, #tpu.memory_space<vmem>>, %arg15: memref<!tpu.dma_semaphore, #tpu.memory_space<semaphore_mem>>, %arg16: memref<!tpu.dma_semaphore, #tpu.memory_space<semaphore_mem>>, %arg17: memref<80xi32, #tpu.memory_space<vmem>>, %arg18: memref<80xi32, #tpu.memory_space<vmem>>, %arg19: memref<80xi32, #tpu.memory_space<vmem>>, %arg20: memref<80xi32, #tpu.memory_space<vmem>>, %arg21: memref<80x112xf32, #tpu.memory_space<vmem>>, %arg22: memref<80x16xf32, #tpu.memory_space<vmem>>, %arg23: memref<80x112xf32, #tpu.memory_space<vmem>>, %arg24: memref<!tpu.dma_semaphore, #tpu.memory_space<semaphore_mem>>, %arg25: memref<!tpu.dma_semaphore, #tpu.memory_space<semaphore_mem>>) attributes {dimension_semantics = [#tpu.dimension_semantics<core_parallel>, #tpu.dimension_semantics<subcore_parallel>], iteration_bounds = array<i64: 2, 16>, scalar_prefetch = 0 : i64, scratch_operands = 19 : i64, tpu.core_type = #tpu.core_type<sc_vector_subcore>, window_params = [{transform_indices = #map}, {transform_indices = #map}, {transform_indices = #map1}, {transform_indices = #map1}, {transform_indices = #map2}]} {
    %mul3A = arith.constant 20000 : i32
    %mul3A_0 = arith.muli %arg1, %mul3A : i32
    %mul3A_1 = arith.constant 10000 : i32
    %mul3A_2 = arith.muli %arg0, %mul3A_1 : i32
    %iota3A = tpu.iota {dimensions = array<i32: 0>} : vector<16xi32>
    %eq3A = arith.constant 4 : i32
    %eq3A_3 = vector.broadcast %eq3A : i32 to vector<16xi32>
    %eq3A_4 = arith.cmpi eq, %iota3A, %eq3A_3 : vector<16xi32>
    %add3A = arith.constant 0 : i32
    %add3A_5 = arith.addi %mul3A_0, %add3A : i32
    "tpu.region"() ({
      %run_scoped3A = tpu.sem_alloc : memref<!tpu.dma_semaphore, #tpu.memory_space<semaphore_mem>>
      %dma_start3A_54 = tpu.memref_slice %arg4[%add3A_5] : memref<320000xi32, #tpu.memory_space<hbm>> -> memref<80xi32, #tpu.memory_space<hbm>>
      %dma_start3A_55 = tpu.memref_slice %arg4[%add3A_5] : memref<320000xi32, #tpu.memory_space<hbm>> -> memref<80xi32, #tpu.memory_space<hbm>>
      tpu.enqueue_dma source(%dma_start3A_55 : memref<80xi32, #tpu.memory_space<hbm>>) target(%arg8 : memref<80xi32, #tpu.memory_space<vmem>>) target_semaphore(%run_scoped3A : memref<!tpu.dma_semaphore, #tpu.memory_space<semaphore_mem>>)
      %dma_wait3A_56 = tpu.memref_slice %arg4[%add3A_5] : memref<320000xi32, #tpu.memory_space<hbm>> -> memref<80xi32, #tpu.memory_space<hbm>>
      %dma_wait3A_57 = tpu.memref_slice %arg4[%add3A_5] : memref<320000xi32, #tpu.memory_space<hbm>> -> memref<80xi32, #tpu.memory_space<hbm>>
      tpu.wait_dma2 semaphore(%run_scoped3A : memref<!tpu.dma_semaphore, #tpu.memory_space<semaphore_mem>>) src(%dma_wait3A_57 : memref<80xi32, #tpu.memory_space<hbm>>) dst(%arg8 : memref<80xi32, #tpu.memory_space<vmem>>)
      tpu.yield
    }) : () -> ()
    "tpu.region"() ({
      %run_scoped3A = tpu.sem_alloc : memref<!tpu.dma_semaphore, #tpu.memory_space<semaphore_mem>>
      %dma_start3A_54 = tpu.memref_slice %arg5[%add3A_5] : memref<320000xi32, #tpu.memory_space<hbm>> -> memref<80xi32, #tpu.memory_space<hbm>>
      %dma_start3A_55 = tpu.memref_slice %arg5[%add3A_5] : memref<320000xi32, #tpu.memory_space<hbm>> -> memref<80xi32, #tpu.memory_space<hbm>>
      tpu.enqueue_dma source(%dma_start3A_55 : memref<80xi32, #tpu.memory_space<hbm>>) target(%arg9 : memref<80xi32, #tpu.memory_space<vmem>>) target_semaphore(%run_scoped3A : memref<!tpu.dma_semaphore, #tpu.memory_space<semaphore_mem>>)
      %dma_wait3A_56 = tpu.memref_slice %arg5[%add3A_5] : memref<320000xi32, #tpu.memory_space<hbm>> -> memref<80xi32, #tpu.memory_space<hbm>>
      %dma_wait3A_57 = tpu.memref_slice %arg5[%add3A_5] : memref<320000xi32, #tpu.memory_space<hbm>> -> memref<80xi32, #tpu.memory_space<hbm>>
      tpu.wait_dma2 semaphore(%run_scoped3A : memref<!tpu.dma_semaphore, #tpu.memory_space<semaphore_mem>>) src(%dma_wait3A_57 : memref<80xi32, #tpu.memory_space<hbm>>) dst(%arg9 : memref<80xi32, #tpu.memory_space<vmem>>)
      tpu.yield
    }) : () -> ()
    %parallel_loop3A = arith.constant 0 : i32
    %parallel_loop3A_6 = arith.constant 5 : i32
    %parallel_loop3A_7 = arith.constant 1 : i32
    scf.for %parallel_loop3A_54 = %parallel_loop3A to %parallel_loop3A_6 step %parallel_loop3A_7  : i32 {
      %parallel_loop3A_55 = arith.constant 16 : i32
      %parallel_loop3A_56 = arith.muli %parallel_loop3A_55, %parallel_loop3A_54 : i32
      %parallel_loop3A_57 = arith.index_cast %parallel_loop3A_56 : i32 to index
      %parallel_loop3A_58 = tpu.vector_load %arg8[%parallel_loop3A_57] {strides = array<i32>} : memref<80xi32, #tpu.memory_space<vmem>>, vector<16xi32>,
      %parallel_loop3A_59 = vector.shape_cast %parallel_loop3A_58 : vector<16xi32> to vector<16xi32>
      %parallel_loop3A_60 = vector.broadcast %mul3A_2 : i32 to vector<16xi32>
      %parallel_loop3A_61 = arith.addi %parallel_loop3A_59, %parallel_loop3A_60 : vector<16xi32>
      %parallel_loop3A_62 = arith.index_cast %parallel_loop3A_56 : i32 to index
      %parallel_loop3A_63 = tpu.vector_load %arg8[%parallel_loop3A_62] {strides = array<i32>} : memref<80xi32, #tpu.memory_space<vmem>>, vector<16xi32>,
      %parallel_loop3A_64 = vector.shape_cast %parallel_loop3A_63 : vector<16xi32> to vector<16xi32>
      %parallel_loop3A_65 = vector.shape_cast %parallel_loop3A_61 : vector<16xi32> to vector<16xi32>
      tpu.vector_store %arg8[%parallel_loop3A_62], %parallel_loop3A_65 {strides = array<i32>} : memref<80xi32, #tpu.memory_space<vmem>>, vector<16xi32>,
      %parallel_loop3A_66 = arith.index_cast %parallel_loop3A_56 : i32 to index
      %parallel_loop3A_67 = tpu.vector_load %arg9[%parallel_loop3A_66] {strides = array<i32>} : memref<80xi32, #tpu.memory_space<vmem>>, vector<16xi32>,
      %parallel_loop3A_68 = vector.shape_cast %parallel_loop3A_67 : vector<16xi32> to vector<16xi32>
      %parallel_loop3A_69 = vector.broadcast %mul3A_2 : i32 to vector<16xi32>
      %parallel_loop3A_70 = arith.addi %parallel_loop3A_68, %parallel_loop3A_69 : vector<16xi32>
      %parallel_loop3A_71 = arith.index_cast %parallel_loop3A_56 : i32 to index
      %parallel_loop3A_72 = tpu.vector_load %arg10[%parallel_loop3A_71] {strides = array<i32>} : memref<80xi32, #tpu.memory_space<vmem>>, vector<16xi32>,
      %parallel_loop3A_73 = vector.shape_cast %parallel_loop3A_72 : vector<16xi32> to vector<16xi32>
      %parallel_loop3A_74 = vector.shape_cast %parallel_loop3A_70 : vector<16xi32> to vector<16xi32>
      tpu.vector_store %arg10[%parallel_loop3A_71], %parallel_loop3A_74 {strides = array<i32>} : memref<80xi32, #tpu.memory_space<vmem>>, vector<16xi32>,
    } {sc.loop_unroll_factor = 4 : i64, sc.parallel_access}
    %dma_start3A = arith.constant 0 : i32
    %dma_start3A_8 = arith.constant 0 : i32
    %dma_start3A_9 = tpu.memref_slice %arg2[%dma_start3A, %dma_start3A_8] : memref<20000x112xf32, #tpu.memory_space<hbm>> -> memref<20000x112xf32, #tpu.memory_space<hbm>>
    tpu.enqueue_indirect_dma source(%dma_start3A_9 : memref<20000x112xf32, #tpu.memory_space<hbm>>) target(%arg12 : memref<80x112xf32, #tpu.memory_space<vmem>>) offsets(%arg8 : memref<80xi32, #tpu.memory_space<vmem>>) semaphore(%arg15 : memref<!tpu.dma_semaphore, #tpu.memory_space<semaphore_mem>>)
    %dma_start3A_10 = arith.constant 0 : i32
    %dma_start3A_11 = arith.constant 0 : i32
    %dma_start3A_12 = tpu.memref_slice %arg3[%dma_start3A_10, %dma_start3A_11] : memref<20000x16xf32, #tpu.memory_space<hbm>> -> memref<20000x16xf32, #tpu.memory_space<hbm>>
    tpu.enqueue_indirect_dma source(%dma_start3A_12 : memref<20000x16xf32, #tpu.memory_space<hbm>>) target(%arg13 : memref<80x16xf32, #tpu.memory_space<vmem>>) offsets(%arg10 : memref<80xi32, #tpu.memory_space<vmem>>) semaphore(%arg15 : memref<!tpu.dma_semaphore, #tpu.memory_space<semaphore_mem>>)
    %broadcast_in_dim3A = arith.constant 0.000000e+00 : f32
    %broadcast_in_dim3A_13 = vector.broadcast %broadcast_in_dim3A : f32 to vector<16xf32>
    %scan3A = arith.constant 0 : i32
    %scan3A_14 = arith.constant 0 : i32
    %scan3A_15 = arith.constant 80 : i32
    %scan3A_16 = arith.addi %scan3A_14, %scan3A_15 : i32
    %scan3A_17 = arith.constant 1 : i32
    %scan3A_18 = scf.for %scan3A_54 = %scan3A_14 to %scan3A_16 step %scan3A_17 iter_args(%scan3A_55 = %scan3A) -> (i32)  : i32 {
      %swap3A = arith.index_cast %scan3A_54 : i32 to index
      %swap3A_56 = arith.constant 0 : index
      %swap3A_57 = tpu.vector_load %arg23[%swap3A, %swap3A_56] {strides = array<i32>} : memref<80x112xf32, #tpu.memory_space<vmem>>, vector<1x16xf32>,
      %swap3A_58 = vector.shape_cast %swap3A_57 : vector<1x16xf32> to vector<16xf32>
      %swap3A_59 = vector.shape_cast %broadcast_in_dim3A_13 : vector<16xf32> to vector<1x16xf32>
      tpu.vector_store %arg23[%swap3A, %swap3A_56], %swap3A_59 {strides = array<i32>} : memref<80x112xf32, #tpu.memory_space<vmem>>, vector<1x16xf32>,
      %swap3A_60 = arith.index_cast %scan3A_54 : i32 to index
      %swap3A_61 = arith.constant 16 : index
      %swap3A_62 = tpu.vector_load %arg23[%swap3A_60, %swap3A_61] {strides = array<i32>} : memref<80x112xf32, #tpu.memory_space<vmem>>, vector<1x16xf32>,
      %swap3A_63 = vector.shape_cast %swap3A_62 : vector<1x16xf32> to vector<16xf32>
      %swap3A_64 = vector.shape_cast %broadcast_in_dim3A_13 : vector<16xf32> to vector<1x16xf32>
      tpu.vector_store %arg23[%swap3A_60, %swap3A_61], %swap3A_64 {strides = array<i32>} : memref<80x112xf32, #tpu.memory_space<vmem>>, vector<1x16xf32>,
      %swap3A_65 = arith.index_cast %scan3A_54 : i32 to index
      %swap3A_66 = arith.constant 32 : index
      %swap3A_67 = tpu.vector_load %arg23[%swap3A_65, %swap3A_66] {strides = array<i32>} : memref<80x112xf32, #tpu.memory_space<vmem>>, vector<1x16xf32>,
      %swap3A_68 = vector.shape_cast %swap3A_67 : vector<1x16xf32> to vector<16xf32>
      %swap3A_69 = vector.shape_cast %broadcast_in_dim3A_13 : vector<16xf32> to vector<1x16xf32>
      tpu.vector_store %arg23[%swap3A_65, %swap3A_66], %swap3A_69 {strides = array<i32>} : memref<80x112xf32, #tpu.memory_space<vmem>>, vector<1x16xf32>,
      %swap3A_70 = arith.index_cast %scan3A_54 : i32 to index
      %swap3A_71 = arith.constant 48 : index
      %swap3A_72 = tpu.vector_load %arg23[%swap3A_70, %swap3A_71] {strides = array<i32>} : memref<80x112xf32, #tpu.memory_space<vmem>>, vector<1x16xf32>,
      %swap3A_73 = vector.shape_cast %swap3A_72 : vector<1x16xf32> to vector<16xf32>
      %swap3A_74 = vector.shape_cast %broadcast_in_dim3A_13 : vector<16xf32> to vector<1x16xf32>
      tpu.vector_store %arg23[%swap3A_70, %swap3A_71], %swap3A_74 {strides = array<i32>} : memref<80x112xf32, #tpu.memory_space<vmem>>, vector<1x16xf32>,
      %swap3A_75 = arith.index_cast %scan3A_54 : i32 to index
      %swap3A_76 = arith.constant 64 : index
      %swap3A_77 = tpu.vector_load %arg23[%swap3A_75, %swap3A_76] {strides = array<i32>} : memref<80x112xf32, #tpu.memory_space<vmem>>, vector<1x16xf32>,
      %swap3A_78 = vector.shape_cast %swap3A_77 : vector<1x16xf32> to vector<16xf32>
      %swap3A_79 = vector.shape_cast %broadcast_in_dim3A_13 : vector<16xf32> to vector<1x16xf32>
      tpu.vector_store %arg23[%swap3A_75, %swap3A_76], %swap3A_79 {strides = array<i32>} : memref<80x112xf32, #tpu.memory_space<vmem>>, vector<1x16xf32>,
      %swap3A_80 = arith.index_cast %scan3A_54 : i32 to index
      %swap3A_81 = arith.constant 80 : index
      %swap3A_82 = tpu.vector_load %arg23[%swap3A_80, %swap3A_81] {strides = array<i32>} : memref<80x112xf32, #tpu.memory_space<vmem>>, vector<1x16xf32>,
      %swap3A_83 = vector.shape_cast %swap3A_82 : vector<1x16xf32> to vector<16xf32>
      %swap3A_84 = vector.shape_cast %broadcast_in_dim3A_13 : vector<16xf32> to vector<1x16xf32>
      tpu.vector_store %arg23[%swap3A_80, %swap3A_81], %swap3A_84 {strides = array<i32>} : memref<80x112xf32, #tpu.memory_space<vmem>>, vector<1x16xf32>,
      %swap3A_85 = arith.index_cast %scan3A_54 : i32 to index
      %swap3A_86 = arith.constant 96 : index
      %swap3A_87 = tpu.vector_load %arg23[%swap3A_85, %swap3A_86] {strides = array<i32>} : memref<80x112xf32, #tpu.memory_space<vmem>>, vector<1x16xf32>,
      %swap3A_88 = vector.shape_cast %swap3A_87 : vector<1x16xf32> to vector<16xf32>
      %swap3A_89 = vector.shape_cast %broadcast_in_dim3A_13 : vector<16xf32> to vector<1x16xf32>
      tpu.vector_store %arg23[%swap3A_85, %swap3A_86], %swap3A_89 {strides = array<i32>} : memref<80x112xf32, #tpu.memory_space<vmem>>, vector<1x16xf32>,
      %scan3A_90 = arith.constant 0 : i32
      scf.yield %scan3A_90 : i32
    }
    %scan3A_19 = arith.constant 80 : i32
    %mul3A_20 = arith.constant 624 : i32
    %mul3A_21 = arith.muli %arg1, %mul3A_20 : i32
    %scan3A_22 = arith.constant 0 : i32
    %scan3A_23 = arith.constant 0 : i32
    %scan3A_24 = arith.constant 7 : i32
    %scan3A_25 = arith.addi %scan3A_23, %scan3A_24 : i32
    %scan3A_26 = arith.constant 1 : i32
    %scan3A_27 = scf.for %scan3A_54 = %scan3A_23 to %scan3A_25 step %scan3A_26 iter_args(%scan3A_55 = %scan3A_22) -> (i32)  : i32 {
      %mul3A_56 = arith.constant 80 : i32
      %mul3A_57 = arith.muli %scan3A_54, %mul3A_56 : i32
      %add3A_58 = arith.addi %mul3A_21, %mul3A_57 : i32
      "tpu.region"() ({
        %run_scoped3A = tpu.sem_alloc : memref<!tpu.dma_semaphore, #tpu.memory_space<semaphore_mem>>
        %dma_start3A_60 = arith.constant 0 : i32
        %dma_start3A_61 = tpu.memref_slice %arg7[%add3A_58, %dma_start3A_60] : memref<10000x112xf32, #tpu.memory_space<vmem_shared>> -> memref<80x112xf32, #tpu.memory_space<vmem_shared>>
        %dma_start3A_62 = arith.constant 0 : i32
        %dma_start3A_63 = tpu.memref_slice %arg7[%add3A_58, %dma_start3A_62] : memref<10000x112xf32, #tpu.memory_space<vmem_shared>> -> memref<80x112xf32, #tpu.memory_space<vmem_shared>>
        tpu.enqueue_dma source(%arg23 : memref<80x112xf32, #tpu.memory_space<vmem>>) target(%dma_start3A_63 : memref<80x112xf32, #tpu.memory_space<vmem_shared>>) target_semaphore(%run_scoped3A : memref<!tpu.dma_semaphore, #tpu.memory_space<semaphore_mem>>)
        %dma_wait3A_64 = arith.constant 0 : i32
        %dma_wait3A_65 = tpu.memref_slice %arg7[%add3A_58, %dma_wait3A_64] : memref<10000x112xf32, #tpu.memory_space<vmem_shared>> -> memref<80x112xf32, #tpu.memory_space<vmem_shared>>
        %dma_wait3A_66 = arith.constant 0 : i32
        %dma_wait3A_67 = tpu.memref_slice %arg7[%add3A_58, %dma_wait3A_66] : memref<10000x112xf32, #tpu.memory_space<vmem_shared>> -> memref<80x112xf32, #tpu.memory_space<vmem_shared>>
        tpu.wait_dma2 semaphore(%run_scoped3A : memref<!tpu.dma_semaphore, #tpu.memory_space<semaphore_mem>>) src(%arg23 : memref<80x112xf32, #tpu.memory_space<vmem>>) dst(%dma_wait3A_67 : memref<80x112xf32, #tpu.memory_space<vmem_shared>>)
        tpu.yield
      }) : () -> ()
      %scan3A_59 = arith.constant 0 : i32
      scf.yield %scan3A_59 : i32
    }
    %scan3A_28 = arith.constant 7 : i32
    %add3A_29 = arith.constant 560 : i32
    %add3A_30 = arith.addi %mul3A_21, %add3A_29 : i32
    "tpu.region"() ({
      %run_scoped3A = tpu.sem_alloc : memref<!tpu.dma_semaphore, #tpu.memory_space<semaphore_mem>>
      %dma_start3A_54 = arith.constant 0 : i32
      %dma_start3A_55 = arith.constant 0 : i32
      %dma_start3A_56 = tpu.memref_slice %arg23[%dma_start3A_54, %dma_start3A_55] : memref<80x112xf32, #tpu.memory_space<vmem>> -> memref<64x112xf32, #tpu.memory_space<vmem>>
      %dma_start3A_57 = arith.constant 0 : i32
      %dma_start3A_58 = tpu.memref_slice %arg7[%add3A_30, %dma_start3A_57] : memref<10000x112xf32, #tpu.memory_space<vmem_shared>> -> memref<64x112xf32, #tpu.memory_space<vmem_shared>>
      %dma_start3A_59 = arith.constant 0 : i32
      %dma_start3A_60 = tpu.memref_slice %arg7[%add3A_30, %dma_start3A_59] : memref<10000x112xf32, #tpu.memory_space<vmem_shared>> -> memref<64x112xf32, #tpu.memory_space<vmem_shared>>
      %dma_start3A_61 = arith.constant 0 : i32
      %dma_start3A_62 = arith.constant 0 : i32
      %dma_start3A_63 = tpu.memref_slice %arg23[%dma_start3A_61, %dma_start3A_62] : memref<80x112xf32, #tpu.memory_space<vmem>> -> memref<64x112xf32, #tpu.memory_space<vmem>>
      tpu.enqueue_dma source(%dma_start3A_63 : memref<64x112xf32, #tpu.memory_space<vmem>>) target(%dma_start3A_60 : memref<64x112xf32, #tpu.memory_space<vmem_shared>>) target_semaphore(%run_scoped3A : memref<!tpu.dma_semaphore, #tpu.memory_space<semaphore_mem>>)
      %dma_wait3A_64 = arith.constant 0 : i32
      %dma_wait3A_65 = arith.constant 0 : i32
      %dma_wait3A_66 = tpu.memref_slice %arg23[%dma_wait3A_64, %dma_wait3A_65] : memref<80x112xf32, #tpu.memory_space<vmem>> -> memref<64x112xf32, #tpu.memory_space<vmem>>
      %dma_wait3A_67 = arith.constant 0 : i32
      %dma_wait3A_68 = tpu.memref_slice %arg7[%add3A_30, %dma_wait3A_67] : memref<10000x112xf32, #tpu.memory_space<vmem_shared>> -> memref<64x112xf32, #tpu.memory_space<vmem_shared>>
      %dma_wait3A_69 = arith.constant 0 : i32
      %dma_wait3A_70 = tpu.memref_slice %arg7[%add3A_30, %dma_wait3A_69] : memref<10000x112xf32, #tpu.memory_space<vmem_shared>> -> memref<64x112xf32, #tpu.memory_space<vmem_shared>>
      %dma_wait3A_71 = arith.constant 0 : i32
      %dma_wait3A_72 = arith.constant 0 : i32
      %dma_wait3A_73 = tpu.memref_slice %arg23[%dma_wait3A_71, %dma_wait3A_72] : memref<80x112xf32, #tpu.memory_space<vmem>> -> memref<64x112xf32, #tpu.memory_space<vmem>>
      tpu.wait_dma2 semaphore(%run_scoped3A : memref<!tpu.dma_semaphore, #tpu.memory_space<semaphore_mem>>) src(%dma_wait3A_73 : memref<64x112xf32, #tpu.memory_space<vmem>>) dst(%dma_wait3A_70 : memref<64x112xf32, #tpu.memory_space<vmem_shared>>)
      tpu.yield
    }) : () -> ()
    %eq3A_31 = arith.constant 15 : i32
    %eq3A_32 = arith.cmpi eq, %arg1, %eq3A_31 : i32
    %convert_element_type3A = arith.extui %eq3A_32 : i1 to i32
    %cond3A = arith.constant 0 : i32
    %cond3A_33 = arith.cmpi ne, %convert_element_type3A, %cond3A : i32
    scf.if %cond3A_33 {
      "tpu.region"() ({
        %run_scoped3A = tpu.sem_alloc : memref<!tpu.dma_semaphore, #tpu.memory_space<semaphore_mem>>
        %dma_start3A_54 = arith.constant 0 : i32
        %dma_start3A_55 = arith.constant 0 : i32
        %dma_start3A_56 = tpu.memref_slice %arg23[%dma_start3A_54, %dma_start3A_55] : memref<80x112xf32, #tpu.memory_space<vmem>> -> memref<16x112xf32, #tpu.memory_space<vmem>>
        %dma_start3A_57 = arith.constant 9984 : i32
        %dma_start3A_58 = arith.constant 0 : i32
        %dma_start3A_59 = tpu.memref_slice %arg7[%dma_start3A_57, %dma_start3A_58] : memref<10000x112xf32, #tpu.memory_space<vmem_shared>> -> memref<16x112xf32, #tpu.memory_space<vmem_shared>>
        %dma_start3A_60 = arith.constant 9984 : i32
        %dma_start3A_61 = arith.constant 0 : i32
        %dma_start3A_62 = tpu.memref_slice %arg7[%dma_start3A_60, %dma_start3A_61] : memref<10000x112xf32, #tpu.memory_space<vmem_shared>> -> memref<16x112xf32, #tpu.memory_space<vmem_shared>>
        %dma_start3A_63 = arith.constant 0 : i32
        %dma_start3A_64 = arith.constant 0 : i32
        %dma_start3A_65 = tpu.memref_slice %arg23[%dma_start3A_63, %dma_start3A_64] : memref<80x112xf32, #tpu.memory_space<vmem>> -> memref<16x112xf32, #tpu.memory_space<vmem>>
        tpu.enqueue_dma source(%dma_start3A_65 : memref<16x112xf32, #tpu.memory_space<vmem>>) target(%dma_start3A_62 : memref<16x112xf32, #tpu.memory_space<vmem_shared>>) target_semaphore(%run_scoped3A : memref<!tpu.dma_semaphore, #tpu.memory_space<semaphore_mem>>)
        %dma_wait3A_66 = arith.constant 0 : i32
        %dma_wait3A_67 = arith.constant 0 : i32
        %dma_wait3A_68 = tpu.memref_slice %arg23[%dma_wait3A_66, %dma_wait3A_67] : memref<80x112xf32, #tpu.memory_space<vmem>> -> memref<16x112xf32, #tpu.memory_space<vmem>>
        %dma_wait3A_69 = arith.constant 9984 : i32
        %dma_wait3A_70 = arith.constant 0 : i32
        %dma_wait3A_71 = tpu.memref_slice %arg7[%dma_wait3A_69, %dma_wait3A_70] : memref<10000x112xf32, #tpu.memory_space<vmem_shared>> -> memref<16x112xf32, #tpu.memory_space<vmem_shared>>
        %dma_wait3A_72 = arith.constant 9984 : i32
        %dma_wait3A_73 = arith.constant 0 : i32
        %dma_wait3A_74 = tpu.memref_slice %arg7[%dma_wait3A_72, %dma_wait3A_73] : memref<10000x112xf32, #tpu.memory_space<vmem_shared>> -> memref<16x112xf32, #tpu.memory_space<vmem_shared>>
        %dma_wait3A_75 = arith.constant 0 : i32
        %dma_wait3A_76 = arith.constant 0 : i32
        %dma_wait3A_77 = tpu.memref_slice %arg23[%dma_wait3A_75, %dma_wait3A_76] : memref<80x112xf32, #tpu.memory_space<vmem>> -> memref<16x112xf32, #tpu.memory_space<vmem>>
        tpu.wait_dma2 semaphore(%run_scoped3A : memref<!tpu.dma_semaphore, #tpu.memory_space<semaphore_mem>>) src(%dma_wait3A_77 : memref<16x112xf32, #tpu.memory_space<vmem>>) dst(%dma_wait3A_74 : memref<16x112xf32, #tpu.memory_space<vmem_shared>>)
        tpu.yield
      }) : () -> ()
    } else {
    }
    %barrier3A = arith.constant 0 : index
    tpu.barrier barrier_id(%barrier3A)
    %scan3A_34 = arith.constant 0 : i32
    %scan3A_35 = arith.constant 0 : i32
    %scan3A_36 = arith.constant 125 : i32
    %scan3A_37 = arith.addi %scan3A_35, %scan3A_36 : i32
    %scan3A_38 = arith.constant 1 : i32
    %scan3A_39 = scf.for %scan3A_54 = %scan3A_35 to %scan3A_37 step %scan3A_38 iter_args(%scan3A_55 = %scan3A_34) -> (i32)  : i32 {
      %mul3A_56 = arith.constant 2 : i32
      %mul3A_57 = arith.muli %mul3A_56, %scan3A_54 : i32
      %add3A_58 = arith.constant 1 : i32
      %add3A_59 = arith.addi %mul3A_57, %add3A_58 : i32
      %mul3A_60 = arith.constant 80 : i32
      %mul3A_61 = arith.muli %add3A_59, %mul3A_60 : i32
      %add3A_62 = arith.addi %mul3A_0, %mul3A_61 : i32
      "tpu.region"() ({
        %run_scoped3A = tpu.sem_alloc : memref<!tpu.dma_semaphore, #tpu.memory_space<semaphore_mem>>
        %dma_start3A_118 = tpu.memref_slice %arg4[%add3A_62] : memref<320000xi32, #tpu.memory_space<hbm>> -> memref<80xi32, #tpu.memory_space<hbm>>
        %dma_start3A_119 = tpu.memref_slice %arg4[%add3A_62] : memref<320000xi32, #tpu.memory_space<hbm>> -> memref<80xi32, #tpu.memory_space<hbm>>
        tpu.enqueue_dma source(%dma_start3A_119 : memref<80xi32, #tpu.memory_space<hbm>>) target(%arg17 : memref<80xi32, #tpu.memory_space<vmem>>) target_semaphore(%run_scoped3A : memref<!tpu.dma_semaphore, #tpu.memory_space<semaphore_mem>>)
        %dma_wait3A_120 = tpu.memref_slice %arg4[%add3A_62] : memref<320000xi32, #tpu.memory_space<hbm>> -> memref<80xi32, #tpu.memory_space<hbm>>
        %dma_wait3A_121 = tpu.memref_slice %arg4[%add3A_62] : memref<320000xi32, #tpu.memory_space<hbm>> -> memref<80xi32, #tpu.memory_space<hbm>>
        tpu.wait_dma2 semaphore(%run_scoped3A : memref<!tpu.dma_semaphore, #tpu.memory_space<semaphore_mem>>) src(%dma_wait3A_121 : memref<80xi32, #tpu.memory_space<hbm>>) dst(%arg17 : memref<80xi32, #tpu.memory_space<vmem>>)
        tpu.yield
      }) : () -> ()
      "tpu.region"() ({
        %run_scoped3A = tpu.sem_alloc : memref<!tpu.dma_semaphore, #tpu.memory_space<semaphore_mem>>
        %dma_start3A_118 = tpu.memref_slice %arg5[%add3A_62] : memref<320000xi32, #tpu.memory_space<hbm>> -> memref<80xi32, #tpu.memory_space<hbm>>
        %dma_start3A_119 = tpu.memref_slice %arg5[%add3A_62] : memref<320000xi32, #tpu.memory_space<hbm>> -> memref<80xi32, #tpu.memory_space<hbm>>
        tpu.enqueue_dma source(%dma_start3A_119 : memref<80xi32, #tpu.memory_space<hbm>>) target(%arg18 : memref<80xi32, #tpu.memory_space<vmem>>) target_semaphore(%run_scoped3A : memref<!tpu.dma_semaphore, #tpu.memory_space<semaphore_mem>>)
        %dma_wait3A_120 = tpu.memref_slice %arg5[%add3A_62] : memref<320000xi32, #tpu.memory_space<hbm>> -> memref<80xi32, #tpu.memory_space<hbm>>
        %dma_wait3A_121 = tpu.memref_slice %arg5[%add3A_62] : memref<320000xi32, #tpu.memory_space<hbm>> -> memref<80xi32, #tpu.memory_space<hbm>>
        tpu.wait_dma2 semaphore(%run_scoped3A : memref<!tpu.dma_semaphore, #tpu.memory_space<semaphore_mem>>) src(%dma_wait3A_121 : memref<80xi32, #tpu.memory_space<hbm>>) dst(%arg18 : memref<80xi32, #tpu.memory_space<vmem>>)
        tpu.yield
      }) : () -> ()
      %parallel_loop3A_63 = arith.constant 0 : i32
      %parallel_loop3A_64 = arith.constant 5 : i32
      %parallel_loop3A_65 = arith.constant 1 : i32
      scf.for %parallel_loop3A_118 = %parallel_loop3A_63 to %parallel_loop3A_64 step %parallel_loop3A_65  : i32 {
        %parallel_loop3A_119 = arith.constant 16 : i32
        %parallel_loop3A_120 = arith.muli %parallel_loop3A_119, %parallel_loop3A_118 : i32
        %parallel_loop3A_121 = arith.index_cast %parallel_loop3A_120 : i32 to index
        %parallel_loop3A_122 = tpu.vector_load %arg17[%parallel_loop3A_121] {strides = array<i32>} : memref<80xi32, #tpu.memory_space<vmem>>, vector<16xi32>,
        %parallel_loop3A_123 = vector.shape_cast %parallel_loop3A_122 : vector<16xi32> to vector<16xi32>
        %parallel_loop3A_124 = vector.broadcast %mul3A_2 : i32 to vector<16xi32>
        %parallel_loop3A_125 = arith.addi %parallel_loop3A_123, %parallel_loop3A_124 : vector<16xi32>
        %parallel_loop3A_126 = arith.index_cast %parallel_loop3A_120 : i32 to index
        %parallel_loop3A_127 = tpu.vector_load %arg17[%parallel_loop3A_126] {strides = array<i32>} : memref<80xi32, #tpu.memory_space<vmem>>, vector<16xi32>,
        %parallel_loop3A_128 = vector.shape_cast %parallel_loop3A_127 : vector<16xi32> to vector<16xi32>
        %parallel_loop3A_129 = vector.shape_cast %parallel_loop3A_125 : vector<16xi32> to vector<16xi32>
        tpu.vector_store %arg17[%parallel_loop3A_126], %parallel_loop3A_129 {strides = array<i32>} : memref<80xi32, #tpu.memory_space<vmem>>, vector<16xi32>,
        %parallel_loop3A_130 = arith.index_cast %parallel_loop3A_120 : i32 to index
        %parallel_loop3A_131 = tpu.vector_load %arg18[%parallel_loop3A_130] {strides = array<i32>} : memref<80xi32, #tpu.memory_space<vmem>>, vector<16xi32>,
        %parallel_loop3A_132 = vector.shape_cast %parallel_loop3A_131 : vector<16xi32> to vector<16xi32>
        %parallel_loop3A_133 = vector.broadcast %mul3A_2 : i32 to vector<16xi32>
        %parallel_loop3A_134 = arith.addi %parallel_loop3A_132, %parallel_loop3A_133 : vector<16xi32>
        %parallel_loop3A_135 = arith.index_cast %parallel_loop3A_120 : i32 to index
        %parallel_loop3A_136 = tpu.vector_load %arg19[%parallel_loop3A_135] {strides = array<i32>} : memref<80xi32, #tpu.memory_space<vmem>>, vector<16xi32>,
        %parallel_loop3A_137 = vector.shape_cast %parallel_loop3A_136 : vector<16xi32> to vector<16xi32>
        %parallel_loop3A_138 = vector.shape_cast %parallel_loop3A_134 : vector<16xi32> to vector<16xi32>
        tpu.vector_store %arg19[%parallel_loop3A_135], %parallel_loop3A_138 {strides = array<i32>} : memref<80xi32, #tpu.memory_space<vmem>>, vector<16xi32>,
      } {sc.loop_unroll_factor = 4 : i64, sc.parallel_access}
      %dma_start3A_66 = arith.constant 0 : i32
      %dma_start3A_67 = arith.constant 0 : i32
      %dma_start3A_68 = tpu.memref_slice %arg2[%dma_start3A_66, %dma_start3A_67] : memref<20000x112xf32, #tpu.memory_space<hbm>> -> memref<20000x112xf32, #tpu.memory_space<hbm>>
      tpu.enqueue_indirect_dma source(%dma_start3A_68 : memref<20000x112xf32, #tpu.memory_space<hbm>>) target(%arg21 : memref<80x112xf32, #tpu.memory_space<vmem>>) offsets(%arg17 : memref<80xi32, #tpu.memory_space<vmem>>) semaphore(%arg24 : memref<!tpu.dma_semaphore, #tpu.memory_space<semaphore_mem>>)
      %dma_start3A_69 = arith.constant 0 : i32
      %dma_start3A_70 = arith.constant 0 : i32
      %dma_start3A_71 = tpu.memref_slice %arg3[%dma_start3A_69, %dma_start3A_70] : memref<20000x16xf32, #tpu.memory_space<hbm>> -> memref<20000x16xf32, #tpu.memory_space<hbm>>
      tpu.enqueue_indirect_dma source(%dma_start3A_71 : memref<20000x16xf32, #tpu.memory_space<hbm>>) target(%arg22 : memref<80x16xf32, #tpu.memory_space<vmem>>) offsets(%arg19 : memref<80xi32, #tpu.memory_space<vmem>>) semaphore(%arg24 : memref<!tpu.dma_semaphore, #tpu.memory_space<semaphore_mem>>)
      %dma_wait3A_72 = arith.constant 0 : i32
      %dma_wait3A_73 = arith.constant 0 : i32
      %dma_wait3A_74 = tpu.memref_slice %arg2[%dma_wait3A_72, %dma_wait3A_73] : memref<20000x112xf32, #tpu.memory_space<hbm>> -> memref<20000x112xf32, #tpu.memory_space<hbm>>
      tpu.wait_indirect_dma semaphore(%arg15 : memref<!tpu.dma_semaphore, #tpu.memory_space<semaphore_mem>>) src(%dma_wait3A_74 : memref<20000x112xf32, #tpu.memory_space<hbm>>) dst(%arg12 : memref<80x112xf32, #tpu.memory_space<vmem>>)
      %dma_wait3A_75 = arith.constant 0 : i32
      %dma_wait3A_76 = arith.constant 0 : i32
      %dma_wait3A_77 = tpu.memref_slice %arg3[%dma_wait3A_75, %dma_wait3A_76] : memref<20000x16xf32, #tpu.memory_space<hbm>> -> memref<20000x16xf32, #tpu.memory_space<hbm>>
      tpu.wait_indirect_dma semaphore(%arg15 : memref<!tpu.dma_semaphore, #tpu.memory_space<semaphore_mem>>) src(%dma_wait3A_77 : memref<20000x16xf32, #tpu.memory_space<hbm>>) dst(%arg13 : memref<80x16xf32, #tpu.memory_space<vmem>>)
      %gt3A = arith.constant 0 : i32
      %gt3A_78 = arith.cmpi sgt, %scan3A_54, %gt3A : i32
      %convert_element_type3A_79 = arith.extui %gt3A_78 : i1 to i32
      %cond3A_80 = arith.constant 0 : i32
      %cond3A_81 = arith.cmpi ne, %convert_element_type3A_79, %cond3A_80 : i32
      scf.if %cond3A_81 {
        %dma_wait3A_118 = arith.constant 0 : i32
        %dma_wait3A_119 = arith.constant 0 : i32
        %dma_wait3A_120 = tpu.memref_slice %arg7[%dma_wait3A_118, %dma_wait3A_119] : memref<10000x112xf32, #tpu.memory_space<vmem_shared>> -> memref<10000x112xf32, #tpu.memory_space<vmem_shared>>
        tpu.wait_indirect_dma semaphore(%arg16 : memref<!tpu.dma_semaphore, #tpu.memory_space<semaphore_mem>>) src(%arg14 : memref<80x112xf32, #tpu.memory_space<vmem>>) dst(%dma_wait3A_120 : memref<10000x112xf32, #tpu.memory_space<vmem_shared>>)
      } else {
      }
      %parallel_loop3A_82 = arith.constant 0 : i32
      %parallel_loop3A_83 = arith.constant 80 : i32
      %parallel_loop3A_84 = arith.constant 1 : i32
      scf.for %parallel_loop3A_118 = %parallel_loop3A_82 to %parallel_loop3A_83 step %parallel_loop3A_84  : i32 {
        %parallel_loop3A_119 = arith.index_cast %parallel_loop3A_118 : i32 to index
        %parallel_loop3A_120 = arith.constant 96 : index
        %parallel_loop3A_121 = tpu.vector_load %arg12[%parallel_loop3A_119, %parallel_loop3A_120] {strides = array<i32>} : memref<80x112xf32, #tpu.memory_space<vmem>>, vector<1x16xf32>,
        %parallel_loop3A_122 = vector.shape_cast %parallel_loop3A_121 : vector<1x16xf32> to vector<16xf32>
        %parallel_loop3A_123 = arith.index_cast %parallel_loop3A_118 : i32 to index
        %parallel_loop3A_124 = arith.constant 0 : index
        %parallel_loop3A_125 = tpu.vector_load %arg13[%parallel_loop3A_123, %parallel_loop3A_124] {strides = array<i32>} : memref<80x16xf32, #tpu.memory_space<vmem>>, vector<1x16xf32>,
        %parallel_loop3A_126 = vector.shape_cast %parallel_loop3A_125 : vector<1x16xf32> to vector<16xf32>
        %parallel_loop3A_127 = arith.addf %parallel_loop3A_122, %parallel_loop3A_126 : vector<16xf32>
        %parallel_loop3A_128 = arith.constant 0.000000e+00 : f32
        %parallel_loop3A_129 = vector.broadcast %parallel_loop3A_128 : f32 to vector<16xf32>
        %parallel_loop3A_130 = arith.cmpf oge, %parallel_loop3A_127, %parallel_loop3A_129 : vector<16xf32>
        %parallel_loop3A_131 = arith.constant 2.000000e-01 : f32
        %parallel_loop3A_132 = vector.broadcast %parallel_loop3A_131 : f32 to vector<16xf32>
        %parallel_loop3A_133 = arith.mulf %parallel_loop3A_132, %parallel_loop3A_127 : vector<16xf32>
        %parallel_loop3A_134 = arith.select %parallel_loop3A_130, %parallel_loop3A_127, %parallel_loop3A_133 : vector<16xi1>, vector<16xf32>
        %parallel_loop3A_135 = math.exp %parallel_loop3A_134 : vector<16xf32>
        %parallel_loop3A_136 = arith.constant 4 : i32
        %parallel_loop3A_137 = vector.broadcast %parallel_loop3A_136 : i32 to vector<16x1xi32>
        %parallel_loop3A_138 = vector.shape_cast %parallel_loop3A_137 : vector<16x1xi32> to vector<16xi32>
        %parallel_loop3A_139 = tpu.dynamic_gather %parallel_loop3A_135[%parallel_loop3A_138] in [0] : vector<16xf32>, vector<16xi32> -> vector<16xf32>
        %parallel_loop3A_140 = arith.index_cast %parallel_loop3A_118 : i32 to index
        %parallel_loop3A_141 = arith.constant 0 : index
        %parallel_loop3A_142 = tpu.vector_load %arg12[%parallel_loop3A_140, %parallel_loop3A_141] {strides = array<i32>} : memref<80x112xf32, #tpu.memory_space<vmem>>, vector<1x16xf32>,
        %parallel_loop3A_143 = vector.shape_cast %parallel_loop3A_142 : vector<1x16xf32> to vector<16xf32>
        %parallel_loop3A_144 = arith.mulf %parallel_loop3A_139, %parallel_loop3A_143 : vector<16xf32>
        %parallel_loop3A_145 = arith.index_cast %parallel_loop3A_118 : i32 to index
        %parallel_loop3A_146 = arith.constant 0 : index
        %parallel_loop3A_147 = tpu.vector_load %arg14[%parallel_loop3A_145, %parallel_loop3A_146] {strides = array<i32>} : memref<80x112xf32, #tpu.memory_space<vmem>>, vector<1x16xf32>,
        %parallel_loop3A_148 = vector.shape_cast %parallel_loop3A_147 : vector<1x16xf32> to vector<16xf32>
        %parallel_loop3A_149 = vector.shape_cast %parallel_loop3A_144 : vector<16xf32> to vector<1x16xf32>
        tpu.vector_store %arg14[%parallel_loop3A_145, %parallel_loop3A_146], %parallel_loop3A_149 {strides = array<i32>} : memref<80x112xf32, #tpu.memory_space<vmem>>, vector<1x16xf32>,
        %parallel_loop3A_150 = arith.index_cast %parallel_loop3A_118 : i32 to index
        %parallel_loop3A_151 = arith.constant 16 : index
        %parallel_loop3A_152 = tpu.vector_load %arg12[%parallel_loop3A_150, %parallel_loop3A_151] {strides = array<i32>} : memref<80x112xf32, #tpu.memory_space<vmem>>, vector<1x16xf32>,
        %parallel_loop3A_153 = vector.shape_cast %parallel_loop3A_152 : vector<1x16xf32> to vector<16xf32>
        %parallel_loop3A_154 = arith.mulf %parallel_loop3A_139, %parallel_loop3A_153 : vector<16xf32>
        %parallel_loop3A_155 = arith.index_cast %parallel_loop3A_118 : i32 to index
        %parallel_loop3A_156 = arith.constant 16 : index
        %parallel_loop3A_157 = tpu.vector_load %arg14[%parallel_loop3A_155, %parallel_loop3A_156] {strides = array<i32>} : memref<80x112xf32, #tpu.memory_space<vmem>>, vector<1x16xf32>,
        %parallel_loop3A_158 = vector.shape_cast %parallel_loop3A_157 : vector<1x16xf32> to vector<16xf32>
        %parallel_loop3A_159 = vector.shape_cast %parallel_loop3A_154 : vector<16xf32> to vector<1x16xf32>
        tpu.vector_store %arg14[%parallel_loop3A_155, %parallel_loop3A_156], %parallel_loop3A_159 {strides = array<i32>} : memref<80x112xf32, #tpu.memory_space<vmem>>, vector<1x16xf32>,
        %parallel_loop3A_160 = arith.index_cast %parallel_loop3A_118 : i32 to index
        %parallel_loop3A_161 = arith.constant 32 : index
        %parallel_loop3A_162 = tpu.vector_load %arg12[%parallel_loop3A_160, %parallel_loop3A_161] {strides = array<i32>} : memref<80x112xf32, #tpu.memory_space<vmem>>, vector<1x16xf32>,
        %parallel_loop3A_163 = vector.shape_cast %parallel_loop3A_162 : vector<1x16xf32> to vector<16xf32>
        %parallel_loop3A_164 = arith.mulf %parallel_loop3A_139, %parallel_loop3A_163 : vector<16xf32>
        %parallel_loop3A_165 = arith.index_cast %parallel_loop3A_118 : i32 to index
        %parallel_loop3A_166 = arith.constant 32 : index
        %parallel_loop3A_167 = tpu.vector_load %arg14[%parallel_loop3A_165, %parallel_loop3A_166] {strides = array<i32>} : memref<80x112xf32, #tpu.memory_space<vmem>>, vector<1x16xf32>,
        %parallel_loop3A_168 = vector.shape_cast %parallel_loop3A_167 : vector<1x16xf32> to vector<16xf32>
        %parallel_loop3A_169 = vector.shape_cast %parallel_loop3A_164 : vector<16xf32> to vector<1x16xf32>
        tpu.vector_store %arg14[%parallel_loop3A_165, %parallel_loop3A_166], %parallel_loop3A_169 {strides = array<i32>} : memref<80x112xf32, #tpu.memory_space<vmem>>, vector<1x16xf32>,
        %parallel_loop3A_170 = arith.index_cast %parallel_loop3A_118 : i32 to index
        %parallel_loop3A_171 = arith.constant 48 : index
        %parallel_loop3A_172 = tpu.vector_load %arg12[%parallel_loop3A_170, %parallel_loop3A_171] {strides = array<i32>} : memref<80x112xf32, #tpu.memory_space<vmem>>, vector<1x16xf32>,
        %parallel_loop3A_173 = vector.shape_cast %parallel_loop3A_172 : vector<1x16xf32> to vector<16xf32>
        %parallel_loop3A_174 = arith.mulf %parallel_loop3A_139, %parallel_loop3A_173 : vector<16xf32>
        %parallel_loop3A_175 = arith.index_cast %parallel_loop3A_118 : i32 to index
        %parallel_loop3A_176 = arith.constant 48 : index
        %parallel_loop3A_177 = tpu.vector_load %arg14[%parallel_loop3A_175, %parallel_loop3A_176] {strides = array<i32>} : memref<80x112xf32, #tpu.memory_space<vmem>>, vector<1x16xf32>,
        %parallel_loop3A_178 = vector.shape_cast %parallel_loop3A_177 : vector<1x16xf32> to vector<16xf32>
        %parallel_loop3A_179 = vector.shape_cast %parallel_loop3A_174 : vector<16xf32> to vector<1x16xf32>
        tpu.vector_store %arg14[%parallel_loop3A_175, %parallel_loop3A_176], %parallel_loop3A_179 {strides = array<i32>} : memref<80x112xf32, #tpu.memory_space<vmem>>, vector<1x16xf32>,
        %parallel_loop3A_180 = arith.index_cast %parallel_loop3A_118 : i32 to index
        %parallel_loop3A_181 = arith.constant 64 : index
        %parallel_loop3A_182 = tpu.vector_load %arg12[%parallel_loop3A_180, %parallel_loop3A_181] {strides = array<i32>} : memref<80x112xf32, #tpu.memory_space<vmem>>, vector<1x16xf32>,
        %parallel_loop3A_183 = vector.shape_cast %parallel_loop3A_182 : vector<1x16xf32> to vector<16xf32>
        %parallel_loop3A_184 = arith.mulf %parallel_loop3A_139, %parallel_loop3A_183 : vector<16xf32>
        %parallel_loop3A_185 = arith.index_cast %parallel_loop3A_118 : i32 to index
        %parallel_loop3A_186 = arith.constant 64 : index
        %parallel_loop3A_187 = tpu.vector_load %arg14[%parallel_loop3A_185, %parallel_loop3A_186] {strides = array<i32>} : memref<80x112xf32, #tpu.memory_space<vmem>>, vector<1x16xf32>,
        %parallel_loop3A_188 = vector.shape_cast %parallel_loop3A_187 : vector<1x16xf32> to vector<16xf32>
        %parallel_loop3A_189 = vector.shape_cast %parallel_loop3A_184 : vector<16xf32> to vector<1x16xf32>
        tpu.vector_store %arg14[%parallel_loop3A_185, %parallel_loop3A_186], %parallel_loop3A_189 {strides = array<i32>} : memref<80x112xf32, #tpu.memory_space<vmem>>, vector<1x16xf32>,
        %parallel_loop3A_190 = arith.index_cast %parallel_loop3A_118 : i32 to index
        %parallel_loop3A_191 = arith.constant 80 : index
        %parallel_loop3A_192 = tpu.vector_load %arg12[%parallel_loop3A_190, %parallel_loop3A_191] {strides = array<i32>} : memref<80x112xf32, #tpu.memory_space<vmem>>, vector<1x16xf32>,
        %parallel_loop3A_193 = vector.shape_cast %parallel_loop3A_192 : vector<1x16xf32> to vector<16xf32>
        %parallel_loop3A_194 = arith.mulf %parallel_loop3A_139, %parallel_loop3A_193 : vector<16xf32>
        %parallel_loop3A_195 = arith.index_cast %parallel_loop3A_118 : i32 to index
        %parallel_loop3A_196 = arith.constant 80 : index
        %parallel_loop3A_197 = tpu.vector_load %arg14[%parallel_loop3A_195, %parallel_loop3A_196] {strides = array<i32>} : memref<80x112xf32, #tpu.memory_space<vmem>>, vector<1x16xf32>,
        %parallel_loop3A_198 = vector.shape_cast %parallel_loop3A_197 : vector<1x16xf32> to vector<16xf32>
        %parallel_loop3A_199 = vector.shape_cast %parallel_loop3A_194 : vector<16xf32> to vector<1x16xf32>
        tpu.vector_store %arg14[%parallel_loop3A_195, %parallel_loop3A_196], %parallel_loop3A_199 {strides = array<i32>} : memref<80x112xf32, #tpu.memory_space<vmem>>, vector<1x16xf32>,
        %parallel_loop3A_200 = arith.index_cast %parallel_loop3A_118 : i32 to index
        %parallel_loop3A_201 = arith.constant 96 : index
        %parallel_loop3A_202 = tpu.vector_load %arg12[%parallel_loop3A_200, %parallel_loop3A_201] {strides = array<i32>} : memref<80x112xf32, #tpu.memory_space<vmem>>, vector<1x16xf32>,
        %parallel_loop3A_203 = vector.shape_cast %parallel_loop3A_202 : vector<1x16xf32> to vector<16xf32>
        %parallel_loop3A_204 = arith.mulf %parallel_loop3A_139, %parallel_loop3A_203 : vector<16xf32>
        %parallel_loop3A_205 = arith.select %eq3A_4, %parallel_loop3A_139, %parallel_loop3A_204 : vector<16xi1>, vector<16xf32>
        %parallel_loop3A_206 = arith.index_cast %parallel_loop3A_118 : i32 to index
        %parallel_loop3A_207 = arith.constant 96 : index
        %parallel_loop3A_208 = tpu.vector_load %arg14[%parallel_loop3A_206, %parallel_loop3A_207] {strides = array<i32>} : memref<80x112xf32, #tpu.memory_space<vmem>>, vector<1x16xf32>,
        %parallel_loop3A_209 = vector.shape_cast %parallel_loop3A_208 : vector<1x16xf32> to vector<16xf32>
        %parallel_loop3A_210 = vector.shape_cast %parallel_loop3A_205 : vector<16xf32> to vector<1x16xf32>
        tpu.vector_store %arg14[%parallel_loop3A_206, %parallel_loop3A_207], %parallel_loop3A_210 {strides = array<i32>} : memref<80x112xf32, #tpu.memory_space<vmem>>, vector<1x16xf32>,
      } {sc.loop_unroll_factor = 16 : i64, sc.parallel_access}
      %parallel_loop3A_85 = arith.constant 0 : i32
      %parallel_loop3A_86 = arith.constant 5 : i32
      %parallel_loop3A_87 = arith.constant 1 : i32
      scf.for %parallel_loop3A_118 = %parallel_loop3A_85 to %parallel_loop3A_86 step %parallel_loop3A_87  : i32 {
        %parallel_loop3A_119 = arith.constant 16 : i32
        %parallel_loop3A_120 = arith.muli %parallel_loop3A_119, %parallel_loop3A_118 : i32
        %parallel_loop3A_121 = arith.index_cast %parallel_loop3A_120 : i32 to index
        %parallel_loop3A_122 = tpu.vector_load %arg9[%parallel_loop3A_121] {strides = array<i32>} : memref<80xi32, #tpu.memory_space<vmem>>, vector<16xi32>,
        %parallel_loop3A_123 = vector.shape_cast %parallel_loop3A_122 : vector<16xi32> to vector<16xi32>
        %parallel_loop3A_124 = arith.index_cast %parallel_loop3A_120 : i32 to index
        %parallel_loop3A_125 = tpu.vector_load %arg11[%parallel_loop3A_124] {strides = array<i32>} : memref<80xi32, #tpu.memory_space<vmem>>, vector<16xi32>,
        %parallel_loop3A_126 = vector.shape_cast %parallel_loop3A_125 : vector<16xi32> to vector<16xi32>
        %parallel_loop3A_127 = vector.shape_cast %parallel_loop3A_123 : vector<16xi32> to vector<16xi32>
        tpu.vector_store %arg11[%parallel_loop3A_124], %parallel_loop3A_127 {strides = array<i32>} : memref<80xi32, #tpu.memory_space<vmem>>, vector<16xi32>,
      } {sc.loop_unroll_factor = 5 : i64, sc.parallel_access}
      %dma_start3A_88 = arith.constant 0 : i32
      %dma_start3A_89 = arith.constant 0 : i32
      %dma_start3A_90 = tpu.memref_slice %arg7[%dma_start3A_88, %dma_start3A_89] : memref<10000x112xf32, #tpu.memory_space<vmem_shared>> -> memref<10000x112xf32, #tpu.memory_space<vmem_shared>>
      tpu.enqueue_indirect_dma source(%arg14 : memref<80x112xf32, #tpu.memory_space<vmem>>) target(%dma_start3A_90 : memref<10000x112xf32, #tpu.memory_space<vmem_shared>>) offsets(%arg11 : memref<80xi32, #tpu.memory_space<vmem>>) semaphore(%arg16 : memref<!tpu.dma_semaphore, #tpu.memory_space<semaphore_mem>>) {add = true}
      %add3A_91 = arith.constant 1 : i32
      %add3A_92 = arith.addi %scan3A_54, %add3A_91 : i32
      %lt3A = arith.constant 125 : i32
      %lt3A_93 = arith.cmpi slt, %add3A_92, %lt3A : i32
      %convert_element_type3A_94 = arith.extui %lt3A_93 : i1 to i32
      %cond3A_95 = arith.constant 0 : i32
      %cond3A_96 = arith.cmpi ne, %convert_element_type3A_94, %cond3A_95 : i32
      scf.if %cond3A_96 {
        %mul3A_118 = arith.constant 2 : i32
        %mul3A_119 = arith.muli %mul3A_118, %scan3A_54 : i32
        %add3A_120 = arith.constant 2 : i32
        %add3A_121 = arith.addi %mul3A_119, %add3A_120 : i32
        %mul3A_122 = arith.constant 80 : i32
        %mul3A_123 = arith.muli %add3A_121, %mul3A_122 : i32
        %add3A_124 = arith.addi %mul3A_0, %mul3A_123 : i32
        "tpu.region"() ({
          %run_scoped3A = tpu.sem_alloc : memref<!tpu.dma_semaphore, #tpu.memory_space<semaphore_mem>>
          %dma_start3A_134 = tpu.memref_slice %arg4[%add3A_124] : memref<320000xi32, #tpu.memory_space<hbm>> -> memref<80xi32, #tpu.memory_space<hbm>>
          %dma_start3A_135 = tpu.memref_slice %arg4[%add3A_124] : memref<320000xi32, #tpu.memory_space<hbm>> -> memref<80xi32, #tpu.memory_space<hbm>>
          tpu.enqueue_dma source(%dma_start3A_135 : memref<80xi32, #tpu.memory_space<hbm>>) target(%arg8 : memref<80xi32, #tpu.memory_space<vmem>>) target_semaphore(%run_scoped3A : memref<!tpu.dma_semaphore, #tpu.memory_space<semaphore_mem>>)
          %dma_wait3A_136 = tpu.memref_slice %arg4[%add3A_124] : memref<320000xi32, #tpu.memory_space<hbm>> -> memref<80xi32, #tpu.memory_space<hbm>>
          %dma_wait3A_137 = tpu.memref_slice %arg4[%add3A_124] : memref<320000xi32, #tpu.memory_space<hbm>> -> memref<80xi32, #tpu.memory_space<hbm>>
          tpu.wait_dma2 semaphore(%run_scoped3A : memref<!tpu.dma_semaphore, #tpu.memory_space<semaphore_mem>>) src(%dma_wait3A_137 : memref<80xi32, #tpu.memory_space<hbm>>) dst(%arg8 : memref<80xi32, #tpu.memory_space<vmem>>)
          tpu.yield
        }) : () -> ()
        "tpu.region"() ({
          %run_scoped3A = tpu.sem_alloc : memref<!tpu.dma_semaphore, #tpu.memory_space<semaphore_mem>>
          %dma_start3A_134 = tpu.memref_slice %arg5[%add3A_124] : memref<320000xi32, #tpu.memory_space<hbm>> -> memref<80xi32, #tpu.memory_space<hbm>>
          %dma_start3A_135 = tpu.memref_slice %arg5[%add3A_124] : memref<320000xi32, #tpu.memory_space<hbm>> -> memref<80xi32, #tpu.memory_space<hbm>>
          tpu.enqueue_dma source(%dma_start3A_135 : memref<80xi32, #tpu.memory_space<hbm>>) target(%arg9 : memref<80xi32, #tpu.memory_space<vmem>>) target_semaphore(%run_scoped3A : memref<!tpu.dma_semaphore, #tpu.memory_space<semaphore_mem>>)
          %dma_wait3A_136 = tpu.memref_slice %arg5[%add3A_124] : memref<320000xi32, #tpu.memory_space<hbm>> -> memref<80xi32, #tpu.memory_space<hbm>>
          %dma_wait3A_137 = tpu.memref_slice %arg5[%add3A_124] : memref<320000xi32, #tpu.memory_space<hbm>> -> memref<80xi32, #tpu.memory_space<hbm>>
          tpu.wait_dma2 semaphore(%run_scoped3A : memref<!tpu.dma_semaphore, #tpu.memory_space<semaphore_mem>>) src(%dma_wait3A_137 : memref<80xi32, #tpu.memory_space<hbm>>) dst(%arg9 : memref<80xi32, #tpu.memory_space<vmem>>)
          tpu.yield
        }) : () -> ()
        %parallel_loop3A_125 = arith.constant 0 : i32
        %parallel_loop3A_126 = arith.constant 5 : i32
        %parallel_loop3A_127 = arith.constant 1 : i32
        scf.for %parallel_loop3A_134 = %parallel_loop3A_125 to %parallel_loop3A_126 step %parallel_loop3A_127  : i32 {
          %parallel_loop3A_135 = arith.constant 16 : i32
          %parallel_loop3A_136 = arith.muli %parallel_loop3A_135, %parallel_loop3A_134 : i32
          %parallel_loop3A_137 = arith.index_cast %parallel_loop3A_136 : i32 to index
          %parallel_loop3A_138 = tpu.vector_load %arg8[%parallel_loop3A_137] {strides = array<i32>} : memref<80xi32, #tpu.memory_space<vmem>>, vector<16xi32>,
          %parallel_loop3A_139 = vector.shape_cast %parallel_loop3A_138 : vector<16xi32> to vector<16xi32>
          %parallel_loop3A_140 = vector.broadcast %mul3A_2 : i32 to vector<16xi32>
          %parallel_loop3A_141 = arith.addi %parallel_loop3A_139, %parallel_loop3A_140 : vector<16xi32>
          %parallel_loop3A_142 = arith.index_cast %parallel_loop3A_136 : i32 to index
          %parallel_loop3A_143 = tpu.vector_load %arg8[%parallel_loop3A_142] {strides = array<i32>} : memref<80xi32, #tpu.memory_space<vmem>>, vector<16xi32>,
          %parallel_loop3A_144 = vector.shape_cast %parallel_loop3A_143 : vector<16xi32> to vector<16xi32>
          %parallel_loop3A_145 = vector.shape_cast %parallel_loop3A_141 : vector<16xi32> to vector<16xi32>
          tpu.vector_store %arg8[%parallel_loop3A_142], %parallel_loop3A_145 {strides = array<i32>} : memref<80xi32, #tpu.memory_space<vmem>>, vector<16xi32>,
          %parallel_loop3A_146 = arith.index_cast %parallel_loop3A_136 : i32 to index
          %parallel_loop3A_147 = tpu.vector_load %arg9[%parallel_loop3A_146] {strides = array<i32>} : memref<80xi32, #tpu.memory_space<vmem>>, vector<16xi32>,
          %parallel_loop3A_148 = vector.shape_cast %parallel_loop3A_147 : vector<16xi32> to vector<16xi32>
          %parallel_loop3A_149 = vector.broadcast %mul3A_2 : i32 to vector<16xi32>
          %parallel_loop3A_150 = arith.addi %parallel_loop3A_148, %parallel_loop3A_149 : vector<16xi32>
          %parallel_loop3A_151 = arith.index_cast %parallel_loop3A_136 : i32 to index
          %parallel_loop3A_152 = tpu.vector_load %arg10[%parallel_loop3A_151] {strides = array<i32>} : memref<80xi32, #tpu.memory_space<vmem>>, vector<16xi32>,
          %parallel_loop3A_153 = vector.shape_cast %parallel_loop3A_152 : vector<16xi32> to vector<16xi32>
          %parallel_loop3A_154 = vector.shape_cast %parallel_loop3A_150 : vector<16xi32> to vector<16xi32>
          tpu.vector_store %arg10[%parallel_loop3A_151], %parallel_loop3A_154 {strides = array<i32>} : memref<80xi32, #tpu.memory_space<vmem>>, vector<16xi32>,
        } {sc.loop_unroll_factor = 4 : i64, sc.parallel_access}
        %dma_start3A_128 = arith.constant 0 : i32
        %dma_start3A_129 = arith.constant 0 : i32
        %dma_start3A_130 = tpu.memref_slice %arg2[%dma_start3A_128, %dma_start3A_129] : memref<20000x112xf32, #tpu.memory_space<hbm>> -> memref<20000x112xf32, #tpu.memory_space<hbm>>
        tpu.enqueue_indirect_dma source(%dma_start3A_130 : memref<20000x112xf32, #tpu.memory_space<hbm>>) target(%arg12 : memref<80x112xf32, #tpu.memory_space<vmem>>) offsets(%arg8 : memref<80xi32, #tpu.memory_space<vmem>>) semaphore(%arg15 : memref<!tpu.dma_semaphore, #tpu.memory_space<semaphore_mem>>)
        %dma_start3A_131 = arith.constant 0 : i32
        %dma_start3A_132 = arith.constant 0 : i32
        %dma_start3A_133 = tpu.memref_slice %arg3[%dma_start3A_131, %dma_start3A_132] : memref<20000x16xf32, #tpu.memory_space<hbm>> -> memref<20000x16xf32, #tpu.memory_space<hbm>>
        tpu.enqueue_indirect_dma source(%dma_start3A_133 : memref<20000x16xf32, #tpu.memory_space<hbm>>) target(%arg13 : memref<80x16xf32, #tpu.memory_space<vmem>>) offsets(%arg10 : memref<80xi32, #tpu.memory_space<vmem>>) semaphore(%arg15 : memref<!tpu.dma_semaphore, #tpu.memory_space<semaphore_mem>>)
      } else {
      }
      %dma_wait3A_97 = arith.constant 0 : i32
      %dma_wait3A_98 = arith.constant 0 : i32
      %dma_wait3A_99 = tpu.memref_slice %arg2[%dma_wait3A_97, %dma_wait3A_98] : memref<20000x112xf32, #tpu.memory_space<hbm>> -> memref<20000x112xf32, #tpu.memory_space<hbm>>
      tpu.wait_indirect_dma semaphore(%arg24 : memref<!tpu.dma_semaphore, #tpu.memory_space<semaphore_mem>>) src(%dma_wait3A_99 : memref<20000x112xf32, #tpu.memory_space<hbm>>) dst(%arg21 : memref<80x112xf32, #tpu.memory_space<vmem>>)
      %dma_wait3A_100 = arith.constant 0 : i32
      %dma_wait3A_101 = arith.constant 0 : i32
      %dma_wait3A_102 = tpu.memref_slice %arg3[%dma_wait3A_100, %dma_wait3A_101] : memref<20000x16xf32, #tpu.memory_space<hbm>> -> memref<20000x16xf32, #tpu.memory_space<hbm>>
      tpu.wait_indirect_dma semaphore(%arg24 : memref<!tpu.dma_semaphore, #tpu.memory_space<semaphore_mem>>) src(%dma_wait3A_102 : memref<20000x16xf32, #tpu.memory_space<hbm>>) dst(%arg22 : memref<80x16xf32, #tpu.memory_space<vmem>>)
      %gt3A_103 = arith.constant 0 : i32
      %gt3A_104 = arith.cmpi sgt, %scan3A_54, %gt3A_103 : i32
      %convert_element_type3A_105 = arith.extui %gt3A_104 : i1 to i32
      %cond3A_106 = arith.constant 0 : i32
      %cond3A_107 = arith.cmpi ne, %convert_element_type3A_105, %cond3A_106 : i32
      scf.if %cond3A_107 {
        %dma_wait3A_118 = arith.constant 0 : i32
        %dma_wait3A_119 = arith.constant 0 : i32
        %dma_wait3A_120 = tpu.memref_slice %arg7[%dma_wait3A_118, %dma_wait3A_119] : memref<10000x112xf32, #tpu.memory_space<vmem_shared>> -> memref<10000x112xf32, #tpu.memory_space<vmem_shared>>
        tpu.wait_indirect_dma semaphore(%arg25 : memref<!tpu.dma_semaphore, #tpu.memory_space<semaphore_mem>>) src(%arg23 : memref<80x112xf32, #tpu.memory_space<vmem>>) dst(%dma_wait3A_120 : memref<10000x112xf32, #tpu.memory_space<vmem_shared>>)
      } else {
      }
      %parallel_loop3A_108 = arith.constant 0 : i32
      %parallel_loop3A_109 = arith.constant 80 : i32
      %parallel_loop3A_110 = arith.constant 1 : i32
      scf.for %parallel_loop3A_118 = %parallel_loop3A_108 to %parallel_loop3A_109 step %parallel_loop3A_110  : i32 {
        %parallel_loop3A_119 = arith.index_cast %parallel_loop3A_118 : i32 to index
        %parallel_loop3A_120 = arith.constant 96 : index
        %parallel_loop3A_121 = tpu.vector_load %arg21[%parallel_loop3A_119, %parallel_loop3A_120] {strides = array<i32>} : memref<80x112xf32, #tpu.memory_space<vmem>>, vector<1x16xf32>,
        %parallel_loop3A_122 = vector.shape_cast %parallel_loop3A_121 : vector<1x16xf32> to vector<16xf32>
        %parallel_loop3A_123 = arith.index_cast %parallel_loop3A_118 : i32 to index
        %parallel_loop3A_124 = arith.constant 0 : index
        %parallel_loop3A_125 = tpu.vector_load %arg22[%parallel_loop3A_123, %parallel_loop3A_124] {strides = array<i32>} : memref<80x16xf32, #tpu.memory_space<vmem>>, vector<1x16xf32>,
        %parallel_loop3A_126 = vector.shape_cast %parallel_loop3A_125 : vector<1x16xf32> to vector<16xf32>
        %parallel_loop3A_127 = arith.addf %parallel_loop3A_122, %parallel_loop3A_126 : vector<16xf32>
        %parallel_loop3A_128 = arith.constant 0.000000e+00 : f32
        %parallel_loop3A_129 = vector.broadcast %parallel_loop3A_128 : f32 to vector<16xf32>
        %parallel_loop3A_130 = arith.cmpf oge, %parallel_loop3A_127, %parallel_loop3A_129 : vector<16xf32>
        %parallel_loop3A_131 = arith.constant 2.000000e-01 : f32
        %parallel_loop3A_132 = vector.broadcast %parallel_loop3A_131 : f32 to vector<16xf32>
        %parallel_loop3A_133 = arith.mulf %parallel_loop3A_132, %parallel_loop3A_127 : vector<16xf32>
        %parallel_loop3A_134 = arith.select %parallel_loop3A_130, %parallel_loop3A_127, %parallel_loop3A_133 : vector<16xi1>, vector<16xf32>
        %parallel_loop3A_135 = math.exp %parallel_loop3A_134 : vector<16xf32>
        %parallel_loop3A_136 = arith.constant 4 : i32
        %parallel_loop3A_137 = vector.broadcast %parallel_loop3A_136 : i32 to vector<16x1xi32>
        %parallel_loop3A_138 = vector.shape_cast %parallel_loop3A_137 : vector<16x1xi32> to vector<16xi32>
        %parallel_loop3A_139 = tpu.dynamic_gather %parallel_loop3A_135[%parallel_loop3A_138] in [0] : vector<16xf32>, vector<16xi32> -> vector<16xf32>
        %parallel_loop3A_140 = arith.index_cast %parallel_loop3A_118 : i32 to index
        %parallel_loop3A_141 = arith.constant 0 : index
        %parallel_loop3A_142 = tpu.vector_load %arg21[%parallel_loop3A_140, %parallel_loop3A_141] {strides = array<i32>} : memref<80x112xf32, #tpu.memory_space<vmem>>, vector<1x16xf32>,
        %parallel_loop3A_143 = vector.shape_cast %parallel_loop3A_142 : vector<1x16xf32> to vector<16xf32>
        %parallel_loop3A_144 = arith.mulf %parallel_loop3A_139, %parallel_loop3A_143 : vector<16xf32>
        %parallel_loop3A_145 = arith.index_cast %parallel_loop3A_118 : i32 to index
        %parallel_loop3A_146 = arith.constant 0 : index
        %parallel_loop3A_147 = tpu.vector_load %arg23[%parallel_loop3A_145, %parallel_loop3A_146] {strides = array<i32>} : memref<80x112xf32, #tpu.memory_space<vmem>>, vector<1x16xf32>,
        %parallel_loop3A_148 = vector.shape_cast %parallel_loop3A_147 : vector<1x16xf32> to vector<16xf32>
        %parallel_loop3A_149 = vector.shape_cast %parallel_loop3A_144 : vector<16xf32> to vector<1x16xf32>
        tpu.vector_store %arg23[%parallel_loop3A_145, %parallel_loop3A_146], %parallel_loop3A_149 {strides = array<i32>} : memref<80x112xf32, #tpu.memory_space<vmem>>, vector<1x16xf32>,
        %parallel_loop3A_150 = arith.index_cast %parallel_loop3A_118 : i32 to index
        %parallel_loop3A_151 = arith.constant 16 : index
        %parallel_loop3A_152 = tpu.vector_load %arg21[%parallel_loop3A_150, %parallel_loop3A_151] {strides = array<i32>} : memref<80x112xf32, #tpu.memory_space<vmem>>, vector<1x16xf32>,
        %parallel_loop3A_153 = vector.shape_cast %parallel_loop3A_152 : vector<1x16xf32> to vector<16xf32>
        %parallel_loop3A_154 = arith.mulf %parallel_loop3A_139, %parallel_loop3A_153 : vector<16xf32>
        %parallel_loop3A_155 = arith.index_cast %parallel_loop3A_118 : i32 to index
        %parallel_loop3A_156 = arith.constant 16 : index
        %parallel_loop3A_157 = tpu.vector_load %arg23[%parallel_loop3A_155, %parallel_loop3A_156] {strides = array<i32>} : memref<80x112xf32, #tpu.memory_space<vmem>>, vector<1x16xf32>,
        %parallel_loop3A_158 = vector.shape_cast %parallel_loop3A_157 : vector<1x16xf32> to vector<16xf32>
        %parallel_loop3A_159 = vector.shape_cast %parallel_loop3A_154 : vector<16xf32> to vector<1x16xf32>
        tpu.vector_store %arg23[%parallel_loop3A_155, %parallel_loop3A_156], %parallel_loop3A_159 {strides = array<i32>} : memref<80x112xf32, #tpu.memory_space<vmem>>, vector<1x16xf32>,
        %parallel_loop3A_160 = arith.index_cast %parallel_loop3A_118 : i32 to index
        %parallel_loop3A_161 = arith.constant 32 : index
        %parallel_loop3A_162 = tpu.vector_load %arg21[%parallel_loop3A_160, %parallel_loop3A_161] {strides = array<i32>} : memref<80x112xf32, #tpu.memory_space<vmem>>, vector<1x16xf32>,
        %parallel_loop3A_163 = vector.shape_cast %parallel_loop3A_162 : vector<1x16xf32> to vector<16xf32>
        %parallel_loop3A_164 = arith.mulf %parallel_loop3A_139, %parallel_loop3A_163 : vector<16xf32>
        %parallel_loop3A_165 = arith.index_cast %parallel_loop3A_118 : i32 to index
        %parallel_loop3A_166 = arith.constant 32 : index
        %parallel_loop3A_167 = tpu.vector_load %arg23[%parallel_loop3A_165, %parallel_loop3A_166] {strides = array<i32>} : memref<80x112xf32, #tpu.memory_space<vmem>>, vector<1x16xf32>,
        %parallel_loop3A_168 = vector.shape_cast %parallel_loop3A_167 : vector<1x16xf32> to vector<16xf32>
        %parallel_loop3A_169 = vector.shape_cast %parallel_loop3A_164 : vector<16xf32> to vector<1x16xf32>
        tpu.vector_store %arg23[%parallel_loop3A_165, %parallel_loop3A_166], %parallel_loop3A_169 {strides = array<i32>} : memref<80x112xf32, #tpu.memory_space<vmem>>, vector<1x16xf32>,
        %parallel_loop3A_170 = arith.index_cast %parallel_loop3A_118 : i32 to index
        %parallel_loop3A_171 = arith.constant 48 : index
        %parallel_loop3A_172 = tpu.vector_load %arg21[%parallel_loop3A_170, %parallel_loop3A_171] {strides = array<i32>} : memref<80x112xf32, #tpu.memory_space<vmem>>, vector<1x16xf32>,
        %parallel_loop3A_173 = vector.shape_cast %parallel_loop3A_172 : vector<1x16xf32> to vector<16xf32>
        %parallel_loop3A_174 = arith.mulf %parallel_loop3A_139, %parallel_loop3A_173 : vector<16xf32>
        %parallel_loop3A_175 = arith.index_cast %parallel_loop3A_118 : i32 to index
        %parallel_loop3A_176 = arith.constant 48 : index
        %parallel_loop3A_177 = tpu.vector_load %arg23[%parallel_loop3A_175, %parallel_loop3A_176] {strides = array<i32>} : memref<80x112xf32, #tpu.memory_space<vmem>>, vector<1x16xf32>,
        %parallel_loop3A_178 = vector.shape_cast %parallel_loop3A_177 : vector<1x16xf32> to vector<16xf32>
        %parallel_loop3A_179 = vector.shape_cast %parallel_loop3A_174 : vector<16xf32> to vector<1x16xf32>
        tpu.vector_store %arg23[%parallel_loop3A_175, %parallel_loop3A_176], %parallel_loop3A_179 {strides = array<i32>} : memref<80x112xf32, #tpu.memory_space<vmem>>, vector<1x16xf32>,
        %parallel_loop3A_180 = arith.index_cast %parallel_loop3A_118 : i32 to index
        %parallel_loop3A_181 = arith.constant 64 : index
        %parallel_loop3A_182 = tpu.vector_load %arg21[%parallel_loop3A_180, %parallel_loop3A_181] {strides = array<i32>} : memref<80x112xf32, #tpu.memory_space<vmem>>, vector<1x16xf32>,
        %parallel_loop3A_183 = vector.shape_cast %parallel_loop3A_182 : vector<1x16xf32> to vector<16xf32>
        %parallel_loop3A_184 = arith.mulf %parallel_loop3A_139, %parallel_loop3A_183 : vector<16xf32>
        %parallel_loop3A_185 = arith.index_cast %parallel_loop3A_118 : i32 to index
        %parallel_loop3A_186 = arith.constant 64 : index
        %parallel_loop3A_187 = tpu.vector_load %arg23[%parallel_loop3A_185, %parallel_loop3A_186] {strides = array<i32>} : memref<80x112xf32, #tpu.memory_space<vmem>>, vector<1x16xf32>,
        %parallel_loop3A_188 = vector.shape_cast %parallel_loop3A_187 : vector<1x16xf32> to vector<16xf32>
        %parallel_loop3A_189 = vector.shape_cast %parallel_loop3A_184 : vector<16xf32> to vector<1x16xf32>
        tpu.vector_store %arg23[%parallel_loop3A_185, %parallel_loop3A_186], %parallel_loop3A_189 {strides = array<i32>} : memref<80x112xf32, #tpu.memory_space<vmem>>, vector<1x16xf32>,
        %parallel_loop3A_190 = arith.index_cast %parallel_loop3A_118 : i32 to index
        %parallel_loop3A_191 = arith.constant 80 : index
        %parallel_loop3A_192 = tpu.vector_load %arg21[%parallel_loop3A_190, %parallel_loop3A_191] {strides = array<i32>} : memref<80x112xf32, #tpu.memory_space<vmem>>, vector<1x16xf32>,
        %parallel_loop3A_193 = vector.shape_cast %parallel_loop3A_192 : vector<1x16xf32> to vector<16xf32>
        %parallel_loop3A_194 = arith.mulf %parallel_loop3A_139, %parallel_loop3A_193 : vector<16xf32>
        %parallel_loop3A_195 = arith.index_cast %parallel_loop3A_118 : i32 to index
        %parallel_loop3A_196 = arith.constant 80 : index
        %parallel_loop3A_197 = tpu.vector_load %arg23[%parallel_loop3A_195, %parallel_loop3A_196] {strides = array<i32>} : memref<80x112xf32, #tpu.memory_space<vmem>>, vector<1x16xf32>,
        %parallel_loop3A_198 = vector.shape_cast %parallel_loop3A_197 : vector<1x16xf32> to vector<16xf32>
        %parallel_loop3A_199 = vector.shape_cast %parallel_loop3A_194 : vector<16xf32> to vector<1x16xf32>
        tpu.vector_store %arg23[%parallel_loop3A_195, %parallel_loop3A_196], %parallel_loop3A_199 {strides = array<i32>} : memref<80x112xf32, #tpu.memory_space<vmem>>, vector<1x16xf32>,
        %parallel_loop3A_200 = arith.index_cast %parallel_loop3A_118 : i32 to index
        %parallel_loop3A_201 = arith.constant 96 : index
        %parallel_loop3A_202 = tpu.vector_load %arg21[%parallel_loop3A_200, %parallel_loop3A_201] {strides = array<i32>} : memref<80x112xf32, #tpu.memory_space<vmem>>, vector<1x16xf32>,
        %parallel_loop3A_203 = vector.shape_cast %parallel_loop3A_202 : vector<1x16xf32> to vector<16xf32>
        %parallel_loop3A_204 = arith.mulf %parallel_loop3A_139, %parallel_loop3A_203 : vector<16xf32>
        %parallel_loop3A_205 = arith.select %eq3A_4, %parallel_loop3A_139, %parallel_loop3A_204 : vector<16xi1>, vector<16xf32>
        %parallel_loop3A_206 = arith.index_cast %parallel_loop3A_118 : i32 to index
        %parallel_loop3A_207 = arith.constant 96 : index
        %parallel_loop3A_208 = tpu.vector_load %arg23[%parallel_loop3A_206, %parallel_loop3A_207] {strides = array<i32>} : memref<80x112xf32, #tpu.memory_space<vmem>>, vector<1x16xf32>,
        %parallel_loop3A_209 = vector.shape_cast %parallel_loop3A_208 : vector<1x16xf32> to vector<16xf32>
        %parallel_loop3A_210 = vector.shape_cast %parallel_loop3A_205 : vector<16xf32> to vector<1x16xf32>
        tpu.vector_store %arg23[%parallel_loop3A_206, %parallel_loop3A_207], %parallel_loop3A_210 {strides = array<i32>} : memref<80x112xf32, #tpu.memory_space<vmem>>, vector<1x16xf32>,
      } {sc.loop_unroll_factor = 16 : i64, sc.parallel_access}
      %parallel_loop3A_111 = arith.constant 0 : i32
      %parallel_loop3A_112 = arith.constant 5 : i32
      %parallel_loop3A_113 = arith.constant 1 : i32
      scf.for %parallel_loop3A_118 = %parallel_loop3A_111 to %parallel_loop3A_112 step %parallel_loop3A_113  : i32 {
        %parallel_loop3A_119 = arith.constant 16 : i32
        %parallel_loop3A_120 = arith.muli %parallel_loop3A_119, %parallel_loop3A_118 : i32
        %parallel_loop3A_121 = arith.index_cast %parallel_loop3A_120 : i32 to index
        %parallel_loop3A_122 = tpu.vector_load %arg18[%parallel_loop3A_121] {strides = array<i32>} : memref<80xi32, #tpu.memory_space<vmem>>, vector<16xi32>,
        %parallel_loop3A_123 = vector.shape_cast %parallel_loop3A_122 : vector<16xi32> to vector<16xi32>
        %parallel_loop3A_124 = arith.index_cast %parallel_loop3A_120 : i32 to index
        %parallel_loop3A_125 = tpu.vector_load %arg20[%parallel_loop3A_124] {strides = array<i32>} : memref<80xi32, #tpu.memory_space<vmem>>, vector<16xi32>,
        %parallel_loop3A_126 = vector.shape_cast %parallel_loop3A_125 : vector<16xi32> to vector<16xi32>
        %parallel_loop3A_127 = vector.shape_cast %parallel_loop3A_123 : vector<16xi32> to vector<16xi32>
        tpu.vector_store %arg20[%parallel_loop3A_124], %parallel_loop3A_127 {strides = array<i32>} : memref<80xi32, #tpu.memory_space<vmem>>, vector<16xi32>,
      } {sc.loop_unroll_factor = 5 : i64, sc.parallel_access}
      %dma_start3A_114 = arith.constant 0 : i32
      %dma_start3A_115 = arith.constant 0 : i32
      %dma_start3A_116 = tpu.memref_slice %arg7[%dma_start3A_114, %dma_start3A_115] : memref<10000x112xf32, #tpu.memory_space<vmem_shared>> -> memref<10000x112xf32, #tpu.memory_space<vmem_shared>>
      tpu.enqueue_indirect_dma source(%arg23 : memref<80x112xf32, #tpu.memory_space<vmem>>) target(%dma_start3A_116 : memref<10000x112xf32, #tpu.memory_space<vmem_shared>>) offsets(%arg20 : memref<80xi32, #tpu.memory_space<vmem>>) semaphore(%arg25 : memref<!tpu.dma_semaphore, #tpu.memory_space<semaphore_mem>>) {add = true}
      %scan3A_117 = arith.constant 0 : i32
      scf.yield %scan3A_117 : i32
    }
    %scan3A_40 = arith.constant 125 : i32
    %dma_wait3A = arith.constant 0 : i32
    %dma_wait3A_41 = arith.constant 0 : i32
    %dma_wait3A_42 = tpu.memref_slice %arg7[%dma_wait3A, %dma_wait3A_41] : memref<10000x112xf32, #tpu.memory_space<vmem_shared>> -> memref<10000x112xf32, #tpu.memory_space<vmem_shared>>
    tpu.wait_indirect_dma semaphore(%arg16 : memref<!tpu.dma_semaphore, #tpu.memory_space<semaphore_mem>>) src(%arg14 : memref<80x112xf32, #tpu.memory_space<vmem>>) dst(%dma_wait3A_42 : memref<10000x112xf32, #tpu.memory_space<vmem_shared>>)
    %dma_wait3A_43 = arith.constant 0 : i32
    %dma_wait3A_44 = arith.constant 0 : i32
    %dma_wait3A_45 = tpu.memref_slice %arg7[%dma_wait3A_43, %dma_wait3A_44] : memref<10000x112xf32, #tpu.memory_space<vmem_shared>> -> memref<10000x112xf32, #tpu.memory_space<vmem_shared>>
    tpu.wait_indirect_dma semaphore(%arg25 : memref<!tpu.dma_semaphore, #tpu.memory_space<semaphore_mem>>) src(%arg23 : memref<80x112xf32, #tpu.memory_space<vmem>>) dst(%dma_wait3A_45 : memref<10000x112xf32, #tpu.memory_space<vmem_shared>>)
    %barrier3A_46 = arith.constant 0 : index
    tpu.barrier barrier_id(%barrier3A_46)
    %mul3A_47 = arith.constant 624 : i32
    %mul3A_48 = arith.muli %arg1, %mul3A_47 : i32
    "tpu.region"() ({
      %run_scoped3A = tpu.sem_alloc : memref<!tpu.dma_semaphore, #tpu.memory_space<semaphore_mem>>
      %dma_start3A_54 = arith.constant 0 : i32
      %dma_start3A_55 = tpu.memref_slice %arg6[%arg0, %mul3A_48, %dma_start3A_54] : memref<2x10000x112xf32, #tpu.memory_space<hbm>> -> memref<1x624x112xf32, #tpu.memory_space<hbm>>
      %dma_start3A_56 = tpu.memref_squeeze %dma_start3A_55 : memref<1x624x112xf32, #tpu.memory_space<hbm>> -> memref<624x112xf32, #tpu.memory_space<hbm>>
      %dma_start3A_57 = arith.constant 0 : i32
      %dma_start3A_58 = tpu.memref_slice %arg7[%mul3A_48, %dma_start3A_57] : memref<10000x112xf32, #tpu.memory_space<vmem_shared>> -> memref<624x112xf32, #tpu.memory_space<vmem_shared>>
      tpu.enqueue_dma source(%dma_start3A_58 : memref<624x112xf32, #tpu.memory_space<vmem_shared>>) target(%dma_start3A_56 : memref<624x112xf32, #tpu.memory_space<hbm>>) target_semaphore(%run_scoped3A : memref<!tpu.dma_semaphore, #tpu.memory_space<semaphore_mem>>)
      %dma_wait3A_59 = arith.constant 0 : i32
      %dma_wait3A_60 = tpu.memref_slice %arg6[%arg0, %mul3A_48, %dma_wait3A_59] : memref<2x10000x112xf32, #tpu.memory_space<hbm>> -> memref<1x624x112xf32, #tpu.memory_space<hbm>>
      %dma_wait3A_61 = tpu.memref_squeeze %dma_wait3A_60 : memref<1x624x112xf32, #tpu.memory_space<hbm>> -> memref<624x112xf32, #tpu.memory_space<hbm>>
      %dma_wait3A_62 = arith.constant 0 : i32
      %dma_wait3A_63 = tpu.memref_slice %arg7[%mul3A_48, %dma_wait3A_62] : memref<10000x112xf32, #tpu.memory_space<vmem_shared>> -> memref<624x112xf32, #tpu.memory_space<vmem_shared>>
      tpu.wait_dma2 semaphore(%run_scoped3A : memref<!tpu.dma_semaphore, #tpu.memory_space<semaphore_mem>>) src(%dma_wait3A_63 : memref<624x112xf32, #tpu.memory_space<vmem_shared>>) dst(%dma_wait3A_61 : memref<624x112xf32, #tpu.memory_space<hbm>>)
      tpu.yield
    }) : () -> ()
    %eq3A_49 = arith.constant 15 : i32
    %eq3A_50 = arith.cmpi eq, %arg1, %eq3A_49 : i32
    %convert_element_type3A_51 = arith.extui %eq3A_50 : i1 to i32
    %cond3A_52 = arith.constant 0 : i32
    %cond3A_53 = arith.cmpi ne, %convert_element_type3A_51, %cond3A_52 : i32
    scf.if %cond3A_53 {
      "tpu.region"() ({
        %run_scoped3A = tpu.sem_alloc : memref<!tpu.dma_semaphore, #tpu.memory_space<semaphore_mem>>
        %dma_start3A_54 = arith.constant 9984 : i32
        %dma_start3A_55 = arith.constant 0 : i32
        %dma_start3A_56 = tpu.memref_slice %arg6[%arg0, %dma_start3A_54, %dma_start3A_55] : memref<2x10000x112xf32, #tpu.memory_space<hbm>> -> memref<1x16x112xf32, #tpu.memory_space<hbm>>
        %dma_start3A_57 = tpu.memref_squeeze %dma_start3A_56 : memref<1x16x112xf32, #tpu.memory_space<hbm>> -> memref<16x112xf32, #tpu.memory_space<hbm>>
        %dma_start3A_58 = arith.constant 9984 : i32
        %dma_start3A_59 = arith.constant 0 : i32
        %dma_start3A_60 = tpu.memref_slice %arg7[%dma_start3A_58, %dma_start3A_59] : memref<10000x112xf32, #tpu.memory_space<vmem_shared>> -> memref<16x112xf32, #tpu.memory_space<vmem_shared>>
        tpu.enqueue_dma source(%dma_start3A_60 : memref<16x112xf32, #tpu.memory_space<vmem_shared>>) target(%dma_start3A_57 : memref<16x112xf32, #tpu.memory_space<hbm>>) target_semaphore(%run_scoped3A : memref<!tpu.dma_semaphore, #tpu.memory_space<semaphore_mem>>)
        %dma_wait3A_61 = arith.constant 9984 : i32
        %dma_wait3A_62 = arith.constant 0 : i32
        %dma_wait3A_63 = tpu.memref_slice %arg6[%arg0, %dma_wait3A_61, %dma_wait3A_62] : memref<2x10000x112xf32, #tpu.memory_space<hbm>> -> memref<1x16x112xf32, #tpu.memory_space<hbm>>
        %dma_wait3A_64 = tpu.memref_squeeze %dma_wait3A_63 : memref<1x16x112xf32, #tpu.memory_space<hbm>> -> memref<16x112xf32, #tpu.memory_space<hbm>>
        %dma_wait3A_65 = arith.constant 9984 : i32
        %dma_wait3A_66 = arith.constant 0 : i32
        %dma_wait3A_67 = tpu.memref_slice %arg7[%dma_wait3A_65, %dma_wait3A_66] : memref<10000x112xf32, #tpu.memory_space<vmem_shared>> -> memref<16x112xf32, #tpu.memory_space<vmem_shared>>
        tpu.wait_dma2 semaphore(%run_scoped3A : memref<!tpu.dma_semaphore, #tpu.memory_space<semaphore_mem>>) src(%dma_wait3A_67 : memref<16x112xf32, #tpu.memory_space<vmem_shared>>) dst(%dma_wait3A_64 : memref<16x112xf32, #tpu.memory_space<hbm>>)
        tpu.yield
      }) : () -> ()
    } else {
    }
    return
  }
}

module attributes {stable_mosaic.version = 14 : i64} {
  func.func @body(%arg0: i32, %arg1: memref<1000x128xf32, #tpu.memory_space<vmem>>, %arg2: memref<128x128xf32, #tpu.memory_space<vmem>>, %arg3: memref<1x8x16xf32, #tpu.memory_space<vmem>>, %arg4: memref<1x8x16xf32, #tpu.memory_space<vmem>>, %arg5: memref<1000x144xf32, #tpu.memory_space<vmem>>, %arg6: memref<1000x16xf32, #tpu.memory_space<vmem>>) attributes {dimension_semantics = [#tpu.dimension_semantics<arbitrary>], iteration_bounds = array<i64: 10>, scalar_prefetch = 0 : i64, scratch_operands = 0 : i64, tpu.core_type = #tpu.core_type<tc>, window_params = [{transform_indices = @transform_0, window_bounds = array<i64: 1000, 128>}, {pipeline_mode = #tpu.pipeline_mode<synchronous>, transform_indices = @transform_1, window_bounds = array<i64: 128, 128>}, {pipeline_mode = #tpu.pipeline_mode<synchronous>, transform_indices = @transform_2, window_bounds = array<i64: 1, 8, 16>}, {pipeline_mode = #tpu.pipeline_mode<synchronous>, transform_indices = @transform_3, window_bounds = array<i64: 1, 8, 16>}, {transform_indices = @transform_4, window_bounds = array<i64: 1000, 144>}, {transform_indices = @transform_5, window_bounds = array<i64: 1000, 16>}]} {
    %get3A = arith.constant 0 : index
    %get3A_0 = arith.constant 0 : index
    %get3A_1 = vector.load %arg1[%get3A, %get3A_0] : memref<1000x128xf32, #tpu.memory_space<vmem>>, vector<1000x128xf32>
    %get3A_2 = arith.constant 0 : index
    %get3A_3 = arith.constant 0 : index
    %get3A_4 = vector.load %arg2[%get3A_2, %get3A_3] : memref<128x128xf32, #tpu.memory_space<vmem>>, vector<128x128xf32>
    %dot_general3A = arith.constant dense<0.000000e+00> : vector<1000x128xf32>
    %dot_general3A_5 = tpu.matmul %get3A_1, %get3A_4, %dot_general3A {dimension_numbers = #tpu.dot_dimension_numbers<[1], [0], [0], [1], [0, 0, 1, 1], [], []>, transpose_lhs_hint = false} : vector<1000x128xf32>, vector<128x128xf32>, vector<1000x128xf32> -> vector<1000x128xf32>
    %reshape3A = vector.shape_cast %dot_general3A_5 : vector<1000x128xf32> to vector<1000x8x16xf32>
    %get3A_6 = arith.constant 0 : index
    %get3A_7 = arith.constant 0 : index
    %get3A_8 = arith.constant 0 : index
    %get3A_9 = vector.load %arg3[%get3A_6, %get3A_7, %get3A_8] : memref<1x8x16xf32, #tpu.memory_space<vmem>>, vector<1x8x16xf32>
    %mul3A = vector.broadcast %get3A_9 : vector<1x8x16xf32> to vector<1000x8x16xf32>
    %mul3A_10 = arith.mulf %reshape3A, %mul3A : vector<1000x8x16xf32>
    %reduce_sum3A = arith.constant dense<0.000000e+00> : vector<1000x8xf32>
    %reduce_sum3A_11 = vector.multi_reduction <add>, %mul3A_10, %reduce_sum3A [2] : vector<1000x8x16xf32> to vector<1000x8xf32>
    %get3A_12 = arith.constant 0 : index
    %get3A_13 = arith.constant 0 : index
    %get3A_14 = arith.constant 0 : index
    %get3A_15 = vector.load %arg4[%get3A_12, %get3A_13, %get3A_14] : memref<1x8x16xf32, #tpu.memory_space<vmem>>, vector<1x8x16xf32>
    %mul3A_16 = vector.broadcast %get3A_15 : vector<1x8x16xf32> to vector<1000x8x16xf32>
    %mul3A_17 = arith.mulf %reshape3A, %mul3A_16 : vector<1000x8x16xf32>
    %reduce_sum3A_18 = arith.constant dense<0.000000e+00> : vector<1000x8xf32>
    %reduce_sum3A_19 = vector.multi_reduction <add>, %mul3A_17, %reduce_sum3A_18 [2] : vector<1000x8x16xf32> to vector<1000x8xf32>
    %broadcast_in_dim3A = arith.constant 0.000000e+00 : f32
    %broadcast_in_dim3A_20 = vector.broadcast %broadcast_in_dim3A : f32 to vector<1000x8xf32>
    %concatenate3A = tpu.concatenate %dot_general3A_5, %reduce_sum3A_11, %broadcast_in_dim3A_20 in 1 : vector<1000x128xf32>, vector<1000x8xf32>, vector<1000x8xf32> -> vector<1000x144xf32>
    %swap3A = arith.constant 0 : index
    %swap3A_21 = arith.constant 0 : index
    %swap3A_22 = vector.load %arg5[%swap3A, %swap3A_21] : memref<1000x144xf32, #tpu.memory_space<vmem>>, vector<1000x144xf32>
    tpu.vector_store %arg5[%swap3A, %swap3A_21], %concatenate3A {strides = array<i32>} : memref<1000x144xf32, #tpu.memory_space<vmem>>, vector<1000x144xf32>,
    %concatenate3A_23 = tpu.concatenate %reduce_sum3A_19, %broadcast_in_dim3A_20 in 1 : vector<1000x8xf32>, vector<1000x8xf32> -> vector<1000x16xf32>
    %swap3A_24 = arith.constant 0 : index
    %swap3A_25 = arith.constant 0 : index
    %swap3A_26 = vector.load %arg6[%swap3A_24, %swap3A_25] : memref<1000x16xf32, #tpu.memory_space<vmem>>, vector<1000x16xf32>
    tpu.vector_store %arg6[%swap3A_24, %swap3A_25], %concatenate3A_23 {strides = array<i32>} : memref<1000x16xf32, #tpu.memory_space<vmem>>, vector<1000x16xf32>,
    return
  }
  func.func @transform_0(%arg0: i32) -> (i32, i32) {
    %c0_i32 = arith.constant 0 : i32
    %c0_i32_0 = arith.constant 0 : i32
    return %arg0, %c0_i32 : i32, i32
  }
  func.func @transform_1(%arg0: i32) -> (i32, i32) {
    %c0_i32 = arith.constant 0 : i32
    %c0_i32_0 = arith.constant 0 : i32
    %c0_i32_1 = arith.constant 0 : i32
    return %c0_i32, %c0_i32_0 : i32, i32
  }
  func.func @transform_2(%arg0: i32) -> (i32, i32, i32) {
    %c0_i32 = arith.constant 0 : i32
    %c0_i32_0 = arith.constant 0 : i32
    %c0_i32_1 = arith.constant 0 : i32
    %c0_i32_2 = arith.constant 0 : i32
    return %c0_i32, %c0_i32_0, %c0_i32_1 : i32, i32, i32
  }
  func.func @transform_3(%arg0: i32) -> (i32, i32, i32) {
    %c0_i32 = arith.constant 0 : i32
    %c0_i32_0 = arith.constant 0 : i32
    %c0_i32_1 = arith.constant 0 : i32
    %c0_i32_2 = arith.constant 0 : i32
    return %c0_i32, %c0_i32_0, %c0_i32_1 : i32, i32, i32
  }
  func.func @transform_4(%arg0: i32) -> (i32, i32) {
    %c0_i32 = arith.constant 0 : i32
    %c0_i32_0 = arith.constant 0 : i32
    return %arg0, %c0_i32 : i32, i32
  }
  func.func @transform_5(%arg0: i32) -> (i32, i32) {
    %c0_i32 = arith.constant 0 : i32
    %c0_i32_0 = arith.constant 0 : i32
    return %arg0, %c0_i32 : i32, i32
  }
}

module attributes {stable_mosaic.version = 14 : i64} {
  func.func @body(%arg0: i32, %arg1: memref<2x1000x144xf32, #tpu.memory_space<vmem>>, %arg2: memref<1000x144xf32, #tpu.memory_space<vmem>>, %arg3: memref<1000x16xf32, #tpu.memory_space<vmem>>, %arg4: memref<1x128xf32, #tpu.memory_space<vmem>>, %arg5: memref<1000x128xf32, #tpu.memory_space<vmem>>) attributes {dimension_semantics = [#tpu.dimension_semantics<arbitrary>], iteration_bounds = array<i64: 10>, scalar_prefetch = 0 : i64, scratch_operands = 0 : i64, tpu.core_type = #tpu.core_type<tc>, window_params = [{transform_indices = @transform_0, window_bounds = array<i64: 2, 1000, 144>}, {transform_indices = @transform_1, window_bounds = array<i64: 1000, 144>}, {transform_indices = @transform_2, window_bounds = array<i64: 1000, 16>}, {pipeline_mode = #tpu.pipeline_mode<synchronous>, transform_indices = @transform_3, window_bounds = array<i64: 1, 128>}, {transform_indices = @transform_4, window_bounds = array<i64: 1000, 128>}]} {
    %get3A = arith.constant 0 : index
    %get3A_0 = arith.constant 0 : index
    %get3A_1 = arith.constant 0 : index
    %get3A_2 = vector.load %arg1[%get3A, %get3A_0, %get3A_1] : memref<2x1000x144xf32, #tpu.memory_space<vmem>>, vector<1x1000x144xf32>
    %get3A_3 = vector.shape_cast %get3A_2 : vector<1x1000x144xf32> to vector<1000x144xf32>
    %get3A_4 = arith.constant 1 : index
    %get3A_5 = arith.constant 0 : index
    %get3A_6 = arith.constant 0 : index
    %get3A_7 = vector.load %arg1[%get3A_4, %get3A_5, %get3A_6] : memref<2x1000x144xf32, #tpu.memory_space<vmem>>, vector<1x1000x144xf32>
    %get3A_8 = vector.shape_cast %get3A_7 : vector<1x1000x144xf32> to vector<1000x144xf32>
    %add3A = arith.addf %get3A_3, %get3A_8 : vector<1000x144xf32>
    %get3A_9 = arith.constant 0 : index
    %get3A_10 = arith.constant 0 : index
    %get3A_11 = vector.load %arg2[%get3A_9, %get3A_10] : memref<1000x144xf32, #tpu.memory_space<vmem>>, vector<1000x128xf32>
    %get3A_12 = arith.constant 0 : index
    %get3A_13 = arith.constant 128 : index
    %get3A_14 = vector.load %arg2[%get3A_12, %get3A_13] : memref<1000x144xf32, #tpu.memory_space<vmem>>, vector<1000x8xf32>
    %get3A_15 = arith.constant 0 : index
    %get3A_16 = arith.constant 0 : index
    %get3A_17 = vector.load %arg3[%get3A_15, %get3A_16] : memref<1000x16xf32, #tpu.memory_space<vmem>>, vector<1000x8xf32>
    %add3A_18 = arith.addf %get3A_14, %get3A_17 : vector<1000x8xf32>
    %ge3A = arith.constant 0.000000e+00 : f32
    %ge3A_19 = vector.broadcast %ge3A : f32 to vector<1000x8xf32>
    %ge3A_20 = arith.cmpf oge, %add3A_18, %ge3A_19 : vector<1000x8xf32>
    %mul3A = arith.constant 2.000000e-01 : f32
    %mul3A_21 = vector.broadcast %mul3A : f32 to vector<1000x8xf32>
    %mul3A_22 = arith.mulf %mul3A_21, %add3A_18 : vector<1000x8xf32>
    %select_n3A = arith.select %ge3A_20, %add3A_18, %mul3A_22 : vector<1000x8xi1>, vector<1000x8xf32>
    %exp3A = math.exp %select_n3A : vector<1000x8xf32>
    %reshape3A = vector.shape_cast %get3A_11 : vector<1000x128xf32> to vector<1000x8x16xf32>
    %slice3A = vector.extract_strided_slice %add3A {offsets = [0, 0], sizes = [1000, 128], strides = [1, 1]} : vector<1000x144xf32> to vector<1000x128xf32>
    %reshape3A_23 = vector.shape_cast %slice3A : vector<1000x128xf32> to vector<1000x8x16xf32>
    %broadcast_in_dim3A = vector.shape_cast %exp3A : vector<1000x8xf32> to vector<1000x8x1xf32>
    %mul3A_24 = vector.broadcast %broadcast_in_dim3A : vector<1000x8x1xf32> to vector<1000x8x16xf32>
    %mul3A_25 = arith.mulf %mul3A_24, %reshape3A : vector<1000x8x16xf32>
    %add3A_26 = arith.addf %reshape3A_23, %mul3A_25 : vector<1000x8x16xf32>
    %slice3A_27 = vector.extract_strided_slice %add3A {offsets = [0, 128], sizes = [1000, 8], strides = [1, 1]} : vector<1000x144xf32> to vector<1000x8xf32>
    %add3A_28 = arith.addf %slice3A_27, %exp3A : vector<1000x8xf32>
    %broadcast_in_dim3A_29 = vector.shape_cast %add3A_28 : vector<1000x8xf32> to vector<1000x8x1xf32>
    %add3A_30 = arith.constant 1.000000e-16 : f32
    %add3A_31 = vector.broadcast %add3A_30 : f32 to vector<1000x8x1xf32>
    %add3A_32 = arith.addf %broadcast_in_dim3A_29, %add3A_31 : vector<1000x8x1xf32>
    %div3A = vector.broadcast %add3A_32 : vector<1000x8x1xf32> to vector<1000x8x16xf32>
    %div3A_33 = arith.divf %add3A_26, %div3A : vector<1000x8x16xf32>
    %reshape3A_34 = vector.shape_cast %div3A_33 : vector<1000x8x16xf32> to vector<1000x128xf32>
    %get3A_35 = arith.constant 0 : index
    %get3A_36 = arith.constant 0 : index
    %get3A_37 = vector.load %arg4[%get3A_35, %get3A_36] : memref<1x128xf32, #tpu.memory_space<vmem>>, vector<1x128xf32>
    %add3A_38 = vector.broadcast %get3A_37 : vector<1x128xf32> to vector<1000x128xf32>
    %add3A_39 = arith.addf %reshape3A_34, %add3A_38 : vector<1000x128xf32>
    %gt3A = arith.constant 0.000000e+00 : f32
    %gt3A_40 = vector.broadcast %gt3A : f32 to vector<1000x128xf32>
    %gt3A_41 = arith.cmpf ogt, %add3A_39, %gt3A_40 : vector<1000x128xf32>
    %exp3A_42 = math.exp %add3A_39 : vector<1000x128xf32>
    %sub3A = arith.constant 1.000000e+00 : f32
    %sub3A_43 = vector.broadcast %sub3A : f32 to vector<1000x128xf32>
    %sub3A_44 = arith.subf %exp3A_42, %sub3A_43 : vector<1000x128xf32>
    %select_n3A_45 = arith.select %gt3A_41, %add3A_39, %sub3A_44 : vector<1000x128xi1>, vector<1000x128xf32>
    %swap3A = arith.constant 0 : index
    %swap3A_46 = arith.constant 0 : index
    %swap3A_47 = vector.load %arg5[%swap3A, %swap3A_46] : memref<1000x128xf32, #tpu.memory_space<vmem>>, vector<1000x128xf32>
    tpu.vector_store %arg5[%swap3A, %swap3A_46], %select_n3A_45 {strides = array<i32>} : memref<1000x128xf32, #tpu.memory_space<vmem>>, vector<1000x128xf32>,
    return
  }
  func.func @transform_0(%arg0: i32) -> (i32, i32, i32) {
    %c0_i32 = arith.constant 0 : i32
    %c0_i32_0 = arith.constant 0 : i32
    %c0_i32_1 = arith.constant 0 : i32
    return %c0_i32, %arg0, %c0_i32_0 : i32, i32, i32
  }
  func.func @transform_1(%arg0: i32) -> (i32, i32) {
    %c0_i32 = arith.constant 0 : i32
    %c0_i32_0 = arith.constant 0 : i32
    return %arg0, %c0_i32 : i32, i32
  }
  func.func @transform_2(%arg0: i32) -> (i32, i32) {
    %c0_i32 = arith.constant 0 : i32
    %c0_i32_0 = arith.constant 0 : i32
    return %arg0, %c0_i32 : i32, i32
  }
  func.func @transform_3(%arg0: i32) -> (i32, i32) {
    %c0_i32 = arith.constant 0 : i32
    %c0_i32_0 = arith.constant 0 : i32
    %c0_i32_1 = arith.constant 0 : i32
    return %c0_i32, %c0_i32_0 : i32, i32
  }
  func.func @transform_4(%arg0: i32) -> (i32, i32) {
    %c0_i32 = arith.constant 0 : i32
    %c0_i32_0 = arith.constant 0 : i32
    return %arg0, %c0_i32 : i32, i32
  }
}

module attributes {stable_mosaic.version = 14 : i64} {
  func.func @body(%arg0: i32, %arg1: memref<1000x128xf32, #tpu.memory_space<vmem>>, %arg2: memref<128x100xf32, #tpu.memory_space<vmem>>, %arg3: memref<128x100xf32, #tpu.memory_space<vmem>>, %arg4: memref<1000x100xf32, #tpu.memory_space<vmem>>, %arg5: memref<1000x100xf32, #tpu.memory_space<vmem>>, %arg6: memref<1x100xf32, #tpu.memory_space<vmem>>, %arg7: memref<1x100xf32, #tpu.memory_space<vmem>>, %arg8: memref<2x1000x112xf32, #tpu.memory_space<vmem>>, %arg9: memref<2x1000x16xf32, #tpu.memory_space<vmem>>) attributes {dimension_semantics = [#tpu.dimension_semantics<arbitrary>], iteration_bounds = array<i64: 10>, scalar_prefetch = 0 : i64, scratch_operands = 0 : i64, tpu.core_type = #tpu.core_type<tc>, window_params = [{transform_indices = @transform_0, window_bounds = array<i64: 1000, 128>}, {pipeline_mode = #tpu.pipeline_mode<synchronous>, transform_indices = @transform_1, window_bounds = array<i64: 128, 100>}, {pipeline_mode = #tpu.pipeline_mode<synchronous>, transform_indices = @transform_2, window_bounds = array<i64: 128, 100>}, {transform_indices = @transform_3, window_bounds = array<i64: 1000, 100>}, {transform_indices = @transform_4, window_bounds = array<i64: 1000, 100>}, {pipeline_mode = #tpu.pipeline_mode<synchronous>, transform_indices = @transform_5, window_bounds = array<i64: 1, 100>}, {pipeline_mode = #tpu.pipeline_mode<synchronous>, transform_indices = @transform_6, window_bounds = array<i64: 1, 100>}, {transform_indices = @transform_7, window_bounds = array<i64: 2, 1000, 112>}, {transform_indices = @transform_8, window_bounds = array<i64: 2, 1000, 16>}]} {
    %get3A = arith.constant 0 : index
    %get3A_0 = arith.constant 0 : index
    %get3A_1 = vector.load %arg1[%get3A, %get3A_0] : memref<1000x128xf32, #tpu.memory_space<vmem>>, vector<1000x128xf32>
    %get3A_2 = arith.constant 0 : index
    %get3A_3 = arith.constant 0 : index
    %get3A_4 = vector.load %arg2[%get3A_2, %get3A_3] : memref<128x100xf32, #tpu.memory_space<vmem>>, vector<128x100xf32>
    %dot_general3A = arith.constant dense<0.000000e+00> : vector<1000x100xf32>
    %dot_general3A_5 = tpu.matmul %get3A_1, %get3A_4, %dot_general3A {dimension_numbers = #tpu.dot_dimension_numbers<[1], [0], [0], [1], [0, 0, 1, 1], [], []>, transpose_lhs_hint = false} : vector<1000x128xf32>, vector<128x100xf32>, vector<1000x100xf32> -> vector<1000x100xf32>
    %get3A_6 = arith.constant 0 : index
    %get3A_7 = arith.constant 0 : index
    %get3A_8 = vector.load %arg4[%get3A_6, %get3A_7] : memref<1000x100xf32, #tpu.memory_space<vmem>>, vector<1000x100xf32>
    %add3A = arith.addf %dot_general3A_5, %get3A_8 : vector<1000x100xf32>
    %get3A_9 = arith.constant 0 : index
    %get3A_10 = arith.constant 0 : index
    %get3A_11 = vector.load %arg1[%get3A_9, %get3A_10] : memref<1000x128xf32, #tpu.memory_space<vmem>>, vector<1000x128xf32>
    %get3A_12 = arith.constant 0 : index
    %get3A_13 = arith.constant 0 : index
    %get3A_14 = vector.load %arg3[%get3A_12, %get3A_13] : memref<128x100xf32, #tpu.memory_space<vmem>>, vector<128x100xf32>
    %dot_general3A_15 = arith.constant dense<0.000000e+00> : vector<1000x100xf32>
    %dot_general3A_16 = tpu.matmul %get3A_11, %get3A_14, %dot_general3A_15 {dimension_numbers = #tpu.dot_dimension_numbers<[1], [0], [0], [1], [0, 0, 1, 1], [], []>, transpose_lhs_hint = false} : vector<1000x128xf32>, vector<128x100xf32>, vector<1000x100xf32> -> vector<1000x100xf32>
    %get3A_17 = arith.constant 0 : index
    %get3A_18 = arith.constant 0 : index
    %get3A_19 = vector.load %arg5[%get3A_17, %get3A_18] : memref<1000x100xf32, #tpu.memory_space<vmem>>, vector<1000x100xf32>
    %add3A_20 = arith.addf %dot_general3A_16, %get3A_19 : vector<1000x100xf32>
    %broadcast_in_dim3A = arith.constant 0.000000e+00 : f32
    %broadcast_in_dim3A_21 = vector.broadcast %broadcast_in_dim3A : f32 to vector<1000x11xf32>
    %get3A_22 = arith.constant 0 : index
    %get3A_23 = arith.constant 0 : index
    %get3A_24 = vector.load %arg6[%get3A_22, %get3A_23] : memref<1x100xf32, #tpu.memory_space<vmem>>, vector<1x100xf32>
    %mul3A = vector.broadcast %get3A_24 : vector<1x100xf32> to vector<1000x100xf32>
    %mul3A_25 = arith.mulf %add3A, %mul3A : vector<1000x100xf32>
    %reduce_sum3A = arith.constant dense<0.000000e+00> : vector<1000xf32>
    %reduce_sum3A_26 = vector.multi_reduction <add>, %mul3A_25, %reduce_sum3A [1] : vector<1000x100xf32> to vector<1000xf32>
    %broadcast_in_dim3A_27 = vector.shape_cast %reduce_sum3A_26 : vector<1000xf32> to vector<1000x1xf32>
    %get3A_28 = arith.constant 0 : index
    %get3A_29 = arith.constant 0 : index
    %get3A_30 = vector.load %arg7[%get3A_28, %get3A_29] : memref<1x100xf32, #tpu.memory_space<vmem>>, vector<1x100xf32>
    %mul3A_31 = vector.broadcast %get3A_30 : vector<1x100xf32> to vector<1000x100xf32>
    %mul3A_32 = arith.mulf %add3A, %mul3A_31 : vector<1000x100xf32>
    %reduce_sum3A_33 = arith.constant dense<0.000000e+00> : vector<1000xf32>
    %reduce_sum3A_34 = vector.multi_reduction <add>, %mul3A_32, %reduce_sum3A_33 [1] : vector<1000x100xf32> to vector<1000xf32>
    %broadcast_in_dim3A_35 = vector.shape_cast %reduce_sum3A_34 : vector<1000xf32> to vector<1000x1xf32>
    %concatenate3A = tpu.concatenate %add3A, %broadcast_in_dim3A_27, %broadcast_in_dim3A_21 in 1 : vector<1000x100xf32>, vector<1000x1xf32>, vector<1000x11xf32> -> vector<1000x112xf32>
    %swap3A = arith.constant 0 : index
    %swap3A_36 = arith.constant 0 : index
    %swap3A_37 = arith.constant 0 : index
    %swap3A_38 = vector.load %arg8[%swap3A, %swap3A_36, %swap3A_37] : memref<2x1000x112xf32, #tpu.memory_space<vmem>>, vector<1x1000x112xf32>
    %swap3A_39 = vector.shape_cast %swap3A_38 : vector<1x1000x112xf32> to vector<1000x112xf32>
    %swap3A_40 = vector.shape_cast %concatenate3A : vector<1000x112xf32> to vector<1x1000x112xf32>
    tpu.vector_store %arg8[%swap3A, %swap3A_36, %swap3A_37], %swap3A_40 {strides = array<i32>} : memref<2x1000x112xf32, #tpu.memory_space<vmem>>, vector<1x1000x112xf32>,
    %broadcast_in_dim3A_41 = vector.shape_cast %broadcast_in_dim3A_35 : vector<1000x1xf32> to vector<1000x1xf32>
    %broadcast_in_dim3A_42 = vector.broadcast %broadcast_in_dim3A_41 : vector<1000x1xf32> to vector<1000x16xf32>
    %swap3A_43 = arith.constant 0 : index
    %swap3A_44 = arith.constant 0 : index
    %swap3A_45 = arith.constant 0 : index
    %swap3A_46 = vector.load %arg9[%swap3A_43, %swap3A_44, %swap3A_45] : memref<2x1000x16xf32, #tpu.memory_space<vmem>>, vector<1x1000x16xf32>
    %swap3A_47 = vector.shape_cast %swap3A_46 : vector<1x1000x16xf32> to vector<1000x16xf32>
    %swap3A_48 = vector.shape_cast %broadcast_in_dim3A_42 : vector<1000x16xf32> to vector<1x1000x16xf32>
    tpu.vector_store %arg9[%swap3A_43, %swap3A_44, %swap3A_45], %swap3A_48 {strides = array<i32>} : memref<2x1000x16xf32, #tpu.memory_space<vmem>>, vector<1x1000x16xf32>,
    %get3A_49 = arith.constant 0 : index
    %get3A_50 = arith.constant 0 : index
    %get3A_51 = vector.load %arg6[%get3A_49, %get3A_50] : memref<1x100xf32, #tpu.memory_space<vmem>>, vector<1x100xf32>
    %mul3A_52 = vector.broadcast %get3A_51 : vector<1x100xf32> to vector<1000x100xf32>
    %mul3A_53 = arith.mulf %add3A_20, %mul3A_52 : vector<1000x100xf32>
    %reduce_sum3A_54 = arith.constant dense<0.000000e+00> : vector<1000xf32>
    %reduce_sum3A_55 = vector.multi_reduction <add>, %mul3A_53, %reduce_sum3A_54 [1] : vector<1000x100xf32> to vector<1000xf32>
    %broadcast_in_dim3A_56 = vector.shape_cast %reduce_sum3A_55 : vector<1000xf32> to vector<1000x1xf32>
    %get3A_57 = arith.constant 0 : index
    %get3A_58 = arith.constant 0 : index
    %get3A_59 = vector.load %arg7[%get3A_57, %get3A_58] : memref<1x100xf32, #tpu.memory_space<vmem>>, vector<1x100xf32>
    %mul3A_60 = vector.broadcast %get3A_59 : vector<1x100xf32> to vector<1000x100xf32>
    %mul3A_61 = arith.mulf %add3A_20, %mul3A_60 : vector<1000x100xf32>
    %reduce_sum3A_62 = arith.constant dense<0.000000e+00> : vector<1000xf32>
    %reduce_sum3A_63 = vector.multi_reduction <add>, %mul3A_61, %reduce_sum3A_62 [1] : vector<1000x100xf32> to vector<1000xf32>
    %broadcast_in_dim3A_64 = vector.shape_cast %reduce_sum3A_63 : vector<1000xf32> to vector<1000x1xf32>
    %concatenate3A_65 = tpu.concatenate %add3A_20, %broadcast_in_dim3A_56, %broadcast_in_dim3A_21 in 1 : vector<1000x100xf32>, vector<1000x1xf32>, vector<1000x11xf32> -> vector<1000x112xf32>
    %swap3A_66 = arith.constant 1 : index
    %swap3A_67 = arith.constant 0 : index
    %swap3A_68 = arith.constant 0 : index
    %swap3A_69 = vector.load %arg8[%swap3A_66, %swap3A_67, %swap3A_68] : memref<2x1000x112xf32, #tpu.memory_space<vmem>>, vector<1x1000x112xf32>
    %swap3A_70 = vector.shape_cast %swap3A_69 : vector<1x1000x112xf32> to vector<1000x112xf32>
    %swap3A_71 = vector.shape_cast %concatenate3A_65 : vector<1000x112xf32> to vector<1x1000x112xf32>
    tpu.vector_store %arg8[%swap3A_66, %swap3A_67, %swap3A_68], %swap3A_71 {strides = array<i32>} : memref<2x1000x112xf32, #tpu.memory_space<vmem>>, vector<1x1000x112xf32>,
    %broadcast_in_dim3A_72 = vector.shape_cast %broadcast_in_dim3A_64 : vector<1000x1xf32> to vector<1000x1xf32>
    %broadcast_in_dim3A_73 = vector.broadcast %broadcast_in_dim3A_72 : vector<1000x1xf32> to vector<1000x16xf32>
    %swap3A_74 = arith.constant 1 : index
    %swap3A_75 = arith.constant 0 : index
    %swap3A_76 = arith.constant 0 : index
    %swap3A_77 = vector.load %arg9[%swap3A_74, %swap3A_75, %swap3A_76] : memref<2x1000x16xf32, #tpu.memory_space<vmem>>, vector<1x1000x16xf32>
    %swap3A_78 = vector.shape_cast %swap3A_77 : vector<1x1000x16xf32> to vector<1000x16xf32>
    %swap3A_79 = vector.shape_cast %broadcast_in_dim3A_73 : vector<1000x16xf32> to vector<1x1000x16xf32>
    tpu.vector_store %arg9[%swap3A_74, %swap3A_75, %swap3A_76], %swap3A_79 {strides = array<i32>} : memref<2x1000x16xf32, #tpu.memory_space<vmem>>, vector<1x1000x16xf32>,
    return
  }
  func.func @transform_0(%arg0: i32) -> (i32, i32) {
    %c0_i32 = arith.constant 0 : i32
    %c0_i32_0 = arith.constant 0 : i32
    return %arg0, %c0_i32 : i32, i32
  }
  func.func @transform_1(%arg0: i32) -> (i32, i32) {
    %c0_i32 = arith.constant 0 : i32
    %c0_i32_0 = arith.constant 0 : i32
    %c0_i32_1 = arith.constant 0 : i32
    return %c0_i32, %c0_i32_0 : i32, i32
  }
  func.func @transform_2(%arg0: i32) -> (i32, i32) {
    %c0_i32 = arith.constant 0 : i32
    %c0_i32_0 = arith.constant 0 : i32
    %c0_i32_1 = arith.constant 0 : i32
    return %c0_i32, %c0_i32_0 : i32, i32
  }
  func.func @transform_3(%arg0: i32) -> (i32, i32) {
    %c0_i32 = arith.constant 0 : i32
    %c0_i32_0 = arith.constant 0 : i32
    return %arg0, %c0_i32 : i32, i32
  }
  func.func @transform_4(%arg0: i32) -> (i32, i32) {
    %c0_i32 = arith.constant 0 : i32
    %c0_i32_0 = arith.constant 0 : i32
    return %arg0, %c0_i32 : i32, i32
  }
  func.func @transform_5(%arg0: i32) -> (i32, i32) {
    %c0_i32 = arith.constant 0 : i32
    %c0_i32_0 = arith.constant 0 : i32
    %c0_i32_1 = arith.constant 0 : i32
    return %c0_i32, %c0_i32_0 : i32, i32
  }
  func.func @transform_6(%arg0: i32) -> (i32, i32) {
    %c0_i32 = arith.constant 0 : i32
    %c0_i32_0 = arith.constant 0 : i32
    %c0_i32_1 = arith.constant 0 : i32
    return %c0_i32, %c0_i32_0 : i32, i32
  }
  func.func @transform_7(%arg0: i32) -> (i32, i32, i32) {
    %c0_i32 = arith.constant 0 : i32
    %c0_i32_0 = arith.constant 0 : i32
    %c0_i32_1 = arith.constant 0 : i32
    return %c0_i32, %arg0, %c0_i32_0 : i32, i32, i32
  }
  func.func @transform_8(%arg0: i32) -> (i32, i32, i32) {
    %c0_i32 = arith.constant 0 : i32
    %c0_i32_0 = arith.constant 0 : i32
    %c0_i32_1 = arith.constant 0 : i32
    return %c0_i32, %arg0, %c0_i32_0 : i32, i32, i32
  }
}

module attributes {stable_mosaic.version = 14 : i64} {
  func.func @body(%arg0: i32, %arg1: memref<2x1000x112xf32, #tpu.memory_space<vmem>>, %arg2: memref<2x1000x112xf32, #tpu.memory_space<vmem>>, %arg3: memref<2x1000x16xf32, #tpu.memory_space<vmem>>, %arg4: memref<1x100xf32, #tpu.memory_space<vmem>>, %arg5: memref<2x1000x100xf32, #tpu.memory_space<vmem>>) attributes {dimension_semantics = [#tpu.dimension_semantics<arbitrary>], iteration_bounds = array<i64: 10>, scalar_prefetch = 0 : i64, scratch_operands = 0 : i64, tpu.core_type = #tpu.core_type<tc>, window_params = [{transform_indices = @transform_0, window_bounds = array<i64: 2, 1000, 112>}, {transform_indices = @transform_1, window_bounds = array<i64: 2, 1000, 112>}, {transform_indices = @transform_2, window_bounds = array<i64: 2, 1000, 16>}, {pipeline_mode = #tpu.pipeline_mode<synchronous>, transform_indices = @transform_3, window_bounds = array<i64: 1, 100>}, {transform_indices = @transform_4, window_bounds = array<i64: 2, 1000, 100>}]} {
    %get3A = arith.constant 0 : index
    %get3A_0 = arith.constant 0 : index
    %get3A_1 = arith.constant 0 : index
    %get3A_2 = vector.load %arg2[%get3A, %get3A_0, %get3A_1] : memref<2x1000x112xf32, #tpu.memory_space<vmem>>, vector<1x1000x100xf32>
    %get3A_3 = vector.shape_cast %get3A_2 : vector<1x1000x100xf32> to vector<1000x100xf32>
    %get3A_4 = arith.constant 0 : index
    %get3A_5 = arith.constant 0 : index
    %get3A_6 = arith.constant 100 : index
    %get3A_7 = vector.load %arg2[%get3A_4, %get3A_5, %get3A_6] : memref<2x1000x112xf32, #tpu.memory_space<vmem>>, vector<1x1000x1xf32>
    %get3A_8 = vector.shape_cast %get3A_7 : vector<1x1000x1xf32> to vector<1000x1xf32>
    %get3A_9 = arith.constant 0 : index
    %get3A_10 = arith.constant 0 : index
    %get3A_11 = arith.constant 0 : index
    %get3A_12 = vector.load %arg3[%get3A_9, %get3A_10, %get3A_11] : memref<2x1000x16xf32, #tpu.memory_space<vmem>>, vector<1x1000x1xf32>
    %get3A_13 = vector.shape_cast %get3A_12 : vector<1x1000x1xf32> to vector<1000x1xf32>
    %add3A = arith.addf %get3A_8, %get3A_13 : vector<1000x1xf32>
    %ge3A = arith.constant 0.000000e+00 : f32
    %ge3A_14 = vector.broadcast %ge3A : f32 to vector<1000x1xf32>
    %ge3A_15 = arith.cmpf oge, %add3A, %ge3A_14 : vector<1000x1xf32>
    %mul3A = arith.constant 2.000000e-01 : f32
    %mul3A_16 = vector.broadcast %mul3A : f32 to vector<1000x1xf32>
    %mul3A_17 = arith.mulf %mul3A_16, %add3A : vector<1000x1xf32>
    %select_n3A = arith.select %ge3A_15, %add3A, %mul3A_17 : vector<1000x1xi1>, vector<1000x1xf32>
    %exp3A = math.exp %select_n3A : vector<1000x1xf32>
    %get3A_18 = arith.constant 0 : index
    %get3A_19 = arith.constant 0 : index
    %get3A_20 = arith.constant 0 : index
    %get3A_21 = vector.load %arg1[%get3A_18, %get3A_19, %get3A_20] : memref<2x1000x112xf32, #tpu.memory_space<vmem>>, vector<1x1000x100xf32>
    %get3A_22 = vector.shape_cast %get3A_21 : vector<1x1000x100xf32> to vector<1000x100xf32>
    %mul3A_23 = vector.broadcast %exp3A : vector<1000x1xf32> to vector<1000x100xf32>
    %mul3A_24 = arith.mulf %mul3A_23, %get3A_3 : vector<1000x100xf32>
    %add3A_25 = arith.addf %get3A_22, %mul3A_24 : vector<1000x100xf32>
    %get3A_26 = arith.constant 0 : index
    %get3A_27 = arith.constant 0 : index
    %get3A_28 = arith.constant 100 : index
    %get3A_29 = vector.load %arg1[%get3A_26, %get3A_27, %get3A_28] : memref<2x1000x112xf32, #tpu.memory_space<vmem>>, vector<1x1000x1xf32>
    %get3A_30 = vector.shape_cast %get3A_29 : vector<1x1000x1xf32> to vector<1000x1xf32>
    %add3A_31 = arith.addf %get3A_30, %exp3A : vector<1000x1xf32>
    %add3A_32 = arith.constant 1.000000e-16 : f32
    %add3A_33 = vector.broadcast %add3A_32 : f32 to vector<1000x1xf32>
    %add3A_34 = arith.addf %add3A_31, %add3A_33 : vector<1000x1xf32>
    %div3A = vector.broadcast %add3A_34 : vector<1000x1xf32> to vector<1000x100xf32>
    %div3A_35 = arith.divf %add3A_25, %div3A : vector<1000x100xf32>
    %get3A_36 = arith.constant 0 : index
    %get3A_37 = arith.constant 0 : index
    %get3A_38 = vector.load %arg4[%get3A_36, %get3A_37] : memref<1x100xf32, #tpu.memory_space<vmem>>, vector<1x100xf32>
    %add3A_39 = vector.broadcast %get3A_38 : vector<1x100xf32> to vector<1000x100xf32>
    %add3A_40 = arith.addf %div3A_35, %add3A_39 : vector<1000x100xf32>
    %swap3A = arith.constant 0 : index
    %swap3A_41 = arith.constant 0 : index
    %swap3A_42 = arith.constant 0 : index
    %swap3A_43 = vector.load %arg5[%swap3A, %swap3A_41, %swap3A_42] : memref<2x1000x100xf32, #tpu.memory_space<vmem>>, vector<1x1000x100xf32>
    %swap3A_44 = vector.shape_cast %swap3A_43 : vector<1x1000x100xf32> to vector<1000x100xf32>
    %swap3A_45 = vector.shape_cast %add3A_40 : vector<1000x100xf32> to vector<1x1000x100xf32>
    tpu.vector_store %arg5[%swap3A, %swap3A_41, %swap3A_42], %swap3A_45 {strides = array<i32>} : memref<2x1000x100xf32, #tpu.memory_space<vmem>>, vector<1x1000x100xf32>,
    %get3A_46 = arith.constant 1 : index
    %get3A_47 = arith.constant 0 : index
    %get3A_48 = arith.constant 0 : index
    %get3A_49 = vector.load %arg2[%get3A_46, %get3A_47, %get3A_48] : memref<2x1000x112xf32, #tpu.memory_space<vmem>>, vector<1x1000x100xf32>
    %get3A_50 = vector.shape_cast %get3A_49 : vector<1x1000x100xf32> to vector<1000x100xf32>
    %get3A_51 = arith.constant 1 : index
    %get3A_52 = arith.constant 0 : index
    %get3A_53 = arith.constant 100 : index
    %get3A_54 = vector.load %arg2[%get3A_51, %get3A_52, %get3A_53] : memref<2x1000x112xf32, #tpu.memory_space<vmem>>, vector<1x1000x1xf32>
    %get3A_55 = vector.shape_cast %get3A_54 : vector<1x1000x1xf32> to vector<1000x1xf32>
    %get3A_56 = arith.constant 1 : index
    %get3A_57 = arith.constant 0 : index
    %get3A_58 = arith.constant 0 : index
    %get3A_59 = vector.load %arg3[%get3A_56, %get3A_57, %get3A_58] : memref<2x1000x16xf32, #tpu.memory_space<vmem>>, vector<1x1000x1xf32>
    %get3A_60 = vector.shape_cast %get3A_59 : vector<1x1000x1xf32> to vector<1000x1xf32>
    %add3A_61 = arith.addf %get3A_55, %get3A_60 : vector<1000x1xf32>
    %ge3A_62 = arith.constant 0.000000e+00 : f32
    %ge3A_63 = vector.broadcast %ge3A_62 : f32 to vector<1000x1xf32>
    %ge3A_64 = arith.cmpf oge, %add3A_61, %ge3A_63 : vector<1000x1xf32>
    %mul3A_65 = arith.constant 2.000000e-01 : f32
    %mul3A_66 = vector.broadcast %mul3A_65 : f32 to vector<1000x1xf32>
    %mul3A_67 = arith.mulf %mul3A_66, %add3A_61 : vector<1000x1xf32>
    %select_n3A_68 = arith.select %ge3A_64, %add3A_61, %mul3A_67 : vector<1000x1xi1>, vector<1000x1xf32>
    %exp3A_69 = math.exp %select_n3A_68 : vector<1000x1xf32>
    %get3A_70 = arith.constant 1 : index
    %get3A_71 = arith.constant 0 : index
    %get3A_72 = arith.constant 0 : index
    %get3A_73 = vector.load %arg1[%get3A_70, %get3A_71, %get3A_72] : memref<2x1000x112xf32, #tpu.memory_space<vmem>>, vector<1x1000x100xf32>
    %get3A_74 = vector.shape_cast %get3A_73 : vector<1x1000x100xf32> to vector<1000x100xf32>
    %mul3A_75 = vector.broadcast %exp3A_69 : vector<1000x1xf32> to vector<1000x100xf32>
    %mul3A_76 = arith.mulf %mul3A_75, %get3A_50 : vector<1000x100xf32>
    %add3A_77 = arith.addf %get3A_74, %mul3A_76 : vector<1000x100xf32>
    %get3A_78 = arith.constant 1 : index
    %get3A_79 = arith.constant 0 : index
    %get3A_80 = arith.constant 100 : index
    %get3A_81 = vector.load %arg1[%get3A_78, %get3A_79, %get3A_80] : memref<2x1000x112xf32, #tpu.memory_space<vmem>>, vector<1x1000x1xf32>
    %get3A_82 = vector.shape_cast %get3A_81 : vector<1x1000x1xf32> to vector<1000x1xf32>
    %add3A_83 = arith.addf %get3A_82, %exp3A_69 : vector<1000x1xf32>
    %add3A_84 = arith.constant 1.000000e-16 : f32
    %add3A_85 = vector.broadcast %add3A_84 : f32 to vector<1000x1xf32>
    %add3A_86 = arith.addf %add3A_83, %add3A_85 : vector<1000x1xf32>
    %div3A_87 = vector.broadcast %add3A_86 : vector<1000x1xf32> to vector<1000x100xf32>
    %div3A_88 = arith.divf %add3A_77, %div3A_87 : vector<1000x100xf32>
    %get3A_89 = arith.constant 0 : index
    %get3A_90 = arith.constant 0 : index
    %get3A_91 = vector.load %arg4[%get3A_89, %get3A_90] : memref<1x100xf32, #tpu.memory_space<vmem>>, vector<1x100xf32>
    %add3A_92 = vector.broadcast %get3A_91 : vector<1x100xf32> to vector<1000x100xf32>
    %add3A_93 = arith.addf %div3A_88, %add3A_92 : vector<1000x100xf32>
    %swap3A_94 = arith.constant 1 : index
    %swap3A_95 = arith.constant 0 : index
    %swap3A_96 = arith.constant 0 : index
    %swap3A_97 = vector.load %arg5[%swap3A_94, %swap3A_95, %swap3A_96] : memref<2x1000x100xf32, #tpu.memory_space<vmem>>, vector<1x1000x100xf32>
    %swap3A_98 = vector.shape_cast %swap3A_97 : vector<1x1000x100xf32> to vector<1000x100xf32>
    %swap3A_99 = vector.shape_cast %add3A_93 : vector<1000x100xf32> to vector<1x1000x100xf32>
    tpu.vector_store %arg5[%swap3A_94, %swap3A_95, %swap3A_96], %swap3A_99 {strides = array<i32>} : memref<2x1000x100xf32, #tpu.memory_space<vmem>>, vector<1x1000x100xf32>,
    return
  }
  func.func @transform_0(%arg0: i32) -> (i32, i32, i32) {
    %c0_i32 = arith.constant 0 : i32
    %c0_i32_0 = arith.constant 0 : i32
    %c0_i32_1 = arith.constant 0 : i32
    return %c0_i32, %arg0, %c0_i32_0 : i32, i32, i32
  }
  func.func @transform_1(%arg0: i32) -> (i32, i32, i32) {
    %c0_i32 = arith.constant 0 : i32
    %c0_i32_0 = arith.constant 0 : i32
    %c0_i32_1 = arith.constant 0 : i32
    return %c0_i32, %arg0, %c0_i32_0 : i32, i32, i32
  }
  func.func @transform_2(%arg0: i32) -> (i32, i32, i32) {
    %c0_i32 = arith.constant 0 : i32
    %c0_i32_0 = arith.constant 0 : i32
    %c0_i32_1 = arith.constant 0 : i32
    return %c0_i32, %arg0, %c0_i32_0 : i32, i32, i32
  }
  func.func @transform_3(%arg0: i32) -> (i32, i32) {
    %c0_i32 = arith.constant 0 : i32
    %c0_i32_0 = arith.constant 0 : i32
    %c0_i32_1 = arith.constant 0 : i32
    return %c0_i32, %c0_i32_0 : i32, i32
  }
  func.func @transform_4(%arg0: i32) -> (i32, i32, i32) {
    %c0_i32 = arith.constant 0 : i32
    %c0_i32_0 = arith.constant 0 : i32
    %c0_i32_1 = arith.constant 0 : i32
    return %c0_i32, %arg0, %c0_i32_0 : i32, i32, i32
  }
}

</mosaic_0001>

<sc_bundles>
// kernel: gather_offload_async_start
scs
__scs_entry_jumppad:
0x0: {  	(pc) =	sbr.rel $0x88, $3  }
0x1: {  	(tag) =	ssettag $0x0;
	lr =	simm.s32 $0x1  }
0x2: {  	[smem:$0x3F95] =	sst lr;
	_ =	strace $0xD0000000  }
0x3: {  	_ = 	snop  }
0x4: {  	_ = 	snop  }
0x5: {  	_ = 	snop  }
0x6: {  	_ = 	snop  }
0x7: {  	_ = 	snop  }
__scs_overlays_trampoline_lowered:
0x8: {  	[smem:$0x3FA4] =	sst s0  }
0x9: {  	[smem:$0x3FA5] =	sst s1  }
0xa: {  	[smem:$0x3FA6] =	sst s2  }
0xb: {  	[smem:$0x3FA7] =	sst s3  }
0xc: {  	[smem:$0x3FA8] =	sst s4  }
0xd: {  	[smem:$0x3FA9] =	sst s5  }
0xe: {  	[smem:$0x3FAA] =	sst s6  }
0xf: {  	[smem:$0x3FAB] =	sst s7  }
0x10: {  	[smem:$0x3FAC] =	sst s8  }
0x11: {  	[smem:$0x3FAD] =	sst s9;
	s0 =	simm.s32 @!p0 $0x0  }
0x12: {  	s1 =	sld [smem:$0x3F93];
	s0 =	simm.s32 @p0 $0x1  }
0x13: {  	[smem:$0x3FAE] =	sst s0;
	s0 =	simm.s32 @!p1 $0x0  }
0x14: {  	s2 =	sld [smem:$0x3F92];
	s0 =	simm.s32 @p1 $0x1  }
0x15: {  	[smem:$0x3FAF] =	sst s0;
	s0 =	simm.s32 @!p2 $0x0  }
0x16: {  	s3 =	sld [smem:$0x3FDB];
	s0 =	simm.s32 @p2 $0x1  }
0x17: {  	s4 =	simm.s32 $0x1BF5;
	[smem:$0x3FB1] =	sst s0  }
0x18: {  	s0 =	sld [smem:$0x3F94];
	_ =	swait.ge [sflag:s4], $0x0  }
0x19: {  	s7 =	sld [smem:$0x3F95]  }
0x1a: {  	s8 =	sadd.s32 $0xFFFFE003, lr  }
0x1b: {  	s9 =	sadd.s32 $0xFFFFFEF7, lr;
	s5 =	simm.s32 $0xFFFFFFFF;
	p2 =	slt.u32 s8, $0xFFFFF086  }
0x1c: {  	p1 =	slt.u32 s9, $0xF7A;
	s5 =	simm.s32 @!p2 $0x0  }
0x1d: {  	s5 =	simm.s32 @p1 $0x1;
	p0 =	seq.s32 s7, s2  }
0x1e: {  	s7 =	smul.u32 @!p0 $0xF7A, s2;
	p2 =	seq.s32 @!p0 s5, $0x0  }
0x1f: {  	s9 =	smul.u32 $0xF7A, s1;
	s8 =	simm.s32 @!p0 $0x1BF5;
	p2 =	por !p2, p0  }
0x20: {  	[sflag:s8] =	ssyncset.s32 @!p0 $0xFFFFF086;
	s6 =	sadd.s32 @!p0 s3, s7;
	s7 =	simm.s32 @!p0 $0x108  }
0x21: {  	s3 =	sadd.s32 s3, s9;
	s6 =	sadd.s32 @!p0 $0x88, s6;
	s7 =	simm.s32 @p2 $0x1082  }
0x22: {  	[simem:s7], [sflag:s8] =	dma.local @!p0 [hbm:s6], $0xF7A  }
0x23: {  	s9 =	sor.u32 $0xD0000000, s2;
	s6 =	simm.s32 $0x108;
	_ =	swait.ge @!p0 [sflag:s8], $0x0  }
0x24: {  	s3 =	sadd.s32 $0x88, s3;
	s6 =	simm.s32 @!p1 $0x1082;
	[sflag:s4] =	ssyncset.s32 $0xFFFFF086  }
0x25: {  	[simem:s6], [sflag:s4] =	dma.local [hbm:s3], $0xF7A  }
0x26: {  	[smem:$0x3F95] =	sst s1;
	(tag) =	ssettag s2;
	_ =	strace s9  }
0x27: {  	s1 =	sld [smem:$0x3FA5]  }
0x28: {  	s2 =	sld [smem:$0x3FA6]  }
0x29: {  	s4 =	sld [smem:$0x3FA8]  }
0x2a: {  	p0 =	seq.s32 s5, $0x0;
	s5 =	sld [smem:$0x3FA9]  }
0x2b: {  	s6 =	sld [smem:$0x3FAA]  }
0x2c: {  	s7 =	sld [smem:$0x3FAB]  }
0x2d: {  	s3 =	simm.s32 $0x108;
	s8 =	sld [smem:$0x3FAC]  }
0x2e: {  	s3 =	simm.s32 @!p0 $0x1082;
	s9 =	sld [smem:$0x3FAD]  }
0x2f: {  	lr =	sadd.s32 s0, s3;
	s0 =	sld [smem:$0x3FA4]  }
0x30: {  	s3 =	sld [smem:$0x3FA7]  }
0x31: {  	[smem:$0x3FB0] =	sst s10  }
0x32: {  	s10 =	sld [smem:$0x3FAE];
	_ =	sdelay $0x3  }
0x33: {  	p0 =	seq.s32 s10, $0x1;
	s10 =	sld [smem:$0x3FB0];
	_ =	sdelay $0x3  }
0x34: {  	[smem:$0x3FB0] =	sst s10  }
0x35: {  	s10 =	sld [smem:$0x3FAF];
	_ =	sdelay $0x3  }
0x36: {  	p1 =	seq.s32 s10, $0x1;
	s10 =	sld [smem:$0x3FB0];
	_ =	sdelay $0x3  }
0x37: {  	[smem:$0x3FB0] =	sst s10  }
0x38: {  	s10 =	sld [smem:$0x3FB1]  }
0x39: {  	_ = 	snop;
	(pc) =	sbr.ind lr, $3  }
0x3a: {  	_ = 	snop  }
0x3b: {  	_ = 	snop  }
0x3c: {  	p2 =	seq.s32 s10, $0x1;
	s10 =	sld [smem:$0x3FB0]  }
0x3d: {  	_ =	shalt  }
0x3e: {  	_ =	shalt  }
0x3f: {  	_ =	shalt  }
0x40: {  	_ =	shalt  }
0x41: {  	_ =	shalt  }
0x42: {  	_ =	shalt  }
0x43: {  	_ =	shalt  }
0x44: {  	_ =	shalt  }
0x45: {  	_ =	shalt  }
0x46: {  	_ =	shalt  }
0x47: {  	_ =	shalt  }
0x48: {  	_ =	shalt  }
0x49: {  	_ =	shalt  }
0x4a: {  	_ =	shalt  }
0x4b: {  	_ =	shalt  }
0x4c: {  	_ =	shalt  }
0x4d: {  	_ =	shalt  }
0x4e: {  	_ =	shalt  }
0x4f: {  	_ =	shalt  }
0x50: {  	_ =	shalt  }
0x51: {  	_ =	shalt  }
0x52: {  	_ =	shalt  }
0x53: {  	_ =	shalt  }
0x54: {  	_ =	shalt  }
0x55: {  	_ =	shalt  }
0x56: {  	_ =	shalt  }
0x57: {  	_ =	shalt  }
0x58: {  	_ =	shalt  }
0x59: {  	_ =	shalt  }
0x5a: {  	_ =	shalt  }
0x5b: {  	_ =	shalt  }
0x5c: {  	_ =	shalt  }
0x5d: {  	_ =	shalt  }
0x5e: {  	_ =	shalt  }
0x5f: {  	_ =	shalt  }
0x60: {  	_ =	shalt  }
0x61: {  	_ =	shalt  }
0x62: {  	_ =	shalt  }
0x63: {  	_ =	shalt  }
0x64: {  	_ =	shalt  }
0x65: {  	_ =	shalt  }
0x66: {  	_ =	shalt  }
0x67: {  	_ =	shalt  }
0x68: {  	_ =	shalt  }
0x69: {  	_ =	shalt  }
0x6a: {  	_ =	shalt  }
0x6b: {  	_ =	shalt  }
0x6c: {  	_ =	shalt  }
0x6d: {  	_ =	shalt  }
0x6e: {  	_ =	shalt  }
0x6f: {  	_ =	shalt  }
0x70: {  	_ =	shalt  }
0x71: {  	_ =	shalt  }
0x72: {  	_ =	shalt  }
0x73: {  	_ =	shalt  }
0x74: {  	_ =	shalt  }
0x75: {  	_ =	shalt  }
0x76: {  	_ =	shalt  }
0x77: {  	_ =	shalt  }
0x78: {  	_ =	shalt  }
0x79: {  	_ =	shalt  }
0x7a: {  	_ =	shalt  }
0x7b: {  	_ =	shalt  }
0x7c: {  	_ =	shalt  }
0x7d: {  	_ =	shalt  }
0x7e: {  	_ =	shalt  }
0x7f: {  	_ =	shalt  }
0x80: {  	_ =	shalt  }
0x81: {  	_ =	shalt  }
0x82: {  	_ =	shalt  }
0x83: {  	_ =	shalt  }
0x84: {  	_ =	shalt  }
0x85: {  	_ =	shalt  }
0x86: {  	_ =	shalt  }
0x87: {  	_ =	shalt  }
.Lfunc_end0:
.L_simem_size_0:
called_computation_lowered:
.L_overlay_start_0:
0x88: {  	s0 =	sld [smem:$0x3FD9]  }
0x89: {  	s1 =	sld [smem:$0x3FFE];
	_ =	sdelay $0x3  }
0x8a: {  	s0 =	sadd.s32 s1, s0  }
0x8b: {  	[smem:$0x3FBC] =	sst s0  }
0x8c: {  	_ = 	snop  }
0x8d: {  	(tm) =	ssettm $0x1  }
0x8e: {  	s15 =	sld [smem:$0x3FFB];
	_ =	sdelay $0x3  }
0x8f: {  	_ =	strace s15  }
0x90: {  	s0 =	sld [smem:$0x3FFC];
	_ =	sdelay $0x3  }
0x91: {  	_ =	strace s0  }
0x92: {  	s0 =	sld [smem:$0x3FFD];
	_ =	sdelay $0x3  }
0x93: {  	_ =	strace s0  }
0x94: {  	_ =	strace $0x8FFFFFFF  }
0x95: {  	s16 =	sld [smem:$0x3FDB];
	_ =	sdelay $0x1  }
0x96: {  	s17 =	simm.s32 $_scs_section_size  }
0x97: {  	s2 =	simm.s32 $_size__tile_overlayer_lowered;
	s3 =	simm.s32 $_tile_overlayer_lowered  }
0x98: {  	s20 =	simm.s32 $0x1BFF;
	s19 =	sshll.u32 s3, $0x1;
	s0 =	sadd.s32 s17, s16  }
0x99: {  	s4 =	simm.s32 $0x0;
	s18 =	sshll.u32 s2, $0x1;
	s2 =	sadd.s32 s19, s0  }
0x9a: {  	[timem:s4], [sflag:s20] =	dma.local [hbm:s2], s18  }
0x9b: {  	_ =	swait.ge [sflag:s20], s18  }
0x9c: {  	s1 =	ssub.s32 $0x0, s18;
	[sflag:s20] =	ssyncset.done $0x0  }
0x9d: {  	[sflag:s20] =	ssyncadd.s32 s1;
	_ =	sdelay $0x1  }
0x9e: {  	s21 =	simm.s32 $0x1B8B  }
0x9f: {  	_ =	swait.ge [sflag:s21], $0x1  }
0xa0: {  	[sflag:s21] =	ssyncset.done $0x0  }
0xa1: {  	s23 =	simm.s32 $0x1B8E;
	s22 =	sld [smem:$0x3FFE];
	[sflag:s21] =	ssyncadd.s32 $0xFFFFFFFF  }
0xa2: {  	s24 =	simm.s32 $execute0_lowered;
	[smem:$0x3FD2] =	sst s23  }
0xa3: {  	s2 =	sshll.u32 s24, $0x1;
	_ =	strace $0x80000046;
	[dreg:$0x1] =	wrdreg $0xFFFFFFFF  }
0xa4: {  	s25 =	simm.s32 $_size_execute0_lowered;
	s0 =	sadd.s32 s0, s2;
	[dreg:$0x0] =	wrdreg $0x0  }
0xa5: {  	s2 =	sshll.u32 s25, $0x1;
	[dreg:$0x2] =	wrdreg s0  }
0xa6: {  	[dreg:$0x3] =	wrdreg s2  }
0xa7: {  	[dreg:$0x4] =	wrdreg $0xC0  }
0xa8: {  	_ =	task [dreg:s4], $0x5FFFF  }
0xa9: {  	[dreg:$0x1] =	wrdreg $0xFFFFFFFF  }
0xaa: {  	[dreg:$0x0] =	wrdreg $0x60  }
0xab: {  	[dreg:$0x2] =	wrdreg s22  }
0xac: {  	[dreg:$0x3] =	wrdreg $0x9  }
0xad: {  	_ =	task.clear_ibuf [dreg:s4], $0x4FFFF;
	_ =	strace $0x90000046  }
0xae: {  	s26 =	simm.s32 $0x9;
	_ =	strace $0x80000048  }
0xaf: {  	_ =	swait.ge [sflag:s26], $0x1  }
0xb0: {  	[sflag:s26] =	ssyncadd.s32 $0xFFFFFFFF  }
0xb1: {  	_ =	strace $0x90000048  }
0xb2: {  	_ =	sfence  }
0xb3: {  	s28 =	sld [smem:$0x0];
	_ =	sdelay $0x1  }
0xb4: {  	s29 =	srdreg.scid  }
0xb5: {  	s30 =	sshll.u32 s29, $0xD;
	s31 =	sshrl.u32 s29, $0x2  }
0xb6: {  	s1 =	sand.u32 $0x1, s29;
	s2 =	sand.u32 $0x4000, s30;
	s0 =	sadd.s32 s31, s28  }
0xb7: {  	s1 =	sor.u32 s2, s1;
	s0 =	sshll.u32 s0, $0x11  }
0xb8: {  	s0 =	sor.u32 s0, s1  }
0xb9: {  	s0 =	sadd.s32 $0x8F2B, s0  }
0xba: {  	[sflag:s0] =	ssyncadd.remote.s32 $0x1  }
0xbb: {  	_ =	sfence.sel $0xFFFF  }
0xbc: {  	[dreg:$0x0] =	wrdreg $0xFFFFFFFF;
	(pc) =	sbr.abs _section_cstart, $3  }
0xbd: {  	[dreg:$0x1] =	wrdreg $0xFFFFFFFF  }
0xbe: {  	_ =	task.clear_ibuf [dreg:s4], $0x2FFFF;
	_ =	strace $0x9FFFFFFF  }
0xbf: {  	(tm) =	ssettm $0x7FFFFFFF  }
tec
execute0_lowered:
.L_overlay_start_1:
0x0: {  	(tag) =	ssettag $0x1  }
0x1: {  	s0 =	stileid.u32  }
0x2: {  	s1 =	smin.u32 s0, $0x9  }
0x3: {  	s1 =	sadd.s32 s0, s1  }
0x4: {  	s2 =	simm.s32 $0x190;
	p0 =	slt.u32 s0, $0x9;
	s1 =	smul.u32 $0xC8, s1  }
0x5: {  	s2 =	simm.s32 @!p0 $0xC8  }
0x6: {  	s2 =	sadd.s32 s2, s1  }
0x7: {  	s3 =	smin.u32 s2, $0x1388  }
0x8: {  	s7 =	ssub.s32 s3, s1  }
0x9: {  	p0 =	sgt.s32 s7, $0x0  }
0xa: {  	s7 =	simm.s32 @!p0 $0x0  }
0xb: {  	s31 =	sand.u32 $0xFFF8, s7  }
0xc: {  	s2 =	sshrl.u32 s31, $0x3  }
0xd: {  	s2 =	smul.u32 $0x147B, s2  }
0xe: {  	s9 =	rddreg [dreg:$0x0];
	s6 =	simm.s32 $0x1;
	s11 =	simm.s32 $0x3  }
0xf: {  	s13 =	simm.s32 $0x0;
	s12 =	simm.s32 $0x0;
	s8 =	sshrl.u32 s2, $0x11  }
0x10: {  	s4 =	sadd.s32 $0x1A00, s9;
	s5 =	sadd.s32 $0x1600, s9;
	s10 =	smul.u32 $0xC8, s8  }
.Ltmp0:
0x11: {  	s9 =	sadd.s32 $0x28C00, s9;
	s2 =	rddreg [dreg:$0x1];
	(pc) =	sbr.rel .LBB2_1-.Ltmp0, $4  }
0x12: {  	_ =	strace $0x80000047;
	p0 =	sne.s32 s7, s10;
	s10 =	simm.s32 $0x1  }
0x13: {  	[sflag:s6] =	ssyncpa.u1 $0x0;
	s7 =	simm.s32 $0x2;
	s10 =	simm.s32 @!p0 $0x0  }
0x14: {  	[sflag:s7] =	ssyncpa.u1 $0x0;
	p0 =	por $0x0, $0x0;
	s8 =	sadd.s32 s8, s10  }
0x15: {  	vm0 =	vmmov $0xff;
	vm1 =	vcmask $0x3F20;
	[sflag:s11] =	ssyncpa.u1 $0x0;
	s11 =	smov.u32 s1;
	s10 =	sadd.s32 $0x1, s8  }
.LBB2_6:
0x16: {  	[hbm:s17] =	stream.linear.scatter [tilespmem:s14], [sflag:$0x3], $0x400, $0x38;
	[tilespmem:$0xC990] =	vst v63  }
.LBB2_7:
0x17: {  	s13 =	sadd.s32 $0xC8, s11  }
0x18: {  	s15 =	smov.u32 s1;
	p2 =	slt.s32 s13, s3  }
0x19: {  	s15 =	smov.u32 @p2 s13;
	p2 =	sne.s32 s12, s10  }
.Ltmp1:
0x1a: {  	p1 =	slt.u32 s12, $0x2;
	(pc) =	sbr.rel @!p2 .LBB2_8-.Ltmp1, $4  }
0x1b: {  	s14 =	simm.s32 @!p1 $0x3  }
0x1c: {  	s16 =	sadd.s32 $0x1, s12;
	_ =	swait.ge @!p1 [sflag:s14], $0x6400  }
0x1d: {  	p0 =	por !p0, !p0;
	s13 =	smov.u32 s11;
	[sflag:s14] =	ssyncset.done @!p1 $0x0  }
0x1e: {  	s12 =	smov.u32 s16;
	s11 =	smov.u32 s15;
	[sflag:s14] =	ssyncadd.s32 @!p1 $0xFFFF9C00  }
.LBB2_1:
0x1f: {  	p1 =	sge.u32 s12, s8  }
0x20: {  	s14 =	sxor.u32 @!p1 $0xFFFFFFFF, s12  }
0x21: {  	s14 =	sand.u32 @!p1 $0x1, s14  }
0x22: {  	s14 =	smul.u32 @!p1 $0x320, s14  }
0x23: {  	s31 =	sadd.s32 $0xFFFFFFFF, s12;
	s15 =	sshrl.u32 @!p1 s11, $0x3  }
0x24: {  	s16 =	sand.u32 @!p1 $0x7, s11;
	s15 =	sadd.s32 @!p1 s5, s15;
	s14 =	sshrl.u32 @!p1 s14, $0x2  }
0x25: {  	[tilespmem:s14], [sflag:$0x2] =	stream.linear.gather @!p1 [hbm4b:s15+s16], $0xC8, $0x38;
	[tilespmem:$0xC990] =	vst v63  }
0x26: {  	p1 =	sge.u32 s31, s8  }
.Ltmp2:
0x27: {  	_ = 	snop;
	(pc) =	sbr.rel @p1 .LBB2_7-.Ltmp2, $1  }
0x28: {  	_ =	sdelay $0x3  }
0x29: {  	s14 =	simm.s32 $0x1  }
0x2a: {  	s14 =	simm.s32 @!p0 $0x0  }
0x2b: {  	s15 =	smul.u32 $0x320, s14  }
0x2c: {  	_ =	swait.ge [sflag:s7], $0xC8  }
0x2d: {  	[sflag:s7] =	ssyncset.done $0x0;
	s16 =	sshrl.u32 s15, $0x2  }
0x2e: {  	[sflag:s7] =	ssyncadd.s32 $0xFFFFFF38;
	s15 =	sadd.s32 $0x0, s16  }
0x2f: {  	v0 =	vld.msk [tilespmem:s15+$0x0 ss:$0x1], $0xffff;
	_ =	sdelay $0x4  }
0x30: {  	vm2 =	vgt.s32 v0, $0x0  }
0x31: {  	v0 =	vnsel vm2, $0x0, v0  }
0x32: {  	v0 =	vmin.u32 v0, $0x270F  }
0x33: {  	v0 =	vshll.u32 v0, $0x4  }
0x34: {  	s14 =	smul.u32 $0x19000, s14  }
0x35: {  	s31 =	sand.u32 $0x1, s12  }
0x36: {  	s17 =	smul.u32 $0x320, s31;
	s14 =	sshrl.u32 s14, $0x2  }
0x37: {  	s19 =	smul.u32 $0x19000, s31;
	s14 =	sor.u32 $0x190, s14  }
0x38: {  	[tilespmem:s14], [sflag:$0x1] =	stream.indirect_vreg.gather [hbm:s4], $0x80, v0, vm0, $0x38;
	[tilespmem:$0xC990] =	vst v63  }
0x39: {  	s18 =	sshrl.u32 s17, $0x2;
	s20 =	sadd.s32 $0x10, s16;
	s15 =	sadd.s32 $0x400, s14  }
0x3a: {  	[tilespmem:s15], [sflag:$0x1] =	stream.indirect_vreg.gather [hbm:s4], $0x80, v0, vm1, $0x38;
	[tilespmem:$0xC990] =	vst v63  }
0x3b: {  	s17 =	sshrl.u32 s19, $0x2;
	s19 =	smov.u32 s14;
	v0 =	vld.msk [tilespmem:s20+$0x0 ss:$0x1], $0xffff;
	s20 =	simm.s32 $0x80  }
.LBB2_3:
0x3c: {  	p1 =	sne.s32 s20, $0x2C0;
	_ =	sdelay $0x4  }
0x3d: {  	vm2 =	vgt.s32 v0, $0x0  }
0x3e: {  	v0 =	vnsel vm2, $0x0, v0  }
0x3f: {  	v0 =	vmin.u32 v0, $0x270F  }
0x40: {  	v0 =	vshll.u32 v0, $0x4;
	_ =	sdelay $0x3  }
.Ltmp3:
0x41: {  	s21 =	sshra.s32 s20, $0x2;
	s19 =	sadd.s32 $0x800, s19;
	(pc) =	sbr.rel @p1 .LBB2_3-.Ltmp3, $4  }
0x42: {  	[tilespmem:s19], [sflag:$0x1] =	stream.indirect_vreg.gather [hbm:s4], $0x80, v0, vm0, $0x38;
	[tilespmem:$0xC990] =	vst v63  }
0x43: {  	s21 =	sadd.s32 s21, s16;
	s22 =	sadd.s32 $0x400, s19  }
0x44: {  	[tilespmem:s22], [sflag:$0x1] =	stream.indirect_vreg.gather [hbm:s4], $0x80, v0, vm1, $0x38;
	[tilespmem:$0xC990] =	vst v63  }
0x45: {  	s20 =	sadd.s32 $0x40, s20;
	v0 =	vld.msk [tilespmem:s21+$0x0 ss:$0x1], $0xffff  }
0x46: {  	_ =	sdelay $0x3  }
0x47: {  	vm2 =	vgt.s32 v0, $0x0  }
0x48: {  	v0 =	vnsel vm2, $0x0, v0  }
0x49: {  	v0 =	vmin.u32 v0, $0x270F  }
0x4a: {  	v0 =	vshll.u32 v0, $0x4;
	_ =	sdelay $0x3  }
0x4b: {  	s16 =	sadd.s32 $0x800, s19  }
0x4c: {  	[tilespmem:s16], [sflag:$0x1] =	stream.indirect_vreg.gather [hbm:s4], $0x80, v0, vm0, $0x38;
	[tilespmem:$0xC990] =	vst v63  }
0x4d: {  	s16 =	sadd.s32 $0x400, s16  }
0x4e: {  	[tilespmem:s16], [sflag:$0x1] =	stream.indirect_vreg.gather [hbm:s4], $0x80, v0, vm1, $0x38;
	[tilespmem:$0xC990] =	vst v63  }
0x4f: {  	v0 =	vld.msk [tilespmem:s18+$0xC0 ss:$0x1], $0xff;
	_ =	sdelay $0x4  }
0x50: {  	vm2 =	vgt.s32 v0, $0x0  }
0x51: {  	v0 =	vnsel vm2, $0x0, v0  }
0x52: {  	v0 =	vmin.u32 v0, $0x270F  }
0x53: {  	v0 =	vshll.u32 v0, $0x4;
	_ =	sdelay $0x3  }
0x54: {  	s31 =	sadd.s32 $0x6190, s17  }
0x55: {  	[tilespmem:s31], [sflag:$0x1] =	stream.indirect_vreg.gather [hbm:s4], $0x80, v0, vm0, $0x38;
	[tilespmem:$0xC990] =	vst v63  }
0x56: {  	s13 =	sshll.u32 s13, $0x4;
	_ =	swait.ge [sflag:s6], $0x6400  }
0x57: {  	s13 =	sadd.s32 s13, s9;
	[sflag:s6] =	ssyncset.done $0x0  }
0x58: {  	s17 =	sadd.s32 $0x0, s13;
	s16 =	simm.s32 $0x80;
	[sflag:s6] =	ssyncadd.s32 $0xFFFF9C00  }
.LBB2_5:
0x59: {  	[hbm:s17] =	stream.linear.scatter [tilespmem:s14], [sflag:$0x3], $0x400, $0x38;
	[tilespmem:$0xC990] =	vst v63  }
0x5a: {  	s17 =	smov.u32 s16;
	s14 =	smov.u32 s15;
	p1 =	sne.s32 s16, $0xC00  }
.Ltmp4:
0x5b: {  	s16 =	sadd.s32 $0x80, s16;
	(pc) =	sbr.rel @p1 .LBB2_5-.Ltmp4, $2  }
0x5c: {  	_ =	sdelay $0x2  }
0x5d: {  	s15 =	sadd.s32 $0x400, s15;
	s17 =	sadd.s32 s17, s13  }
.Ltmp5:
0x5e: {  	_ = 	snop;
	(pc) =	sbr.rel .LBB2_6-.Ltmp5, $1  }
0x5f: {  	_ =	sdelay $0x3  }
.LBB2_8:
0x60: {  	_ =	sfence.sel $0x180000  }
0x61: {  	s1 =	simm.s32 $0x2;
	[bflag:$0x0] =	sbarrier.arrive $0xFFFF  }
0x62: {  	s30 =	simm.s32 $0x3;
	[sflag:s1] =	ssyncpa.u1 $0x1  }
0x63: {  	s31 =	simm.s32 $0x1;
	[sflag:s30] =	ssyncpa.u1 $0x1  }
0x64: {  	[sflag:s31] =	ssyncpa.u1 $0x1  }
0x65: {  	p0 =	sne.s32 s0, $0x0;
	_ =	strace $0x90000047  }
0x66: {  	s0 =	sadd.s32 @!p0 $0x100000, s2;
	[bflag:$0x2] =	sbarrier.arrive $0xFFFF  }
0x67: {  	[sflag:s0] =	ssyncadd.tile.s32 @!p0 $0x1;
	_ =	shalt  }
.Lfunc_end2:
_tile_overlayer_lowered:
.L_overlay_start_2:
0x68: {  	(tag) =	ssettag $0x2  }
0x69: {  	s0 =	rddreg [dreg:$0x0];
	s2 =	stileid.u32  }
0x6a: {  	s1 =	rddreg [dreg:$0x1];
	p0 =	sne.s32 s2, $0x0  }
0x6b: {  	s3 =	rddreg [dreg:$0x2];
	[bflag:$0x3] =	sbarrier.arrive $0xFFFF;
	s2 =	simm.s32 @!p0 $0x1C01  }
0x6c: {  	[timem:s3], [sflag:s2] =	dma.local @!p0 [hbm:s0], s1  }
0x6d: {  	s0 =	simm.s32 @!p0 $0x1  }
0x6e: {  	_ =	swait.ge @!p0 [sflag:s0], s1  }
0x6f: {  	s1 =	ssub.s32 @!p0 $0x0, s1;
	[sflag:s0] =	ssyncset.done @!p0 $0x0  }
0x70: {  	[sflag:s0] =	ssyncadd.s32 @!p0 s1  }
0x71: {  	[bflag:$0x3] =	sbarrier.arrive $0xFFFF  }
0x72: {  	_ =	shalt  }

// kernel: kernel.11.cloned.1.call-start
scs
__scs_entry_jumppad:
0x0: {  	(pc) =	sbr.rel $0x88, $3  }
0x1: {  	(tag) =	ssettag $0x0;
	lr =	simm.s32 $0x1  }
0x2: {  	[smem:$0x3F95] =	sst lr;
	_ =	strace $0xD0000000  }
0x3: {  	_ = 	snop  }
0x4: {  	_ = 	snop  }
0x5: {  	_ = 	snop  }
0x6: {  	_ = 	snop  }
0x7: {  	_ = 	snop  }
__scs_overlays_trampoline_lowered:
0x8: {  	[smem:$0x3FA4] =	sst s0  }
0x9: {  	[smem:$0x3FA5] =	sst s1  }
0xa: {  	[smem:$0x3FA6] =	sst s2  }
0xb: {  	[smem:$0x3FA7] =	sst s3  }
0xc: {  	[smem:$0x3FA8] =	sst s4  }
0xd: {  	[smem:$0x3FA9] =	sst s5  }
0xe: {  	[smem:$0x3FAA] =	sst s6  }
0xf: {  	[smem:$0x3FAB] =	sst s7  }
0x10: {  	[smem:$0x3FAC] =	sst s8  }
0x11: {  	[smem:$0x3FAD] =	sst s9;
	s0 =	simm.s32 @!p0 $0x0  }
0x12: {  	s1 =	sld [smem:$0x3F93];
	s0 =	simm.s32 @p0 $0x1  }
0x13: {  	[smem:$0x3FAE] =	sst s0;
	s0 =	simm.s32 @!p1 $0x0  }
0x14: {  	s2 =	sld [smem:$0x3F92];
	s0 =	simm.s32 @p1 $0x1  }
0x15: {  	[smem:$0x3FAF] =	sst s0;
	s0 =	simm.s32 @!p2 $0x0  }
0x16: {  	s3 =	sld [smem:$0x3FDB];
	s0 =	simm.s32 @p2 $0x1  }
0x17: {  	s4 =	simm.s32 $0x1BF5;
	[smem:$0x3FB1] =	sst s0  }
0x18: {  	s0 =	sld [smem:$0x3F94];
	_ =	swait.ge [sflag:s4], $0x0  }
0x19: {  	s7 =	sld [smem:$0x3F95]  }
0x1a: {  	s8 =	sadd.s32 $0xFFFFE003, lr  }
0x1b: {  	s9 =	sadd.s32 $0xFFFFFEF7, lr;
	s5 =	simm.s32 $0xFFFFFFFF;
	p2 =	slt.u32 s8, $0xFFFFF086  }
0x1c: {  	p1 =	slt.u32 s9, $0xF7A;
	s5 =	simm.s32 @!p2 $0x0  }
0x1d: {  	s5 =	simm.s32 @p1 $0x1;
	p0 =	seq.s32 s7, s2  }
0x1e: {  	s7 =	smul.u32 @!p0 $0xF7A, s2;
	p2 =	seq.s32 @!p0 s5, $0x0  }
0x1f: {  	s9 =	smul.u32 $0xF7A, s1;
	s8 =	simm.s32 @!p0 $0x1BF5;
	p2 =	por !p2, p0  }
0x20: {  	[sflag:s8] =	ssyncset.s32 @!p0 $0xFFFFF086;
	s6 =	sadd.s32 @!p0 s3, s7;
	s7 =	simm.s32 @!p0 $0x108  }
0x21: {  	s3 =	sadd.s32 s3, s9;
	s6 =	sadd.s32 @!p0 $0x88, s6;
	s7 =	simm.s32 @p2 $0x1082  }
0x22: {  	[simem:s7], [sflag:s8] =	dma.local @!p0 [hbm:s6], $0xF7A  }
0x23: {  	s9 =	sor.u32 $0xD0000000, s2;
	s6 =	simm.s32 $0x108;
	_ =	swait.ge @!p0 [sflag:s8], $0x0  }
0x24: {  	s3 =	sadd.s32 $0x88, s3;
	s6 =	simm.s32 @!p1 $0x1082;
	[sflag:s4] =	ssyncset.s32 $0xFFFFF086  }
0x25: {  	[simem:s6], [sflag:s4] =	dma.local [hbm:s3], $0xF7A  }
0x26: {  	[smem:$0x3F95] =	sst s1;
	(tag) =	ssettag s2;
	_ =	strace s9  }
0x27: {  	s1 =	sld [smem:$0x3FA5]  }
0x28: {  	s2 =	sld [smem:$0x3FA6]  }
0x29: {  	s4 =	sld [smem:$0x3FA8]  }
0x2a: {  	p0 =	seq.s32 s5, $0x0;
	s5 =	sld [smem:$0x3FA9]  }
0x2b: {  	s6 =	sld [smem:$0x3FAA]  }
0x2c: {  	s7 =	sld [smem:$0x3FAB]  }
0x2d: {  	s3 =	simm.s32 $0x108;
	s8 =	sld [smem:$0x3FAC]  }
0x2e: {  	s3 =	simm.s32 @!p0 $0x1082;
	s9 =	sld [smem:$0x3FAD]  }
0x2f: {  	lr =	sadd.s32 s0, s3;
	s0 =	sld [smem:$0x3FA4]  }
0x30: {  	s3 =	sld [smem:$0x3FA7]  }
0x31: {  	[smem:$0x3FB0] =	sst s10  }
0x32: {  	s10 =	sld [smem:$0x3FAE];
	_ =	sdelay $0x3  }
0x33: {  	p0 =	seq.s32 s10, $0x1;
	s10 =	sld [smem:$0x3FB0];
	_ =	sdelay $0x3  }
0x34: {  	[smem:$0x3FB0] =	sst s10  }
0x35: {  	s10 =	sld [smem:$0x3FAF];
	_ =	sdelay $0x3  }
0x36: {  	p1 =	seq.s32 s10, $0x1;
	s10 =	sld [smem:$0x3FB0];
	_ =	sdelay $0x3  }
0x37: {  	[smem:$0x3FB0] =	sst s10  }
0x38: {  	s10 =	sld [smem:$0x3FB1]  }
0x39: {  	_ = 	snop;
	(pc) =	sbr.ind lr, $3  }
0x3a: {  	_ = 	snop  }
0x3b: {  	_ = 	snop  }
0x3c: {  	p2 =	seq.s32 s10, $0x1;
	s10 =	sld [smem:$0x3FB0]  }
0x3d: {  	_ =	shalt  }
0x3e: {  	_ =	shalt  }
0x3f: {  	_ =	shalt  }
0x40: {  	_ =	shalt  }
0x41: {  	_ =	shalt  }
0x42: {  	_ =	shalt  }
0x43: {  	_ =	shalt  }
0x44: {  	_ =	shalt  }
0x45: {  	_ =	shalt  }
0x46: {  	_ =	shalt  }
0x47: {  	_ =	shalt  }
0x48: {  	_ =	shalt  }
0x49: {  	_ =	shalt  }
0x4a: {  	_ =	shalt  }
0x4b: {  	_ =	shalt  }
0x4c: {  	_ =	shalt  }
0x4d: {  	_ =	shalt  }
0x4e: {  	_ =	shalt  }
0x4f: {  	_ =	shalt  }
0x50: {  	_ =	shalt  }
0x51: {  	_ =	shalt  }
0x52: {  	_ =	shalt  }
0x53: {  	_ =	shalt  }
0x54: {  	_ =	shalt  }
0x55: {  	_ =	shalt  }
0x56: {  	_ =	shalt  }
0x57: {  	_ =	shalt  }
0x58: {  	_ =	shalt  }
0x59: {  	_ =	shalt  }
0x5a: {  	_ =	shalt  }
0x5b: {  	_ =	shalt  }
0x5c: {  	_ =	shalt  }
0x5d: {  	_ =	shalt  }
0x5e: {  	_ =	shalt  }
0x5f: {  	_ =	shalt  }
0x60: {  	_ =	shalt  }
0x61: {  	_ =	shalt  }
0x62: {  	_ =	shalt  }
0x63: {  	_ =	shalt  }
0x64: {  	_ =	shalt  }
0x65: {  	_ =	shalt  }
0x66: {  	_ =	shalt  }
0x67: {  	_ =	shalt  }
0x68: {  	_ =	shalt  }
0x69: {  	_ =	shalt  }
0x6a: {  	_ =	shalt  }
0x6b: {  	_ =	shalt  }
0x6c: {  	_ =	shalt  }
0x6d: {  	_ =	shalt  }
0x6e: {  	_ =	shalt  }
0x6f: {  	_ =	shalt  }
0x70: {  	_ =	shalt  }
0x71: {  	_ =	shalt  }
0x72: {  	_ =	shalt  }
0x73: {  	_ =	shalt  }
0x74: {  	_ =	shalt  }
0x75: {  	_ =	shalt  }
0x76: {  	_ =	shalt  }
0x77: {  	_ =	shalt  }
0x78: {  	_ =	shalt  }
0x79: {  	_ =	shalt  }
0x7a: {  	_ =	shalt  }
0x7b: {  	_ =	shalt  }
0x7c: {  	_ =	shalt  }
0x7d: {  	_ =	shalt  }
0x7e: {  	_ =	shalt  }
0x7f: {  	_ =	shalt  }
0x80: {  	_ =	shalt  }
0x81: {  	_ =	shalt  }
0x82: {  	_ =	shalt  }
0x83: {  	_ =	shalt  }
0x84: {  	_ =	shalt  }
0x85: {  	_ =	shalt  }
0x86: {  	_ =	shalt  }
0x87: {  	_ =	shalt  }
.Lfunc_end0:
.L_simem_size_0:
called_computation.2_lowered:
.L_overlay_start_0:
0x88: {  	s2 =	sld [smem:$0x3FD9]  }
0x89: {  	s3 =	sld [smem:$0x3FFE];
	_ =	sdelay $0x1  }
0x8a: {  	s1 =	srdreg.scid  }
0x8b: {  	s0 =	sand.u32 $0x1, s1  }
0x8c: {  	s17 =	sshll.u32 s0, $0xA;
	s2 =	sadd.s32 s3, s2  }
0x8d: {  	s2 =	sadd.s32 s2, s17  }
0x8e: {  	[smem:$0x3FBC] =	sst s2  }
0x8f: {  	_ = 	snop  }
0x90: {  	s2 =	sld [smem:$0x3FD0];
	(tm) =	ssettm $0x1  }
0x91: {  	s18 =	sld [smem:$0x3FFB];
	_ =	sdelay $0x3  }
0x92: {  	_ =	strace s18  }
0x93: {  	s3 =	sld [smem:$0x3FFC];
	_ =	sdelay $0x3  }
0x94: {  	_ =	strace s3  }
0x95: {  	s3 =	sld [smem:$0x3FFD];
	_ =	sdelay $0x3  }
0x96: {  	_ =	strace s3  }
0x97: {  	_ =	strace $0x8FFFFFFF  }
0x98: {  	s19 =	sld [smem:$0x3FDB];
	_ =	sdelay $0x1  }
0x99: {  	s4 =	simm.s32 $_scs_section_size  }
0x9a: {  	s5 =	simm.s32 $_size__tile_overlayer_lowered;
	s6 =	simm.s32 $_tile_overlayer_lowered  }
0x9b: {  	s22 =	simm.s32 $0x1BFF;
	s21 =	sshll.u32 s6, $0x1;
	s3 =	sadd.s32 s4, s19  }
0x9c: {  	s7 =	simm.s32 $0x0;
	s20 =	sshll.u32 s5, $0x1;
	s5 =	sadd.s32 s21, s3  }
0x9d: {  	[timem:s7], [sflag:s22] =	dma.local [hbm:s5], s20  }
0x9e: {  	_ =	swait.ge [sflag:s22], s20  }
0x9f: {  	s4 =	ssub.s32 $0x0, s20;
	[sflag:s22] =	ssyncset.done $0x0  }
0xa0: {  	[sflag:s22] =	ssyncadd.s32 s4;
	_ =	sdelay $0x1  }
0xa1: {  	s23 =	simm.s32 $0x1B8B  }
0xa2: {  	_ =	swait.ge [sflag:s23], $0x1  }
0xa3: {  	[sflag:s23] =	ssyncset.done $0x0  }
0xa4: {  	s25 =	simm.s32 $0x1B8E;
	s24 =	sld [smem:$0x3FFE];
	[sflag:s23] =	ssyncadd.s32 $0xFFFFFFFF  }
0xa5: {  	s26 =	simm.s32 $execute0_lowered;
	[smem:$0x3FD2] =	sst s25  }
0xa6: {  	s5 =	sshll.u32 s26, $0x1;
	_ =	strace $0x8000004C;
	[dreg:$0x1] =	wrdreg $0xFFFFFFFF  }
0xa7: {  	s28 =	simm.s32 $_size_execute0_lowered;
	s3 =	sadd.s32 s3, s5;
	[dreg:$0x0] =	wrdreg $0x0  }
0xa8: {  	s5 =	sshll.u32 s28, $0x1;
	[dreg:$0x2] =	wrdreg s3  }
0xa9: {  	[dreg:$0x3] =	wrdreg s5  }
0xaa: {  	[dreg:$0x4] =	wrdreg $0xC0  }
0xab: {  	_ =	task [dreg:s7], $0x5FFFF  }
0xac: {  	[dreg:$0x1] =	wrdreg $0xFFFFFFFF  }
0xad: {  	[dreg:$0x0] =	wrdreg $0x60  }
0xae: {  	[dreg:$0x2] =	wrdreg s24  }
0xaf: {  	[dreg:$0x3] =	wrdreg s2  }
0xb0: {  	[dreg:$0x4] =	wrdreg $0x0  }
0xb1: {  	[dreg:$0x5] =	wrdreg $0x9  }
0xb2: {  	_ =	task.clear_ibuf [dreg:s7], $0x6FFFF;
	_ =	strace $0x9000004C  }
0xb3: {  	s29 =	simm.s32 $0x9;
	_ =	strace $0x8000004E  }
0xb4: {  	_ =	swait.ge [sflag:s29], $0x1  }
0xb5: {  	[sflag:s29] =	ssyncadd.s32 $0xFFFFFFFF  }
0xb6: {  	_ =	strace $0x9000004E  }
0xb7: {  	_ =	sfence  }
0xb8: {  	s30 =	sld [smem:$0x0];
	_ =	sdelay $0x2  }
0xb9: {  	s31 =	sshll.u32 s1, $0xD;
	s1 =	sshrl.u32 s1, $0x2  }
0xba: {  	s3 =	sand.u32 $0x4000, s31;
	s1 =	sadd.s32 s1, s30  }
0xbb: {  	s0 =	sor.u32 s3, s0;
	s1 =	sshll.u32 s1, $0x11  }
0xbc: {  	s0 =	sor.u32 s1, s0  }
0xbd: {  	s0 =	sadd.s32 $0x8F2B, s0  }
0xbe: {  	[sflag:s0] =	ssyncadd.remote.s32 $0x1  }
0xbf: {  	_ =	sfence.sel $0xFFFF  }
0xc0: {  	[dreg:$0x0] =	wrdreg $0xFFFFFFFF;
	(pc) =	sbr.abs _section_cstart, $3  }
0xc1: {  	[dreg:$0x1] =	wrdreg $0xFFFFFFFF  }
0xc2: {  	_ =	task.clear_ibuf [dreg:s7], $0x2FFFF;
	_ =	strace $0x9FFFFFFF  }
0xc3: {  	(tm) =	ssettm $0x7FFFFFFF  }
tec
execute0_lowered:
.L_overlay_start_1:
0x0: {  	(tag) =	ssettag $0x1  }
0x1: {  	s0 =	rddreg [dreg:$0x0]  }
0x2: {  	s31 =	rddreg [dreg:$0x1]  }
0x3: {  	s1 =	rddreg [dreg:$0x2]  }
0x4: {  	s3 =	simm.s32 $0x0;
	s2 =	srdreg.scid;
	s12 =	stileid.u32  }
0x5: {  	s29 =	simm.s32 $0x50;
	s30 =	simm.s32 $0x15DB0;
	[smem:$0x7FF] =	sst s3  }
0x6: {  	s5 =	sadd.s32 $0xEC600, s0;
	s2 =	sand.u32 $0x1, s2;
	s6 =	sadd.s32 $0x46400, s0  }
0x7: {  	s8 =	smul.u32 $0x4E20, s12;
	s7 =	sadd.s32 $0x3C600, s0;
	s0 =	sadd.s32 $0x130C00, s0  }
0x8: {  	s10 =	smul.u32 $0x44400, s12;
	s14 =	sadd.s32 $0x111000, s1;
	_ =	strace $0x8000004D  }
0x9: {  	s4 =	ssub.s32 $0x2, s2;
	[dreg:$0x8] =	wrdreg s14;
	s16 =	sadd.s32 $0x50, s8  }
0xa: {  	s11 =	sshrl.u32 s8, $0x3;
	s8 =	sadd.s32 $0xA0, s8;
	[dreg:$0x9] =	wrdreg s16  }
0xb: {  	s9 =	sshrl.u32 s4, $0x1;
	s13 =	sadd.s32 s6, s11;
	[dreg:$0xa] =	wrdreg s8  }
0xc: {  	s4 =	ssub.s32 s4, s9;
	s11 =	sadd.s32 s7, s11;
	[dreg:$0x4] =	wrdreg s13  }
0xd: {  	s10 =	sshrl.u32 s10, $0x2;
	[dreg:$0x6] =	wrdreg s11;
	s21 =	smax.u32 s4, $0x1  }
0xe: {  	s28 =	smul.u32 $0x11100, s12;
	s13 =	sadd.s32 s10, s1;
	[dreg:$0xd] =	wrdreg s21  }
0xf: {  	p0 =	sne.s32 s12, $0xF;
	s15 =	sadd.s32 $0xF500, s13;
	[dreg:$0x5] =	wrdreg s13  }
0x10: {  	s9 =	smul.u32 $0x2710, s2;
	s22 =	sadd.s32 $0x2300, s13;
	[dreg:$0x7] =	wrdreg s15  }
0x11: {  	s2 =	smul.u32 $0x111700, s2;
	s23 =	sadd.s32 $0x4600, s13;
	[dreg:$0xe] =	wrdreg s22  }
0x12: {  	s19 =	sadd.s32 s28, s1;
	s24 =	sadd.s32 $0x6900, s13;
	[dreg:$0xf] =	wrdreg s23  }
0x13: {  	s17 =	sadd.s32 s28, s2;
	s25 =	sadd.s32 $0x8C00, s13;
	[dreg:$0x10] =	wrdreg s24  }
0x14: {  	s2 =	sshrl.u32 s2, $0x3;
	s26 =	sadd.s32 $0xAF00, s13;
	[dreg:$0x11] =	wrdreg s25  }
0x15: {  	s28 =	sadd.s32 $0xD200, s13;
	s18 =	sshrl.u32 s17, $0x3;
	[dreg:$0x12] =	wrdreg s26  }
0x16: {  	s2 =	sadd.s32 s0, s2;
	[dreg:$0x13] =	wrdreg s28;
	s0 =	sadd.s32 s0, s18  }
0x17: {  	s26 =	simm.s32 $0x5;
	s20 =	sadd.s32 $0x22200, s2;
	[dreg:$0xb] =	wrdreg s0  }
0x18: {  	v1 =	vimm.f32 $0.0e+00;
	s25 =	simm.s32 $0x1;
	[dreg:$0xc] =	wrdreg s20;
	s0 =	sshrl.u32 s19, $0x3  }
0x19: {  	v2 =	vimm.s32 $0x4;
	vm0 =	vcmask $0xF14;
	v0 =	vmov s9;
	s15 =	simm.s32 $0x3;
	s2 =	simm.s32 $0x0;
	[dreg:$0x14] =	wrdreg s0  }
.LBB2_1:
0x1a: {  	[dreg:$0x15] =	wrdreg s2  }
0x1b: {  	s0 =	rddreg [dreg:$0x4];
	s1 =	simm.s32 $0x11170  }
0x1c: {  	[tilespmem:s1], [sflag:$0x5] =	stream.linear.gather [hbm4b:s0+s3], $0x50, $0x38;
	[tilespmem:$0x1A9F0] =	vst v63  }
0x1d: {  	_ =	swait.ge [sflag:s26], $0x50  }
0x1e: {  	[sflag:s26] =	ssyncset.done $0x0  }
0x1f: {  	s22 =	simm.s32 $0x111C0;
	s21 =	rddreg [dreg:$0x6];
	[sflag:s26] =	ssyncadd.s32 $0xFFFFFFB0  }
0x20: {  	[tilespmem:s22], [sflag:$0x5] =	stream.linear.gather [hbm4b:s21+s3], $0x50, $0x38;
	[tilespmem:$0x1A9F0] =	vst v63  }
0x21: {  	_ =	swait.ge [sflag:s26], $0x50  }
0x22: {  	[sflag:s26] =	ssyncset.done $0x0  }
0x23: {  	[sflag:s26] =	ssyncadd.s32 $0xFFFFFFB0  }
0x24: {  	v3 =	vld [tilespmem:$0x11170]  }
0x25: {  	v4 =	vld [tilespmem:$0x111C0]  }
0x26: {  	v5 =	vld [tilespmem:$0x11180]  }
0x27: {  	v6 =	vld [tilespmem:$0x111D0]  }
0x28: {  	v7 =	vld [tilespmem:$0x11190]  }
0x29: {  	v8 =	vld [tilespmem:$0x111E0];
	v3 =	vadd.s32 v0, v3  }
0x2a: {  	v60 =	vld [tilespmem:$0x111A0];
	[tilespmem:$0x11170] =	vst v3;
	v3 =	vadd.s32 v0, v4  }
0x2b: {  	v61 =	vld [tilespmem:$0x111F0];
	[tilespmem:$0x11210] =	vst v3;
	v3 =	vadd.s32 v0, v5  }
0x2c: {  	v62 =	vld [tilespmem:$0x111B0];
	[tilespmem:$0x11180] =	vst v3;
	v3 =	vadd.s32 v0, v6  }
0x2d: {  	v63 =	vld [tilespmem:$0x11200];
	[tilespmem:$0x11220] =	vst v3;
	v3 =	vadd.s32 v0, v7  }
0x2e: {  	[tilespmem:$0x11190] =	vst v3;
	v3 =	vadd.s32 v0, v8  }
0x2f: {  	[tilespmem:$0x11230] =	vst v3;
	v3 =	vadd.s32 v0, v60  }
0x30: {  	[tilespmem:$0x111A0] =	vst v3;
	v3 =	vadd.s32 v0, v61  }
0x31: {  	[tilespmem:$0x11240] =	vst v3;
	v3 =	vadd.s32 v0, v62  }
0x32: {  	[tilespmem:$0x111B0] =	vst v3;
	v3 =	vadd.s32 v0, v63  }
0x33: {  	s23 =	simm.s32 $0x112B0;
	s24 =	simm.s32 $0x11210;
	[tilespmem:$0x11250] =	vst v3  }
0x34: {  	[tilespmem:s23], [sflag:$0x1] =	stream.indirect.gather [hbm4b:s5+s29], $0x70, s1, s29, $0xb8;
	[tilespmem:$0x1A9F0] =	vst v63  }
0x35: {  	s28 =	simm.s32 $0x135B0;
	s2 =	simm.s32 $0x1C0;
	s0 =	simm.s32 $0x0  }
0x36: {  	[tilespmem:s28], [sflag:$0x1] =	stream.indirect.gather [hbm4b:s31+s29], $0x10, s24, s29, $0xb8;
	[tilespmem:$0x1A9F0] =	vst v63  }
.LBB2_2:
0x37: {  	p1 =	sne.s32 s2, $0x8A40;
	[tilespmem:s0+$0x18750] =	vst v1  }
0x38: {  	[tilespmem:s0+$0x186F0] =	vst v1  }
.Ltmp0:
0x39: {  	[tilespmem:s0+$0x18700] =	vst v1;
	(pc) =	sbr.rel @p1 .LBB2_2-.Ltmp0, $4  }
0x3a: {  	[tilespmem:s0+$0x18710] =	vst v1  }
0x3b: {  	[tilespmem:s0+$0x18720] =	vst v1  }
0x3c: {  	[tilespmem:s0+$0x18730] =	vst v1  }
0x3d: {  	[tilespmem:s0+$0x18740] =	vst v1;
	s0 =	sshra.s32 s2, $0x2;
	s2 =	sadd.s32 $0x1C0, s2  }
0x3e: {  	[tilespmem:s0+$0x18750] =	vst v1  }
0x3f: {  	[tilespmem:s0+$0x186F0] =	vst v1  }
0x40: {  	[tilespmem:s0+$0x18700] =	vst v1  }
0x41: {  	[tilespmem:s0+$0x18710] =	vst v1  }
0x42: {  	[tilespmem:s0+$0x18720] =	vst v1  }
0x43: {  	[tilespmem:s0+$0x18730] =	vst v1  }
0x44: {  	[tilespmem:s0+$0x18740] =	vst v1;
	s18 =	rddreg [dreg:$0x5];
	s1 =	simm.s32 $0x186F0  }
0x45: {  	[spmem:s18] =	stream.linear.scatter [tilespmem:s1], [sflag:$0x5], $0x2300, $0x38;
	[tilespmem:$0x1A9F0] =	vst v63  }
0x46: {  	_ =	swait.ge [sflag:s26], $0x2300  }
0x47: {  	[sflag:s26] =	ssyncset.done $0x0  }
0x48: {  	s19 =	rddreg [dreg:$0xe];
	[sflag:s26] =	ssyncadd.s32 $0xFFFFDD00  }
0x49: {  	[spmem:s19] =	stream.linear.scatter [tilespmem:s1], [sflag:$0x5], $0x2300, $0x38;
	[tilespmem:$0x1A9F0] =	vst v63  }
0x4a: {  	_ =	swait.ge [sflag:s26], $0x2300  }
0x4b: {  	[sflag:s26] =	ssyncset.done $0x0  }
0x4c: {  	s20 =	rddreg [dreg:$0xf];
	[sflag:s26] =	ssyncadd.s32 $0xFFFFDD00  }
0x4d: {  	[spmem:s20] =	stream.linear.scatter [tilespmem:s1], [sflag:$0x5], $0x2300, $0x38;
	[tilespmem:$0x1A9F0] =	vst v63  }
0x4e: {  	_ =	swait.ge [sflag:s26], $0x2300  }
0x4f: {  	[sflag:s26] =	ssyncset.done $0x0  }
0x50: {  	s21 =	rddreg [dreg:$0x10];
	[sflag:s26] =	ssyncadd.s32 $0xFFFFDD00  }
0x51: {  	[spmem:s21] =	stream.linear.scatter [tilespmem:s1], [sflag:$0x5], $0x2300, $0x38;
	[tilespmem:$0x1A9F0] =	vst v63  }
0x52: {  	_ =	swait.ge [sflag:s26], $0x2300  }
0x53: {  	[sflag:s26] =	ssyncset.done $0x0  }
0x54: {  	s22 =	rddreg [dreg:$0x11];
	[sflag:s26] =	ssyncadd.s32 $0xFFFFDD00  }
0x55: {  	[spmem:s22] =	stream.linear.scatter [tilespmem:s1], [sflag:$0x5], $0x2300, $0x38;
	[tilespmem:$0x1A9F0] =	vst v63  }
0x56: {  	_ =	swait.ge [sflag:s26], $0x2300  }
0x57: {  	[sflag:s26] =	ssyncset.done $0x0  }
0x58: {  	s23 =	rddreg [dreg:$0x12];
	[sflag:s26] =	ssyncadd.s32 $0xFFFFDD00  }
0x59: {  	[spmem:s23] =	stream.linear.scatter [tilespmem:s1], [sflag:$0x5], $0x2300, $0x38;
	[tilespmem:$0x1A9F0] =	vst v63  }
0x5a: {  	_ =	swait.ge [sflag:s26], $0x2300  }
0x5b: {  	[sflag:s26] =	ssyncset.done $0x0  }
0x5c: {  	s24 =	rddreg [dreg:$0x13];
	[sflag:s26] =	ssyncadd.s32 $0xFFFFDD00  }
0x5d: {  	[spmem:s24] =	stream.linear.scatter [tilespmem:s1], [sflag:$0x5], $0x2300, $0x38;
	[tilespmem:$0x1A9F0] =	vst v63  }
0x5e: {  	_ =	swait.ge [sflag:s26], $0x2300  }
0x5f: {  	[sflag:s26] =	ssyncset.done $0x0  }
0x60: {  	s28 =	rddreg [dreg:$0x7];
	[sflag:s26] =	ssyncadd.s32 $0xFFFFDD00  }
0x61: {  	[spmem:s28] =	stream.linear.scatter [tilespmem:s1], [sflag:$0x5], $0x1C00, $0x38;
	[tilespmem:$0x1A9F0] =	vst v63  }
0x62: {  	_ =	swait.ge [sflag:s26], $0x1C00  }
0x63: {  	[sflag:s26] =	ssyncset.done $0x0  }
0x64: {  	s0 =	simm.s32 @!p0 $0x186F0;
	[sflag:s26] =	ssyncadd.s32 $0xFFFFE400  }
0x65: {  	[spmem:s14] =	stream.linear.scatter @!p0 [tilespmem:s0], [sflag:$0x5], $0x700, $0x38;
	[tilespmem:$0x1A9F0] =	vst v63  }
0x66: {  	s0 =	simm.s32 @!p0 $0x5  }
0x67: {  	_ =	swait.ge @!p0 [sflag:s0], $0x700  }
0x68: {  	[sflag:s0] =	ssyncset.done @!p0 $0x0  }
0x69: {  	[sflag:s0] =	ssyncadd.s32 @!p0 $0xFFFFF900  }
0x6a: {  	s20 =	simm.s32 $0x0;
	[bflag:$0x0] =	sbarrier.arrive $0xFFFF  }
.LBB2_4:
0x6b: {  	s21 =	smul.u32 $0xA0, s20  }
0x6c: {  	s0 =	rddreg [dreg:$0x9]  }
0x6d: {  	s0 =	sadd.s32 s21, s0  }
0x6e: {  	s0 =	sshrl.u32 s0, $0x3  }
0x6f: {  	s2 =	sadd.s32 s6, s0  }
0x70: {  	[tilespmem:s30], [sflag:$0x5] =	stream.linear.gather [hbm4b:s2+s3], $0x50, $0x38;
	[tilespmem:$0x1A9F0] =	vst v63  }
0x71: {  	_ =	swait.ge [sflag:s26], $0x50  }
0x72: {  	[sflag:s26] =	ssyncset.done $0x0  }
0x73: {  	s1 =	simm.s32 $0x15E00;
	s0 =	sadd.s32 s7, s0;
	[sflag:s26] =	ssyncadd.s32 $0xFFFFFFB0  }
0x74: {  	[tilespmem:s1], [sflag:$0x5] =	stream.linear.gather [hbm4b:s0+s3], $0x50, $0x38;
	[tilespmem:$0x1A9F0] =	vst v63  }
0x75: {  	_ =	swait.ge [sflag:s26], $0x50  }
0x76: {  	[sflag:s26] =	ssyncset.done $0x0  }
0x77: {  	[sflag:s26] =	ssyncadd.s32 $0xFFFFFFB0  }
0x78: {  	v3 =	vld [tilespmem:$0x15DB0]  }
0x79: {  	v4 =	vld [tilespmem:$0x15E00]  }
0x7a: {  	v5 =	vld [tilespmem:$0x15DC0]  }
0x7b: {  	v6 =	vld [tilespmem:$0x15E10]  }
0x7c: {  	v7 =	vld [tilespmem:$0x15DD0]  }
0x7d: {  	v8 =	vld [tilespmem:$0x15E20];
	v3 =	vadd.s32 v0, v3  }
0x7e: {  	v60 =	vld [tilespmem:$0x15DE0];
	[tilespmem:$0x15DB0] =	vst v3;
	v3 =	vadd.s32 v0, v4  }
0x7f: {  	v61 =	vld [tilespmem:$0x15E30];
	[tilespmem:$0x15E50] =	vst v3;
	v3 =	vadd.s32 v0, v5  }
0x80: {  	v62 =	vld [tilespmem:$0x15DF0];
	[tilespmem:$0x15DC0] =	vst v3;
	v3 =	vadd.s32 v0, v6  }
0x81: {  	v63 =	vld [tilespmem:$0x15E40];
	[tilespmem:$0x15E60] =	vst v3;
	v3 =	vadd.s32 v0, v7  }
0x82: {  	[tilespmem:$0x15DD0] =	vst v3;
	v3 =	vadd.s32 v0, v8  }
0x83: {  	[tilespmem:$0x15E70] =	vst v3;
	v3 =	vadd.s32 v0, v60  }
0x84: {  	[tilespmem:$0x15DE0] =	vst v3;
	v3 =	vadd.s32 v0, v61  }
0x85: {  	[tilespmem:$0x15E80] =	vst v3;
	v3 =	vadd.s32 v0, v62  }
0x86: {  	[tilespmem:$0x15DF0] =	vst v3;
	v3 =	vadd.s32 v0, v63  }
0x87: {  	s23 =	simm.s32 $0x15EF0;
	[tilespmem:$0x15E90] =	vst v3  }
0x88: {  	[tilespmem:s23], [sflag:$0x3] =	stream.indirect.gather [hbm4b:s5+s29], $0x70, s30, s29, $0xb8;
	[tilespmem:$0x1A9F0] =	vst v63  }
0x89: {  	s24 =	simm.s32 $0x15E50;
	s28 =	simm.s32 $0x181F0  }
0x8a: {  	[tilespmem:s28], [sflag:$0x3] =	stream.indirect.gather [hbm4b:s31+s29], $0x10, s24, s29, $0xb8;
	[tilespmem:$0x1A9F0] =	vst v63  }
0x8b: {  	_ =	swait.ge [sflag:s25], $0x2300  }
0x8c: {  	[sflag:s25] =	ssyncset.done $0x0  }
0x8d: {  	[sflag:s25] =	ssyncadd.s32 $0xFFFFDD00  }
0x8e: {  	_ =	swait.ge [sflag:s25], $0x500  }
0x8f: {  	p1 =	seq.s32 s20, $0x0;
	[sflag:s25] =	ssyncset.done $0x0  }
0x90: {  	s0 =	simm.s32 @!p1 $0x2;
	[sflag:s25] =	ssyncadd.s32 $0xFFFFFB00  }
0x91: {  	_ =	swait.ge @!p1 [sflag:s0], $0x2300  }
0x92: {  	[sflag:s0] =	ssyncset.done @!p1 $0x0  }
0x93: {  	s14 =	smov.u32 s31;
	s22 =	simm.s32 $0x0;
	[sflag:s0] =	ssyncadd.s32 @!p1 $0xFFFFDD00  }
.LBB2_5:
0x94: {  	s10 =	smul.u32 $0x70, s22  }
0x95: {  	s0 =	sshll.u32 s22, $0x4  }
0x96: {  	s0 =	sand.u32 $0x3FFFFFF0, s0;
	v14 =	vld [tilespmem:s10+$0x11310]  }
0x97: {  	v15 =	vld [tilespmem:s0+$0x135B0]  }
0x98: {  	v20 =	vld [tilespmem:s10+$0x112B0]  }
0x99: {  	v21 =	vld [tilespmem:s10+$0x112C0]  }
0x9a: {  	v22 =	vld [tilespmem:s10+$0x112D0]  }
0x9b: {  	s2 =	sor.u32 $0x1, s22;
	v25 =	vld [tilespmem:s10+$0x112E0]  }
0x9c: {  	s28 =	sor.u32 $0x2, s22;
	s4 =	sshll.u32 s2, $0x4;
	v47 =	vld [tilespmem:s10+$0x112F0]  }
0x9d: {  	s11 =	sor.u32 $0x3, s22;
	s13 =	sshll.u32 s28, $0x4;
	s12 =	sand.u32 $0x3FFFFFF0, s4;
	v26 =	vld [tilespmem:s10+$0x11300]  }
0x9e: {  	s8 =	sor.u32 $0x4, s22;
	s17 =	sshll.u32 s11, $0x4;
	s16 =	sand.u32 $0x3FFFFFF0, s13;
	v16 =	vld [tilespmem:s12+$0x135B0]  }
0x9f: {  	s19 =	sshll.u32 s8, $0x4;
	s18 =	sand.u32 $0x3FFFFFF0, s17;
	v17 =	vld [tilespmem:s16+$0x135B0]  }
0xa0: {  	s2 =	smul.u32 $0x70, s2;
	s23 =	sand.u32 $0x3FFFFFF0, s19;
	v18 =	vld [tilespmem:s18+$0x135B0]  }
0xa1: {  	v19 =	vld [tilespmem:s23+$0x135B0]  }
0xa2: {  	v24 =	vld [tilespmem:s2+$0x11310]  }
0xa3: {  	v27 =	vld [tilespmem:s2+$0x112B0]  }
0xa4: {  	s28 =	smul.u32 $0x70, s28;
	v49 =	vld [tilespmem:s2+$0x112C0]  }
0xa5: {  	v50 =	vld [tilespmem:s2+$0x112D0]  }
0xa6: {  	v29 =	vld [tilespmem:s28+$0x11310]  }
0xa7: {  	v30 =	vld [tilespmem:s2+$0x112E0]  }
0xa8: {  	v51 =	vld [tilespmem:s2+$0x112F0];
	v15 =	vadd.f32 v15, v14  }
0xa9: {  	v31 =	vld [tilespmem:s2+$0x11300]  }
0xaa: {  	v32 =	vld [tilespmem:s2+$0x11310];
	v23 =	vmul.f32 $2.000000030e-01, v15  }
0xab: {  	s11 =	smul.u32 $0x70, s11;
	v53 =	vld [tilespmem:s28+$0x112B0];
	vm1 =	vge.f32 v15, $0.0e+00  }
0xac: {  	v54 =	vld [tilespmem:s28+$0x112C0];
	v15 =	vsel vm1, v15, v23  }
0xad: {  	v35 =	vld [tilespmem:s11+$0x11310];
	v15 =	vmul.f32 $1.442695020e+00, v15  }
0xae: {  	v36 =	vld [tilespmem:s28+$0x112D0]  }
0xaf: {  	v55 =	vld [tilespmem:s28+$0x112E0];
	v48 =	vadd.f32 v16, v24;
	(erf) = vpow2.f32 v15  }
0xb0: {  	s8 =	smul.u32 $0x70, s8;
	v37 =	vld [tilespmem:s28+$0x112F0]  }
0xb1: {  	v38 =	vld [tilespmem:s28+$0x11300];
	v28 =	vmul.f32 $2.000000030e-01, v48  }
0xb2: {  	s31 =	sor.u32 $0x8, s22;
	v62 =	vld [tilespmem:s8+$0x11310];
	vm1 =	vge.f32 v48, $0.0e+00  }
0xb3: {  	s4 =	sor.u32 $0x6, s22;
	s17 =	sshll.u32 s31, $0x4;
	v39 =	vld [tilespmem:s11+$0x112D0];
	v15 =	vsel vm1, v48, v28  }
0xb4: {  	s0 =	sor.u32 $0x7, s22;
	s12 =	sshll.u32 s4, $0x4;
	s18 =	sand.u32 $0x3FFFFFF0, s17;
	v43 =	vld [tilespmem:s11+$0x11300];
	v15 =	vmul.f32 $1.442695020e+00, v15  }
0xb5: {  	s19 =	sor.u32 $0x9, s22;
	s1 =	sshll.u32 s0, $0x4;
	s24 =	sand.u32 $0x3FFFFFF0, s12;
	v10 =	vld [tilespmem:s18+$0x135B0]  }
0xb6: {  	s16 =	sor.u32 $0x5, s22;
	s17 =	sshll.u32 s19, $0x4;
	s13 =	sand.u32 $0x3FFFFFF0, s1;
	v12 =	vld [tilespmem:s24+$0x135B0];
	v52 =	vadd.f32 v17, v29;
	(erf) = vpow2.f32 v15  }
0xb7: {  	s9 =	sshll.u32 s16, $0x4;
	s12 =	sor.u32 $0xA, s22;
	s23 =	sand.u32 $0x3FFFFFF0, s17;
	v11 =	vld [tilespmem:s13+$0x135B0]  }
0xb8: {  	s18 =	sor.u32 $0xB, s22;
	s9 =	sand.u32 $0x3FFFFFF0, s9;
	s24 =	sshll.u32 s12, $0x4;
	v9 =	vld [tilespmem:s23+$0x135B0];
	v34 =	vmul.f32 $2.000000030e-01, v52;
	v33 =	vpop (erf)  }
0xb9: {  	s17 =	sor.u32 $0xC, s22;
	s23 =	sshll.u32 s18, $0x4;
	v13 =	vld [tilespmem:s9+$0x135B0];
	s1 =	sand.u32 $0x3FFFFFF0, s24;
	vm1 =	vge.f32 v52, $0.0e+00;
	v33 =	vperm.xlane v33, v2  }
0xba: {  	s23 =	sand.u32 $0x3FFFFFF0, s23;
	s24 =	sshll.u32 s17, $0x4;
	v8 =	vld [tilespmem:s1+$0x135B0];
	v15 =	vsel vm1, v52, v34  }
0xbb: {  	s9 =	sor.u32 $0xD, s22;
	v7 =	vld [tilespmem:s23+$0x135B0];
	s13 =	sand.u32 $0x3FFFFFF0, s24;
	v15 =	vmul.f32 $1.442695020e+00, v15;
	v20 =	vmul.f32 v20, v33  }
0xbc: {  	s1 =	sshll.u32 s9, $0x4;
	s24 =	sor.u32 $0xE, s22;
	v6 =	vld [tilespmem:s13+$0x135B0];
	v18 =	vadd.f32 v18, v35;
	v21 =	vmul.f32 v21, v33  }
0xbd: {  	s23 =	sor.u32 $0xF, s22;
	s1 =	sand.u32 $0x3FFFFFF0, s1;
	s13 =	sshll.u32 s24, $0x4;
	v16 =	vld [tilespmem:s11+$0x112F0];
	(erf) = vpow2.f32 v15;
	v56 =	vmul.f32 v22, v33;
	[tilespmem:s10+$0x13AB0] =	vst v20  }
0xbe: {  	v5 =	vld [tilespmem:s1+$0x135B0];
	s1 =	sand.u32 $0x3FFFFFF0, s13;
	s13 =	sshll.u32 s23, $0x4;
	v61 =	vmul.f32 $2.000000030e-01, v18;
	v57 =	vmul.f32 v25, v33;
	[tilespmem:s10+$0x13AC0] =	vst v21  }
0xbf: {  	v19 =	vadd.f32 v19, v62;
	v4 =	vld [tilespmem:s1+$0x135B0];
	s13 =	sand.u32 $0x3FFFFFF0, s13;
	v58 =	vmul.f32 v47, v33;
	v59 =	vmul.f32 v26, v33;
	v60 =	vpop (erf);
	[tilespmem:s10+$0x13AD0] =	vst v56  }
0xc0: {  	v3 =	vld [tilespmem:s13+$0x135B0];
	vm1 =	vge.f32 v18, $0.0e+00;
	v14 =	vmul.f32 v14, v33;
	v63 =	vperm.xlane v60, v2;
	[tilespmem:s10+$0x13AE0] =	vst v57  }
0xc1: {  	s4 =	smul.u32 $0x70, s4;
	v23 =	vld [tilespmem:s11+$0x112B0];
	v48 =	vmul.f32 $2.000000030e-01, v19;
	v18 =	vsel vm1, v18, v61;
	[tilespmem:s10+$0x13AF0] =	vst v58  }
0xc2: {  	s1 =	smul.u32 $0x70, s16;
	v52 =	vld [tilespmem:s8+$0x112C0];
	v18 =	vmul.f32 $1.442695020e+00, v18;
	[tilespmem:s10+$0x13B00] =	vst v59;
	v14 =	vsel vm0, v14, v33;
	v40 =	vmul.f32 v27, v63  }
0xc3: {  	v34 =	vld [tilespmem:s4+$0x11310];
	vm1 =	vge.f32 v19, $0.0e+00;
	[tilespmem:s10+$0x13B10] =	vst v14;
	v41 =	vmul.f32 v49, v63  }
0xc4: {  	v19 =	vsel vm1, v19, v48;
	v48 =	vld [tilespmem:s1+$0x11300];
	(erf) = vpow2.f32 v18;
	v42 =	vmul.f32 v50, v63;
	[tilespmem:s2+$0x13AB0] =	vst v40  }
0xc5: {  	v15 =	vld [tilespmem:s28+$0x11310];
	v44 =	vmul.f32 v30, v63;
	[tilespmem:s2+$0x13AC0] =	vst v41  }
0xc6: {  	v45 =	vmul.f32 v51, v63;
	v46 =	vmul.f32 v31, v63;
	v49 =	vld [tilespmem:s1+$0x11310];
	[tilespmem:s2+$0x13AD0] =	vst v42;
	v47 =	vpop (erf)  }
0xc7: {  	v25 =	vld [tilespmem:s11+$0x112C0];
	v50 =	vmul.f32 v32, v63;
	[tilespmem:s2+$0x13AE0] =	vst v44;
	v28 =	vperm.xlane v47, v2  }
0xc8: {  	v26 =	vld [tilespmem:s11+$0x112E0];
	[tilespmem:s2+$0x13AF0] =	vst v45  }
0xc9: {  	v19 =	vmul.f32 $1.442695020e+00, v19;
	v60 =	vld [tilespmem:s4+$0x11310];
	[tilespmem:s2+$0x13B00] =	vst v46;
	v14 =	vsel vm0, v50, v63;
	v17 =	vmul.f32 v53, v28  }
0xca: {  	v20 =	vld [tilespmem:s8+$0x112D0];
	[tilespmem:s2+$0x13B10] =	vst v14;
	v53 =	vmul.f32 v54, v28  }
0xcb: {  	v21 =	vld [tilespmem:s8+$0x112E0];
	(erf) = vpow2.f32 v19;
	v13 =	vadd.f32 v13, v49;
	v54 =	vmul.f32 v36, v28;
	[tilespmem:s28+$0x13AB0] =	vst v17  }
0xcc: {  	v33 =	vld [tilespmem:s1+$0x112B0];
	v55 =	vmul.f32 v55, v28;
	v56 =	vmul.f32 v37, v28;
	[tilespmem:s28+$0x13AC0] =	vst v53  }
0xcd: {  	v27 =	vld [tilespmem:s11+$0x11310];
	v57 =	vmul.f32 v38, v28;
	v58 =	vpop (erf);
	v59 =	vmul.f32 $2.000000030e-01, v13;
	[tilespmem:s28+$0x13AD0] =	vst v54  }
0xce: {  	v51 =	vld [tilespmem:s8+$0x112B0];
	v61 =	vmul.f32 v15, v28;
	v62 =	vperm.xlane v58, v2;
	vm1 =	vge.f32 v13, $0.0e+00;
	[tilespmem:s28+$0x13AE0] =	vst v55  }
0xcf: {  	s31 =	smul.u32 $0x70, s31;
	v30 =	vld [tilespmem:s8+$0x11300];
	[tilespmem:s28+$0x13AF0] =	vst v56;
	v13 =	vsel vm1, v13, v59  }
0xd0: {  	v32 =	vld [tilespmem:s4+$0x11300];
	[tilespmem:s28+$0x13B00] =	vst v57;
	v14 =	vsel vm0, v61, v28;
	v35 =	vmul.f32 v23, v62;
	v13 =	vmul.f32 $1.442695020e+00, v13  }
0xd1: {  	s0 =	smul.u32 $0x70, s0;
	v31 =	vld [tilespmem:s31+$0x112F0];
	v12 =	vadd.f32 v12, v60;
	[tilespmem:s28+$0x13B10] =	vst v14;
	v37 =	vmul.f32 v25, v62  }
0xd2: {  	v63 =	vld [tilespmem:s8+$0x11310];
	v39 =	vmul.f32 v39, v62;
	[tilespmem:s11+$0x13AB0] =	vst v35;
	(erf) = vpow2.f32 v13  }
0xd3: {  	v46 =	vld [tilespmem:s0+$0x11310];
	v45 =	vmul.f32 $2.000000030e-01, v12;
	v41 =	vmul.f32 v26, v62;
	[tilespmem:s11+$0x13AC0] =	vst v37  }
0xd4: {  	v40 =	vld [tilespmem:s1+$0x112E0];
	v16 =	vmul.f32 v16, v62;
	v43 =	vmul.f32 v43, v62;
	[tilespmem:s11+$0x13AD0] =	vst v39;
	v44 =	vpop (erf)  }
0xd5: {  	v42 =	vld [tilespmem:s1+$0x112F0];
	v47 =	vmul.f32 v27, v62;
	vm1 =	vge.f32 v12, $0.0e+00;
	[tilespmem:s11+$0x13AE0] =	vst v41;
	v18 =	vperm.xlane v44, v2  }
0xd6: {  	v19 =	vld [tilespmem:s8+$0x112F0];
	v12 =	vsel vm1, v12, v45;
	[tilespmem:s11+$0x13AF0] =	vst v16  }
0xd7: {  	v49 =	vld [tilespmem:s1+$0x11310];
	[tilespmem:s11+$0x13B00] =	vst v43;
	v14 =	vsel vm0, v47, v62;
	v12 =	vmul.f32 $1.442695020e+00, v12;
	v50 =	vmul.f32 v51, v18  }
0xd8: {  	v36 =	vld [tilespmem:s1+$0x112C0];
	v11 =	vadd.f32 v11, v46;
	[tilespmem:s11+$0x13B10] =	vst v14;
	v52 =	vmul.f32 v52, v18  }
0xd9: {  	v38 =	vld [tilespmem:s1+$0x112D0];
	(erf) = vpow2.f32 v12;
	v54 =	vmul.f32 v20, v18;
	[tilespmem:s8+$0x13AB0] =	vst v50  }
0xda: {  	v61 =	vld [tilespmem:s31+$0x11310];
	v60 =	vmul.f32 $2.000000030e-01, v11;
	v56 =	vmul.f32 v21, v18;
	[tilespmem:s8+$0x13AC0] =	vst v52  }
0xdb: {  	v53 =	vld [tilespmem:s4+$0x112C0];
	v19 =	vmul.f32 v19, v18;
	v58 =	vmul.f32 v30, v18;
	[tilespmem:s8+$0x13AD0] =	vst v54;
	v59 =	vpop (erf)  }
0xdc: {  	v55 =	vld [tilespmem:s4+$0x112D0];
	vm1 =	vge.f32 v11, $0.0e+00;
	v62 =	vmul.f32 v63, v18;
	[tilespmem:s8+$0x13AE0] =	vst v56;
	v21 =	vperm.xlane v59, v2  }
0xdd: {  	s16 =	smul.u32 $0x70, s12;
	v57 =	vld [tilespmem:s4+$0x112E0];
	v11 =	vsel vm1, v11, v60;
	[tilespmem:s8+$0x13AF0] =	vst v19  }
0xde: {  	v28 =	vld [tilespmem:s31+$0x112E0];
	v11 =	vmul.f32 $1.442695020e+00, v11;
	[tilespmem:s8+$0x13B00] =	vst v58;
	v14 =	vsel vm0, v62, v18;
	v33 =	vmul.f32 v33, v21  }
0xdf: {  	s13 =	smul.u32 $0x70, s19;
	v23 =	vld [tilespmem:s16+$0x112F0];
	v10 =	vadd.f32 v10, v61;
	[tilespmem:s8+$0x13B10] =	vst v14;
	v35 =	vmul.f32 v36, v21  }
0xe0: {  	v51 =	vld [tilespmem:s4+$0x112B0];
	(erf) = vpow2.f32 v11;
	v37 =	vmul.f32 v38, v21;
	[tilespmem:s1+$0x13AB0] =	vst v33  }
0xe1: {  	v44 =	vld [tilespmem:s13+$0x11310];
	v43 =	vmul.f32 $2.000000030e-01, v10;
	v13 =	vmul.f32 v40, v21;
	[tilespmem:s1+$0x13AC0] =	vst v35  }
0xe2: {  	v26 =	vld [tilespmem:s16+$0x11300];
	v39 =	vmul.f32 v42, v21;
	v41 =	vmul.f32 v48, v21;
	v42 =	vpop (erf);
	[tilespmem:s1+$0x13AD0] =	vst v37  }
0xe3: {  	v47 =	vld [tilespmem:s0+$0x112E0];
	vm1 =	vge.f32 v10, $0.0e+00;
	v45 =	vmul.f32 v49, v21;
	v46 =	vperm.xlane v42, v2;
	[tilespmem:s1+$0x13AE0] =	vst v13  }
0xe4: {  	v63 =	vld [tilespmem:s4+$0x112F0];
	v10 =	vsel vm1, v10, v43;
	[tilespmem:s1+$0x13AF0] =	vst v39  }
0xe5: {  	v60 =	vld [tilespmem:s16+$0x11310];
	v10 =	vmul.f32 $1.442695020e+00, v10;
	[tilespmem:s1+$0x13B00] =	vst v41;
	v13 =	vsel vm0, v45, v21;
	v49 =	vmul.f32 v51, v46  }
0xe6: {  	v50 =	vld [tilespmem:s0+$0x11300];
	v9 =	vadd.f32 v9, v44;
	[tilespmem:s1+$0x13B10] =	vst v13;
	v51 =	vmul.f32 v53, v46  }
0xe7: {  	v36 =	vld [tilespmem:s0+$0x112B0];
	(erf) = vpow2.f32 v10;
	v12 =	vmul.f32 v55, v46;
	[tilespmem:s4+$0x13AB0] =	vst v49  }
0xe8: {  	v59 =	vmul.f32 $2.000000030e-01, v9;
	v38 =	vld [tilespmem:s0+$0x112C0];
	v54 =	vmul.f32 v57, v46;
	[tilespmem:s4+$0x13AC0] =	vst v51  }
0xe9: {  	v40 =	vld [tilespmem:s0+$0x112D0];
	v55 =	vmul.f32 v63, v46;
	v57 =	vmul.f32 v32, v46;
	[tilespmem:s4+$0x13AD0] =	vst v12;
	v58 =	vpop (erf)  }
0xea: {  	vm1 =	vge.f32 v9, $0.0e+00;
	v48 =	vld [tilespmem:s0+$0x112F0];
	v61 =	vmul.f32 v34, v46;
	[tilespmem:s4+$0x13AE0] =	vst v54;
	v62 =	vperm.xlane v58, v2  }
0xeb: {  	v52 =	vld [tilespmem:s0+$0x11310];
	v9 =	vsel vm1, v9, v59;
	[tilespmem:s4+$0x13AF0] =	vst v55  }
0xec: {  	v56 =	vld [tilespmem:s31+$0x112C0];
	v9 =	vmul.f32 $1.442695020e+00, v9;
	[tilespmem:s4+$0x13B00] =	vst v57;
	v29 =	vsel vm0, v61, v46;
	v30 =	vmul.f32 v36, v62  }
0xed: {  	s18 =	smul.u32 $0x70, s18;
	v43 =	vld [tilespmem:s13+$0x112C0];
	[tilespmem:s4+$0x13B10] =	vst v29;
	v11 =	vmul.f32 v38, v62  }
0xee: {  	v8 =	vadd.f32 v8, v60;
	v53 =	vld [tilespmem:s31+$0x112B0];
	(erf) = vpow2.f32 v9;
	v33 =	vmul.f32 v40, v62;
	[tilespmem:s0+$0x13AB0] =	vst v30  }
0xef: {  	s19 =	smul.u32 $0x70, s17;
	v41 =	vld [tilespmem:s18+$0x11310];
	v35 =	vmul.f32 v47, v62;
	v36 =	vmul.f32 v48, v62;
	[tilespmem:s0+$0x13AC0] =	vst v11  }
0xf0: {  	v63 =	vld [tilespmem:s31+$0x112D0];
	v38 =	vmul.f32 v50, v62;
	v39 =	vpop (erf);
	v40 =	vmul.f32 $2.000000030e-01, v8;
	[tilespmem:s0+$0x13AD0] =	vst v33  }
0xf1: {  	v18 =	vld [tilespmem:s19+$0x112F0];
	vm1 =	vge.f32 v8, $0.0e+00;
	v42 =	vmul.f32 v52, v62;
	v17 =	vperm.xlane v39, v2;
	[tilespmem:s0+$0x13AE0] =	vst v35  }
0xf2: {  	v32 =	vld [tilespmem:s31+$0x11300];
	v8 =	vsel vm1, v8, v40;
	[tilespmem:s0+$0x13AF0] =	vst v36  }
0xf3: {  	v34 =	vld [tilespmem:s31+$0x11310];
	[tilespmem:s0+$0x13B00] =	vst v38;
	v9 =	vsel vm0, v42, v62;
	v10 =	vmul.f32 v53, v17;
	v8 =	vmul.f32 $1.442695020e+00, v8  }
0xf4: {  	v44 =	vld [tilespmem:s13+$0x112D0];
	v7 =	vadd.f32 v7, v41;
	[tilespmem:s0+$0x13B10] =	vst v9;
	v46 =	vmul.f32 v56, v17  }
0xf5: {  	v37 =	vld [tilespmem:s13+$0x112B0];
	v48 =	vmul.f32 v63, v17;
	[tilespmem:s31+$0x13AB0] =	vst v10;
	(erf) = vpow2.f32 v8  }
0xf6: {  	v45 =	vld [tilespmem:s13+$0x112E0];
	v55 =	vmul.f32 $2.000000030e-01, v7;
	v50 =	vmul.f32 v28, v17;
	[tilespmem:s31+$0x13AC0] =	vst v46  }
0xf7: {  	vm1 =	vge.f32 v7, $0.0e+00;
	v51 =	vmul.f32 v31, v17;
	v53 =	vmul.f32 v32, v17;
	v56 =	vld [tilespmem:s19+$0x11310];
	[tilespmem:s31+$0x13AD0] =	vst v48;
	v54 =	vpop (erf)  }
0xf8: {  	v47 =	vld [tilespmem:s13+$0x112F0];
	v57 =	vmul.f32 v34, v17;
	v7 =	vsel vm1, v7, v55;
	[tilespmem:s31+$0x13AE0] =	vst v50;
	v12 =	vperm.xlane v54, v2  }
0xf9: {  	v49 =	vld [tilespmem:s13+$0x11300];
	v7 =	vmul.f32 $1.442695020e+00, v7;
	[tilespmem:s31+$0x13AF0] =	vst v51  }
0xfa: {  	v52 =	vld [tilespmem:s13+$0x11310];
	[tilespmem:s31+$0x13B00] =	vst v53;
	v8 =	vsel vm0, v57, v17;
	v60 =	vmul.f32 v37, v12  }
0xfb: {  	s9 =	smul.u32 $0x70, s9;
	v59 =	vld [tilespmem:s16+$0x112C0];
	[tilespmem:s31+$0x13B10] =	vst v8;
	(erf) = vpow2.f32 v7;
	v62 =	vmul.f32 v43, v12  }
0xfc: {  	v58 =	vld [tilespmem:s16+$0x112B0];
	v6 =	vadd.f32 v6, v56;
	v21 =	vmul.f32 v44, v12;
	[tilespmem:s13+$0x13AB0] =	vst v60  }
0xfd: {  	v30 =	vld [tilespmem:s9+$0x11310];
	v24 =	vmul.f32 v45, v12;
	v25 =	vmul.f32 v47, v12;
	[tilespmem:s13+$0x13AC0] =	vst v62  }
0xfe: {  	v61 =	vld [tilespmem:s16+$0x112D0];
	v27 =	vmul.f32 v49, v12;
	v29 =	vmul.f32 $2.000000030e-01, v6;
	[tilespmem:s13+$0x13AD0] =	vst v21;
	v28 =	vpop (erf)  }
0xff: {  	v63 =	vld [tilespmem:s16+$0x112E0];
	v31 =	vmul.f32 v52, v12;
	vm1 =	vge.f32 v6, $0.0e+00;
	[tilespmem:s13+$0x13AE0] =	vst v24;
	v32 =	vperm.xlane v28, v2  }
0x100: {  	v33 =	vld [tilespmem:s16+$0x11310];
	[tilespmem:s13+$0x13AF0] =	vst v25;
	v6 =	vsel vm1, v6, v29  }
0x101: {  	v36 =	vld [tilespmem:s18+$0x112C0];
	[tilespmem:s13+$0x13B00] =	vst v27;
	v7 =	vsel vm0, v31, v12;
	v6 =	vmul.f32 $1.442695020e+00, v6;
	v35 =	vmul.f32 v58, v32  }
0x102: {  	s24 =	smul.u32 $0x70, s24;
	v38 =	vld [tilespmem:s18+$0x112D0];
	v5 =	vadd.f32 v5, v30;
	[tilespmem:s13+$0x13B10] =	vst v7;
	v37 =	vmul.f32 v59, v32  }
0x103: {  	v34 =	vld [tilespmem:s18+$0x112B0];
	(erf) = vpow2.f32 v6;
	v39 =	vmul.f32 v61, v32;
	[tilespmem:s16+$0x13AB0] =	vst v35  }
0x104: {  	v46 =	vmul.f32 $2.000000030e-01, v5;
	v47 =	vld [tilespmem:s24+$0x11310];
	v45 =	vpop (erf);
	v41 =	vmul.f32 v63, v32;
	[tilespmem:s16+$0x13AC0] =	vst v37  }
0x105: {  	v40 =	vld [tilespmem:s18+$0x112E0];
	vm1 =	vge.f32 v5, $0.0e+00;
	v13 =	vperm.xlane v45, v2;
	v42 =	vmul.f32 v23, v32;
	[tilespmem:s16+$0x13AD0] =	vst v39  }
0x106: {  	v43 =	vld [tilespmem:s18+$0x112F0];
	v5 =	vsel vm1, v5, v46;
	v44 =	vmul.f32 v26, v32;
	v48 =	vmul.f32 v33, v32;
	[tilespmem:s16+$0x13AE0] =	vst v41  }
0x107: {  	v49 =	vld [tilespmem:s18+$0x11300];
	v5 =	vmul.f32 $1.442695020e+00, v5;
	[tilespmem:s16+$0x13AF0] =	vst v42  }
0x108: {  	v50 =	vld [tilespmem:s18+$0x11310];
	v8 =	vmul.f32 v34, v13;
	[tilespmem:s16+$0x13B00] =	vst v44;
	v6 =	vsel vm0, v48, v32  }
0x109: {  	s28 =	smul.u32 $0x70, s23;
	v51 =	vld [tilespmem:s19+$0x112B0];
	v4 =	vadd.f32 v4, v47;
	(erf) = vpow2.f32 v5;
	v52 =	vmul.f32 v36, v13;
	[tilespmem:s16+$0x13B10] =	vst v6  }
0x10a: {  	v53 =	vld [tilespmem:s19+$0x112C0];
	v54 =	vmul.f32 v38, v13;
	[tilespmem:s18+$0x13AB0] =	vst v8  }
0x10b: {  	v62 =	vld [tilespmem:s28+$0x11310];
	v61 =	vmul.f32 $2.000000030e-01, v4;
	v56 =	vmul.f32 v40, v13;
	[tilespmem:s18+$0x13AC0] =	vst v52  }
0x10c: {  	v55 =	vld [tilespmem:s19+$0x112D0];
	v57 =	vmul.f32 v43, v13;
	v59 =	vmul.f32 v49, v13;
	[tilespmem:s18+$0x13AD0] =	vst v54;
	v60 =	vpop (erf)  }
0x10d: {  	vm1 =	vge.f32 v4, $0.0e+00;
	v58 =	vld [tilespmem:s19+$0x112E0];
	v63 =	vmul.f32 v50, v13;
	[tilespmem:s18+$0x13AE0] =	vst v56;
	v17 =	vperm.xlane v60, v2  }
0x10e: {  	v19 =	vld [tilespmem:s19+$0x11300];
	v4 =	vsel vm1, v4, v61;
	[tilespmem:s18+$0x13AF0] =	vst v57  }
0x10f: {  	v21 =	vld [tilespmem:s19+$0x11310];
	[tilespmem:s18+$0x13B00] =	vst v59;
	v5 =	vsel vm0, v63, v13;
	v4 =	vmul.f32 $1.442695020e+00, v4;
	v20 =	vmul.f32 v51, v17  }
0x110: {  	v30 =	vld [tilespmem:s9+$0x112E0];
	v3 =	vadd.f32 v3, v62;
	[tilespmem:s18+$0x13B10] =	vst v5;
	v22 =	vmul.f32 v53, v17  }
0x111: {  	v23 =	vld [tilespmem:s9+$0x112B0];
	(erf) = vpow2.f32 v4;
	v24 =	vmul.f32 v55, v17;
	[tilespmem:s19+$0x13AB0] =	vst v20  }
0x112: {  	v25 =	vld [tilespmem:s9+$0x112C0];
	v31 =	vmul.f32 $2.000000030e-01, v3;
	v29 =	vpop (erf);
	v26 =	vmul.f32 v58, v17;
	[tilespmem:s19+$0x13AC0] =	vst v22  }
0x113: {  	v28 =	vld [tilespmem:s9+$0x112D0];
	vm1 =	vge.f32 v3, $0.0e+00;
	v8 =	vperm.xlane v29, v2;
	v27 =	vmul.f32 v18, v17;
	[tilespmem:s19+$0x13AD0] =	vst v24  }
0x114: {  	v33 =	vld [tilespmem:s9+$0x112F0];
	v3 =	vsel vm1, v3, v31;
	v6 =	vmul.f32 v19, v17;
	v32 =	vmul.f32 v21, v17;
	[tilespmem:s19+$0x13AE0] =	vst v26  }
0x115: {  	v34 =	vld [tilespmem:s9+$0x11300];
	v3 =	vmul.f32 $1.442695020e+00, v3;
	[tilespmem:s19+$0x13AF0] =	vst v27  }
0x116: {  	v36 =	vld [tilespmem:s9+$0x11310];
	v35 =	vmul.f32 v23, v8;
	[tilespmem:s19+$0x13B00] =	vst v6;
	v4 =	vsel vm0, v32, v17  }
0x117: {  	v46 =	vld [tilespmem:s24+$0x112F0];
	(erf) = vpow2.f32 v3;
	v37 =	vmul.f32 v25, v8;
	[tilespmem:s19+$0x13B10] =	vst v4  }
0x118: {  	v38 =	vld [tilespmem:s24+$0x112B0];
	v39 =	vmul.f32 v28, v8;
	[tilespmem:s9+$0x13AB0] =	vst v35  }
0x119: {  	v40 =	vld [tilespmem:s24+$0x112C0];
	v3 =	vmul.f32 v30, v8;
	[tilespmem:s9+$0x13AC0] =	vst v37  }
0x11a: {  	v41 =	vld [tilespmem:s24+$0x112D0];
	v43 =	vmul.f32 v33, v8;
	v5 =	vmul.f32 v34, v8;
	[tilespmem:s9+$0x13AD0] =	vst v39;
	v42 =	vpop (erf)  }
0x11b: {  	v44 =	vld [tilespmem:s24+$0x112E0];
	[tilespmem:s9+$0x13AE0] =	vst v3;
	v3 =	vmul.f32 v36, v8;
	v45 =	vperm.xlane v42, v2  }
0x11c: {  	v47 =	vld [tilespmem:s24+$0x11300];
	[tilespmem:s9+$0x13AF0] =	vst v43  }
0x11d: {  	v49 =	vld [tilespmem:s24+$0x11310];
	[tilespmem:s9+$0x13B00] =	vst v5;
	v3 =	vsel vm0, v3, v8;
	v48 =	vmul.f32 v38, v45  }
0x11e: {  	v50 =	vld [tilespmem:s28+$0x112B0];
	[tilespmem:s9+$0x13B10] =	vst v3;
	v3 =	vmul.f32 v40, v45  }
0x11f: {  	v52 =	vld [tilespmem:s28+$0x112D0];
	v4 =	vmul.f32 v41, v45;
	[tilespmem:s24+$0x13AB0] =	vst v48  }
0x120: {  	v51 =	vld [tilespmem:s28+$0x112C0];
	v54 =	vpop (erf);
	[tilespmem:s24+$0x13AC0] =	vst v3;
	v3 =	vmul.f32 v44, v45  }
0x121: {  	v57 =	vld [tilespmem:s28+$0x112F0];
	v56 =	vperm.xlane v54, v2;
	v53 =	vmul.f32 v46, v45;
	[tilespmem:s24+$0x13AD0] =	vst v4  }
0x122: {  	v55 =	vld [tilespmem:s28+$0x112E0];
	v6 =	vmul.f32 v47, v45;
	[tilespmem:s24+$0x13AE0] =	vst v3;
	v3 =	vmul.f32 v49, v45  }
0x123: {  	v60 =	vld [tilespmem:s28+$0x11310];
	[tilespmem:s24+$0x13AF0] =	vst v53  }
0x124: {  	v58 =	vld [tilespmem:s28+$0x11300];
	v59 =	vmul.f32 v50, v56;
	[tilespmem:s24+$0x13B00] =	vst v6;
	v3 =	vsel vm0, v3, v45  }
0x125: {  	[tilespmem:s24+$0x13B10] =	vst v3;
	v3 =	vmul.f32 v51, v56  }
0x126: {  	v61 =	vmul.f32 v52, v56;
	[tilespmem:s28+$0x13AB0] =	vst v59  }
0x127: {  	p2 =	slt.u32 s22, $0x40;
	[tilespmem:s28+$0x13AC0] =	vst v3;
	v3 =	vmul.f32 v55, v56  }
.Ltmp1:
0x128: {  	v62 =	vmul.f32 v57, v56;
	[tilespmem:s28+$0x13AD0] =	vst v61;
	(pc) =	sbr.rel @p2 .LBB2_5-.Ltmp1, $4  }
0x129: {  	v63 =	vmul.f32 v60, v56;
	[tilespmem:s28+$0x13AE0] =	vst v3;
	v3 =	vmul.f32 v58, v56  }
0x12a: {  	[tilespmem:s28+$0x13AF0] =	vst v62  }
0x12b: {  	s31 =	sadd.s32 $0x10, s22;
	[tilespmem:s28+$0x13B00] =	vst v3;
	v3 =	vsel vm0, v63, v56  }
0x12c: {  	s22 =	smov.u32 s31;
	[tilespmem:s28+$0x13B10] =	vst v3  }
0x12d: {  	v3 =	vld [tilespmem:$0x111C0]  }
0x12e: {  	v4 =	vld [tilespmem:$0x111D0]  }
0x12f: {  	v5 =	vld [tilespmem:$0x111E0]  }
0x130: {  	v6 =	vld [tilespmem:$0x111F0]  }
0x131: {  	v7 =	vld [tilespmem:$0x11200]  }
0x132: {  	[tilespmem:$0x11260] =	vst v3  }
0x133: {  	[tilespmem:$0x11270] =	vst v4  }
0x134: {  	[tilespmem:$0x11280] =	vst v5  }
0x135: {  	[tilespmem:$0x11290] =	vst v6  }
0x136: {  	s0 =	rddreg [dreg:$0x2];
	s1 =	simm.s32 $0x11260;
	s2 =	simm.s32 $0x13AB0;
	[tilespmem:$0x112A0] =	vst v7  }
0x137: {  	[spmem:s0] =	stream.indirect.scatter.add.f32 [tilespmem:s2], [sflag:$0x2], $0x70, s1, s29, $0xb8;
	[tilespmem:$0x1A9F0] =	vst v63  }
0x138: {  	p2 =	seq.s32 s20, $0x7C;
	s0 =	rddreg [dreg:$0xa]  }
0x139: {  	s0 =	sadd.s32 @!p2 s21, s0  }
0x13a: {  	s0 =	sshrl.u32 @!p2 s0, $0x3  }
0x13b: {  	s4 =	simm.s32 @!p2 $0x11170;
	s2 =	simm.s32 @!p2 $0x0;
	s1 =	sadd.s32 @!p2 s6, s0  }
0x13c: {  	[tilespmem:s4], [sflag:$0x5] =	stream.linear.gather @!p2 [hbm4b:s1+s2], $0x50, $0x38;
	[tilespmem:$0x1A9F0] =	vst v63  }
0x13d: {  	s1 =	simm.s32 @!p2 $0x5  }
0x13e: {  	_ =	swait.ge @!p2 [sflag:s1], $0x50  }
0x13f: {  	[sflag:s1] =	ssyncset.done @!p2 $0x0  }
0x140: {  	s8 =	simm.s32 @!p2 $0x111C0;
	s0 =	sadd.s32 @!p2 s7, s0;
	[sflag:s1] =	ssyncadd.s32 @!p2 $0xFFFFFFB0  }
0x141: {  	[tilespmem:s8], [sflag:$0x5] =	stream.linear.gather @!p2 [hbm4b:s0+s2], $0x50, $0x38;
	[tilespmem:$0x1A9F0] =	vst v63  }
0x142: {  	_ =	swait.ge @!p2 [sflag:s1], $0x50  }
0x143: {  	[sflag:s1] =	ssyncset.done @!p2 $0x0  }
0x144: {  	[sflag:s1] =	ssyncadd.s32 @!p2 $0xFFFFFFB0  }
0x145: {  	v3 =	vld @!p2 [tilespmem:$0x11170]  }
0x146: {  	v4 =	vld @!p2 [tilespmem:$0x111C0]  }
0x147: {  	v5 =	vld @!p2 [tilespmem:$0x11180]  }
0x148: {  	v6 =	vld @!p2 [tilespmem:$0x111D0]  }
0x149: {  	v7 =	vld @!p2 [tilespmem:$0x11190]  }
0x14a: {  	v8 =	vld @!p2 [tilespmem:$0x111E0];
	v3 =	vadd.s32 @!p2 v0, v3  }
0x14b: {  	[tilespmem:$0x11170] =	vst @!p2 v3;
	v3 =	vadd.s32 @!p2 v0, v4;
	v4 =	vld @!p2 [tilespmem:$0x111A0]  }
0x14c: {  	[tilespmem:$0x11210] =	vst @!p2 v3;
	v3 =	vadd.s32 @!p2 v0, v5;
	v5 =	vld @!p2 [tilespmem:$0x111F0]  }
0x14d: {  	[tilespmem:$0x11180] =	vst @!p2 v3;
	v3 =	vadd.s32 @!p2 v0, v6;
	v6 =	vld @!p2 [tilespmem:$0x111B0]  }
0x14e: {  	[tilespmem:$0x11220] =	vst @!p2 v3;
	v3 =	vadd.s32 @!p2 v0, v7;
	v7 =	vld @!p2 [tilespmem:$0x11200]  }
0x14f: {  	[tilespmem:$0x11190] =	vst @!p2 v3;
	v3 =	vadd.s32 @!p2 v0, v8  }
0x150: {  	[tilespmem:$0x11230] =	vst @!p2 v3;
	v3 =	vadd.s32 @!p2 v0, v4  }
0x151: {  	[tilespmem:$0x111A0] =	vst @!p2 v3;
	v3 =	vadd.s32 @!p2 v0, v5  }
0x152: {  	[tilespmem:$0x11240] =	vst @!p2 v3;
	v3 =	vadd.s32 @!p2 v0, v6  }
0x153: {  	[tilespmem:$0x111B0] =	vst @!p2 v3;
	v3 =	vadd.s32 @!p2 v0, v7  }
0x154: {  	s0 =	simm.s32 @!p2 $0x50;
	s1 =	simm.s32 @!p2 $0x112B0;
	[tilespmem:$0x11250] =	vst @!p2 v3  }
0x155: {  	[tilespmem:s1], [sflag:$0x1] =	stream.indirect.gather @!p2 [hbm4b:s5+s0], $0x70, s4, s0, $0xb8;
	[tilespmem:$0x1A9F0] =	vst v63  }
0x156: {  	s2 =	simm.s32 @!p2 $0x135B0;
	s1 =	simm.s32 @!p2 $0x11210  }
0x157: {  	[tilespmem:s2], [sflag:$0x1] =	stream.indirect.gather @!p2 [hbm4b:s14+s0], $0x10, s1, s0, $0xb8;
	[tilespmem:$0x1A9F0] =	vst v63  }
0x158: {  	_ =	swait.ge [sflag:s15], $0x2300  }
0x159: {  	[sflag:s15] =	ssyncset.done $0x0  }
0x15a: {  	[sflag:s15] =	ssyncadd.s32 $0xFFFFDD00  }
0x15b: {  	_ =	swait.ge [sflag:s15], $0x500  }
0x15c: {  	[sflag:s15] =	ssyncset.done $0x0  }
0x15d: {  	s0 =	simm.s32 @!p1 $0x4;
	[sflag:s15] =	ssyncadd.s32 $0xFFFFFB00  }
0x15e: {  	_ =	swait.ge @!p1 [sflag:s0], $0x2300  }
0x15f: {  	s31 =	smov.u32 s14;
	[sflag:s0] =	ssyncset.done @!p1 $0x0  }
0x160: {  	s20 =	sadd.s32 $0x1, s20;
	s21 =	simm.s32 $0x0;
	[sflag:s0] =	ssyncadd.s32 @!p1 $0xFFFFDD00  }
.LBB2_7:
0x161: {  	s10 =	smul.u32 $0x70, s21  }
0x162: {  	s0 =	sshll.u32 s21, $0x4  }
0x163: {  	s0 =	sand.u32 $0x3FFFFFF0, s0;
	v14 =	vld [tilespmem:s10+$0x15F50]  }
0x164: {  	v15 =	vld [tilespmem:s0+$0x181F0]  }
0x165: {  	v20 =	vld [tilespmem:s10+$0x15EF0]  }
0x166: {  	v21 =	vld [tilespmem:s10+$0x15F00]  }
0x167: {  	v22 =	vld [tilespmem:s10+$0x15F10]  }
0x168: {  	s2 =	sor.u32 $0x1, s21;
	v25 =	vld [tilespmem:s10+$0x15F20]  }
0x169: {  	s28 =	sor.u32 $0x2, s21;
	s1 =	sshll.u32 s2, $0x4;
	v47 =	vld [tilespmem:s10+$0x15F30]  }
0x16a: {  	s11 =	sor.u32 $0x3, s21;
	s22 =	sshll.u32 s28, $0x4;
	s19 =	sand.u32 $0x3FFFFFF0, s1;
	v26 =	vld [tilespmem:s10+$0x15F40]  }
0x16b: {  	s8 =	sor.u32 $0x4, s21;
	s24 =	sshll.u32 s11, $0x4;
	s23 =	sand.u32 $0x3FFFFFF0, s22;
	v16 =	vld [tilespmem:s19+$0x181F0]  }
0x16c: {  	s4 =	sshll.u32 s8, $0x4;
	s1 =	sand.u32 $0x3FFFFFF0, s24;
	v17 =	vld [tilespmem:s23+$0x181F0]  }
0x16d: {  	s2 =	smul.u32 $0x70, s2;
	s9 =	sand.u32 $0x3FFFFFF0, s4;
	v18 =	vld [tilespmem:s1+$0x181F0]  }
0x16e: {  	v19 =	vld [tilespmem:s9+$0x181F0]  }
0x16f: {  	v24 =	vld [tilespmem:s2+$0x15F50]  }
0x170: {  	v27 =	vld [tilespmem:s2+$0x15EF0]  }
0x171: {  	s28 =	smul.u32 $0x70, s28;
	v49 =	vld [tilespmem:s2+$0x15F00]  }
0x172: {  	v50 =	vld [tilespmem:s2+$0x15F10]  }
0x173: {  	v29 =	vld [tilespmem:s28+$0x15F50]  }
0x174: {  	v30 =	vld [tilespmem:s2+$0x15F20]  }
0x175: {  	v51 =	vld [tilespmem:s2+$0x15F30];
	v15 =	vadd.f32 v15, v14  }
0x176: {  	v31 =	vld [tilespmem:s2+$0x15F40]  }
0x177: {  	v32 =	vld [tilespmem:s2+$0x15F50];
	v23 =	vmul.f32 $2.000000030e-01, v15  }
0x178: {  	s11 =	smul.u32 $0x70, s11;
	v53 =	vld [tilespmem:s28+$0x15EF0];
	vm1 =	vge.f32 v15, $0.0e+00  }
0x179: {  	v54 =	vld [tilespmem:s28+$0x15F00];
	v15 =	vsel vm1, v15, v23  }
0x17a: {  	v35 =	vld [tilespmem:s11+$0x15F50];
	v15 =	vmul.f32 $1.442695020e+00, v15  }
0x17b: {  	v36 =	vld [tilespmem:s28+$0x15F10]  }
0x17c: {  	v55 =	vld [tilespmem:s28+$0x15F20];
	v48 =	vadd.f32 v16, v24;
	(erf) = vpow2.f32 v15  }
0x17d: {  	s8 =	smul.u32 $0x70, s8;
	v37 =	vld [tilespmem:s28+$0x15F30]  }
0x17e: {  	v38 =	vld [tilespmem:s28+$0x15F40];
	v28 =	vmul.f32 $2.000000030e-01, v48  }
0x17f: {  	s16 =	sor.u32 $0x5, s21;
	v62 =	vld [tilespmem:s8+$0x15F50];
	vm1 =	vge.f32 v48, $0.0e+00  }
0x180: {  	s12 =	sshll.u32 s16, $0x4;
	s4 =	sor.u32 $0x6, s21;
	v39 =	vld [tilespmem:s11+$0x15F10];
	v15 =	vsel vm1, v48, v28  }
0x181: {  	s0 =	sor.u32 $0x7, s21;
	s1 =	sand.u32 $0x3FFFFFF0, s12;
	s9 =	sshll.u32 s4, $0x4;
	v43 =	vld [tilespmem:s11+$0x15F40];
	v15 =	vmul.f32 $1.442695020e+00, v15  }
0x182: {  	s24 =	sor.u32 $0x8, s21;
	s14 =	sshll.u32 s0, $0x4;
	v13 =	vld [tilespmem:s1+$0x181F0];
	s13 =	sand.u32 $0x3FFFFFF0, s9  }
0x183: {  	s18 =	sshll.u32 s24, $0x4;
	s19 =	sor.u32 $0x9, s21;
	s17 =	sand.u32 $0x3FFFFFF0, s14;
	v12 =	vld [tilespmem:s13+$0x181F0];
	v52 =	vadd.f32 v17, v29;
	(erf) = vpow2.f32 v15  }
0x184: {  	s12 =	sor.u32 $0xA, s21;
	s22 =	sand.u32 $0x3FFFFFF0, s18;
	s23 =	sshll.u32 s19, $0x4;
	v11 =	vld [tilespmem:s17+$0x181F0]  }
0x185: {  	s18 =	sor.u32 $0xB, s21;
	v10 =	vld [tilespmem:s22+$0x181F0];
	s9 =	sand.u32 $0x3FFFFFF0, s23;
	s13 =	sshll.u32 s12, $0x4;
	v34 =	vmul.f32 $2.000000030e-01, v52;
	v33 =	vpop (erf)  }
0x186: {  	s22 =	sshll.u32 s18, $0x4;
	s17 =	sor.u32 $0xC, s21;
	v9 =	vld [tilespmem:s9+$0x181F0];
	s14 =	sand.u32 $0x3FFFFFF0, s13;
	vm1 =	vge.f32 v52, $0.0e+00;
	v33 =	vperm.xlane v33, v2  }
0x187: {  	s23 =	sand.u32 $0x3FFFFFF0, s22;
	s13 =	sshll.u32 s17, $0x4;
	v8 =	vld [tilespmem:s14+$0x181F0];
	v15 =	vsel vm1, v52, v34  }
0x188: {  	s9 =	sor.u32 $0xD, s21;
	v7 =	vld [tilespmem:s23+$0x181F0];
	s14 =	sand.u32 $0x3FFFFFF0, s13;
	v15 =	vmul.f32 $1.442695020e+00, v15;
	v20 =	vmul.f32 v20, v33  }
0x189: {  	s22 =	sshll.u32 s9, $0x4;
	s23 =	sor.u32 $0xE, s21;
	v6 =	vld [tilespmem:s14+$0x181F0];
	v18 =	vadd.f32 v18, v35;
	v21 =	vmul.f32 v21, v33  }
0x18a: {  	s13 =	sand.u32 $0x3FFFFFF0, s22;
	s14 =	sshll.u32 s23, $0x4;
	s22 =	sor.u32 $0xF, s21;
	v16 =	vld [tilespmem:s11+$0x15F30];
	(erf) = vpow2.f32 v15;
	v56 =	vmul.f32 v22, v33;
	[tilespmem:s10+$0x186F0] =	vst v20  }
0x18b: {  	v5 =	vld [tilespmem:s13+$0x181F0];
	s13 =	sand.u32 $0x3FFFFFF0, s14;
	s14 =	sshll.u32 s22, $0x4;
	v61 =	vmul.f32 $2.000000030e-01, v18;
	v57 =	vmul.f32 v25, v33;
	[tilespmem:s10+$0x18700] =	vst v21  }
0x18c: {  	v19 =	vadd.f32 v19, v62;
	v4 =	vld [tilespmem:s13+$0x181F0];
	s14 =	sand.u32 $0x3FFFFFF0, s14;
	v58 =	vmul.f32 v47, v33;
	v59 =	vmul.f32 v26, v33;
	v60 =	vpop (erf);
	[tilespmem:s10+$0x18710] =	vst v56  }
0x18d: {  	v3 =	vld [tilespmem:s14+$0x181F0];
	vm1 =	vge.f32 v18, $0.0e+00;
	v14 =	vmul.f32 v14, v33;
	v63 =	vperm.xlane v60, v2;
	[tilespmem:s10+$0x18720] =	vst v57  }
0x18e: {  	s4 =	smul.u32 $0x70, s4;
	v23 =	vld [tilespmem:s11+$0x15EF0];
	v48 =	vmul.f32 $2.000000030e-01, v19;
	v18 =	vsel vm1, v18, v61;
	[tilespmem:s10+$0x18730] =	vst v58  }
0x18f: {  	s13 =	smul.u32 $0x70, s16;
	v52 =	vld [tilespmem:s8+$0x15F00];
	v18 =	vmul.f32 $1.442695020e+00, v18;
	[tilespmem:s10+$0x18740] =	vst v59;
	v14 =	vsel vm0, v14, v33;
	v40 =	vmul.f32 v27, v63  }
0x190: {  	v34 =	vld [tilespmem:s4+$0x15F50];
	vm1 =	vge.f32 v19, $0.0e+00;
	[tilespmem:s10+$0x18750] =	vst v14;
	v41 =	vmul.f32 v49, v63  }
0x191: {  	v19 =	vsel vm1, v19, v48;
	v48 =	vld [tilespmem:s13+$0x15F40];
	(erf) = vpow2.f32 v18;
	v42 =	vmul.f32 v50, v63;
	[tilespmem:s2+$0x186F0] =	vst v40  }
0x192: {  	v15 =	vld [tilespmem:s28+$0x15F50];
	v44 =	vmul.f32 v30, v63;
	[tilespmem:s2+$0x18700] =	vst v41  }
0x193: {  	v45 =	vmul.f32 v51, v63;
	v46 =	vmul.f32 v31, v63;
	v49 =	vld [tilespmem:s13+$0x15F50];
	[tilespmem:s2+$0x18710] =	vst v42;
	v47 =	vpop (erf)  }
0x194: {  	v25 =	vld [tilespmem:s11+$0x15F00];
	v50 =	vmul.f32 v32, v63;
	[tilespmem:s2+$0x18720] =	vst v44;
	v28 =	vperm.xlane v47, v2  }
0x195: {  	v26 =	vld [tilespmem:s11+$0x15F20];
	[tilespmem:s2+$0x18730] =	vst v45  }
0x196: {  	v19 =	vmul.f32 $1.442695020e+00, v19;
	v60 =	vld [tilespmem:s4+$0x15F50];
	[tilespmem:s2+$0x18740] =	vst v46;
	v14 =	vsel vm0, v50, v63;
	v17 =	vmul.f32 v53, v28  }
0x197: {  	v20 =	vld [tilespmem:s8+$0x15F10];
	[tilespmem:s2+$0x18750] =	vst v14;
	v53 =	vmul.f32 v54, v28  }
0x198: {  	v21 =	vld [tilespmem:s8+$0x15F20];
	(erf) = vpow2.f32 v19;
	v13 =	vadd.f32 v13, v49;
	v54 =	vmul.f32 v36, v28;
	[tilespmem:s28+$0x186F0] =	vst v17  }
0x199: {  	v33 =	vld [tilespmem:s13+$0x15EF0];
	v55 =	vmul.f32 v55, v28;
	v56 =	vmul.f32 v37, v28;
	[tilespmem:s28+$0x18700] =	vst v53  }
0x19a: {  	v27 =	vld [tilespmem:s11+$0x15F50];
	v57 =	vmul.f32 v38, v28;
	v58 =	vpop (erf);
	v59 =	vmul.f32 $2.000000030e-01, v13;
	[tilespmem:s28+$0x18710] =	vst v54  }
0x19b: {  	v51 =	vld [tilespmem:s8+$0x15EF0];
	v61 =	vmul.f32 v15, v28;
	v62 =	vperm.xlane v58, v2;
	vm1 =	vge.f32 v13, $0.0e+00;
	[tilespmem:s28+$0x18720] =	vst v55  }
0x19c: {  	s24 =	smul.u32 $0x70, s24;
	v30 =	vld [tilespmem:s8+$0x15F40];
	[tilespmem:s28+$0x18730] =	vst v56;
	v13 =	vsel vm1, v13, v59  }
0x19d: {  	v32 =	vld [tilespmem:s4+$0x15F40];
	[tilespmem:s28+$0x18740] =	vst v57;
	v14 =	vsel vm0, v61, v28;
	v35 =	vmul.f32 v23, v62;
	v13 =	vmul.f32 $1.442695020e+00, v13  }
0x19e: {  	s0 =	smul.u32 $0x70, s0;
	v31 =	vld [tilespmem:s24+$0x15F30];
	v12 =	vadd.f32 v12, v60;
	[tilespmem:s28+$0x18750] =	vst v14;
	v37 =	vmul.f32 v25, v62  }
0x19f: {  	v63 =	vld [tilespmem:s8+$0x15F50];
	v39 =	vmul.f32 v39, v62;
	[tilespmem:s11+$0x186F0] =	vst v35;
	(erf) = vpow2.f32 v13  }
0x1a0: {  	v46 =	vld [tilespmem:s0+$0x15F50];
	v45 =	vmul.f32 $2.000000030e-01, v12;
	v41 =	vmul.f32 v26, v62;
	[tilespmem:s11+$0x18700] =	vst v37  }
0x1a1: {  	v40 =	vld [tilespmem:s13+$0x15F20];
	v16 =	vmul.f32 v16, v62;
	v43 =	vmul.f32 v43, v62;
	[tilespmem:s11+$0x18710] =	vst v39;
	v44 =	vpop (erf)  }
0x1a2: {  	v42 =	vld [tilespmem:s13+$0x15F30];
	v47 =	vmul.f32 v27, v62;
	vm1 =	vge.f32 v12, $0.0e+00;
	[tilespmem:s11+$0x18720] =	vst v41;
	v18 =	vperm.xlane v44, v2  }
0x1a3: {  	v19 =	vld [tilespmem:s8+$0x15F30];
	v12 =	vsel vm1, v12, v45;
	[tilespmem:s11+$0x18730] =	vst v16  }
0x1a4: {  	v49 =	vld [tilespmem:s13+$0x15F50];
	[tilespmem:s11+$0x18740] =	vst v43;
	v14 =	vsel vm0, v47, v62;
	v12 =	vmul.f32 $1.442695020e+00, v12;
	v50 =	vmul.f32 v51, v18  }
0x1a5: {  	v36 =	vld [tilespmem:s13+$0x15F00];
	v11 =	vadd.f32 v11, v46;
	[tilespmem:s11+$0x18750] =	vst v14;
	v52 =	vmul.f32 v52, v18  }
0x1a6: {  	v38 =	vld [tilespmem:s13+$0x15F10];
	(erf) = vpow2.f32 v12;
	v54 =	vmul.f32 v20, v18;
	[tilespmem:s8+$0x186F0] =	vst v50  }
0x1a7: {  	v61 =	vld [tilespmem:s24+$0x15F50];
	v60 =	vmul.f32 $2.000000030e-01, v11;
	v56 =	vmul.f32 v21, v18;
	[tilespmem:s8+$0x18700] =	vst v52  }
0x1a8: {  	v53 =	vld [tilespmem:s4+$0x15F00];
	v19 =	vmul.f32 v19, v18;
	v58 =	vmul.f32 v30, v18;
	[tilespmem:s8+$0x18710] =	vst v54;
	v59 =	vpop (erf)  }
0x1a9: {  	v55 =	vld [tilespmem:s4+$0x15F10];
	vm1 =	vge.f32 v11, $0.0e+00;
	v62 =	vmul.f32 v63, v18;
	[tilespmem:s8+$0x18720] =	vst v56;
	v21 =	vperm.xlane v59, v2  }
0x1aa: {  	s16 =	smul.u32 $0x70, s12;
	v57 =	vld [tilespmem:s4+$0x15F20];
	v11 =	vsel vm1, v11, v60;
	[tilespmem:s8+$0x18730] =	vst v19  }
0x1ab: {  	v28 =	vld [tilespmem:s24+$0x15F20];
	v11 =	vmul.f32 $1.442695020e+00, v11;
	[tilespmem:s8+$0x18740] =	vst v58;
	v14 =	vsel vm0, v62, v18;
	v33 =	vmul.f32 v33, v21  }
0x1ac: {  	s14 =	smul.u32 $0x70, s19;
	v23 =	vld [tilespmem:s16+$0x15F30];
	v10 =	vadd.f32 v10, v61;
	[tilespmem:s8+$0x18750] =	vst v14;
	v35 =	vmul.f32 v36, v21  }
0x1ad: {  	v51 =	vld [tilespmem:s4+$0x15EF0];
	(erf) = vpow2.f32 v11;
	v37 =	vmul.f32 v38, v21;
	[tilespmem:s13+$0x186F0] =	vst v33  }
0x1ae: {  	v44 =	vld [tilespmem:s14+$0x15F50];
	v43 =	vmul.f32 $2.000000030e-01, v10;
	v13 =	vmul.f32 v40, v21;
	[tilespmem:s13+$0x18700] =	vst v35  }
0x1af: {  	v26 =	vld [tilespmem:s16+$0x15F40];
	v39 =	vmul.f32 v42, v21;
	v41 =	vmul.f32 v48, v21;
	v42 =	vpop (erf);
	[tilespmem:s13+$0x18710] =	vst v37  }
0x1b0: {  	v47 =	vld [tilespmem:s0+$0x15F20];
	vm1 =	vge.f32 v10, $0.0e+00;
	v45 =	vmul.f32 v49, v21;
	v46 =	vperm.xlane v42, v2;
	[tilespmem:s13+$0x18720] =	vst v13  }
0x1b1: {  	v63 =	vld [tilespmem:s4+$0x15F30];
	v10 =	vsel vm1, v10, v43;
	[tilespmem:s13+$0x18730] =	vst v39  }
0x1b2: {  	v60 =	vld [tilespmem:s16+$0x15F50];
	v10 =	vmul.f32 $1.442695020e+00, v10;
	[tilespmem:s13+$0x18740] =	vst v41;
	v13 =	vsel vm0, v45, v21;
	v49 =	vmul.f32 v51, v46  }
0x1b3: {  	v50 =	vld [tilespmem:s0+$0x15F40];
	v9 =	vadd.f32 v9, v44;
	[tilespmem:s13+$0x18750] =	vst v13;
	v51 =	vmul.f32 v53, v46  }
0x1b4: {  	v36 =	vld [tilespmem:s0+$0x15EF0];
	(erf) = vpow2.f32 v10;
	v12 =	vmul.f32 v55, v46;
	[tilespmem:s4+$0x186F0] =	vst v49  }
0x1b5: {  	v59 =	vmul.f32 $2.000000030e-01, v9;
	v38 =	vld [tilespmem:s0+$0x15F00];
	v54 =	vmul.f32 v57, v46;
	[tilespmem:s4+$0x18700] =	vst v51  }
0x1b6: {  	v40 =	vld [tilespmem:s0+$0x15F10];
	v55 =	vmul.f32 v63, v46;
	v57 =	vmul.f32 v32, v46;
	[tilespmem:s4+$0x18710] =	vst v12;
	v58 =	vpop (erf)  }
0x1b7: {  	vm1 =	vge.f32 v9, $0.0e+00;
	v48 =	vld [tilespmem:s0+$0x15F30];
	v61 =	vmul.f32 v34, v46;
	[tilespmem:s4+$0x18720] =	vst v54;
	v62 =	vperm.xlane v58, v2  }
0x1b8: {  	v52 =	vld [tilespmem:s0+$0x15F50];
	v9 =	vsel vm1, v9, v59;
	[tilespmem:s4+$0x18730] =	vst v55  }
0x1b9: {  	v56 =	vld [tilespmem:s24+$0x15F00];
	v9 =	vmul.f32 $1.442695020e+00, v9;
	[tilespmem:s4+$0x18740] =	vst v57;
	v29 =	vsel vm0, v61, v46;
	v30 =	vmul.f32 v36, v62  }
0x1ba: {  	s18 =	smul.u32 $0x70, s18;
	v43 =	vld [tilespmem:s14+$0x15F00];
	[tilespmem:s4+$0x18750] =	vst v29;
	v11 =	vmul.f32 v38, v62  }
0x1bb: {  	v8 =	vadd.f32 v8, v60;
	v53 =	vld [tilespmem:s24+$0x15EF0];
	(erf) = vpow2.f32 v9;
	v33 =	vmul.f32 v40, v62;
	[tilespmem:s0+$0x186F0] =	vst v30  }
0x1bc: {  	s19 =	smul.u32 $0x70, s17;
	v41 =	vld [tilespmem:s18+$0x15F50];
	v35 =	vmul.f32 v47, v62;
	v36 =	vmul.f32 v48, v62;
	[tilespmem:s0+$0x18700] =	vst v11  }
0x1bd: {  	v63 =	vld [tilespmem:s24+$0x15F10];
	v38 =	vmul.f32 v50, v62;
	v39 =	vpop (erf);
	v40 =	vmul.f32 $2.000000030e-01, v8;
	[tilespmem:s0+$0x18710] =	vst v33  }
0x1be: {  	v18 =	vld [tilespmem:s19+$0x15F30];
	vm1 =	vge.f32 v8, $0.0e+00;
	v42 =	vmul.f32 v52, v62;
	v17 =	vperm.xlane v39, v2;
	[tilespmem:s0+$0x18720] =	vst v35  }
0x1bf: {  	v32 =	vld [tilespmem:s24+$0x15F40];
	v8 =	vsel vm1, v8, v40;
	[tilespmem:s0+$0x18730] =	vst v36  }
0x1c0: {  	v34 =	vld [tilespmem:s24+$0x15F50];
	[tilespmem:s0+$0x18740] =	vst v38;
	v9 =	vsel vm0, v42, v62;
	v10 =	vmul.f32 v53, v17;
	v8 =	vmul.f32 $1.442695020e+00, v8  }
0x1c1: {  	v44 =	vld [tilespmem:s14+$0x15F10];
	v7 =	vadd.f32 v7, v41;
	[tilespmem:s0+$0x18750] =	vst v9;
	v46 =	vmul.f32 v56, v17  }
0x1c2: {  	v37 =	vld [tilespmem:s14+$0x15EF0];
	v48 =	vmul.f32 v63, v17;
	[tilespmem:s24+$0x186F0] =	vst v10;
	(erf) = vpow2.f32 v8  }
0x1c3: {  	v45 =	vld [tilespmem:s14+$0x15F20];
	v55 =	vmul.f32 $2.000000030e-01, v7;
	v50 =	vmul.f32 v28, v17;
	[tilespmem:s24+$0x18700] =	vst v46  }
0x1c4: {  	vm1 =	vge.f32 v7, $0.0e+00;
	v51 =	vmul.f32 v31, v17;
	v53 =	vmul.f32 v32, v17;
	v56 =	vld [tilespmem:s19+$0x15F50];
	[tilespmem:s24+$0x18710] =	vst v48;
	v54 =	vpop (erf)  }
0x1c5: {  	v47 =	vld [tilespmem:s14+$0x15F30];
	v57 =	vmul.f32 v34, v17;
	v7 =	vsel vm1, v7, v55;
	[tilespmem:s24+$0x18720] =	vst v50;
	v12 =	vperm.xlane v54, v2  }
0x1c6: {  	v49 =	vld [tilespmem:s14+$0x15F40];
	v7 =	vmul.f32 $1.442695020e+00, v7;
	[tilespmem:s24+$0x18730] =	vst v51  }
0x1c7: {  	v52 =	vld [tilespmem:s14+$0x15F50];
	[tilespmem:s24+$0x18740] =	vst v53;
	v8 =	vsel vm0, v57, v17;
	v60 =	vmul.f32 v37, v12  }
0x1c8: {  	s9 =	smul.u32 $0x70, s9;
	v59 =	vld [tilespmem:s16+$0x15F00];
	[tilespmem:s24+$0x18750] =	vst v8;
	(erf) = vpow2.f32 v7;
	v62 =	vmul.f32 v43, v12  }
0x1c9: {  	v58 =	vld [tilespmem:s16+$0x15EF0];
	v6 =	vadd.f32 v6, v56;
	v21 =	vmul.f32 v44, v12;
	[tilespmem:s14+$0x186F0] =	vst v60  }
0x1ca: {  	v30 =	vld [tilespmem:s9+$0x15F50];
	v24 =	vmul.f32 v45, v12;
	v25 =	vmul.f32 v47, v12;
	[tilespmem:s14+$0x18700] =	vst v62  }
0x1cb: {  	v61 =	vld [tilespmem:s16+$0x15F10];
	v27 =	vmul.f32 v49, v12;
	v29 =	vmul.f32 $2.000000030e-01, v6;
	[tilespmem:s14+$0x18710] =	vst v21;
	v28 =	vpop (erf)  }
0x1cc: {  	v63 =	vld [tilespmem:s16+$0x15F20];
	v31 =	vmul.f32 v52, v12;
	vm1 =	vge.f32 v6, $0.0e+00;
	[tilespmem:s14+$0x18720] =	vst v24;
	v32 =	vperm.xlane v28, v2  }
0x1cd: {  	v33 =	vld [tilespmem:s16+$0x15F50];
	[tilespmem:s14+$0x18730] =	vst v25;
	v6 =	vsel vm1, v6, v29  }
0x1ce: {  	v36 =	vld [tilespmem:s18+$0x15F00];
	[tilespmem:s14+$0x18740] =	vst v27;
	v7 =	vsel vm0, v31, v12;
	v6 =	vmul.f32 $1.442695020e+00, v6;
	v35 =	vmul.f32 v58, v32  }
0x1cf: {  	s23 =	smul.u32 $0x70, s23;
	v38 =	vld [tilespmem:s18+$0x15F10];
	v5 =	vadd.f32 v5, v30;
	[tilespmem:s14+$0x18750] =	vst v7;
	v37 =	vmul.f32 v59, v32  }
0x1d0: {  	v34 =	vld [tilespmem:s18+$0x15EF0];
	(erf) = vpow2.f32 v6;
	v39 =	vmul.f32 v61, v32;
	[tilespmem:s16+$0x186F0] =	vst v35  }
0x1d1: {  	v46 =	vmul.f32 $2.000000030e-01, v5;
	v47 =	vld [tilespmem:s23+$0x15F50];
	v45 =	vpop (erf);
	v41 =	vmul.f32 v63, v32;
	[tilespmem:s16+$0x18700] =	vst v37  }
0x1d2: {  	v40 =	vld [tilespmem:s18+$0x15F20];
	vm1 =	vge.f32 v5, $0.0e+00;
	v13 =	vperm.xlane v45, v2;
	v42 =	vmul.f32 v23, v32;
	[tilespmem:s16+$0x18710] =	vst v39  }
0x1d3: {  	v43 =	vld [tilespmem:s18+$0x15F30];
	v5 =	vsel vm1, v5, v46;
	v44 =	vmul.f32 v26, v32;
	v48 =	vmul.f32 v33, v32;
	[tilespmem:s16+$0x18720] =	vst v41  }
0x1d4: {  	v49 =	vld [tilespmem:s18+$0x15F40];
	v5 =	vmul.f32 $1.442695020e+00, v5;
	[tilespmem:s16+$0x18730] =	vst v42  }
0x1d5: {  	v50 =	vld [tilespmem:s18+$0x15F50];
	v8 =	vmul.f32 v34, v13;
	[tilespmem:s16+$0x18740] =	vst v44;
	v6 =	vsel vm0, v48, v32  }
0x1d6: {  	v51 =	vld [tilespmem:s19+$0x15EF0];
	s24 =	smul.u32 $0x70, s22;
	v4 =	vadd.f32 v4, v47;
	(erf) = vpow2.f32 v5;
	v52 =	vmul.f32 v36, v13;
	[tilespmem:s16+$0x18750] =	vst v6  }
0x1d7: {  	v53 =	vld [tilespmem:s19+$0x15F00];
	v54 =	vmul.f32 v38, v13;
	[tilespmem:s18+$0x186F0] =	vst v8  }
0x1d8: {  	v62 =	vld [tilespmem:s24+$0x15F50];
	v61 =	vmul.f32 $2.000000030e-01, v4;
	v56 =	vmul.f32 v40, v13;
	[tilespmem:s18+$0x18700] =	vst v52  }
0x1d9: {  	v55 =	vld [tilespmem:s19+$0x15F10];
	v57 =	vmul.f32 v43, v13;
	v59 =	vmul.f32 v49, v13;
	[tilespmem:s18+$0x18710] =	vst v54;
	v60 =	vpop (erf)  }
0x1da: {  	vm1 =	vge.f32 v4, $0.0e+00;
	v58 =	vld [tilespmem:s19+$0x15F20];
	v63 =	vmul.f32 v50, v13;
	[tilespmem:s18+$0x18720] =	vst v56;
	v17 =	vperm.xlane v60, v2  }
0x1db: {  	v19 =	vld [tilespmem:s19+$0x15F40];
	v4 =	vsel vm1, v4, v61;
	[tilespmem:s18+$0x18730] =	vst v57  }
0x1dc: {  	v21 =	vld [tilespmem:s19+$0x15F50];
	[tilespmem:s18+$0x18740] =	vst v59;
	v5 =	vsel vm0, v63, v13;
	v4 =	vmul.f32 $1.442695020e+00, v4;
	v20 =	vmul.f32 v51, v17  }
0x1dd: {  	v30 =	vld [tilespmem:s9+$0x15F20];
	v3 =	vadd.f32 v3, v62;
	[tilespmem:s18+$0x18750] =	vst v5;
	v22 =	vmul.f32 v53, v17  }
0x1de: {  	v23 =	vld [tilespmem:s9+$0x15EF0];
	(erf) = vpow2.f32 v4;
	v24 =	vmul.f32 v55, v17;
	[tilespmem:s19+$0x186F0] =	vst v20  }
0x1df: {  	v25 =	vld [tilespmem:s9+$0x15F00];
	v31 =	vmul.f32 $2.000000030e-01, v3;
	v29 =	vpop (erf);
	v26 =	vmul.f32 v58, v17;
	[tilespmem:s19+$0x18700] =	vst v22  }
0x1e0: {  	v28 =	vld [tilespmem:s9+$0x15F10];
	vm1 =	vge.f32 v3, $0.0e+00;
	v8 =	vperm.xlane v29, v2;
	v27 =	vmul.f32 v18, v17;
	[tilespmem:s19+$0x18710] =	vst v24  }
0x1e1: {  	v33 =	vld [tilespmem:s9+$0x15F30];
	v3 =	vsel vm1, v3, v31;
	v6 =	vmul.f32 v19, v17;
	v32 =	vmul.f32 v21, v17;
	[tilespmem:s19+$0x18720] =	vst v26  }
0x1e2: {  	v34 =	vld [tilespmem:s9+$0x15F40];
	v3 =	vmul.f32 $1.442695020e+00, v3;
	[tilespmem:s19+$0x18730] =	vst v27  }
0x1e3: {  	v36 =	vld [tilespmem:s9+$0x15F50];
	v35 =	vmul.f32 v23, v8;
	[tilespmem:s19+$0x18740] =	vst v6;
	v4 =	vsel vm0, v32, v17  }
0x1e4: {  	v46 =	vld [tilespmem:s23+$0x15F30];
	(erf) = vpow2.f32 v3;
	v37 =	vmul.f32 v25, v8;
	[tilespmem:s19+$0x18750] =	vst v4  }
0x1e5: {  	v38 =	vld [tilespmem:s23+$0x15EF0];
	v39 =	vmul.f32 v28, v8;
	[tilespmem:s9+$0x186F0] =	vst v35  }
0x1e6: {  	v40 =	vld [tilespmem:s23+$0x15F00];
	v3 =	vmul.f32 v30, v8;
	[tilespmem:s9+$0x18700] =	vst v37  }
0x1e7: {  	v41 =	vld [tilespmem:s23+$0x15F10];
	v43 =	vmul.f32 v33, v8;
	v5 =	vmul.f32 v34, v8;
	[tilespmem:s9+$0x18710] =	vst v39;
	v42 =	vpop (erf)  }
0x1e8: {  	v44 =	vld [tilespmem:s23+$0x15F20];
	[tilespmem:s9+$0x18720] =	vst v3;
	v3 =	vmul.f32 v36, v8;
	v45 =	vperm.xlane v42, v2  }
0x1e9: {  	v47 =	vld [tilespmem:s23+$0x15F40];
	[tilespmem:s9+$0x18730] =	vst v43  }
0x1ea: {  	v49 =	vld [tilespmem:s23+$0x15F50];
	[tilespmem:s9+$0x18740] =	vst v5;
	v3 =	vsel vm0, v3, v8;
	v48 =	vmul.f32 v38, v45  }
0x1eb: {  	v50 =	vld [tilespmem:s24+$0x15EF0];
	[tilespmem:s9+$0x18750] =	vst v3;
	v3 =	vmul.f32 v40, v45  }
0x1ec: {  	v52 =	vld [tilespmem:s24+$0x15F10];
	v4 =	vmul.f32 v41, v45;
	[tilespmem:s23+$0x186F0] =	vst v48  }
0x1ed: {  	v51 =	vld [tilespmem:s24+$0x15F00];
	v54 =	vpop (erf);
	[tilespmem:s23+$0x18700] =	vst v3;
	v3 =	vmul.f32 v44, v45  }
0x1ee: {  	v57 =	vld [tilespmem:s24+$0x15F30];
	v56 =	vperm.xlane v54, v2;
	v53 =	vmul.f32 v46, v45;
	[tilespmem:s23+$0x18710] =	vst v4  }
0x1ef: {  	v55 =	vld [tilespmem:s24+$0x15F20];
	v6 =	vmul.f32 v47, v45;
	[tilespmem:s23+$0x18720] =	vst v3;
	v3 =	vmul.f32 v49, v45  }
0x1f0: {  	v60 =	vld [tilespmem:s24+$0x15F50];
	[tilespmem:s23+$0x18730] =	vst v53  }
0x1f1: {  	v58 =	vld [tilespmem:s24+$0x15F40];
	v59 =	vmul.f32 v50, v56;
	[tilespmem:s23+$0x18740] =	vst v6;
	v3 =	vsel vm0, v3, v45  }
0x1f2: {  	[tilespmem:s23+$0x18750] =	vst v3;
	v3 =	vmul.f32 v51, v56  }
0x1f3: {  	v61 =	vmul.f32 v52, v56;
	[tilespmem:s24+$0x186F0] =	vst v59  }
0x1f4: {  	p1 =	slt.u32 s21, $0x40;
	[tilespmem:s24+$0x18700] =	vst v3;
	v3 =	vmul.f32 v55, v56  }
.Ltmp2:
0x1f5: {  	v62 =	vmul.f32 v57, v56;
	[tilespmem:s24+$0x18710] =	vst v61;
	(pc) =	sbr.rel @p1 .LBB2_7-.Ltmp2, $4  }
0x1f6: {  	v63 =	vmul.f32 v60, v56;
	[tilespmem:s24+$0x18720] =	vst v3;
	v3 =	vmul.f32 v58, v56  }
0x1f7: {  	[tilespmem:s24+$0x18730] =	vst v62  }
0x1f8: {  	s28 =	sadd.s32 $0x10, s21;
	[tilespmem:s24+$0x18740] =	vst v3;
	v3 =	vsel vm0, v63, v56  }
0x1f9: {  	s21 =	smov.u32 s28;
	[tilespmem:s24+$0x18750] =	vst v3  }
0x1fa: {  	v3 =	vld [tilespmem:$0x15E00]  }
0x1fb: {  	v4 =	vld [tilespmem:$0x15E10]  }
0x1fc: {  	v5 =	vld [tilespmem:$0x15E20]  }
0x1fd: {  	v6 =	vld [tilespmem:$0x15E30]  }
0x1fe: {  	v7 =	vld [tilespmem:$0x15E40]  }
0x1ff: {  	p1 =	sne.s32 s20, $0x7D;
	[tilespmem:$0x15EA0] =	vst v3  }
.Ltmp3:
0x200: {  	[tilespmem:$0x15EB0] =	vst v4;
	(pc) =	sbr.rel @p1 .LBB2_4-.Ltmp3, $4  }
0x201: {  	[tilespmem:$0x15EC0] =	vst v5  }
0x202: {  	[tilespmem:$0x15ED0] =	vst v6  }
0x203: {  	s0 =	rddreg [dreg:$0x2];
	s1 =	simm.s32 $0x186F0;
	s2 =	simm.s32 $0x15EA0;
	[tilespmem:$0x15EE0] =	vst v7  }
0x204: {  	[spmem:s0] =	stream.indirect.scatter.add.f32 [tilespmem:s1], [sflag:$0x4], $0x70, s2, s29, $0xb8;
	[tilespmem:$0x1A9F0] =	vst v63  }
0x205: {  	s0 =	simm.s32 $0x2  }
0x206: {  	_ =	swait.ge [sflag:s0], $0x2300  }
0x207: {  	[sflag:s0] =	ssyncset.done $0x0  }
0x208: {  	s22 =	simm.s32 $0x4;
	[sflag:s0] =	ssyncadd.s32 $0xFFFFDD00  }
0x209: {  	_ =	swait.ge [sflag:s22], $0x2300  }
0x20a: {  	[sflag:s22] =	ssyncset.done $0x0  }
0x20b: {  	[sflag:s22] =	ssyncadd.s32 $0xFFFFDD00  }
0x20c: {  	s23 =	stileid.u32;
	[bflag:$0x0] =	sbarrier.arrive $0xFFFF  }
0x20d: {  	s0 =	sshll.u32 s23, $0x6;
	s1 =	rddreg [dreg:$0xb]  }
0x20e: {  	s0 =	sor.u32 $0x1C05, s0;
	s2 =	rddreg [dreg:$0x14]  }
0x20f: {  	[hbm:s1], [sflag:s0] =	dma.local [spmem:s2], $0x2220  }
0x210: {  	_ =	swait.ge [sflag:s26], $0x2220  }
0x211: {  	[sflag:s26] =	ssyncset.done $0x0;
	s14 =	rddreg [dreg:$0x8]  }
0x212: {  	s2 =	rddreg [dreg:$0xc];
	[sflag:s26] =	ssyncadd.s32 $0xFFFFDDE0;
	s1 =	sshrl.u32 @!p0 s14, $0x3  }
0x213: {  	[hbm:s2], [sflag:s0] =	dma.local @!p0 [spmem:s1], $0xE0  }
0x214: {  	s0 =	simm.s32 @!p0 $0x5  }
0x215: {  	_ =	swait.ge @!p0 [sflag:s0], $0xE0  }
0x216: {  	s24 =	rddreg [dreg:$0x15]  }
0x217: {  	s28 =	rddreg [dreg:$0xd];
	s2 =	sadd.s32 $0x1, s24  }
0x218: {  	p1 =	sne.s32 s2, s28  }
.Ltmp4:
0x219: {  	_ = 	snop;
	(pc) =	sbr.rel @p1 .LBB2_1-.Ltmp4, $3  }
0x21a: {  	_ =	sdelay $0x1  }
0x21b: {  	[sflag:s0] =	ssyncset.done @!p0 $0x0  }
0x21c: {  	[sflag:s0] =	ssyncadd.s32 @!p0 $0xFFFFFF20  }
0x21d: {  	_ =	sfence.sel $0x180000  }
0x21e: {  	[bflag:$0x0] =	sbarrier.arrive $0xFFFF  }
0x21f: {  	_ =	strace $0x9000004D  }
0x220: {  	s0 =	stileid.u32;
	[bflag:$0x2] =	sbarrier.arrive $0xFFFF  }
0x221: {  	p0 =	sne.s32 s0, $0x0;
	s0 =	rddreg [dreg:$0x3]  }
0x222: {  	s0 =	sadd.s32 @!p0 $0x100000, s0  }
0x223: {  	[sflag:s0] =	ssyncadd.tile.s32 @!p0 $0x1;
	_ =	shalt  }
.Lfunc_end2:
_tile_overlayer_lowered:
.L_overlay_start_2:
0x224: {  	(tag) =	ssettag $0x2  }
0x225: {  	s0 =	rddreg [dreg:$0x0];
	s2 =	stileid.u32  }
0x226: {  	s1 =	rddreg [dreg:$0x1];
	p0 =	sne.s32 s2, $0x0  }
0x227: {  	s3 =	rddreg [dreg:$0x2];
	[bflag:$0x3] =	sbarrier.arrive $0xFFFF;
	s2 =	simm.s32 @!p0 $0x1C05  }
0x228: {  	[timem:s3], [sflag:s2] =	dma.local @!p0 [hbm:s0], s1  }
0x229: {  	s0 =	simm.s32 @!p0 $0x5  }
0x22a: {  	_ =	swait.ge @!p0 [sflag:s0], s1  }
0x22b: {  	s1 =	ssub.s32 @!p0 $0x0, s1;
	[sflag:s0] =	ssyncset.done @!p0 $0x0  }
0x22c: {  	[sflag:s0] =	ssyncadd.s32 @!p0 s1  }
0x22d: {  	[bflag:$0x3] =	sbarrier.arrive $0xFFFF  }
0x22e: {  	_ =	shalt  }

// kernel: kernel.8.cloned.1.call-start
scs
__scs_entry_jumppad:
0x0: {  	(pc) =	sbr.rel $0x88, $3  }
0x1: {  	(tag) =	ssettag $0x0;
	lr =	simm.s32 $0x1  }
0x2: {  	[smem:$0x3F95] =	sst lr;
	_ =	strace $0xD0000000  }
0x3: {  	_ = 	snop  }
0x4: {  	_ = 	snop  }
0x5: {  	_ = 	snop  }
0x6: {  	_ = 	snop  }
0x7: {  	_ = 	snop  }
__scs_overlays_trampoline_lowered:
0x8: {  	[smem:$0x3FA4] =	sst s0  }
0x9: {  	[smem:$0x3FA5] =	sst s1  }
0xa: {  	[smem:$0x3FA6] =	sst s2  }
0xb: {  	[smem:$0x3FA7] =	sst s3  }
0xc: {  	[smem:$0x3FA8] =	sst s4  }
0xd: {  	[smem:$0x3FA9] =	sst s5  }
0xe: {  	[smem:$0x3FAA] =	sst s6  }
0xf: {  	[smem:$0x3FAB] =	sst s7  }
0x10: {  	[smem:$0x3FAC] =	sst s8  }
0x11: {  	[smem:$0x3FAD] =	sst s9;
	s0 =	simm.s32 @!p0 $0x0  }
0x12: {  	s1 =	sld [smem:$0x3F93];
	s0 =	simm.s32 @p0 $0x1  }
0x13: {  	[smem:$0x3FAE] =	sst s0;
	s0 =	simm.s32 @!p1 $0x0  }
0x14: {  	s2 =	sld [smem:$0x3F92];
	s0 =	simm.s32 @p1 $0x1  }
0x15: {  	[smem:$0x3FAF] =	sst s0;
	s0 =	simm.s32 @!p2 $0x0  }
0x16: {  	s3 =	sld [smem:$0x3FDB];
	s0 =	simm.s32 @p2 $0x1  }
0x17: {  	s4 =	simm.s32 $0x1BF5;
	[smem:$0x3FB1] =	sst s0  }
0x18: {  	s0 =	sld [smem:$0x3F94];
	_ =	swait.ge [sflag:s4], $0x0  }
0x19: {  	s7 =	sld [smem:$0x3F95]  }
0x1a: {  	s8 =	sadd.s32 $0xFFFFE003, lr  }
0x1b: {  	s9 =	sadd.s32 $0xFFFFFEF7, lr;
	s5 =	simm.s32 $0xFFFFFFFF;
	p2 =	slt.u32 s8, $0xFFFFF086  }
0x1c: {  	p1 =	slt.u32 s9, $0xF7A;
	s5 =	simm.s32 @!p2 $0x0  }
0x1d: {  	s5 =	simm.s32 @p1 $0x1;
	p0 =	seq.s32 s7, s2  }
0x1e: {  	s7 =	smul.u32 @!p0 $0xF7A, s2;
	p2 =	seq.s32 @!p0 s5, $0x0  }
0x1f: {  	s9 =	smul.u32 $0xF7A, s1;
	s8 =	simm.s32 @!p0 $0x1BF5;
	p2 =	por !p2, p0  }
0x20: {  	[sflag:s8] =	ssyncset.s32 @!p0 $0xFFFFF086;
	s6 =	sadd.s32 @!p0 s3, s7;
	s7 =	simm.s32 @!p0 $0x108  }
0x21: {  	s3 =	sadd.s32 s3, s9;
	s6 =	sadd.s32 @!p0 $0x88, s6;
	s7 =	simm.s32 @p2 $0x1082  }
0x22: {  	[simem:s7], [sflag:s8] =	dma.local @!p0 [hbm:s6], $0xF7A  }
0x23: {  	s9 =	sor.u32 $0xD0000000, s2;
	s6 =	simm.s32 $0x108;
	_ =	swait.ge @!p0 [sflag:s8], $0x0  }
0x24: {  	s3 =	sadd.s32 $0x88, s3;
	s6 =	simm.s32 @!p1 $0x1082;
	[sflag:s4] =	ssyncset.s32 $0xFFFFF086  }
0x25: {  	[simem:s6], [sflag:s4] =	dma.local [hbm:s3], $0xF7A  }
0x26: {  	[smem:$0x3F95] =	sst s1;
	(tag) =	ssettag s2;
	_ =	strace s9  }
0x27: {  	s1 =	sld [smem:$0x3FA5]  }
0x28: {  	s2 =	sld [smem:$0x3FA6]  }
0x29: {  	s4 =	sld [smem:$0x3FA8]  }
0x2a: {  	p0 =	seq.s32 s5, $0x0;
	s5 =	sld [smem:$0x3FA9]  }
0x2b: {  	s6 =	sld [smem:$0x3FAA]  }
0x2c: {  	s7 =	sld [smem:$0x3FAB]  }
0x2d: {  	s3 =	simm.s32 $0x108;
	s8 =	sld [smem:$0x3FAC]  }
0x2e: {  	s3 =	simm.s32 @!p0 $0x1082;
	s9 =	sld [smem:$0x3FAD]  }
0x2f: {  	lr =	sadd.s32 s0, s3;
	s0 =	sld [smem:$0x3FA4]  }
0x30: {  	s3 =	sld [smem:$0x3FA7]  }
0x31: {  	[smem:$0x3FB0] =	sst s10  }
0x32: {  	s10 =	sld [smem:$0x3FAE];
	_ =	sdelay $0x3  }
0x33: {  	p0 =	seq.s32 s10, $0x1;
	s10 =	sld [smem:$0x3FB0];
	_ =	sdelay $0x3  }
0x34: {  	[smem:$0x3FB0] =	sst s10  }
0x35: {  	s10 =	sld [smem:$0x3FAF];
	_ =	sdelay $0x3  }
0x36: {  	p1 =	seq.s32 s10, $0x1;
	s10 =	sld [smem:$0x3FB0];
	_ =	sdelay $0x3  }
0x37: {  	[smem:$0x3FB0] =	sst s10  }
0x38: {  	s10 =	sld [smem:$0x3FB1]  }
0x39: {  	_ = 	snop;
	(pc) =	sbr.ind lr, $3  }
0x3a: {  	_ = 	snop  }
0x3b: {  	_ = 	snop  }
0x3c: {  	p2 =	seq.s32 s10, $0x1;
	s10 =	sld [smem:$0x3FB0]  }
0x3d: {  	_ =	shalt  }
0x3e: {  	_ =	shalt  }
0x3f: {  	_ =	shalt  }
0x40: {  	_ =	shalt  }
0x41: {  	_ =	shalt  }
0x42: {  	_ =	shalt  }
0x43: {  	_ =	shalt  }
0x44: {  	_ =	shalt  }
0x45: {  	_ =	shalt  }
0x46: {  	_ =	shalt  }
0x47: {  	_ =	shalt  }
0x48: {  	_ =	shalt  }
0x49: {  	_ =	shalt  }
0x4a: {  	_ =	shalt  }
0x4b: {  	_ =	shalt  }
0x4c: {  	_ =	shalt  }
0x4d: {  	_ =	shalt  }
0x4e: {  	_ =	shalt  }
0x4f: {  	_ =	shalt  }
0x50: {  	_ =	shalt  }
0x51: {  	_ =	shalt  }
0x52: {  	_ =	shalt  }
0x53: {  	_ =	shalt  }
0x54: {  	_ =	shalt  }
0x55: {  	_ =	shalt  }
0x56: {  	_ =	shalt  }
0x57: {  	_ =	shalt  }
0x58: {  	_ =	shalt  }
0x59: {  	_ =	shalt  }
0x5a: {  	_ =	shalt  }
0x5b: {  	_ =	shalt  }
0x5c: {  	_ =	shalt  }
0x5d: {  	_ =	shalt  }
0x5e: {  	_ =	shalt  }
0x5f: {  	_ =	shalt  }
0x60: {  	_ =	shalt  }
0x61: {  	_ =	shalt  }
0x62: {  	_ =	shalt  }
0x63: {  	_ =	shalt  }
0x64: {  	_ =	shalt  }
0x65: {  	_ =	shalt  }
0x66: {  	_ =	shalt  }
0x67: {  	_ =	shalt  }
0x68: {  	_ =	shalt  }
0x69: {  	_ =	shalt  }
0x6a: {  	_ =	shalt  }
0x6b: {  	_ =	shalt  }
0x6c: {  	_ =	shalt  }
0x6d: {  	_ =	shalt  }
0x6e: {  	_ =	shalt  }
0x6f: {  	_ =	shalt  }
0x70: {  	_ =	shalt  }
0x71: {  	_ =	shalt  }
0x72: {  	_ =	shalt  }
0x73: {  	_ =	shalt  }
0x74: {  	_ =	shalt  }
0x75: {  	_ =	shalt  }
0x76: {  	_ =	shalt  }
0x77: {  	_ =	shalt  }
0x78: {  	_ =	shalt  }
0x79: {  	_ =	shalt  }
0x7a: {  	_ =	shalt  }
0x7b: {  	_ =	shalt  }
0x7c: {  	_ =	shalt  }
0x7d: {  	_ =	shalt  }
0x7e: {  	_ =	shalt  }
0x7f: {  	_ =	shalt  }
0x80: {  	_ =	shalt  }
0x81: {  	_ =	shalt  }
0x82: {  	_ =	shalt  }
0x83: {  	_ =	shalt  }
0x84: {  	_ =	shalt  }
0x85: {  	_ =	shalt  }
0x86: {  	_ =	shalt  }
0x87: {  	_ =	shalt  }
.Lfunc_end0:
.L_simem_size_0:
called_computation.1_lowered:
.L_overlay_start_0:
0x88: {  	s2 =	sld [smem:$0x3FD9]  }
0x89: {  	s3 =	sld [smem:$0x3FFE];
	_ =	sdelay $0x1  }
0x8a: {  	s1 =	srdreg.scid  }
0x8b: {  	s0 =	sand.u32 $0x1, s1  }
0x8c: {  	s17 =	sshll.u32 s0, $0xA;
	s2 =	sadd.s32 s3, s2  }
0x8d: {  	s2 =	sadd.s32 s2, s17  }
0x8e: {  	[smem:$0x3FBC] =	sst s2  }
0x8f: {  	_ = 	snop  }
0x90: {  	s18 =	sld [smem:$0x3FD0];
	(tm) =	ssettm $0x1  }
0x91: {  	s19 =	sld [smem:$0x3FFB];
	_ =	sdelay $0x3  }
0x92: {  	_ =	strace s19  }
0x93: {  	s2 =	sld [smem:$0x3FFC];
	_ =	sdelay $0x3  }
0x94: {  	_ =	strace s2  }
0x95: {  	s2 =	sld [smem:$0x3FFD];
	_ =	sdelay $0x3  }
0x96: {  	_ =	strace s2  }
0x97: {  	_ =	strace $0x8FFFFFFF  }
0x98: {  	s20 =	sld [smem:$0x3FDB];
	_ =	sdelay $0x1  }
0x99: {  	s4 =	simm.s32 $_scs_section_size  }
0x9a: {  	s5 =	simm.s32 $_size__tile_overlayer_lowered;
	s6 =	simm.s32 $_tile_overlayer_lowered  }
0x9b: {  	s7 =	simm.s32 $0x1BFF;
	s21 =	sshll.u32 s6, $0x1;
	s4 =	sadd.s32 s4, s20  }
0x9c: {  	s22 =	simm.s32 $0x0;
	s5 =	sshll.u32 s5, $0x1;
	s6 =	sadd.s32 s21, s4  }
0x9d: {  	[timem:s22], [sflag:s7] =	dma.local [hbm:s6], s5  }
0x9e: {  	_ =	swait.ge [sflag:s7], s5  }
0x9f: {  	s5 =	ssub.s32 $0x0, s5;
	[sflag:s7] =	ssyncset.done $0x0  }
0xa0: {  	[sflag:s7] =	ssyncadd.s32 s5;
	_ =	sdelay $0x1  }
0xa1: {  	s23 =	simm.s32 $0x1B8B  }
0xa2: {  	_ =	swait.ge [sflag:s23], $0x1  }
0xa3: {  	[sflag:s23] =	ssyncset.done $0x0  }
0xa4: {  	[sflag:s23] =	ssyncadd.s32 $0xFFFFFFFF  }
0xa5: {  	s5 =	sld [smem:$0x0]  }
0xa6: {  	s6 =	sand.u32 $0xFFFFFFFE, s1  }
0xa7: {  	p0 =	sne.s32 s1, s6  }
0xa8: {  	s6 =	sshll.u32 @p0 s6, $0xE  }
0xa9: {  	s6 =	sadd.s32 @p0 $0x11B8D, s6;
	s7 =	sshll.u32 @p0 s5, $0x11  }
0xaa: {  	s6 =	sor.u32 @p0 s7, s6  }
0xab: {  	[sflag:s6] =	ssyncadd.remote.s32 @p0 $0x1;
	_ =	sdelay $0x1  }
0xac: {  	s6 =	simm.s32 @p0 $0x1B8D  }
0xad: {  	_ =	swait.eq @p0 [sflag:s6], $0x1  }
0xae: {  	[sflag:s6] =	ssyncadd.s32 @p0 $0xFFFFFFFF  }
0xaf: {  	s7 =	sshll.u32 @!p0 s1, $0xE  }
0xb0: {  	s7 =	sor.u32 @!p0 $0x4000, s7;
	s6 =	simm.s32 @!p0 $0x1B8D  }
0xb1: {  	s5 =	sshll.u32 @!p0 s5, $0x11;
	s7 =	sadd.s32 @!p0 $0x11B8D, s7;
	_ =	swait.eq @!p0 [sflag:s6], $0x1  }
0xb2: {  	s5 =	sor.u32 @!p0 s5, s7;
	[sflag:s6] =	ssyncadd.s32 @!p0 $0xFFFFFFFF  }
0xb3: {  	s25 =	simm.s32 $0x1B8E;
	s24 =	sld [smem:$0x3FFE];
	[sflag:s5] =	ssyncadd.remote.s32 @!p0 $0x1  }
0xb4: {  	s26 =	simm.s32 $execute0_lowered;
	[smem:$0x3FD2] =	sst s25  }
0xb5: {  	s6 =	sshll.u32 s26, $0x1;
	_ =	strace $0x80000049;
	[dreg:$0x1] =	wrdreg $0xFFFFFFFF  }
0xb6: {  	s28 =	simm.s32 $_size_execute0_lowered;
	s4 =	sadd.s32 s4, s6;
	[dreg:$0x0] =	wrdreg $0x0  }
0xb7: {  	s6 =	sshll.u32 s28, $0x1;
	[dreg:$0x2] =	wrdreg s4  }
0xb8: {  	[dreg:$0x3] =	wrdreg s6  }
0xb9: {  	[dreg:$0x4] =	wrdreg $0xC0  }
0xba: {  	_ =	task [dreg:s22], $0x5FFFF  }
0xbb: {  	[dreg:$0x1] =	wrdreg $0xFFFFFFFF  }
0xbc: {  	[dreg:$0x0] =	wrdreg $0x60  }
0xbd: {  	[dreg:$0x2] =	wrdreg s18  }
0xbe: {  	[dreg:$0x3] =	wrdreg s24  }
0xbf: {  	[dreg:$0x4] =	wrdreg $0x0  }
0xc0: {  	[dreg:$0x5] =	wrdreg $0xA  }
0xc1: {  	_ =	task.clear_ibuf [dreg:s22], $0x6FFFF;
	_ =	strace $0x90000049  }
0xc2: {  	s29 =	simm.s32 $0xA;
	_ =	strace $0x8000004B  }
0xc3: {  	_ =	swait.ge [sflag:s29], $0x1  }
0xc4: {  	[sflag:s29] =	ssyncadd.s32 $0xFFFFFFFF  }
0xc5: {  	_ =	strace $0x9000004B  }
0xc6: {  	_ =	sfence  }
0xc7: {  	s30 =	sld [smem:$0x0];
	_ =	sdelay $0x2  }
0xc8: {  	s31 =	sshll.u32 s1, $0xD;
	s1 =	sshrl.u32 s1, $0x2  }
0xc9: {  	s4 =	sand.u32 $0x4000, s31;
	s1 =	sadd.s32 s1, s30  }
0xca: {  	s0 =	sor.u32 s4, s0;
	s1 =	sshll.u32 s1, $0x11  }
0xcb: {  	s0 =	sor.u32 s1, s0  }
0xcc: {  	s0 =	sadd.s32 $0x8F2B, s0  }
0xcd: {  	[sflag:s0] =	ssyncadd.remote.s32 $0x1  }
0xce: {  	_ =	sfence.sel $0xFFFF  }
0xcf: {  	[dreg:$0x0] =	wrdreg $0xFFFFFFFF;
	(pc) =	sbr.abs _section_cstart, $3  }
0xd0: {  	[dreg:$0x1] =	wrdreg $0xFFFFFFFF  }
0xd1: {  	_ =	task.clear_ibuf [dreg:s22], $0x2FFFF;
	_ =	strace $0x9FFFFFFF  }
0xd2: {  	(tm) =	ssettm $0x7FFFFFFF  }
0xd3: {  	_ =	shalt  }
tec
execute0_lowered:
.L_overlay_start_1:
0x0: {  	(tag) =	ssettag $0x1  }
0x1: {  	s1 =	rddreg [dreg:$0x0]  }
0x2: {  	s0 =	rddreg [dreg:$0x1]  }
0x3: {  	s2 =	rddreg [dreg:$0x2]  }
0x4: {  	s3 =	simm.s32 $0x0;
	s5 =	srdreg.scid;
	s16 =	stileid.u32  }
0x5: {  	s8 =	simm.s32 $0x50;
	s30 =	simm.s32 $0x5;
	s29 =	simm.s32 $0x1AC50  }
0x6: {  	s31 =	simm.s32 $0x1AC90;
	[smem:$0x7FF] =	sst s3;
	s4 =	sadd.s32 $0x50200, s0  }
0x7: {  	s6 =	sadd.s32 $0x46400, s0;
	s7 =	sadd.s32 $0x3C600, s0;
	s12 =	smul.u32 $0x2700, s16  }
0x8: {  	s5 =	sand.u32 $0x1, s5;
	s0 =	sadd.s32 $0x55200, s0;
	s13 =	smul.u32 $0x57C00, s16  }
0x9: {  	p0 =	seq.s32 s16, $0xF;
	s25 =	smul.u32 $0x15F00, s16;
	s20 =	sadd.s32 $0x15F000, s2  }
0xa: {  	_ =	strace $0x8000004A;
	s9 =	ssub.s32 $0x2, s5;
	s10 =	smul.u32 $0x27100, s5  }
0xb: {  	s8 =	simm.s32 @!p0 $0x4E;
	s5 =	smul.u32 $0x15F900, s5;
	p0 =	sne.s32 s16, $0xF  }
0xc: {  	s16 =	simm.s32 $0x16010;
	[dreg:$0x8] =	wrdreg s20;
	s23 =	sshrl.u32 s13, $0x2  }
0xd: {  	s11 =	sshrl.u32 s9, $0x1;
	s17 =	sadd.s32 s25, s2;
	s13 =	sadd.s32 s23, s2  }
0xe: {  	s9 =	ssub.s32 s9, s11;
	s26 =	sadd.s32 $0x14400, s13;
	[dreg:$0x5] =	wrdreg s13  }
0xf: {  	s10 =	sadd.s32 s12, s10;
	s18 =	smax.u32 s9, $0x1;
	[dreg:$0x7] =	wrdreg s26  }
0x10: {  	s28 =	sadd.s32 s25, s5;
	s19 =	sadd.s32 $0x2400, s13;
	[dreg:$0xb] =	wrdreg s18  }
0x11: {  	s5 =	sshrl.u32 s5, $0x3;
	s21 =	sadd.s32 $0x4800, s13;
	[dreg:$0xc] =	wrdreg s19  }
0x12: {  	s12 =	simm.s32 $0x1;
	s23 =	sadd.s32 $0x9000, s13;
	[dreg:$0xd] =	wrdreg s21  }
0x13: {  	s22 =	sshrl.u32 s10, $0x3;
	s25 =	sadd.s32 $0xD800, s13;
	[dreg:$0xf] =	wrdreg s23  }
0x14: {  	s14 =	sor.u32 $0x40, s10;
	s24 =	sadd.s32 s6, s22;
	[dreg:$0x11] =	wrdreg s25  }
0x15: {  	s5 =	sadd.s32 s0, s5;
	s11 =	sadd.s32 s7, s22;
	[dreg:$0x4] =	wrdreg s24  }
0x16: {  	s15 =	sor.u32 $0x80, s10;
	s5 =	sadd.s32 $0x2BE00, s5;
	[dreg:$0x6] =	wrdreg s11  }
0x17: {  	s22 =	sadd.s32 $0x6C00, s13;
	s26 =	sadd.s32 $0xFC00, s13;
	[dreg:$0xa] =	wrdreg s5  }
0x18: {  	s18 =	simm.s32 $0x3;
	s19 =	simm.s32 $0x1ACD0;
	[dreg:$0xe] =	wrdreg s22  }
0x19: {  	s11 =	sshrl.u32 s28, $0x3;
	s24 =	sadd.s32 $0xB400, s13;
	[dreg:$0x13] =	wrdreg s26  }
0x1a: {  	s28 =	sadd.s32 $0x12000, s13;
	s5 =	simm.s32 $0x1D510;
	[dreg:$0x10] =	wrdreg s24  }
0x1b: {  	v0 =	vimm.f32 $0.0e+00;
	v19 =	vimm.s32 $0x0;
	s13 =	simm.s32 $0x0;
	s0 =	sadd.s32 s0, s11;
	[dreg:$0x14] =	wrdreg s28  }
0x1c: {  	v20 =	vimm.s32 $0x1;
	v21 =	vimm.s32 $0x2;
	v22 =	vimm.s32 $0x3;
	s11 =	simm.s32 $0x1D110;
	[dreg:$0x9] =	wrdreg s0;
	s0 =	sshrl.u32 s17, $0x3  }
0x1d: {  	v23 =	vimm.s32 $0x4;
	v63 =	vimm.s32 $0x5;
	v13 =	vimm.s32 $0x6;
	s17 =	simm.s32 $0x18850;
	[dreg:$0x12] =	wrdreg s0;
	s0 =	simm.s32 $0x40  }
.LBB2_1:
0x1e: {  	[dreg:$0x15] =	wrdreg s13  }
0x1f: {  	s9 =	rddreg [dreg:$0x4];
	s10 =	simm.s32 $0x15F90  }
0x20: {  	[tilespmem:s10], [sflag:$0x5] =	stream.linear.gather [hbm4b:s9+s3], $0x40, $0x38;
	[tilespmem:$0x1F910] =	vst v63  }
0x21: {  	_ =	swait.ge [sflag:s30], $0x40  }
0x22: {  	[sflag:s30] =	ssyncset.done $0x0  }
0x23: {  	s25 =	simm.s32 $0x15FD0;
	s24 =	rddreg [dreg:$0x6];
	[sflag:s30] =	ssyncadd.s32 $0xFFFFFFC0  }
0x24: {  	[tilespmem:s25], [sflag:$0x5] =	stream.linear.gather [hbm4b:s24+s3], $0x40, $0x38;
	[tilespmem:$0x1F910] =	vst v63  }
0x25: {  	_ =	swait.ge [sflag:s30], $0x40  }
0x26: {  	[sflag:s30] =	ssyncset.done $0x0  }
0x27: {  	s26 =	simm.s32 $0x16050;
	[sflag:s30] =	ssyncadd.s32 $0xFFFFFFC0  }
0x28: {  	[tilespmem:s26], [sflag:$0x1] =	stream.indirect.gather [hbm4b:s1+s0], $0x90, s10, s0, $0xb8;
	[tilespmem:$0x1F910] =	vst v63  }
0x29: {  	s28 =	simm.s32 $0x18450;
	s9 =	simm.s32 $0x0;
	s10 =	simm.s32 $0x240  }
0x2a: {  	[tilespmem:s28], [sflag:$0x1] =	stream.indirect.gather [hbm4b:s4+s0], $0x10, s25, s0, $0xb8;
	[tilespmem:$0x1F910] =	vst v63  }
.LBB2_2:
0x2b: {  	p1 =	sne.s32 s10, $0x8DC0;
	[tilespmem:s9+$0x1D590] =	vst v0  }
0x2c: {  	[tilespmem:s9+$0x1D510] =	vst v0  }
0x2d: {  	[tilespmem:s9+$0x1D520] =	vst v0  }
0x2e: {  	[tilespmem:s9+$0x1D530] =	vst v0  }
.Ltmp0:
0x2f: {  	[tilespmem:s9+$0x1D540] =	vst v0;
	(pc) =	sbr.rel @p1 .LBB2_2-.Ltmp0, $4  }
0x30: {  	[tilespmem:s9+$0x1D550] =	vst v0  }
0x31: {  	[tilespmem:s9+$0x1D560] =	vst v0  }
0x32: {  	[tilespmem:s9+$0x1D570] =	vst v0  }
0x33: {  	[tilespmem:s9+$0x1D580] =	vst v0;
	s9 =	sshra.s32 s10, $0x2;
	s10 =	sadd.s32 $0x240, s10  }
0x34: {  	[tilespmem:s9+$0x1D590] =	vst v0  }
0x35: {  	[tilespmem:s9+$0x1D510] =	vst v0  }
0x36: {  	[tilespmem:s9+$0x1D520] =	vst v0  }
0x37: {  	[tilespmem:s9+$0x1D530] =	vst v0  }
0x38: {  	[tilespmem:s9+$0x1D540] =	vst v0  }
0x39: {  	[tilespmem:s9+$0x1D550] =	vst v0  }
0x3a: {  	[tilespmem:s9+$0x1D560] =	vst v0  }
0x3b: {  	[tilespmem:s9+$0x1D570] =	vst v0  }
0x3c: {  	[tilespmem:s9+$0x1D580] =	vst v0;
	s28 =	rddreg [dreg:$0x5]  }
0x3d: {  	[spmem:s28] =	stream.linear.scatter [tilespmem:s5], [sflag:$0x5], $0x2400, $0x38;
	[tilespmem:$0x1F910] =	vst v63  }
0x3e: {  	_ =	swait.ge [sflag:s30], $0x2400  }
0x3f: {  	[sflag:s30] =	ssyncset.done $0x0  }
0x40: {  	s10 =	rddreg [dreg:$0xc];
	[sflag:s30] =	ssyncadd.s32 $0xFFFFDC00  }
0x41: {  	[spmem:s10] =	stream.linear.scatter [tilespmem:s5], [sflag:$0x5], $0x2400, $0x38;
	[tilespmem:$0x1F910] =	vst v63  }
0x42: {  	_ =	swait.ge [sflag:s30], $0x2400  }
0x43: {  	[sflag:s30] =	ssyncset.done $0x0  }
0x44: {  	s13 =	rddreg [dreg:$0xd];
	[sflag:s30] =	ssyncadd.s32 $0xFFFFDC00  }
0x45: {  	[spmem:s13] =	stream.linear.scatter [tilespmem:s5], [sflag:$0x5], $0x2400, $0x38;
	[tilespmem:$0x1F910] =	vst v63  }
0x46: {  	_ =	swait.ge [sflag:s30], $0x2400  }
0x47: {  	[sflag:s30] =	ssyncset.done $0x0  }
0x48: {  	s21 =	rddreg [dreg:$0xe];
	[sflag:s30] =	ssyncadd.s32 $0xFFFFDC00  }
0x49: {  	[spmem:s21] =	stream.linear.scatter [tilespmem:s5], [sflag:$0x5], $0x2400, $0x38;
	[tilespmem:$0x1F910] =	vst v63  }
0x4a: {  	_ =	swait.ge [sflag:s30], $0x2400  }
0x4b: {  	[sflag:s30] =	ssyncset.done $0x0  }
0x4c: {  	s22 =	rddreg [dreg:$0xf];
	[sflag:s30] =	ssyncadd.s32 $0xFFFFDC00  }
0x4d: {  	[spmem:s22] =	stream.linear.scatter [tilespmem:s5], [sflag:$0x5], $0x2400, $0x38;
	[tilespmem:$0x1F910] =	vst v63  }
0x4e: {  	_ =	swait.ge [sflag:s30], $0x2400  }
0x4f: {  	[sflag:s30] =	ssyncset.done $0x0  }
0x50: {  	s23 =	rddreg [dreg:$0x10];
	[sflag:s30] =	ssyncadd.s32 $0xFFFFDC00  }
0x51: {  	[spmem:s23] =	stream.linear.scatter [tilespmem:s5], [sflag:$0x5], $0x2400, $0x38;
	[tilespmem:$0x1F910] =	vst v63  }
0x52: {  	_ =	swait.ge [sflag:s30], $0x2400  }
0x53: {  	[sflag:s30] =	ssyncset.done $0x0  }
0x54: {  	s24 =	rddreg [dreg:$0x11];
	[sflag:s30] =	ssyncadd.s32 $0xFFFFDC00  }
0x55: {  	[spmem:s24] =	stream.linear.scatter [tilespmem:s5], [sflag:$0x5], $0x2400, $0x38;
	[tilespmem:$0x1F910] =	vst v63  }
0x56: {  	_ =	swait.ge [sflag:s30], $0x2400  }
0x57: {  	[sflag:s30] =	ssyncset.done $0x0  }
0x58: {  	s25 =	rddreg [dreg:$0x13];
	[sflag:s30] =	ssyncadd.s32 $0xFFFFDC00  }
0x59: {  	[spmem:s25] =	stream.linear.scatter [tilespmem:s5], [sflag:$0x5], $0x2400, $0x38;
	[tilespmem:$0x1F910] =	vst v63  }
0x5a: {  	_ =	swait.ge [sflag:s30], $0x2400  }
0x5b: {  	[sflag:s30] =	ssyncset.done $0x0  }
0x5c: {  	s26 =	rddreg [dreg:$0x14];
	[sflag:s30] =	ssyncadd.s32 $0xFFFFDC00  }
0x5d: {  	[spmem:s26] =	stream.linear.scatter [tilespmem:s5], [sflag:$0x5], $0x2400, $0x38;
	[tilespmem:$0x1F910] =	vst v63  }
0x5e: {  	_ =	swait.ge [sflag:s30], $0x2400  }
0x5f: {  	[sflag:s30] =	ssyncset.done $0x0  }
0x60: {  	s28 =	rddreg [dreg:$0x7];
	[sflag:s30] =	ssyncadd.s32 $0xFFFFDC00  }
0x61: {  	[spmem:s28] =	stream.linear.scatter [tilespmem:s5], [sflag:$0x5], $0x1B00, $0x38;
	[tilespmem:$0x1F910] =	vst v63  }
0x62: {  	_ =	swait.ge [sflag:s30], $0x1B00  }
0x63: {  	[sflag:s30] =	ssyncset.done $0x0  }
0x64: {  	s9 =	simm.s32 @!p0 $0x1D510;
	[sflag:s30] =	ssyncadd.s32 $0xFFFFE500  }
0x65: {  	[spmem:s20] =	stream.linear.scatter @!p0 [tilespmem:s9], [sflag:$0x5], $0x900, $0x38;
	[tilespmem:$0x1F910] =	vst v63  }
0x66: {  	s9 =	simm.s32 @!p0 $0x5  }
0x67: {  	_ =	swait.ge @!p0 [sflag:s9], $0x900  }
0x68: {  	[sflag:s9] =	ssyncset.done @!p0 $0x0  }
0x69: {  	[sflag:s9] =	ssyncadd.s32 @!p0 $0xFFFFF700  }
0x6a: {  	s23 =	simm.s32 $0x0;
	[bflag:$0x0] =	sbarrier.arrive $0xFFFF  }
.LBB2_4:
0x6b: {  	s24 =	sshll.u32 s23, $0x7  }
0x6c: {  	s9 =	sadd.s32 s24, s14  }
0x6d: {  	s9 =	sshrl.u32 s9, $0x3  }
0x6e: {  	s10 =	sadd.s32 s6, s9  }
0x6f: {  	[tilespmem:s29], [sflag:$0x5] =	stream.linear.gather [hbm4b:s10+s3], $0x40, $0x38;
	[tilespmem:$0x1F910] =	vst v63  }
0x70: {  	_ =	swait.ge [sflag:s30], $0x40  }
0x71: {  	[sflag:s30] =	ssyncset.done $0x0  }
0x72: {  	s9 =	sadd.s32 s7, s9;
	[sflag:s30] =	ssyncadd.s32 $0xFFFFFFC0  }
0x73: {  	[tilespmem:s31], [sflag:$0x5] =	stream.linear.gather [hbm4b:s9+s3], $0x40, $0x38;
	[tilespmem:$0x1F910] =	vst v63  }
0x74: {  	_ =	swait.ge [sflag:s30], $0x40  }
0x75: {  	[sflag:s30] =	ssyncset.done $0x0  }
0x76: {  	s20 =	simm.s32 $0x1AD10;
	[sflag:s30] =	ssyncadd.s32 $0xFFFFFFC0  }
0x77: {  	[tilespmem:s20], [sflag:$0x3] =	stream.indirect.gather [hbm4b:s1+s0], $0x90, s29, s0, $0xb8;
	[tilespmem:$0x1F910] =	vst v63  }
0x78: {  	_ = 	snop  }
0x79: {  	[tilespmem:s11], [sflag:$0x3] =	stream.indirect.gather [hbm4b:s4+s0], $0x10, s31, s0, $0xb8;
	[tilespmem:$0x1F910] =	vst v63  }
0x7a: {  	_ =	swait.ge [sflag:s12], $0x2400  }
0x7b: {  	[sflag:s12] =	ssyncset.done $0x0  }
0x7c: {  	[sflag:s12] =	ssyncadd.s32 $0xFFFFDC00  }
0x7d: {  	_ =	swait.ge [sflag:s12], $0x400  }
0x7e: {  	p1 =	seq.s32 s23, $0x0;
	[sflag:s12] =	ssyncset.done $0x0  }
0x7f: {  	s9 =	simm.s32 @!p1 $0x2;
	[sflag:s12] =	ssyncadd.s32 $0xFFFFFC00  }
0x80: {  	_ =	swait.ge @!p1 [sflag:s9], $0x2400  }
0x81: {  	[sflag:s9] =	ssyncset.done @!p1 $0x0  }
0x82: {  	s20 =	simm.s32 $0x16290;
	[sflag:s9] =	ssyncadd.s32 @!p1 $0xFFFFDC00  }
0x83: {  	s21 =	simm.s32 $0x18490;
	v0 =	vld [tilespmem:s20+$0x230]  }
0x84: {  	v1 =	vld [tilespmem:s21+$0x30];
	_ =	sdelay $0x3  }
0x85: {  	v3 =	vld [tilespmem:s20+$0xFFFFFED0]  }
0x86: {  	v4 =	vld [tilespmem:s20+$0xFFFFFF60];
	v0 =	vadd.f32 v1, v0  }
0x87: {  	v6 =	vld [tilespmem:s21+$0xFFFFFFE0]  }
0x88: {  	v7 =	vld [tilespmem:s20+$0xFFFFFFF0];
	v5 =	vmul.f32 $2.000000030e-01, v0  }
0x89: {  	v8 =	vld [tilespmem:s20+$0x80];
	vm0 =	vge.f32 v0, $0.0e+00  }
0x8a: {  	v1 =	vld [tilespmem:s21+$0xFFFFFFD0];
	v0 =	vsel vm0, v0, v5  }
0x8b: {  	v9 =	vld [tilespmem:s21+$0x0];
	v0 =	vmul.f32 $1.442695020e+00, v0  }
0x8c: {  	v5 =	vld [tilespmem:s21+$0xFFFFFFF0]  }
0x8d: {  	v2 =	vld [tilespmem:s21+$0xFFFFFFC0];
	(erf) = vpow2.f32 v0  }
0x8e: {  	v4 =	vadd.f32 v6, v4;
	v6 =	vld [tilespmem:s21+$0x10]  }
0x8f: {  	v0 =	vadd.f32 v1, v3;
	v3 =	vld [tilespmem:s20+$0xFFFFFE40]  }
0x90: {  	v1 =	vld [tilespmem:s20+$0x110]  }
0x91: {  	v8 =	vadd.f32 v9, v8;
	v10 =	vmul.f32 $2.000000030e-01, v0;
	v5 =	vadd.f32 v5, v7  }
0x92: {  	v11 =	vld [tilespmem:s20+$0x1A0];
	vm7 =	vge.f32 v4, $0.0e+00;
	vm6 =	vge.f32 v0, $0.0e+00;
	v7 =	vmul.f32 $2.000000030e-01, v4  }
0x93: {  	vm8 =	vge.f32 v8, $0.0e+00;
	v0 =	vsel vm6, v0, v10;
	v10 =	vld [tilespmem:s21+$0x20];
	vm1 =	vge.f32 v5, $0.0e+00  }
0x94: {  	v12 =	vmul.f32 $2.000000030e-01, v5;
	v4 =	vsel vm7, v4, v7;
	v2 =	vadd.f32 v2, v3;
	v3 =	vld [tilespmem:s20+$0x1B0]  }
0x95: {  	v7 =	vmul.f32 $2.000000030e-01, v8;
	v0 =	vmul.f32 $1.442695020e+00, v0;
	v1 =	vadd.f32 v6, v1  }
0x96: {  	v4 =	vmul.f32 $1.442695020e+00, v4;
	v5 =	vsel vm1, v5, v12;
	v6 =	vmul.f32 $2.000000030e-01, v2;
	v33 =	vpop (erf)  }
0x97: {  	vm9 =	vge.f32 v2, $0.0e+00;
	(erf) = vpow2.f32 v0;
	v0 =	vperm.xlane v33, v19  }
0x98: {  	vm10 =	vge.f32 v1, $0.0e+00;
	v2 =	vsel vm9, v2, v6;
	v6 =	vmul.f32 $2.000000030e-01, v1  }
0x99: {  	v5 =	vmul.f32 $1.442695020e+00, v5;
	v9 =	vadd.f32 v10, v11;
	v0 =	vmul.f32 v3, v0  }
0x9a: {  	s25 =	simm.s32 $0x18A90;
	(erf) = vpow2.f32 v4;
	v2 =	vmul.f32 $1.442695020e+00, v2;
	v1 =	vsel vm10, v1, v6  }
0x9b: {  	v4 =	vmul.f32 $2.000000030e-01, v9;
	(erf) = vpow2.f32 v5;
	v3 =	vsel vm8, v8, v7;
	[tilespmem:s25+$0x1B0] =	vst v0  }
0x9c: {  	vm11 =	vge.f32 v9, $0.0e+00;
	(erf) = vpow2.f32 v2;
	v0 =	vmul.f32 $1.442695020e+00, v3;
	v2 =	vld [tilespmem:s20+$0x1C0]  }
0x9d: {  	v1 =	vmul.f32 $1.442695020e+00, v1;
	v3 =	vsel vm11, v9, v4  }
0x9e: {  	v3 =	vmul.f32 $1.442695020e+00, v3;
	(erf) = vpow2.f32 v0  }
0x9f: {  	v0 =	vperm.xlane v33, v20;
	(erf) = vpow2.f32 v1  }
0xa0: {  	v1 =	vld [tilespmem:s20+$0xFFFFFE50];
	(erf) = vpow2.f32 v3  }
0xa1: {  	v3 =	vld [tilespmem:s20+$0xFFFFFEE0];
	v0 =	vmul.f32 v2, v0  }
0xa2: {  	v42 =	vpop (erf);
	v2 =	vld [tilespmem:s20+$0xFFFFFF70]  }
0xa3: {  	v4 =	vld [tilespmem:s20+$0xFFFFFDC0];
	v5 =	vperm.xlane v42, v19;
	v38 =	vpop (erf);
	[tilespmem:s25+$0x1C0] =	vst v0  }
0xa4: {  	v26 =	vpop (erf);
	v0 =	vperm.xlane v38, v19;
	v6 =	vld [tilespmem:s20+$0x1D0]  }
0xa5: {  	v7 =	vld [tilespmem:s20+$0x0];
	v44 =	vpop (erf);
	v1 =	vmul.f32 v1, v5;
	v5 =	vperm.xlane v26, v19  }
0xa6: {  	v8 =	vld [tilespmem:s20+$0x90];
	v0 =	vmul.f32 v3, v0;
	v3 =	vperm.xlane v44, v19  }
0xa7: {  	v9 =	vld [tilespmem:s20+$0x120];
	[tilespmem:s25+$0xFFFFFE50] =	vst v1;
	v36 =	vpop (erf);
	v1 =	vmul.f32 v2, v5;
	v2 =	vperm.xlane v33, v21  }
0xa8: {  	v5 =	vld [tilespmem:s20+$0xFFFFFE60];
	[tilespmem:s25+$0xFFFFFEE0] =	vst v0;
	v0 =	vperm.xlane v36, v19;
	v37 =	vpop (erf);
	v3 =	vmul.f32 v4, v3  }
0xa9: {  	v4 =	vld [tilespmem:s20+$0xFFFFFEF0];
	v10 =	vperm.xlane v37, v19;
	v29 =	vpop (erf);
	[tilespmem:s25+$0xFFFFFF70] =	vst v1;
	v1 =	vmul.f32 v6, v2  }
0xaa: {  	v2 =	vperm.xlane v29, v19;
	v6 =	vld [tilespmem:s20+$0xFFFFFF80];
	v0 =	vmul.f32 v7, v0;
	[tilespmem:s25+$0xFFFFFDC0] =	vst v3  }
0xab: {  	v3 =	vperm.xlane v42, v20;
	v7 =	vmul.f32 v8, v10;
	v8 =	vld [tilespmem:s20+$0xFFFFFDD0];
	[tilespmem:s25+$0x1D0] =	vst v1  }
0xac: {  	v1 =	vperm.xlane v38, v20;
	v2 =	vmul.f32 v9, v2;
	[tilespmem:s25+$0x0] =	vst v0;
	v0 =	vld [tilespmem:s20+$0x1E0]  }
0xad: {  	v9 =	vperm.xlane v26, v20;
	v3 =	vmul.f32 v5, v3;
	v5 =	vld [tilespmem:s20+$0x10];
	[tilespmem:s25+$0x90] =	vst v7  }
0xae: {  	v7 =	vperm.xlane v44, v20;
	v1 =	vmul.f32 v4, v1;
	v4 =	vld [tilespmem:s20+$0xA0];
	[tilespmem:s25+$0x120] =	vst v2  }
0xaf: {  	[tilespmem:s25+$0xFFFFFE60] =	vst v3;
	v2 =	vmul.f32 v6, v9;
	v3 =	vld [tilespmem:s20+$0x130];
	v6 =	vperm.xlane v33, v22  }
0xb0: {  	v9 =	vperm.xlane v36, v20;
	v7 =	vmul.f32 v8, v7;
	v8 =	vld [tilespmem:s20+$0xFFFFFE70];
	[tilespmem:s25+$0xFFFFFEF0] =	vst v1  }
0xb1: {  	v1 =	vperm.xlane v37, v20;
	v10 =	vld [tilespmem:s20+$0xFFFFFF00];
	[tilespmem:s25+$0xFFFFFF80] =	vst v2;
	v0 =	vmul.f32 v0, v6  }
0xb2: {  	v2 =	vperm.xlane v29, v20;
	[tilespmem:s25+$0xFFFFFDD0] =	vst v7;
	v6 =	vld [tilespmem:s20+$0xFFFFFF90];
	v5 =	vmul.f32 v5, v9  }
0xb3: {  	v7 =	vperm.xlane v42, v21;
	v9 =	vld [tilespmem:s20+$0xFFFFFDE0];
	v1 =	vmul.f32 v4, v1;
	[tilespmem:s25+$0x1E0] =	vst v0  }
0xb4: {  	v0 =	vperm.xlane v38, v21;
	[tilespmem:s25+$0x10] =	vst v5;
	v2 =	vmul.f32 v3, v2;
	v3 =	vld [tilespmem:s20+$0x1F0]  }
0xb5: {  	v4 =	vperm.xlane v26, v21;
	v5 =	vmul.f32 v8, v7;
	v7 =	vld [tilespmem:s20+$0x20];
	[tilespmem:s25+$0xA0] =	vst v1  }
0xb6: {  	v1 =	vperm.xlane v44, v21;
	v0 =	vmul.f32 v10, v0;
	v8 =	vld [tilespmem:s20+$0xB0];
	[tilespmem:s25+$0x130] =	vst v2  }
0xb7: {  	[tilespmem:s25+$0xFFFFFE70] =	vst v5;
	v2 =	vmul.f32 v6, v4;
	v4 =	vld [tilespmem:s20+$0x140];
	v5 =	vperm.xlane v33, v23  }
0xb8: {  	v6 =	vperm.xlane v36, v21;
	v1 =	vmul.f32 v9, v1;
	v9 =	vld [tilespmem:s20+$0xFFFFFE80];
	[tilespmem:s25+$0xFFFFFF00] =	vst v0  }
0xb9: {  	v0 =	vperm.xlane v37, v21;
	v10 =	vld [tilespmem:s20+$0xFFFFFF10];
	[tilespmem:s25+$0xFFFFFF90] =	vst v2;
	v2 =	vmul.f32 v3, v5  }
0xba: {  	v3 =	vperm.xlane v29, v21;
	[tilespmem:s25+$0xFFFFFDE0] =	vst v1;
	v1 =	vld [tilespmem:s20+$0xFFFFFFA0];
	v5 =	vmul.f32 v7, v6  }
0xbb: {  	v6 =	vperm.xlane v42, v22;
	v7 =	vld [tilespmem:s20+$0xFFFFFDF0];
	v0 =	vmul.f32 v8, v0;
	[tilespmem:s25+$0x1F0] =	vst v2  }
0xbc: {  	v2 =	vperm.xlane v38, v22;
	[tilespmem:s25+$0x20] =	vst v5;
	v3 =	vmul.f32 v4, v3;
	v4 =	vld [tilespmem:s20+$0x200]  }
0xbd: {  	v5 =	vperm.xlane v26, v22;
	v6 =	vmul.f32 v9, v6;
	v8 =	vld [tilespmem:s20+$0x30];
	[tilespmem:s25+$0xB0] =	vst v0  }
0xbe: {  	v0 =	vperm.xlane v44, v22;
	v2 =	vmul.f32 v10, v2;
	v9 =	vld [tilespmem:s20+$0xC0];
	[tilespmem:s25+$0x140] =	vst v3  }
0xbf: {  	s22 =	simm.s32 $0x18510;
	[tilespmem:s25+$0xFFFFFE80] =	vst v6;
	v1 =	vmul.f32 v1, v5;
	v3 =	vld [tilespmem:s20+$0x150];
	v5 =	vperm.xlane v33, v63  }
0xc0: {  	s26 =	simm.s32 $0x16710;
	v16 =	vld [tilespmem:s22+$0xFFFFFFC0];
	v0 =	vmul.f32 v7, v0;
	[tilespmem:s25+$0xFFFFFF10] =	vst v2  }
0xc1: {  	v18 =	vld [tilespmem:s26+$0xFFFFFED0];
	v6 =	vperm.xlane v36, v22;
	[tilespmem:s25+$0xFFFFFFA0] =	vst v1;
	v1 =	vmul.f32 v4, v5  }
0xc2: {  	v2 =	vperm.xlane v37, v22;
	v4 =	vperm.xlane v29, v22;
	[tilespmem:s25+$0xFFFFFDF0] =	vst v0;
	v0 =	vld [tilespmem:s20+$0xFFFFFFB0]  }
0xc3: {  	v7 =	vld [tilespmem:s20+$0xFFFFFE90];
	v5 =	vmul.f32 v8, v6;
	[tilespmem:s25+$0x200] =	vst v1  }
0xc4: {  	v2 =	vmul.f32 v9, v2;
	v3 =	vmul.f32 v3, v4;
	v4 =	vld [tilespmem:s20+$0x210]  }
0xc5: {  	v10 =	vld [tilespmem:s20+$0xFFFFFF20];
	[tilespmem:s25+$0x30] =	vst v5;
	v5 =	vperm.xlane v26, v23  }
0xc6: {  	v6 =	vperm.xlane v42, v23;
	v8 =	vld [tilespmem:s20+$0xFFFFFE00];
	[tilespmem:s25+$0xC0] =	vst v2  }
0xc7: {  	v9 =	vld [tilespmem:s20+$0xD0];
	[tilespmem:s25+$0x150] =	vst v3;
	v0 =	vmul.f32 v0, v5;
	v5 =	vperm.xlane v33, v13  }
0xc8: {  	v6 =	vmul.f32 v7, v6;
	v3 =	vld [tilespmem:s20+$0x160]  }
0xc9: {  	v19 =	vld [tilespmem:s26+$0xFFFFFF60];
	v1 =	vperm.xlane v38, v23;
	[tilespmem:s25+$0xFFFFFFB0] =	vst v0;
	v0 =	vmul.f32 v4, v5  }
0xca: {  	v7 =	vld [tilespmem:s20+$0x40];
	v2 =	vperm.xlane v44, v23;
	[tilespmem:s25+$0xFFFFFE90] =	vst v6;
	v5 =	vperm.xlane v37, v23  }
0xcb: {  	v1 =	vmul.f32 v10, v1;
	v6 =	vld [tilespmem:s20+$0xFFFFFEA0];
	[tilespmem:s25+$0x210] =	vst v0;
	v0 =	vperm.xlane v29, v23  }
0xcc: {  	v2 =	vmul.f32 v8, v2;
	v5 =	vmul.f32 v9, v5;
	v9 =	vld [tilespmem:s26+$0x230]  }
0xcd: {  	[tilespmem:s25+$0xFFFFFF20] =	vst v1;
	v4 =	vperm.xlane v36, v23;
	v0 =	vmul.f32 v3, v0;
	v3 =	vld [tilespmem:s22+$0x30]  }
0xce: {  	v1 =	vld [tilespmem:s20+$0xFFFFFF30]  }
0xcf: {  	[tilespmem:s25+$0xFFFFFE00] =	vst v2;
	v2 =	vld [tilespmem:s20+$0xFFFFFFC0];
	v4 =	vmul.f32 v7, v4  }
0xd0: {  	v8 =	vld [tilespmem:s20+$0xFFFFFE10]  }
0xd1: {  	v7 =	vld [tilespmem:s20+$0x220];
	[tilespmem:s25+$0x40] =	vst v4  }
0xd2: {  	v12 =	vperm.xlane v26, v63;
	[tilespmem:s25+$0xD0] =	vst v5;
	v5 =	vperm.xlane v42, v63;
	v4 =	vld [tilespmem:s20+$0x50];
	v3 =	vadd.f32 v3, v9  }
0xd3: {  	v14 =	vperm.xlane v36, v63;
	v15 =	vperm.xlane v37, v63;
	v11 =	vld [tilespmem:s20+$0xE0]  }
0xd4: {  	v27 =	vimm.s32 $0x7;
	v5 =	vmul.f32 v6, v5;
	v6 =	vld [tilespmem:s26+$0xFFFFFFF0];
	v20 =	vmul.f32 $2.000000030e-01, v3  }
0xd5: {  	v10 =	vperm.xlane v44, v63;
	[tilespmem:s25+$0x160] =	vst v0;
	v0 =	vperm.xlane v38, v63;
	v9 =	vld [tilespmem:s22+$0xFFFFFFD0];
	vm12 =	vge.f32 v3, $0.0e+00  }
0xd6: {  	v2 =	vmul.f32 v2, v12;
	v12 =	vperm.xlane v33, v27;
	v13 =	vld [tilespmem:s20+$0x170];
	v3 =	vsel vm12, v3, v20  }
0xd7: {  	v0 =	vmul.f32 v1, v0;
	v1 =	vld [tilespmem:s22+$0xFFFFFFF0];
	v3 =	vmul.f32 $1.442695020e+00, v3  }
0xd8: {  	v17 =	vperm.xlane v29, v63;
	v39 =	vmul.f32 v7, v12;
	v12 =	vld [tilespmem:s26+$0xFFFFFE40]  }
0xd9: {  	v21 =	vld [tilespmem:s22+$0xFFFFFFE0];
	v8 =	vmul.f32 v8, v10;
	(erf) = vpow2.f32 v3  }
0xda: {  	v3 =	vmul.f32 v4, v14;
	v4 =	vadd.f32 v9, v18;
	v9 =	vmul.f32 v11, v15  }
0xdb: {  	v10 =	vld [tilespmem:s22+$0x0];
	v11 =	vmul.f32 v13, v17;
	v13 =	vperm.xlane v44, v27  }
0xdc: {  	v20 =	vld [tilespmem:s26+$0x80];
	v1 =	vadd.f32 v1, v6  }
0xdd: {  	v7 =	vld [tilespmem:s26+$0x110];
	v12 =	vadd.f32 v16, v12;
	[tilespmem:$0x1FF10] =	vst v13  }
0xde: {  	v28 =	vimm.s32 $0x0;
	vm15 =	vge.f32 v1, $0.0e+00;
	v14 =	vadd.f32 v21, v19;
	v15 =	vld [tilespmem:s22+$0x10]  }
0xdf: {  	vm5 =	vge.f32 v12, $0.0e+00;
	v21 =	vperm.xlane v42, v27;
	v18 =	vmul.f32 $2.000000030e-01, v1  }
0xe0: {  	v13 =	vmul.f32 $2.000000030e-01, v4;
	vm13 =	vge.f32 v4, $0.0e+00;
	v6 =	vmul.f32 $2.000000030e-01, v14  }
0xe1: {  	vm14 =	vge.f32 v14, $0.0e+00;
	v10 =	vadd.f32 v10, v20;
	v1 =	vsel vm15, v1, v18;
	v17 =	vld [tilespmem:s26+$0x1A0]  }
0xe2: {  	v1 =	vmul.f32 $1.442695020e+00, v1;
	v4 =	vsel vm13, v4, v13;
	v6 =	vsel vm14, v14, v6;
	v14 =	vld [tilespmem:s26+$0x1B0]  }
0xe3: {  	v13 =	vld [tilespmem:s22+$0x20];
	v4 =	vmul.f32 $1.442695020e+00, v4;
	v7 =	vadd.f32 v15, v7;
	v15 =	vmul.f32 $2.000000030e-01, v12  }
0xe4: {  	vm4 =	vge.f32 v10, $0.0e+00;
	v16 =	vmul.f32 $2.000000030e-01, v10;
	v6 =	vmul.f32 $1.442695020e+00, v6;
	v47 =	vpop (erf)  }
0xe5: {  	(erf) = vpow2.f32 v4;
	v4 =	vperm.xlane v47, v28;
	v12 =	vsel vm5, v12, v15  }
0xe6: {  	v27 =	vld [tilespmem:s26+$0xFFFFFDC0];
	v10 =	vsel vm4, v10, v16;
	(erf) = vpow2.f32 v6;
	v6 =	vmul.f32 $1.442695020e+00, v12  }
0xe7: {  	v18 =	vld [tilespmem:s26+$0xFFFFFE50];
	v16 =	vimm.s32 $0x7;
	(erf) = vpow2.f32 v1;
	v4 =	vmul.f32 v14, v4  }
0xe8: {  	s28 =	simm.s32 $0x18F10;
	v19 =	vld [tilespmem:s26+$0xFFFFFEE0];
	v13 =	vadd.f32 v13, v17;
	(erf) = vpow2.f32 v6;
	v6 =	vperm.xlane v38, v16  }
0xe9: {  	v12 =	vld [tilespmem:s26+$0xFFFFFF70];
	[tilespmem:s28+$0x1B0] =	vst v4  }
0xea: {  	v1 =	vmul.f32 $1.442695020e+00, v10;
	v14 =	vmul.f32 $2.000000030e-01, v13;
	v4 =	vld [tilespmem:s26+$0x1C0];
	[tilespmem:$0x1FF20] =	vst v6  }
0xeb: {  	v15 =	vmul.f32 $2.000000030e-01, v7;
	vm7 =	vge.f32 v13, $0.0e+00;
	v6 =	vld [tilespmem:s26+$0x0];
	[tilespmem:s25+$0xFFFFFEA0] =	vst v5;
	v5 =	vperm.xlane v26, v16  }
0xec: {  	vm6 =	vge.f32 v7, $0.0e+00;
	v10 =	vsel vm7, v13, v14;
	v13 =	vld [tilespmem:s26+$0x90];
	[tilespmem:s25+$0xFFFFFE10] =	vst v8  }
0xed: {  	v7 =	vsel vm6, v7, v15;
	(erf) = vpow2.f32 v1;
	v1 =	vld [tilespmem:s26+$0x120];
	[tilespmem:$0x1FF30] =	vst v5  }
0xee: {  	v7 =	vmul.f32 $1.442695020e+00, v7;
	[tilespmem:s25+$0xFFFFFF30] =	vst v0;
	v0 =	vperm.xlane v36, v16  }
0xef: {  	v35 =	vimm.s32 $0x1;
	v10 =	vmul.f32 $1.442695020e+00, v10  }
0xf0: {  	(erf) = vpow2.f32 v7;
	v7 =	vperm.xlane v47, v35;
	v49 =	vld [tilespmem:s20+$0xFFFFFE20];
	[tilespmem:$0x1FF40] =	vst v0  }
0xf1: {  	(erf) = vpow2.f32 v10;
	[tilespmem:s25+$0xFFFFFFC0] =	vst v2;
	v2 =	vperm.xlane v37, v16  }
0xf2: {  	v5 =	vpop (erf);
	v0 =	vmul.f32 v4, v7;
	v4 =	vperm.xlane v29, v16  }
0xf3: {  	v46 =	vld [tilespmem:s20+$0xFFFFFEB0];
	[tilespmem:$0x1FF50] =	vst v2;
	v2 =	vperm.xlane v5, v28  }
0xf4: {  	v15 =	vpop (erf);
	v48 =	vld [tilespmem:s20+$0xFFFFFF40];
	[tilespmem:$0x1FF60] =	vst v4  }
0xf5: {  	v45 =	vld [tilespmem:s20+$0xFFFFFFD0];
	[tilespmem:s28+$0x1C0] =	vst v0;
	v0 =	vmul.f32 v18, v2;
	v2 =	vperm.xlane v15, v28  }
0xf6: {  	v57 =	vpop (erf);
	[tilespmem:s25+$0x50] =	vst v3;
	v3 =	vld [tilespmem:s26+$0x1D0]  }
0xf7: {  	v7 =	vperm.xlane v57, v28;
	v10 =	vpop (erf);
	[tilespmem:s25+$0xE0] =	vst v9;
	v50 =	vld [tilespmem:s20+$0x60];
	v2 =	vmul.f32 v19, v2;
	v19 =	vimm.s32 $0x0  }
0xf8: {  	v61 =	vimm.s32 $0x2;
	[tilespmem:s25+$0x170] =	vst v11;
	v52 =	vld [tilespmem:s20+$0xF0];
	v8 =	vperm.xlane v10, v19  }
0xf9: {  	v31 =	vpop (erf);
	v51 =	vld [tilespmem:s20+$0x180];
	[tilespmem:s28+$0xFFFFFE50] =	vst v0;
	v0 =	vmul.f32 v12, v7;
	v7 =	vperm.xlane v47, v61  }
0xfa: {  	v28 =	vpop (erf);
	v9 =	vld [tilespmem:s26+$0xFFFFFE60];
	[tilespmem:s28+$0xFFFFFEE0] =	vst v2;
	v2 =	vperm.xlane v31, v19;
	v8 =	vmul.f32 v27, v8  }
0xfb: {  	v20 =	vpop (erf);
	v11 =	vperm.xlane v28, v19;
	[tilespmem:s28+$0xFFFFFF70] =	vst v0;
	v27 =	vmov v10;
	v10 =	vld [tilespmem:s26+$0xFFFFFEF0];
	v0 =	vmul.f32 v3, v7  }
0xfc: {  	v3 =	vperm.xlane v20, v19;
	v7 =	vld [tilespmem:s26+$0xFFFFFF80];
	v2 =	vmul.f32 v6, v2;
	[tilespmem:s28+$0xFFFFFDC0] =	vst v8  }
0xfd: {  	v4 =	vperm.xlane v5, v35;
	v8 =	vmul.f32 v13, v11;
	v11 =	vld [tilespmem:s26+$0xFFFFFDD0];
	[tilespmem:s28+$0x1D0] =	vst v0  }
0xfe: {  	v0 =	vperm.xlane v15, v35;
	v1 =	vmul.f32 v1, v3;
	[tilespmem:s28+$0x0] =	vst v2;
	v2 =	vld [tilespmem:s26+$0x1E0]  }
0xff: {  	v3 =	vperm.xlane v57, v35;
	v4 =	vmul.f32 v9, v4;
	v9 =	vld [tilespmem:s26+$0x10];
	[tilespmem:s28+$0x90] =	vst v8  }
0x100: {  	v8 =	vperm.xlane v27, v35;
	v0 =	vmul.f32 v10, v0;
	v10 =	vld [tilespmem:s26+$0xA0];
	[tilespmem:s28+$0x120] =	vst v1  }
0x101: {  	[tilespmem:s28+$0xFFFFFE60] =	vst v4;
	v4 =	vperm.xlane v47, v22;
	v1 =	vmul.f32 v7, v3;
	v3 =	vld [tilespmem:s26+$0x130]  }
0x102: {  	v7 =	vperm.xlane v31, v35;
	[tilespmem:s28+$0xFFFFFEF0] =	vst v0;
	v8 =	vmul.f32 v11, v8;
	v11 =	vld [tilespmem:s26+$0xFFFFFE70]  }
0x103: {  	v0 =	vperm.xlane v28, v35;
	v12 =	vld [tilespmem:s26+$0xFFFFFF00];
	[tilespmem:s28+$0xFFFFFF80] =	vst v1;
	v1 =	vmul.f32 v2, v4  }
0x104: {  	v2 =	vperm.xlane v20, v35;
	v4 =	vld [tilespmem:s26+$0xFFFFFF90];
	v7 =	vmul.f32 v9, v7;
	[tilespmem:s28+$0xFFFFFDD0] =	vst v8  }
0x105: {  	v18 =	vmov v5;
	v5 =	vperm.xlane v5, v61;
	v0 =	vmul.f32 v10, v0;
	v9 =	vld [tilespmem:s26+$0xFFFFFDE0];
	[tilespmem:s28+$0x1E0] =	vst v1  }
0x106: {  	v1 =	vperm.xlane v15, v61;
	[tilespmem:s28+$0x10] =	vst v7;
	v2 =	vmul.f32 v3, v2;
	v3 =	vld [tilespmem:s26+$0x1F0]  }
0x107: {  	v7 =	vperm.xlane v57, v61;
	v10 =	vld [tilespmem:s26+$0x20];
	[tilespmem:s28+$0xA0] =	vst v0;
	v5 =	vmul.f32 v11, v5  }
0x108: {  	v0 =	vperm.xlane v27, v61;
	v1 =	vmul.f32 v12, v1;
	v11 =	vld [tilespmem:s26+$0xB0];
	[tilespmem:s28+$0x130] =	vst v2  }
0x109: {  	v2 =	vmul.f32 v4, v7;
	v4 =	vld [tilespmem:s26+$0x140];
	[tilespmem:s28+$0xFFFFFE70] =	vst v5;
	v5 =	vperm.xlane v47, v23  }
0x10a: {  	v7 =	vperm.xlane v31, v61;
	[tilespmem:s28+$0xFFFFFF00] =	vst v1;
	v0 =	vmul.f32 v9, v0;
	v9 =	vld [tilespmem:s26+$0xFFFFFE80]  }
0x10b: {  	v1 =	vperm.xlane v28, v61;
	v12 =	vld [tilespmem:s26+$0xFFFFFF10];
	[tilespmem:s28+$0xFFFFFF90] =	vst v2;
	v2 =	vmul.f32 v3, v5  }
0x10c: {  	v3 =	vperm.xlane v20, v61;
	v5 =	vmul.f32 v10, v7;
	[tilespmem:s28+$0xFFFFFDE0] =	vst v0;
	v0 =	vld [tilespmem:s26+$0xFFFFFFA0]  }
0x10d: {  	v6 =	vperm.xlane v18, v22;
	v1 =	vmul.f32 v11, v1;
	v10 =	vld [tilespmem:s26+$0xFFFFFDF0];
	[tilespmem:s28+$0x1F0] =	vst v2  }
0x10e: {  	v2 =	vperm.xlane v15, v22;
	[tilespmem:s28+$0x20] =	vst v5;
	v3 =	vmul.f32 v4, v3;
	v4 =	vld [tilespmem:s26+$0x200]  }
0x10f: {  	v5 =	vperm.xlane v57, v22;
	[tilespmem:s28+$0xB0] =	vst v1;
	v6 =	vmul.f32 v9, v6;
	v9 =	vld [tilespmem:s26+$0x30]  }
0x110: {  	v1 =	vperm.xlane v27, v22;
	v2 =	vmul.f32 v12, v2;
	v11 =	vld [tilespmem:s26+$0xC0];
	[tilespmem:s28+$0x140] =	vst v3  }
0x111: {  	v3 =	vld [tilespmem:s26+$0x150];
	[tilespmem:s28+$0xFFFFFE80] =	vst v6;
	v0 =	vmul.f32 v0, v5;
	v5 =	vperm.xlane v47, v63  }
0x112: {  	v6 =	vperm.xlane v31, v22;
	[tilespmem:s28+$0xFFFFFF10] =	vst v2;
	v1 =	vmul.f32 v10, v1;
	v10 =	vld [tilespmem:s26+$0xFFFFFE90]  }
0x113: {  	v2 =	vperm.xlane v28, v22;
	v12 =	vld [tilespmem:s26+$0xFFFFFF20];
	[tilespmem:s28+$0xFFFFFFA0] =	vst v0;
	v0 =	vmul.f32 v4, v5  }
0x114: {  	v4 =	vperm.xlane v20, v22;
	[tilespmem:s28+$0xFFFFFDF0] =	vst v1;
	v1 =	vld [tilespmem:s26+$0xFFFFFFB0];
	v5 =	vmul.f32 v9, v6  }
0x115: {  	v8 =	vperm.xlane v18, v23;
	v2 =	vmul.f32 v11, v2;
	v9 =	vld [tilespmem:s26+$0xFFFFFE00];
	[tilespmem:s28+$0x200] =	vst v0  }
0x116: {  	v0 =	vperm.xlane v15, v23;
	v3 =	vmul.f32 v3, v4;
	[tilespmem:s28+$0x30] =	vst v5;
	v4 =	vld [tilespmem:s26+$0x210]  }
0x117: {  	v5 =	vperm.xlane v57, v23;
	[tilespmem:s28+$0xC0] =	vst v2;
	v8 =	vmul.f32 v10, v8;
	v10 =	vld [tilespmem:s26+$0x40]  }
0x118: {  	v6 =	vperm.xlane v27, v23;
	v0 =	vmul.f32 v12, v0;
	v11 =	vld [tilespmem:s26+$0xD0];
	[tilespmem:s28+$0x150] =	vst v3  }
0x119: {  	[tilespmem:s28+$0xFFFFFE90] =	vst v8;
	v1 =	vmul.f32 v1, v5;
	v5 =	vld [tilespmem:s26+$0x160]  }
0x11a: {  	v60 =	vimm.s32 $0x6;
	v2 =	vperm.xlane v31, v23;
	[tilespmem:s28+$0xFFFFFF20] =	vst v0;
	v6 =	vmul.f32 v9, v6;
	v9 =	vld [tilespmem:s26+$0xFFFFFEA0]  }
0x11b: {  	v12 =	vperm.xlane v47, v60;
	v13 =	vld [tilespmem:s26+$0xFFFFFF30];
	[tilespmem:s28+$0xFFFFFFB0] =	vst v1  }
0x11c: {  	s10 =	simm.s32 $0x16B90;
	v8 =	vperm.xlane v20, v23;
	[tilespmem:s28+$0xFFFFFE00] =	vst v6;
	v6 =	vld [tilespmem:s26+$0xFFFFFFC0];
	v2 =	vmul.f32 v10, v2  }
0x11d: {  	v4 =	vmul.f32 v4, v12;
	v10 =	vld [tilespmem:s10+$0x230]  }
0x11e: {  	s21 =	simm.s32 $0x18590;
	v12 =	vld [tilespmem:s26+$0xFFFFFE10];
	[tilespmem:s28+$0x40] =	vst v2;
	v2 =	vmul.f32 v5, v8;
	v8 =	vperm.xlane v18, v60  }
0x11f: {  	v3 =	vperm.xlane v28, v23;
	[tilespmem:s28+$0x210] =	vst v4;
	v4 =	vld [tilespmem:s21+$0x30]  }
0x120: {  	v5 =	vld [tilespmem:s26+$0x220];
	[tilespmem:$0x1FF70] =	vst v8;
	v8 =	vperm.xlane v15, v60  }
0x121: {  	v3 =	vmul.f32 v11, v3  }
0x122: {  	[tilespmem:$0x1FF80] =	vst v8  }
0x123: {  	[tilespmem:s28+$0xD0] =	vst v3;
	v3 =	vperm.xlane v57, v60;
	_ =	sdelay $0x1  }
0x124: {  	v8 =	vld [tilespmem:s26+$0x50];
	[tilespmem:$0x1FF90] =	vst v3;
	v3 =	vperm.xlane v31, v60;
	_ =	sdelay $0x1  }
0x125: {  	v41 =	vperm.xlane v42, v60;
	v40 =	vperm.xlane v38, v60;
	[tilespmem:$0x1FFA0] =	vst v3  }
0x126: {  	v7 =	vperm.xlane v18, v63;
	[tilespmem:s28+$0x160] =	vst v2;
	v2 =	vperm.xlane v28, v60  }
0x127: {  	v30 =	vperm.xlane v26, v60;
	v43 =	vperm.xlane v44, v60  }
0x128: {  	v3 =	vld [tilespmem:s26+$0xE0];
	[tilespmem:$0x1FFB0] =	vst v2;
	v2 =	vmul.f32 v9, v7;
	v9 =	vperm.xlane v20, v60  }
0x129: {  	v34 =	vperm.xlane v36, v60;
	v24 =	vperm.xlane v37, v60  }
0x12a: {  	v25 =	vperm.xlane v29, v60;
	v53 =	vperm.xlane v57, v63;
	v7 =	vld [tilespmem:s26+$0x170];
	[tilespmem:$0x1FFC0] =	vst v9  }
0x12b: {  	v54 =	vperm.xlane v31, v63;
	v0 =	vperm.xlane v27, v63;
	v9 =	vld [tilespmem:s21+$0xFFFFFFC0]  }
0x12c: {  	v55 =	vperm.xlane v28, v63;
	v1 =	vperm.xlane v15, v63;
	v4 =	vadd.f32 v4, v10;
	v11 =	vld [tilespmem:s10+$0xFFFFFED0]  }
0x12d: {  	v6 =	vmul.f32 v6, v53;
	v0 =	vmul.f32 v12, v0;
	v53 =	vld [tilespmem:s21+$0xFFFFFFD0]  }
0x12e: {  	v12 =	vmul.f32 v46, v41;
	v58 =	vmul.f32 $2.000000030e-01, v4;
	v41 =	vld [tilespmem:s10+$0xFFFFFF60]  }
0x12f: {  	v56 =	vperm.xlane v20, v63;
	v45 =	vmul.f32 v45, v30;
	vm8 =	vge.f32 v4, $0.0e+00;
	v59 =	vld [tilespmem:s21+$0xFFFFFFE0]  }
0x130: {  	v14 =	vperm.xlane v27, v60;
	v1 =	vmul.f32 v13, v1;
	v4 =	vsel vm8, v4, v58;
	v58 =	vld [tilespmem:s10+$0xFFFFFFF0]  }
0x131: {  	v13 =	vperm.xlane v47, v16;
	v10 =	vmul.f32 v49, v43;
	v62 =	vld [tilespmem:s21+$0xFFFFFFF0]  }
0x132: {  	v49 =	vmul.f32 v50, v34;
	v4 =	vmul.f32 $1.442695020e+00, v4;
	v34 =	vld [tilespmem:s10+$0x80]  }
0x133: {  	v5 =	vmul.f32 v5, v13;
	v13 =	vmul.f32 v48, v40;
	v43 =	vld [tilespmem:s21+$0x0]  }
0x134: {  	v8 =	vmul.f32 v8, v54;
	(erf) = vpow2.f32 v4;
	v54 =	vld [tilespmem:s10+$0xFFFFFE40];
	[tilespmem:s25+$0x220] =	vst v39  }
0x135: {  	v3 =	vmul.f32 v3, v55;
	v40 =	vadd.f32 v59, v41;
	v41 =	vld [tilespmem:s10+$0x110];
	[tilespmem:$0x1FFD0] =	vst v15;
	v15 =	vperm.xlane v15, v16  }
0x136: {  	v4 =	vmul.f32 v7, v56;
	v7 =	vmul.f32 v52, v24;
	v11 =	vadd.f32 v53, v11  }
0x137: {  	v24 =	vperm.xlane v27, v16;
	v53 =	vmul.f32 v51, v25;
	[tilespmem:$0x1FFE0] =	vst v15  }
0x138: {  	v25 =	vperm.xlane v18, v16;
	v46 =	vadd.f32 v62, v58;
	v55 =	vmul.f32 $2.000000030e-01, v11;
	[tilespmem:s25+$0x230] =	vst v33  }
0x139: {  	v34 =	vadd.f32 v43, v34;
	vm9 =	vge.f32 v11, $0.0e+00;
	v56 =	vmul.f32 $2.000000030e-01, v40;
	v59 =	vld [tilespmem:s21+$0x10];
	[tilespmem:s28+$0xFFFFFEA0] =	vst v2  }
0x13a: {  	v9 =	vadd.f32 v9, v54;
	vm10 =	vge.f32 v40, $0.0e+00;
	v58 =	vld [tilespmem:s10+$0x1A0];
	[tilespmem:s28+$0xFFFFFF30] =	vst v1;
	v11 =	vsel vm9, v11, v55  }
0x13b: {  	v62 =	vmul.f32 $2.000000030e-01, v46;
	v54 =	vld [tilespmem:s10+$0x1B0];
	[tilespmem:s28+$0xFFFFFFC0] =	vst v6;
	v1 =	vmul.f32 $1.442695020e+00, v11;
	v11 =	vsel vm10, v40, v56  }
0x13c: {  	vm11 =	vge.f32 v46, $0.0e+00;
	v2 =	vld [tilespmem:s21+$0x20];
	[tilespmem:s28+$0xFFFFFE10] =	vst v0;
	v55 =	vmul.f32 $2.000000030e-01, v34;
	v11 =	vmul.f32 $1.442695020e+00, v11  }
0x13d: {  	v39 =	vpop (erf);
	vm12 =	vge.f32 v34, $0.0e+00;
	v6 =	vld [tilespmem:s10+$0xFFFFFDC0];
	[tilespmem:s28+$0x220] =	vst v5;
	(erf) = vpow2.f32 v1;
	v1 =	vmul.f32 $2.000000030e-01, v9  }
0x13e: {  	v0 =	vld [tilespmem:s10+$0xFFFFFE50];
	[tilespmem:s28+$0xE0] =	vst v3;
	v41 =	vadd.f32 v59, v41;
	v59 =	vsel vm11, v46, v62;
	v62 =	vperm.xlane v39, v19  }
0x13f: {  	vm13 =	vge.f32 v9, $0.0e+00;
	v5 =	vld [tilespmem:s10+$0xFFFFFEE0];
	[tilespmem:s28+$0x170] =	vst v4;
	v4 =	vsel vm12, v34, v55;
	v3 =	vmul.f32 $1.442695020e+00, v59  }
0x140: {  	[tilespmem:s28+$0x50] =	vst v8;
	v8 =	vld [tilespmem:s10+$0xFFFFFF70];
	(erf) = vpow2.f32 v11;
	v1 =	vsel vm13, v9, v1;
	v33 =	vmul.f32 v54, v62  }
0x141: {  	v2 =	vadd.f32 v2, v58;
	v58 =	vld [tilespmem:s10+$0x0];
	v1 =	vmul.f32 $1.442695020e+00, v1;
	(erf) = vpow2.f32 v3  }
0x142: {  	s13 =	simm.s32 $0x19390;
	[tilespmem:s25+$0xFFFFFE20] =	vst v10;
	v59 =	vld [tilespmem:s10+$0x90];
	v3 =	vmul.f32 $1.442695020e+00, v4;
	v4 =	vperm.xlane v57, v16  }
0x143: {  	v9 =	vmul.f32 $2.000000030e-01, v41;
	v11 =	vmul.f32 $2.000000030e-01, v2;
	v62 =	vld [tilespmem:s10+$0x120];
	[tilespmem:s13+$0x1B0] =	vst v33  }
0x144: {  	vm14 =	vge.f32 v41, $0.0e+00;
	vm15 =	vge.f32 v2, $0.0e+00;
	(erf) = vpow2.f32 v1;
	v1 =	vld [tilespmem:s10+$0x1C0];
	[tilespmem:$0x1FFF0] =	vst v4  }
0x145: {  	v46 =	vperm.xlane v28, v16;
	v9 =	vsel vm14, v41, v9;
	v2 =	vsel vm15, v2, v11;
	[tilespmem:s25+$0xFFFFFEB0] =	vst v12;
	v15 =	vld [tilespmem:s26+$0xFFFFFE20]  }
0x146: {  	v4 =	vmul.f32 $1.442695020e+00, v9;
	v2 =	vmul.f32 $1.442695020e+00, v2;
	[tilespmem:s25+$0xFFFFFF40] =	vst v13;
	v51 =	vld [tilespmem:s26+$0xFFFFFEB0]  }
0x147: {  	(erf) = vpow2.f32 v3;
	v3 =	vperm.xlane v39, v35;
	[tilespmem:s25+$0xFFFFFFD0] =	vst v45;
	v50 =	vld [tilespmem:s26+$0xFFFFFF40]  }
0x148: {  	[tilespmem:s25+$0x60] =	vst v49;
	v52 =	vld [tilespmem:s26+$0xFFFFFFD0];
	v45 =	vperm.xlane v31, v16;
	(erf) = vpow2.f32 v4;
	v33 =	vpop (erf)  }
0x149: {  	[tilespmem:s25+$0xF0] =	vst v7;
	v55 =	vld [tilespmem:s26+$0x60];
	(erf) = vpow2.f32 v2;
	v4 =	vperm.xlane v33, v19  }
0x14a: {  	v17 =	vmovc v29;
	v29 =	vmov v31;
	[tilespmem:s25+$0x180] =	vst v53;
	v56 =	vld [tilespmem:s26+$0xF0];
	v31 =	vperm.xlane v20, v16;
	v1 =	vmul.f32 v1, v3  }
0x14b: {  	v49 =	vld [tilespmem:s20+$0xFFFFFE30];
	[tilespmem:s28+$0x230] =	vst v47;
	v2 =	vperm.xlane v33, v35;
	v0 =	vmul.f32 v0, v4  }
0x14c: {  	v54 =	vld [tilespmem:s20+$0xFFFFFEC0];
	v40 =	vpop (erf);
	v13 =	vperm.xlane v33, v63;
	v4 =	vperm.xlane v33, v22;
	[tilespmem:s13+$0x1C0] =	vst v1  }
0x14d: {  	v1 =	vperm.xlane v33, v61;
	v41 =	vpop (erf);
	[tilespmem:s13+$0xFFFFFE50] =	vst v0;
	v0 =	vperm.xlane v40, v19;
	v3 =	vld [tilespmem:s10+$0x1D0]  }
0x14e: {  	[tilespmem:s25+$0xFFFFFE40] =	vst v44;
	v53 =	vld [tilespmem:s20+$0xFFFFFF50];
	v9 =	vperm.xlane v41, v19;
	v47 =	vpop (erf);
	v12 =	vperm.xlane v41, v35  }
0x14f: {  	v30 =	vmov v57;
	[tilespmem:s25+$0xFFFFFED0] =	vst v42;
	v57 =	vld [tilespmem:s20+$0xFFFFFFE0];
	v0 =	vmul.f32 v5, v0;
	v5 =	vperm.xlane v47, v19  }
0x150: {  	[tilespmem:s25+$0xFFFFFF60] =	vst v38;
	v7 =	vld [tilespmem:s10+$0xFFFFFE60];
	v42 =	vpop (erf);
	v8 =	vmul.f32 v8, v9;
	v9 =	vperm.xlane v39, v61  }
0x151: {  	v38 =	vld [tilespmem:s20+$0x70];
	v44 =	vpop (erf);
	[tilespmem:s13+$0xFFFFFEE0] =	vst v0;
	v0 =	vperm.xlane v42, v19;
	v5 =	vmul.f32 v6, v5  }
0x152: {  	v10 =	vperm.xlane v44, v19;
	[tilespmem:s13+$0xFFFFFF70] =	vst v8;
	v48 =	vpop (erf);
	v6 =	vld [tilespmem:s10+$0xFFFFFEF0];
	v3 =	vmul.f32 v3, v9  }
0x153: {  	v8 =	vperm.xlane v48, v19;
	v9 =	vld [tilespmem:s10+$0xFFFFFF80];
	v0 =	vmul.f32 v58, v0;
	[tilespmem:s13+$0xFFFFFDC0] =	vst v5  }
0x154: {  	v5 =	vperm.xlane v33, v23;
	v10 =	vmul.f32 v59, v10;
	v58 =	vld [tilespmem:s20+$0x100];
	[tilespmem:s25+$0x110] =	vst v37  }
0x155: {  	v2 =	vmul.f32 v7, v2;
	v37 =	vmul.f32 v15, v14;
	v11 =	vld [tilespmem:s10+$0xFFFFFDD0];
	[tilespmem:s13+$0x1D0] =	vst v3  }
0x156: {  	v3 =	vperm.xlane v40, v35;
	v8 =	vmul.f32 v62, v8;
	[tilespmem:s13+$0x0] =	vst v0;
	v0 =	vld [tilespmem:s10+$0x1E0]  }
0x157: {  	v62 =	vperm.xlane v47, v63;
	[tilespmem:s13+$0x90] =	vst v10;
	v10 =	vperm.xlane v47, v35;
	v7 =	vld [tilespmem:s10+$0x10]  }
0x158: {  	[tilespmem:s13+$0x120] =	vst v8;
	v3 =	vmul.f32 v6, v3;
	v6 =	vld [tilespmem:s10+$0xA0];
	v8 =	vmul.f32 v9, v12  }
0x159: {  	[tilespmem:s13+$0xFFFFFE60] =	vst v2;
	v2 =	vld [tilespmem:s10+$0x130];
	v9 =	vperm.xlane v39, v22;
	v12 =	vperm.xlane v42, v35  }
0x15a: {  	v10 =	vmul.f32 v11, v10;
	v11 =	vld [tilespmem:s10+$0xFFFFFE70];
	[tilespmem:s13+$0xFFFFFEF0] =	vst v3;
	v3 =	vperm.xlane v44, v35  }
0x15b: {  	[tilespmem:s13+$0xFFFFFF80] =	vst v8;
	v8 =	vld [tilespmem:s10+$0xFFFFFF00];
	v0 =	vmul.f32 v0, v9;
	v9 =	vperm.xlane v48, v35  }
0x15c: {  	v35 =	vperm.xlane v47, v60;
	[tilespmem:s13+$0xFFFFFDD0] =	vst v10;
	v10 =	vld [tilespmem:s10+$0xFFFFFF90];
	v7 =	vmul.f32 v7, v12  }
0x15d: {  	v12 =	vperm.xlane v41, v63;
	v3 =	vmul.f32 v6, v3;
	v6 =	vld [tilespmem:s10+$0xFFFFFDE0];
	[tilespmem:s13+$0x1E0] =	vst v0  }
0x15e: {  	v0 =	vperm.xlane v40, v61;
	v2 =	vmul.f32 v2, v9;
	[tilespmem:s13+$0x10] =	vst v7;
	v7 =	vld [tilespmem:s10+$0x1F0]  }
0x15f: {  	v9 =	vperm.xlane v41, v61;
	v1 =	vmul.f32 v11, v1;
	v11 =	vld [tilespmem:s10+$0x20];
	[tilespmem:s13+$0xA0] =	vst v3  }
0x160: {  	v3 =	vperm.xlane v47, v61;
	[tilespmem:s13+$0x130] =	vst v2;
	v0 =	vmul.f32 v8, v0;
	v8 =	vld [tilespmem:s10+$0xB0]  }
0x161: {  	v2 =	vld [tilespmem:s10+$0x140];
	[tilespmem:s13+$0xFFFFFE70] =	vst v1;
	v1 =	vmul.f32 v10, v9;
	v9 =	vperm.xlane v39, v23  }
0x162: {  	v10 =	vperm.xlane v42, v61;
	v3 =	vmul.f32 v6, v3;
	v6 =	vld [tilespmem:s10+$0xFFFFFE80];
	[tilespmem:s13+$0xFFFFFF00] =	vst v0  }
0x163: {  	v0 =	vperm.xlane v44, v61;
	[tilespmem:s13+$0xFFFFFF90] =	vst v1;
	v1 =	vld [tilespmem:s10+$0xFFFFFF10];
	v7 =	vmul.f32 v7, v9  }
0x164: {  	v9 =	vperm.xlane v48, v61;
	v61 =	vperm.xlane v40, v60;
	[tilespmem:s13+$0xFFFFFDE0] =	vst v3;
	v3 =	vld [tilespmem:s10+$0xFFFFFFA0]  }
0x165: {  	[tilespmem:s25+$0x80] =	vst v36;
	v36 =	vld [tilespmem:s20+$0x190];
	v10 =	vmul.f32 v11, v10;
	v11 =	vperm.xlane v40, v22  }
0x166: {  	v0 =	vmul.f32 v8, v0;
	v8 =	vld [tilespmem:s10+$0xFFFFFDF0];
	[tilespmem:s13+$0x1F0] =	vst v7;
	v7 =	vperm.xlane v47, v22  }
0x167: {  	v2 =	vmul.f32 v2, v9;
	[tilespmem:s13+$0x20] =	vst v10;
	v9 =	vld [tilespmem:s10+$0x200];
	v10 =	vperm.xlane v41, v22  }
0x168: {  	v4 =	vmul.f32 v6, v4;
	v6 =	vld [tilespmem:s10+$0x30];
	[tilespmem:s13+$0xB0] =	vst v0;
	v0 =	vperm.xlane v42, v22  }
0x169: {  	[tilespmem:s13+$0x140] =	vst v2;
	v1 =	vmul.f32 v1, v11;
	v11 =	vld [tilespmem:s10+$0xC0];
	v2 =	vmul.f32 v3, v10  }
0x16a: {  	[tilespmem:s13+$0xFFFFFE80] =	vst v4;
	v3 =	vld [tilespmem:s10+$0x150];
	v4 =	vperm.xlane v39, v63;
	v10 =	vperm.xlane v44, v22  }
0x16b: {  	v7 =	vmul.f32 v8, v7;
	v8 =	vld [tilespmem:s10+$0xFFFFFE90];
	[tilespmem:s13+$0xFFFFFF10] =	vst v1;
	v1 =	vperm.xlane v48, v22  }
0x16c: {  	[tilespmem:s13+$0xFFFFFFA0] =	vst v2;
	v2 =	vld [tilespmem:s10+$0xFFFFFF20];
	v4 =	vmul.f32 v9, v4;
	v9 =	vperm.xlane v47, v23  }
0x16d: {  	[tilespmem:s13+$0xFFFFFDF0] =	vst v7;
	v7 =	vld [tilespmem:s10+$0xFFFFFFB0];
	v0 =	vmul.f32 v6, v0;
	v6 =	vperm.xlane v40, v23  }
0x16e: {  	v10 =	vmul.f32 v11, v10;
	v11 =	vld [tilespmem:s10+$0xFFFFFE00];
	[tilespmem:s13+$0x200] =	vst v4;
	v4 =	vperm.xlane v41, v23  }
0x16f: {  	[tilespmem:s13+$0x30] =	vst v0;
	v0 =	vmul.f32 v3, v1;
	v1 =	vld [tilespmem:s10+$0x210];
	v3 =	vperm.xlane v42, v23  }
0x170: {  	v5 =	vmul.f32 v8, v5;
	v8 =	vld [tilespmem:s10+$0x40];
	[tilespmem:s13+$0xC0] =	vst v10;
	v10 =	vperm.xlane v44, v23  }
0x171: {  	v2 =	vmul.f32 v2, v6;
	v6 =	vld [tilespmem:s10+$0xD0];
	[tilespmem:s13+$0x150] =	vst v0;
	v0 =	vperm.xlane v48, v23  }
0x172: {  	[tilespmem:s13+$0xFFFFFE90] =	vst v5;
	v4 =	vmul.f32 v7, v4;
	v5 =	vld [tilespmem:s10+$0x160];
	v7 =	vperm.xlane v39, v60  }
0x173: {  	v9 =	vmul.f32 v11, v9;
	v11 =	vld [tilespmem:s10+$0xFFFFFEA0];
	[tilespmem:s13+$0xFFFFFF20] =	vst v2;
	v2 =	vperm.xlane v40, v63  }
0x174: {  	v1 =	vmul.f32 v1, v7;
	v7 =	vld [tilespmem:s10+$0xFFFFFF30];
	[tilespmem:s13+$0xFFFFFFB0] =	vst v4;
	v4 =	vperm.xlane v44, v63  }
0x175: {  	v59 =	vld [tilespmem:s26+$0x180];
	v8 =	vmul.f32 v8, v3;
	v3 =	vperm.xlane v42, v63;
	[tilespmem:s13+$0xFFFFFE00] =	vst v9  }
0x176: {  	v6 =	vmul.f32 v6, v10;
	v10 =	vld [tilespmem:s10+$0xFFFFFFC0];
	[tilespmem:s13+$0x210] =	vst v1;
	v1 =	vperm.xlane v42, v60  }
0x177: {  	v0 =	vmul.f32 v5, v0;
	v5 =	vperm.xlane v48, v63;
	[tilespmem:s13+$0x40] =	vst v8;
	v8 =	vld [tilespmem:s10+$0x220]  }
0x178: {  	v63 =	vperm.xlane v33, v60;
	v13 =	vmul.f32 v11, v13;
	[tilespmem:s13+$0xD0] =	vst v6;
	v6 =	vld [tilespmem:s10+$0x50]  }
0x179: {  	[tilespmem:s25+$0xFFFFFFF0] =	vst v26;
	v11 =	vmul.f32 v7, v2;
	v7 =	vld [tilespmem:s10+$0xFFFFFE10];
	v2 =	vperm.xlane v41, v60  }
0x17a: {  	[tilespmem:s13+$0x160] =	vst v0;
	v0 =	vperm.xlane v44, v60;
	v9 =	vld [tilespmem:s10+$0xE0];
	v60 =	vperm.xlane v48, v60  }
0x17b: {  	s9 =	simm.s32 $0x17010;
	s22 =	simm.s32 $0x10;
	v32 =	vmov v28;
	s20 =	simm.s32 $0x19390;
	[tilespmem:s13+$0xFFFFFEA0] =	vst v13;
	v13 =	vperm.xlane v39, v16;
	v12 =	vmul.f32 v10, v12;
	v10 =	vld [tilespmem:s10+$0x170]  }
.LBB2_5:
0x17c: {  	v14 =	vld [tilespmem:s9+$0x230]  }
0x17d: {  	s21 =	sadd.s32 $0x80, s21;
	[tilespmem:s13+$0xFFFFFF30] =	vst v11;
	v11 =	vld [tilespmem:$0x1FF70]  }
0x17e: {  	v43 =	vld [tilespmem:s21+$0x30]  }
0x17f: {  	v15 =	vmov v63;
	[tilespmem:s13+$0xFFFFFFC0] =	vst v12;
	v12 =	vld [tilespmem:$0x1FF80]  }
0x180: {  	v3 =	vmul.f32 v6, v3;
	v6 =	vld [tilespmem:$0x1FF90]  }
0x181: {  	v22 =	vmul.f32 v7, v62;
	v7 =	vmov v2;
	v2 =	vld [tilespmem:s9+$0xFFFFFED0]  }
0x182: {  	[tilespmem:$0x1FF70] =	vst v15;
	v15 =	vmov v1;
	v1 =	vld [tilespmem:s21+$0xFFFFFFD0]  }
0x183: {  	v23 =	vmul.f32 v8, v13;
	v13 =	vmov v61;
	v8 =	vmov v0;
	v0 =	vld [tilespmem:s9+$0xFFFFFF60]  }
0x184: {  	v61 =	vld [tilespmem:s21+$0xFFFFFFF0];
	[tilespmem:$0x1FF80] =	vst v13  }
0x185: {  	v13 =	vld [tilespmem:s21+$0xFFFFFFC0];
	[tilespmem:$0x1FF90] =	vst v7  }
0x186: {  	v4 =	vmul.f32 v9, v4;
	v7 =	vld [tilespmem:$0x1FFA0];
	[tilespmem:$0x1FFA0] =	vst v15  }
0x187: {  	[tilespmem:s13+$0x50] =	vst v3;
	v3 =	vmul.f32 v10, v5;
	v5 =	vld [tilespmem:$0x1FFB0]  }
0x188: {  	v9 =	vmov v60;
	[tilespmem:s13+$0xE0] =	vst v4;
	v4 =	vld [tilespmem:$0x1FFC0]  }
0x189: {  	[tilespmem:$0x1FFC0] =	vst v9;
	v9 =	vld [tilespmem:s21+$0xFFFFFFE0]  }
0x18a: {  	v12 =	vmul.f32 v50, v12;
	[tilespmem:$0x1FFB0] =	vst v8;
	v60 =	vld [tilespmem:s9+$0x110]  }
0x18b: {  	v8 =	vperm.xlane v47, v16;
	[tilespmem:s13+$0x170] =	vst v3;
	v3 =	vld [tilespmem:s9+$0xFFFFFFF0]  }
0x18c: {  	[tilespmem:s28+$0xFFFFFF40] =	vst v12;
	v12 =	vld [tilespmem:s21+$0x0];
	v7 =	vmul.f32 v55, v7  }
0x18d: {  	[tilespmem:s13+$0xFFFFFE10] =	vst v22;
	v10 =	vadd.f32 v43, v14;
	v34 =	vmov v8;
	v8 =	vld [tilespmem:$0x1FF30];
	v6 =	vmul.f32 v52, v6  }
0x18e: {  	[tilespmem:s28+$0xFFFFFE20] =	vst v37;
	v1 =	vadd.f32 v1, v2;
	v2 =	vld [tilespmem:s9+$0x80]  }
0x18f: {  	v62 =	vmul.f32 $2.000000030e-01, v10;
	vm0 =	vge.f32 v10, $0.0e+00;
	v5 =	vmul.f32 v56, v5;
	[tilespmem:s28+$0xFFFFFFD0] =	vst v6;
	v6 =	vld [tilespmem:$0x1FF10]  }
0x190: {  	v4 =	vmul.f32 v59, v4;
	v59 =	vmul.f32 $2.000000030e-01, v1;
	[tilespmem:s28+$0x60] =	vst v7;
	v3 =	vadd.f32 v61, v3;
	v61 =	vld [tilespmem:s9+$0x1A0];
	v7 =	vmovc v24  }
0x191: {  	v63 =	vmul.f32 v54, v21;
	v15 =	vsel vm0, v10, v62;
	vm10 =	vge.f32 v1, $0.0e+00;
	[tilespmem:$0x1FF10] =	vst v7;
	v7 =	vld [tilespmem:s21+$0x10]  }
0x192: {  	v21 =	vmul.f32 $1.442695020e+00, v15;
	v8 =	vmul.f32 v57, v8;
	v1 =	vsel vm10, v1, v59;
	[tilespmem:s28+$0xF0] =	vst v5;
	v5 =	vld [tilespmem:$0x1FF20]  }
0x193: {  	v11 =	vmul.f32 v51, v11;
	[tilespmem:s28+$0x180] =	vst v4;
	v4 =	vld [tilespmem:$0x1FFE0];
	v1 =	vmul.f32 $1.442695020e+00, v1  }
0x194: {  	v52 =	vperm.xlane v42, v16;
	(erf) = vpow2.f32 v21;
	v2 =	vadd.f32 v12, v2;
	v12 =	vld [tilespmem:$0x1FFF0];
	[tilespmem:s25+$0xFFFFFFE0] =	vst v8  }
0x195: {  	[tilespmem:s28+$0xFFFFFEB0] =	vst v11;
	(erf) = vpow2.f32 v1;
	v1 =	vld [tilespmem:s9+$0xFFFFFF70]  }
0x196: {  	[tilespmem:s25+$0xFFFFFEC0] =	vst v63;
	v10 =	vmov v25;
	v26 =	vmov v52;
	v6 =	vmul.f32 v49, v6;
	v52 =	vld [tilespmem:s10+$0xFFFFFFD0]  }
0x197: {  	[tilespmem:$0x1FF00] =	vst v10;
	v57 =	vld [tilespmem:s26+$0xFFFFFFE0];
	v5 =	vmul.f32 v53, v5  }
0x198: {  	v14 =	vperm.xlane v33, v16;
	v9 =	vadd.f32 v9, v0;
	v0 =	vmov v4;
	v4 =	vld [tilespmem:s21+$0x20];
	[tilespmem:s25+$0xFFFFFE30] =	vst v6  }
0x199: {  	v50 =	vperm.xlane v40, v16;
	v51 =	vperm.xlane v41, v16;
	[tilespmem:s25+$0xFFFFFF50] =	vst v5;
	v5 =	vld [tilespmem:$0x1FF50]  }
0x19a: {  	v11 =	vperm.xlane v48, v16;
	v56 =	vperm.xlane v44, v16;
	v10 =	vmov v45;
	[tilespmem:$0x1FF20] =	vst v0;
	v0 =	vld [tilespmem:$0x1FF40]  }
0x19b: {  	v43 =	vmovc v14;
	v16 =	vmul.f32 $2.000000030e-01, v9;
	v62 =	vmul.f32 $2.000000030e-01, v3;
	v14 =	vld [tilespmem:s9+$0xFFFFFE40];
	v12 =	vmov v12;
	[tilespmem:$0x1FF40] =	vst v10  }
0x19c: {  	vm11 =	vge.f32 v9, $0.0e+00;
	vm1 =	vge.f32 v3, $0.0e+00;
	v10 =	vld [tilespmem:s9+$0xFFFFFE50];
	[tilespmem:$0x1FF30] =	vst v12;
	v12 =	vmul.f32 $2.000000030e-01, v2  }
0x19d: {  	[tilespmem:s13+$0x220] =	vst v23;
	v9 =	vsel vm11, v9, v16;
	vm12 =	vge.f32 v2, $0.0e+00;
	v8 =	vmovc v46;
	v3 =	vsel vm1, v3, v62;
	v37 =	vld [tilespmem:s10+$0xFFFFFE20]  }
0x19e: {  	[tilespmem:$0x1FF50] =	vst v8;
	v8 =	vmul.f32 $1.442695020e+00, v9;
	v2 =	vsel vm12, v2, v12;
	v12 =	vld [tilespmem:s9+$0x1B0];
	v5 =	vmul.f32 v58, v5  }
0x19f: {  	v3 =	vmul.f32 $1.442695020e+00, v3;
	v49 =	vld [tilespmem:s26+$0xFFFFFE30];
	v7 =	vadd.f32 v7, v60;
	[tilespmem:s13+$0x230] =	vst v39  }
0x1a0: {  	v39 =	vpop (erf);
	v9 =	vld [tilespmem:s9+$0xFFFFFEE0];
	v6 =	vmul.f32 v38, v0;
	(erf) = vpow2.f32 v8;
	[tilespmem:s25+$0x100] =	vst v5;
	v5 =	vadd.f32 v13, v14  }
0x1a1: {  	vm13 =	vge.f32 v7, $0.0e+00;
	v63 =	vperm.xlane v39, v19;
	(erf) = vpow2.f32 v3;
	v3 =	vld [tilespmem:$0x1FF60]  }
0x1a2: {  	v15 =	vmovc v50;
	v4 =	vadd.f32 v4, v61;
	v50 =	vld [tilespmem:s10+$0xFFFFFF40];
	[tilespmem:s25+$0x70] =	vst v6;
	v6 =	vmul.f32 $2.000000030e-01, v7;
	v14 =	vmul.f32 $2.000000030e-01, v5  }
0x1a3: {  	v2 =	vmul.f32 $1.442695020e+00, v2;
	v53 =	vld [tilespmem:s26+$0xFFFFFF50];
	v8 =	vmul.f32 v12, v63;
	vm15 =	vge.f32 v5, $0.0e+00  }
0x1a4: {  	[tilespmem:$0x1FFE0] =	vst v15;
	v0 =	vmovc v51;
	v51 =	vld [tilespmem:s10+$0xFFFFFEB0];
	v6 =	vsel vm13, v7, v6;
	v7 =	vmul.f32 $2.000000030e-01, v4;
	v5 =	vsel vm15, v5, v14  }
0x1a5: {  	s13 =	sadd.s32 $0x480, s13;
	v37 =	vmul.f32 v37, v35;
	[tilespmem:$0x1FFF0] =	vst v0;
	v0 =	vld [tilespmem:s9+$0xFFFFFDC0];
	vm14 =	vge.f32 v4, $0.0e+00;
	v14 =	vmul.f32 $1.442695020e+00, v5  }
0x1a6: {  	v45 =	vmovc v11;
	v55 =	vld [tilespmem:s10+$0x60];
	v6 =	vmul.f32 $1.442695020e+00, v6;
	[tilespmem:s13+$0x1B0] =	vst v8;
	v4 =	vsel vm14, v4, v7;
	v3 =	vmul.f32 v36, v3  }
0x1a7: {  	[tilespmem:s25+$0x1A0] =	vst v17;
	v12 =	vmov v31;
	v11 =	vld [tilespmem:s9+$0x1C0];
	v4 =	vmul.f32 $1.442695020e+00, v4;
	(erf) = vpow2.f32 v14;
	v5 =	vpop (erf)  }
0x1a8: {  	v21 =	vimm.s32 $0x1;
	v38 =	vld [tilespmem:s26+$0x70];
	[tilespmem:$0x1FF60] =	vst v12;
	v8 =	vperm.xlane v5, v19;
	(erf) = vpow2.f32 v2  }
0x1a9: {  	v7 =	vld [tilespmem:s9+$0x120];
	[tilespmem:s25+$0x190] =	vst v3;
	s25 =	smov.u32 s28;
	v2 =	vperm.xlane v5, v21;
	(erf) = vpow2.f32 v6  }
0x1aa: {  	v23 =	vimm.s32 $0x3;
	[tilespmem:s25+$0xFFFFFE40] =	vst v27;
	v14 =	vld [tilespmem:$0x1FFD0];
	v6 =	vperm.xlane v39, v21;
	(erf) = vpow2.f32 v4  }
0x1ab: {  	v22 =	vimm.s32 $0x4;
	v13 =	vld [tilespmem:s9+$0x0];
	[tilespmem:s25+$0xFFFFFFF0] =	vst v30;
	v62 =	vperm.xlane v5, v23;
	v3 =	vmul.f32 v10, v8  }
0x1ac: {  	v24 =	vimm.s32 $0x5;
	v15 =	vld [tilespmem:s9+$0x90];
	[tilespmem:s25+$0x80] =	vst v29;
	v61 =	vperm.xlane v5, v22;
	v12 =	vmul.f32 v11, v6;
	v8 =	vpop (erf)  }
0x1ad: {  	v25 =	vmovc v20;
	v20 =	vimm.s32 $0x2;
	v46 =	vmovc v56;
	v56 =	vld [tilespmem:s10+$0xF0];
	v60 =	vperm.xlane v5, v24;
	[tilespmem:s13+$0xFFFFFE50] =	vst v3;
	v10 =	vperm.xlane v8, v19  }
0x1ae: {  	v31 =	vmov v47;
	v4 =	vperm.xlane v5, v20;
	v3 =	vld [tilespmem:s9+$0xFFFFFE60];
	v11 =	vperm.xlane v8, v21;
	[tilespmem:s13+$0x1C0] =	vst v12;
	v6 =	vpop (erf)  }
0x1af: {  	v27 =	vmovc v33;
	v33 =	vmov v5;
	[tilespmem:s25+$0xFFFFFF60] =	vst v14;
	v12 =	vld [tilespmem:s9+$0x1D0];
	v17 =	vmul.f32 v9, v10;
	v10 =	vperm.xlane v6, v19  }
0x1b0: {  	v14 =	vmov v40;
	v54 =	vld [tilespmem:s26+$0xFFFFFEC0];
	[tilespmem:s25+$0xFFFFFED0] =	vst v18;
	v5 =	vperm.xlane v8, v20;
	v63 =	vperm.xlane v8, v23;
	v47 =	vpop (erf)  }
0x1b1: {  	v58 =	vld [tilespmem:s26+$0x100];
	[tilespmem:$0x1FFD0] =	vst v14;
	v14 =	vperm.xlane v47, v19;
	v36 =	vpop (erf);
	v1 =	vmul.f32 v1, v10  }
0x1b2: {  	v59 =	vld [tilespmem:s10+$0x180];
	v40 =	vmov v8;
	v18 =	vperm.xlane v39, v20;
	[tilespmem:s13+$0xFFFFFEE0] =	vst v17;
	v8 =	vperm.xlane v36, v19;
	v9 =	vpop (erf)  }
0x1b3: {  	v28 =	vmov v48;
	v10 =	vld [tilespmem:s9+$0xFFFFFEF0];
	v17 =	vperm.xlane v9, v19;
	v48 =	vpop (erf);
	v0 =	vmul.f32 v0, v14;
	[tilespmem:s13+$0xFFFFFF70] =	vst v1  }
0x1b4: {  	v30 =	vmovc v41;
	[tilespmem:s25+$0x110] =	vst v32;
	v41 =	vmov v6;
	v12 =	vmul.f32 v12, v18;
	v1 =	vperm.xlane v48, v19;
	v6 =	vld [tilespmem:s9+$0xFFFFFF80]  }
0x1b5: {  	v29 =	vmovc v42;
	v16 =	vperm.xlane v47, v21;
	v42 =	vmov v36;
	v36 =	vld [tilespmem:s26+$0x190];
	v8 =	vmul.f32 v13, v8;
	[tilespmem:s13+$0xFFFFFDC0] =	vst v0  }
0x1b6: {  	v0 =	vmul.f32 v15, v17;
	[tilespmem:s13+$0x1D0] =	vst v12;
	v1 =	vmul.f32 v7, v1;
	v7 =	vld [tilespmem:s9+$0xFFFFFDD0]  }
0x1b7: {  	v32 =	vmovc v44;
	v2 =	vmul.f32 v3, v2;
	v44 =	vmov v9;
	v9 =	vperm.xlane v41, v21;
	[tilespmem:s13+$0x0] =	vst v8;
	v14 =	vld [tilespmem:s9+$0x1E0]  }
0x1b8: {  	v13 =	vperm.xlane v42, v21;
	v3 =	vmul.f32 v10, v11;
	v10 =	vld [tilespmem:s9+$0x10];
	[tilespmem:s13+$0x90] =	vst v0  }
0x1b9: {  	v18 =	vperm.xlane v48, v22;
	[tilespmem:s13+$0x120] =	vst v1;
	v6 =	vmul.f32 v6, v9;
	v9 =	vld [tilespmem:s9+$0xA0]  }
0x1ba: {  	[tilespmem:s13+$0xFFFFFE60] =	vst v2;
	v19 =	vperm.xlane v41, v24;
	v11 =	vperm.xlane v39, v23;
	v2 =	vld [tilespmem:s9+$0x130]  }
0x1bb: {  	v12 =	vperm.xlane v48, v21;
	v15 =	vld [tilespmem:s9+$0xFFFFFE70];
	[tilespmem:s13+$0xFFFFFEF0] =	vst v3;
	v7 =	vmul.f32 v7, v16  }
0x1bc: {  	v8 =	vperm.xlane v44, v21;
	v16 =	vld [tilespmem:s9+$0xFFFFFF00];
	[tilespmem:s13+$0xFFFFFF80] =	vst v6;
	v11 =	vmul.f32 v14, v11  }
0x1bd: {  	v17 =	vperm.xlane v47, v23;
	v10 =	vmul.f32 v10, v13;
	[tilespmem:s13+$0xFFFFFDD0] =	vst v7;
	v7 =	vld [tilespmem:s9+$0xFFFFFF90]  }
0x1be: {  	v0 =	vperm.xlane v47, v20;
	[tilespmem:s13+$0x1E0] =	vst v11;
	v14 =	vld [tilespmem:s9+$0xFFFFFDE0];
	v8 =	vmul.f32 v9, v8  }
0x1bf: {  	v1 =	vperm.xlane v41, v20;
	[tilespmem:s13+$0x10] =	vst v10;
	v2 =	vmul.f32 v2, v12;
	v10 =	vld [tilespmem:s9+$0x1F0]  }
0x1c0: {  	v3 =	vperm.xlane v42, v20;
	v4 =	vmul.f32 v15, v4;
	v11 =	vld [tilespmem:s9+$0x20];
	[tilespmem:s13+$0xA0] =	vst v8  }
0x1c1: {  	v15 =	vperm.xlane v44, v23;
	v5 =	vmul.f32 v16, v5;
	[tilespmem:s13+$0x130] =	vst v2;
	v8 =	vld [tilespmem:s9+$0xB0]  }
0x1c2: {  	[tilespmem:s13+$0xFFFFFE70] =	vst v4;
	v4 =	vperm.xlane v39, v22;
	v2 =	vld [tilespmem:s9+$0x140];
	v1 =	vmul.f32 v7, v1  }
0x1c3: {  	v6 =	vperm.xlane v44, v20;
	v7 =	vld [tilespmem:s9+$0xFFFFFE80];
	[tilespmem:s13+$0xFFFFFF00] =	vst v5;
	v0 =	vmul.f32 v14, v0  }
0x1c4: {  	v13 =	vperm.xlane v48, v20;
	v16 =	vld [tilespmem:s9+$0xFFFFFF10];
	[tilespmem:s13+$0xFFFFFF90] =	vst v1;
	v1 =	vmul.f32 v10, v4  }
0x1c5: {  	v9 =	vperm.xlane v41, v23;
	v3 =	vmul.f32 v11, v3;
	[tilespmem:s13+$0xFFFFFDE0] =	vst v0;
	v4 =	vld [tilespmem:s9+$0xFFFFFFA0]  }
0x1c6: {  	v12 =	vperm.xlane v42, v23;
	v10 =	vld [tilespmem:s9+$0xFFFFFDF0];
	v6 =	vmul.f32 v8, v6;
	[tilespmem:s13+$0x1F0] =	vst v1  }
0x1c7: {  	v5 =	vperm.xlane v48, v23;
	[tilespmem:s13+$0x20] =	vst v3;
	v2 =	vmul.f32 v2, v13;
	v3 =	vld [tilespmem:s9+$0x200]  }
0x1c8: {  	v14 =	vperm.xlane v47, v22;
	v7 =	vmul.f32 v7, v62;
	v8 =	vld [tilespmem:s9+$0x30];
	[tilespmem:s13+$0xB0] =	vst v6  }
0x1c9: {  	v11 =	vperm.xlane v41, v22;
	v13 =	vmul.f32 v16, v63;
	[tilespmem:s13+$0x140] =	vst v2;
	v16 =	vld [tilespmem:s9+$0xC0]  }
0x1ca: {  	[tilespmem:s13+$0xFFFFFE80] =	vst v7;
	v7 =	vld [tilespmem:s9+$0x150];
	v2 =	vmul.f32 v4, v9;
	v4 =	vperm.xlane v39, v24  }
0x1cb: {  	v0 =	vperm.xlane v40, v22;
	[tilespmem:s13+$0xFFFFFF10] =	vst v13;
	v9 =	vmul.f32 v10, v17;
	v10 =	vld [tilespmem:s9+$0xFFFFFE90]  }
0x1cc: {  	v1 =	vperm.xlane v42, v22;
	v13 =	vld [tilespmem:s9+$0xFFFFFF20];
	[tilespmem:s13+$0xFFFFFFA0] =	vst v2;
	v2 =	vmul.f32 v3, v4  }
0x1cd: {  	v62 =	vperm.xlane v47, v24;
	v4 =	vmul.f32 v8, v12;
	[tilespmem:s13+$0xFFFFFDF0] =	vst v9;
	v9 =	vld [tilespmem:s9+$0xFFFFFFB0]  }
0x1ce: {  	v21 =	vimm.s32 $0x6;
	v6 =	vperm.xlane v44, v22;
	v8 =	vld [tilespmem:s9+$0xFFFFFE00];
	v12 =	vmul.f32 v16, v15;
	[tilespmem:s13+$0x200] =	vst v2  }
0x1cf: {  	v63 =	vperm.xlane v33, v21;
	[tilespmem:s13+$0x30] =	vst v4;
	v2 =	vmul.f32 v7, v5;
	v7 =	vld [tilespmem:s9+$0x210]  }
0x1d0: {  	v17 =	vperm.xlane v40, v24;
	v15 =	vld [tilespmem:s9+$0x40];
	v10 =	vmul.f32 v10, v61;
	[tilespmem:s13+$0xC0] =	vst v12  }
0x1d1: {  	v3 =	vperm.xlane v42, v24;
	v0 =	vmul.f32 v13, v0;
	[tilespmem:s13+$0x150] =	vst v2;
	v13 =	vld [tilespmem:s9+$0xD0]  }
0x1d2: {  	[tilespmem:s13+$0xFFFFFE90] =	vst v10;
	v2 =	vmul.f32 v9, v11;
	v9 =	vld [tilespmem:s9+$0x160];
	v10 =	vperm.xlane v39, v21  }
0x1d3: {  	v4 =	vperm.xlane v44, v24;
	[tilespmem:s13+$0xFFFFFF20] =	vst v0;
	v8 =	vmul.f32 v8, v14;
	v11 =	vld [tilespmem:s9+$0xFFFFFEA0]  }
0x1d4: {  	v5 =	vperm.xlane v48, v24;
	v14 =	vld [tilespmem:s9+$0xFFFFFF30];
	[tilespmem:s13+$0xFFFFFFB0] =	vst v2;
	v0 =	vmul.f32 v7, v10  }
0x1d5: {  	s22 =	sadd.s32 $0x8, s22;
	v12 =	vperm.xlane v47, v21;
	[tilespmem:s13+$0xFFFFFE00] =	vst v8;
	v10 =	vld [tilespmem:s9+$0xFFFFFFC0];
	v8 =	vmul.f32 v15, v1  }
0x1d6: {  	p2 =	slt.u32 s22, $0x38;
	v61 =	vperm.xlane v40, v21;
	v7 =	vld [tilespmem:s9+$0xFFFFFE10];
	v13 =	vmul.f32 v13, v6;
	[tilespmem:s13+$0x210] =	vst v0  }
.Ltmp1:
0x1d7: {  	v2 =	vperm.xlane v41, v21;
	[tilespmem:s13+$0x40] =	vst v8;
	v15 =	vmul.f32 v9, v18;
	v8 =	vld [tilespmem:s9+$0x220];
	(pc) =	sbr.rel @p2 .LBB2_5-.Ltmp1, $4  }
0x1d8: {  	v20 =	vmovc v28;
	v24 =	vmov v34;
	v1 =	vperm.xlane v42, v21;
	v16 =	vmul.f32 v11, v60;
	v6 =	vld [tilespmem:s9+$0x50];
	[tilespmem:s13+$0xD0] =	vst v13  }
0x1d9: {  	v35 =	vmovc v12;
	v0 =	vperm.xlane v44, v21;
	v18 =	vmov v27;
	v60 =	vperm.xlane v48, v21;
	v21 =	vld [tilespmem:$0x1FF00];
	[tilespmem:s13+$0x160] =	vst v15  }
0x1da: {  	s26 =	smov.u32 s10;
	s10 =	smov.u32 s9;
	v27 =	vmovc v31;
	v31 =	vmovc v45;
	v45 =	vmov v26;
	v11 =	vmul.f32 v14, v17;
	v9 =	vld [tilespmem:s9+$0xE0];
	[tilespmem:s13+$0xFFFFFEA0] =	vst v16;
	v16 =	vimm.s32 $0x7  }
0x1db: {  	s28 =	smov.u32 s20;
	s20 =	smov.u32 s13;
	v17 =	vmovc v25;
	v25 =	vmovc v43;
	s9 =	sadd.s32 $0x480, s9;
	v12 =	vmul.f32 v10, v19;
	v19 =	vimm.s32 $0x0;
	v10 =	vld [tilespmem:s10+$0x170];
	v13 =	vperm.xlane v39, v16  }
0x1dc: {  	v7 =	vmul.f32 v7, v62;
	[tilespmem:s13+$0xFFFFFF30] =	vst v11  }
0x1dd: {  	[tilespmem:s13+$0xFFFFFFC0] =	vst v12;
	v8 =	vmul.f32 v8, v13  }
0x1de: {  	v3 =	vmul.f32 v6, v3;
	[tilespmem:s13+$0xFFFFFE10] =	vst v7  }
0x1df: {  	v4 =	vmul.f32 v9, v4;
	[tilespmem:s13+$0x220] =	vst v8  }
0x1e0: {  	[tilespmem:s13+$0x50] =	vst v3;
	v3 =	vmul.f32 v10, v5  }
0x1e1: {  	[tilespmem:s13+$0xE0] =	vst v4  }
0x1e2: {  	v4 =	vld [tilespmem:$0x1FF70];
	[tilespmem:s13+$0x170] =	vst v3  }
0x1e3: {  	v3 =	vld [tilespmem:$0x1FF80];
	[tilespmem:s28+$0xFFFFFE20] =	vst v37  }
0x1e4: {  	v5 =	vld [tilespmem:$0x1FF90];
	_ =	sdelay $0x2  }
0x1e5: {  	v4 =	vmul.f32 v51, v4  }
0x1e6: {  	v3 =	vmul.f32 v50, v3  }
0x1e7: {  	v5 =	vmul.f32 v52, v5;
	[tilespmem:s28+$0xFFFFFEB0] =	vst v4  }
0x1e8: {  	v4 =	vld [tilespmem:$0x1FFA0];
	[tilespmem:s28+$0xFFFFFF40] =	vst v3  }
0x1e9: {  	v3 =	vld [tilespmem:$0x1FFB0];
	[tilespmem:s28+$0xFFFFFFD0] =	vst v5  }
0x1ea: {  	v5 =	vld [tilespmem:$0x1FFC0];
	_ =	sdelay $0x2  }
0x1eb: {  	v4 =	vmul.f32 v55, v4  }
0x1ec: {  	v3 =	vmul.f32 v56, v3  }
0x1ed: {  	v5 =	vmul.f32 v59, v5;
	[tilespmem:s28+$0x60] =	vst v4  }
0x1ee: {  	v4 =	vld [tilespmem:$0x1FF10];
	[tilespmem:s28+$0xF0] =	vst v3  }
0x1ef: {  	[tilespmem:s28+$0x180] =	vst v5  }
0x1f0: {  	v5 =	vld [tilespmem:$0x1FF20];
	_ =	sdelay $0x2  }
0x1f1: {  	v4 =	vmul.f32 v49, v4  }
0x1f2: {  	v3 =	vmul.f32 v54, v21  }
0x1f3: {  	v5 =	vmul.f32 v53, v5;
	[tilespmem:s25+$0xFFFFFE30] =	vst v4  }
0x1f4: {  	v4 =	vld [tilespmem:$0x1FF30];
	[tilespmem:s25+$0xFFFFFEC0] =	vst v3  }
0x1f5: {  	v3 =	vld [tilespmem:$0x1FF40];
	[tilespmem:s25+$0xFFFFFF50] =	vst v5  }
0x1f6: {  	v5 =	vld [tilespmem:$0x1FF50];
	_ =	sdelay $0x2  }
0x1f7: {  	v4 =	vmul.f32 v57, v4  }
0x1f8: {  	[tilespmem:s25+$0x1A0] =	vst v17;
	v3 =	vmul.f32 v38, v3  }
0x1f9: {  	v5 =	vmul.f32 v58, v5;
	[tilespmem:s25+$0xFFFFFFE0] =	vst v4  }
0x1fa: {  	[tilespmem:s25+$0x70] =	vst v3  }
0x1fb: {  	v6 =	vld [tilespmem:s10+$0xFFFFFF40];
	[tilespmem:s25+$0x100] =	vst v5  }
0x1fc: {  	v5 =	vld [tilespmem:$0x1FF60]  }
0x1fd: {  	v7 =	vld [tilespmem:s10+$0xFFFFFFD0]  }
0x1fe: {  	v9 =	vld [tilespmem:s26+$0xFFFFFE30]  }
0x1ff: {  	v3 =	vld [tilespmem:s10+$0xFFFFFE20]  }
0x200: {  	v4 =	vld [tilespmem:s10+$0xFFFFFEB0];
	[tilespmem:s13+$0x230] =	vst v39  }
0x201: {  	v10 =	vld [tilespmem:s26+$0xFFFFFEC0];
	[tilespmem:s28+$0xFFFFFE40] =	vst v27;
	v5 =	vmul.f32 v36, v5  }
0x202: {  	v13 =	vld [tilespmem:s26+$0x70];
	[tilespmem:s28+$0xFFFFFED0] =	vst v18  }
0x203: {  	v14 =	vld [tilespmem:s26+$0x100];
	[tilespmem:s25+$0x190] =	vst v5  }
0x204: {  	v3 =	vmul.f32 v3, v35;
	v12 =	vld [tilespmem:$0x1FFD0];
	[tilespmem:s28+$0x80] =	vst v29  }
0x205: {  	v4 =	vmul.f32 v4, v63;
	v5 =	vld [tilespmem:s10+$0x60];
	[tilespmem:s28+$0x110] =	vst v32  }
0x206: {  	v8 =	vld [tilespmem:s10+$0xF0];
	v6 =	vmul.f32 v6, v61;
	[tilespmem:s20+$0xFFFFFE20] =	vst v3  }
0x207: {  	v15 =	vld [tilespmem:s10+$0x180];
	v2 =	vmul.f32 v7, v2;
	[tilespmem:s20+$0xFFFFFEB0] =	vst v4  }
0x208: {  	[tilespmem:s20+$0xFFFFFF40] =	vst v6  }
0x209: {  	[tilespmem:s20+$0xFFFFFFD0] =	vst v2  }
0x20a: {  	v11 =	vld [tilespmem:s26+$0xFFFFFF50];
	v1 =	vmul.f32 v5, v1;
	[tilespmem:s28+$0xFFFFFF60] =	vst v12  }
0x20b: {  	v0 =	vmul.f32 v8, v0;
	v12 =	vld [tilespmem:s26+$0xFFFFFFE0];
	[tilespmem:s28+$0xFFFFFFF0] =	vst v30  }
0x20c: {  	v2 =	vmul.f32 v15, v60;
	[tilespmem:s20+$0x60] =	vst v1  }
0x20d: {  	v1 =	vmul.f32 v9, v24;
	[tilespmem:s20+$0xF0] =	vst v0  }
0x20e: {  	v0 =	vmul.f32 v10, v25;
	[tilespmem:s20+$0x180] =	vst v2;
	v2 =	vld [tilespmem:s26+$0x190]  }
0x20f: {  	v3 =	vld [tilespmem:$0x1FFE0];
	[tilespmem:s28+$0xFFFFFE30] =	vst v1  }
0x210: {  	v1 =	vld [tilespmem:$0x1FFF0];
	[tilespmem:s28+$0xFFFFFEC0] =	vst v0  }
0x211: {  	[tilespmem:s28+$0x1A0] =	vst v20  }
0x212: {  	v4 =	vld [tilespmem:s10+$0xFFFFFFE0];
	[tilespmem:s20+$0xFFFFFFF0] =	vst v41  }
0x213: {  	v6 =	vld [tilespmem:s10+$0x70];
	v0 =	vmul.f32 v13, v45;
	[tilespmem:s20+$0x80] =	vst v42  }
0x214: {  	v8 =	vld [tilespmem:s10+$0x100];
	[tilespmem:s20+$0x110] =	vst v44  }
0x215: {  	[tilespmem:s28+$0x70] =	vst v0;
	v0 =	vmul.f32 v2, v31  }
0x216: {  	v9 =	vld [tilespmem:s10+$0x190];
	[tilespmem:s20+$0x1A0] =	vst v48;
	v3 =	vmul.f32 v11, v3  }
0x217: {  	v1 =	vmul.f32 v12, v1;
	[tilespmem:s28+$0x190] =	vst v0;
	v0 =	vld [tilespmem:s10+$0xFFFFFE30]  }
0x218: {  	v2 =	vld [tilespmem:s10+$0xFFFFFF50];
	[tilespmem:s28+$0xFFFFFF50] =	vst v3;
	v3 =	vmul.f32 v14, v46  }
0x219: {  	[tilespmem:s28+$0xFFFFFFE0] =	vst v1;
	v1 =	vld [tilespmem:s10+$0xFFFFFEC0]  }
0x21a: {  	[tilespmem:s28+$0x100] =	vst v3;
	v3 =	vperm.xlane v47, v16  }
0x21b: {  	v7 =	vperm.xlane v40, v16;
	[tilespmem:s20+$0xFFFFFF60] =	vst v40  }
0x21c: {  	v5 =	vperm.xlane v33, v16;
	[tilespmem:s20+$0xFFFFFE40] =	vst v47;
	v0 =	vmul.f32 v0, v3  }
0x21d: {  	[tilespmem:s20+$0xFFFFFED0] =	vst v33;
	v2 =	vmul.f32 v2, v7;
	v3 =	vperm.xlane v41, v16  }
0x21e: {  	v1 =	vmul.f32 v1, v5;
	[tilespmem:s20+$0xFFFFFE30] =	vst v0;
	v0 =	vperm.xlane v44, v16  }
0x21f: {  	[tilespmem:s20+$0xFFFFFF50] =	vst v2;
	v5 =	vperm.xlane v42, v16;
	v3 =	vmul.f32 v4, v3  }
0x220: {  	v2 =	vperm.xlane v48, v16;
	[tilespmem:s20+$0xFFFFFEC0] =	vst v1;
	v0 =	vmul.f32 v8, v0  }
0x221: {  	v1 =	vmul.f32 v6, v5;
	[tilespmem:s20+$0xFFFFFFE0] =	vst v3  }
0x222: {  	[tilespmem:s20+$0x100] =	vst v0;
	v0 =	vmul.f32 v9, v2  }
0x223: {  	[tilespmem:s20+$0x70] =	vst v1  }
0x224: {  	[tilespmem:s20+$0x190] =	vst v0  }
0x225: {  	v0 =	vld [tilespmem:$0x15FD0]  }
0x226: {  	v1 =	vld [tilespmem:$0x15FE0]  }
0x227: {  	v2 =	vld [tilespmem:$0x15FF0]  }
0x228: {  	v3 =	vld [tilespmem:$0x16000];
	_ =	sdelay $0x1  }
0x229: {  	s23 =	sadd.s32 $0x1, s23;
	[tilespmem:$0x16010] =	vst v0  }
0x22a: {  	p2 =	sge.u32 s23, s8;
	[tilespmem:$0x16020] =	vst v1  }
0x22b: {  	s9 =	sadd.s32 @!p2 s24, s15;
	[tilespmem:$0x16030] =	vst v2  }
0x22c: {  	s9 =	sshrl.u32 @!p2 s9, $0x3;
	[tilespmem:$0x16040] =	vst v3  }
0x22d: {  	[spmem:s2] =	stream.indirect.scatter.add.f32 [tilespmem:s17], [sflag:$0x2], $0x90, s16, s0, $0xb8;
	[tilespmem:$0x1F910] =	vst v63  }
0x22e: {  	s13 =	simm.s32 @!p2 $0x0;
	s10 =	sadd.s32 @!p2 s6, s9;
	s20 =	simm.s32 @!p2 $0x15F90  }
0x22f: {  	[tilespmem:s20], [sflag:$0x5] =	stream.linear.gather @!p2 [hbm4b:s10+s13], $0x40, $0x38;
	[tilespmem:$0x1F910] =	vst v63  }
0x230: {  	s10 =	simm.s32 @!p2 $0x5  }
0x231: {  	_ =	swait.ge @!p2 [sflag:s10], $0x40  }
0x232: {  	[sflag:s10] =	ssyncset.done @!p2 $0x0  }
0x233: {  	s21 =	simm.s32 @!p2 $0x15FD0;
	s9 =	sadd.s32 @!p2 s7, s9;
	[sflag:s10] =	ssyncadd.s32 @!p2 $0xFFFFFFC0  }
0x234: {  	[tilespmem:s21], [sflag:$0x5] =	stream.linear.gather @!p2 [hbm4b:s9+s13], $0x40, $0x38;
	[tilespmem:$0x1F910] =	vst v63  }
0x235: {  	_ =	swait.ge @!p2 [sflag:s10], $0x40  }
0x236: {  	[sflag:s10] =	ssyncset.done @!p2 $0x0  }
0x237: {  	s9 =	simm.s32 @!p2 $0x40;
	[sflag:s10] =	ssyncadd.s32 @!p2 $0xFFFFFFC0;
	s10 =	simm.s32 @!p2 $0x16050  }
0x238: {  	[tilespmem:s10], [sflag:$0x1] =	stream.indirect.gather @!p2 [hbm4b:s1+s9], $0x90, s20, s9, $0xb8;
	[tilespmem:$0x1F910] =	vst v63  }
0x239: {  	s10 =	simm.s32 @!p2 $0x18450  }
0x23a: {  	[tilespmem:s10], [sflag:$0x1] =	stream.indirect.gather @!p2 [hbm4b:s4+s9], $0x10, s21, s9, $0xb8;
	[tilespmem:$0x1F910] =	vst v63  }
0x23b: {  	_ =	swait.ge [sflag:s18], $0x2400  }
0x23c: {  	[sflag:s18] =	ssyncset.done $0x0  }
0x23d: {  	[sflag:s18] =	ssyncadd.s32 $0xFFFFDC00  }
0x23e: {  	_ =	swait.ge [sflag:s18], $0x400  }
0x23f: {  	[sflag:s18] =	ssyncset.done $0x0  }
0x240: {  	s9 =	simm.s32 @!p1 $0x4;
	[sflag:s18] =	ssyncadd.s32 $0xFFFFFC00  }
0x241: {  	_ =	swait.ge @!p1 [sflag:s9], $0x2400  }
0x242: {  	[sflag:s9] =	ssyncset.done @!p1 $0x0  }
0x243: {  	s22 =	simm.s32 $0x1AF50;
	[sflag:s9] =	ssyncadd.s32 @!p1 $0xFFFFDC00  }
0x244: {  	s25 =	simm.s32 $0x1D150;
	v0 =	vld [tilespmem:s22+$0x230]  }
0x245: {  	v1 =	vld [tilespmem:s25+$0x30];
	_ =	sdelay $0x3  }
0x246: {  	v3 =	vld [tilespmem:s22+$0xFFFFFED0]  }
0x247: {  	v4 =	vld [tilespmem:s22+$0xFFFFFF60];
	v0 =	vadd.f32 v1, v0  }
0x248: {  	v6 =	vld [tilespmem:s25+$0xFFFFFFE0]  }
0x249: {  	v7 =	vld [tilespmem:s22+$0xFFFFFFF0];
	v5 =	vmul.f32 $2.000000030e-01, v0  }
0x24a: {  	v8 =	vld [tilespmem:s22+$0x80];
	vm0 =	vge.f32 v0, $0.0e+00  }
0x24b: {  	v1 =	vld [tilespmem:s25+$0xFFFFFFD0];
	v0 =	vsel vm0, v0, v5  }
0x24c: {  	v9 =	vld [tilespmem:s25+$0x0];
	v0 =	vmul.f32 $1.442695020e+00, v0  }
0x24d: {  	v5 =	vld [tilespmem:s25+$0xFFFFFFF0]  }
0x24e: {  	v2 =	vld [tilespmem:s25+$0xFFFFFFC0];
	(erf) = vpow2.f32 v0  }
0x24f: {  	v4 =	vadd.f32 v6, v4;
	v6 =	vld [tilespmem:s25+$0x10]  }
0x250: {  	v0 =	vadd.f32 v1, v3;
	v3 =	vld [tilespmem:s22+$0xFFFFFE40]  }
0x251: {  	v1 =	vld [tilespmem:s22+$0x110]  }
0x252: {  	v8 =	vadd.f32 v9, v8;
	v10 =	vmul.f32 $2.000000030e-01, v0;
	v5 =	vadd.f32 v5, v7  }
0x253: {  	v11 =	vld [tilespmem:s22+$0x1A0];
	vm7 =	vge.f32 v4, $0.0e+00;
	vm6 =	vge.f32 v0, $0.0e+00;
	v7 =	vmul.f32 $2.000000030e-01, v4  }
0x254: {  	vm8 =	vge.f32 v8, $0.0e+00;
	v0 =	vsel vm6, v0, v10;
	v10 =	vld [tilespmem:s25+$0x20];
	vm1 =	vge.f32 v5, $0.0e+00  }
0x255: {  	v12 =	vmul.f32 $2.000000030e-01, v5;
	v4 =	vsel vm7, v4, v7;
	v2 =	vadd.f32 v2, v3;
	v3 =	vld [tilespmem:s22+$0x1B0]  }
0x256: {  	v7 =	vmul.f32 $2.000000030e-01, v8;
	v0 =	vmul.f32 $1.442695020e+00, v0;
	v1 =	vadd.f32 v6, v1  }
0x257: {  	v4 =	vmul.f32 $1.442695020e+00, v4;
	v5 =	vsel vm1, v5, v12;
	v6 =	vmul.f32 $2.000000030e-01, v2;
	v33 =	vpop (erf)  }
0x258: {  	vm9 =	vge.f32 v2, $0.0e+00;
	(erf) = vpow2.f32 v0;
	v0 =	vperm.xlane v33, v19  }
0x259: {  	vm10 =	vge.f32 v1, $0.0e+00;
	v2 =	vsel vm9, v2, v6;
	v6 =	vmul.f32 $2.000000030e-01, v1  }
0x25a: {  	v5 =	vmul.f32 $1.442695020e+00, v5;
	v9 =	vadd.f32 v10, v11;
	v0 =	vmul.f32 v3, v0  }
0x25b: {  	s24 =	simm.s32 $0x1D750;
	(erf) = vpow2.f32 v4;
	v2 =	vmul.f32 $1.442695020e+00, v2;
	v1 =	vsel vm10, v1, v6  }
0x25c: {  	v4 =	vmul.f32 $2.000000030e-01, v9;
	(erf) = vpow2.f32 v5;
	v3 =	vsel vm8, v8, v7;
	[tilespmem:s24+$0x1B0] =	vst v0  }
0x25d: {  	vm11 =	vge.f32 v9, $0.0e+00;
	(erf) = vpow2.f32 v2;
	v0 =	vmul.f32 $1.442695020e+00, v3;
	v2 =	vld [tilespmem:s22+$0x1C0]  }
0x25e: {  	v1 =	vmul.f32 $1.442695020e+00, v1;
	v3 =	vsel vm11, v9, v4  }
0x25f: {  	v35 =	vimm.s32 $0x1;
	v3 =	vmul.f32 $1.442695020e+00, v3;
	(erf) = vpow2.f32 v0  }
0x260: {  	v0 =	vperm.xlane v33, v35;
	(erf) = vpow2.f32 v1  }
0x261: {  	v1 =	vld [tilespmem:s22+$0xFFFFFE50];
	(erf) = vpow2.f32 v3  }
0x262: {  	v3 =	vld [tilespmem:s22+$0xFFFFFEE0];
	v0 =	vmul.f32 v2, v0  }
0x263: {  	v42 =	vpop (erf);
	v2 =	vld [tilespmem:s22+$0xFFFFFF70]  }
0x264: {  	v4 =	vld [tilespmem:s22+$0xFFFFFDC0];
	v5 =	vperm.xlane v42, v19;
	v39 =	vpop (erf);
	[tilespmem:s24+$0x1C0] =	vst v0  }
0x265: {  	v63 =	vpop (erf);
	v0 =	vperm.xlane v39, v19;
	v6 =	vld [tilespmem:s22+$0x1D0]  }
0x266: {  	v7 =	vld [tilespmem:s22+$0x0];
	v43 =	vpop (erf);
	v1 =	vmul.f32 v1, v5;
	v5 =	vperm.xlane v63, v19  }
0x267: {  	v23 =	vimm.s32 $0x2;
	v8 =	vld [tilespmem:s22+$0x90];
	v0 =	vmul.f32 v3, v0;
	v3 =	vperm.xlane v43, v19  }
0x268: {  	v9 =	vld [tilespmem:s22+$0x120];
	[tilespmem:s24+$0xFFFFFE50] =	vst v1;
	v36 =	vpop (erf);
	v1 =	vmul.f32 v2, v5;
	v2 =	vperm.xlane v33, v23  }
0x269: {  	v5 =	vld [tilespmem:s22+$0xFFFFFE60];
	[tilespmem:s24+$0xFFFFFEE0] =	vst v0;
	v0 =	vperm.xlane v36, v19;
	v37 =	vpop (erf);
	v3 =	vmul.f32 v4, v3  }
0x26a: {  	v4 =	vld [tilespmem:s22+$0xFFFFFEF0];
	v10 =	vperm.xlane v37, v19;
	v29 =	vpop (erf);
	[tilespmem:s24+$0xFFFFFF70] =	vst v1;
	v1 =	vmul.f32 v6, v2  }
0x26b: {  	v2 =	vperm.xlane v29, v19;
	v6 =	vld [tilespmem:s22+$0xFFFFFF80];
	v0 =	vmul.f32 v7, v0;
	[tilespmem:s24+$0xFFFFFDC0] =	vst v3  }
0x26c: {  	v3 =	vperm.xlane v42, v35;
	v7 =	vmul.f32 v8, v10;
	v8 =	vld [tilespmem:s22+$0xFFFFFDD0];
	[tilespmem:s24+$0x1D0] =	vst v1  }
0x26d: {  	v1 =	vperm.xlane v39, v35;
	v2 =	vmul.f32 v9, v2;
	[tilespmem:s24+$0x0] =	vst v0;
	v0 =	vld [tilespmem:s22+$0x1E0]  }
0x26e: {  	v9 =	vperm.xlane v63, v35;
	v3 =	vmul.f32 v5, v3;
	v5 =	vld [tilespmem:s22+$0x10];
	[tilespmem:s24+$0x90] =	vst v7  }
0x26f: {  	v60 =	vimm.s32 $0x3;
	v7 =	vperm.xlane v43, v35;
	v1 =	vmul.f32 v4, v1;
	v4 =	vld [tilespmem:s22+$0xA0];
	[tilespmem:s24+$0x120] =	vst v2  }
0x270: {  	[tilespmem:s24+$0xFFFFFE60] =	vst v3;
	v2 =	vmul.f32 v6, v9;
	v3 =	vld [tilespmem:s22+$0x130];
	v6 =	vperm.xlane v33, v60  }
0x271: {  	v9 =	vperm.xlane v36, v35;
	v7 =	vmul.f32 v8, v7;
	v8 =	vld [tilespmem:s22+$0xFFFFFE70];
	[tilespmem:s24+$0xFFFFFEF0] =	vst v1  }
0x272: {  	v1 =	vperm.xlane v37, v35;
	v10 =	vld [tilespmem:s22+$0xFFFFFF00];
	[tilespmem:s24+$0xFFFFFF80] =	vst v2;
	v0 =	vmul.f32 v0, v6  }
0x273: {  	v2 =	vperm.xlane v29, v35;
	[tilespmem:s24+$0xFFFFFDD0] =	vst v7;
	v6 =	vld [tilespmem:s22+$0xFFFFFF90];
	v5 =	vmul.f32 v5, v9  }
0x274: {  	v7 =	vperm.xlane v42, v23;
	v9 =	vld [tilespmem:s22+$0xFFFFFDE0];
	v1 =	vmul.f32 v4, v1;
	[tilespmem:s24+$0x1E0] =	vst v0  }
0x275: {  	v0 =	vperm.xlane v39, v23;
	[tilespmem:s24+$0x10] =	vst v5;
	v2 =	vmul.f32 v3, v2;
	v3 =	vld [tilespmem:s22+$0x1F0]  }
0x276: {  	v4 =	vperm.xlane v63, v23;
	v5 =	vmul.f32 v8, v7;
	v7 =	vld [tilespmem:s22+$0x20];
	[tilespmem:s24+$0xA0] =	vst v1  }
0x277: {  	v61 =	vimm.s32 $0x4;
	v1 =	vperm.xlane v43, v23;
	v0 =	vmul.f32 v10, v0;
	v8 =	vld [tilespmem:s22+$0xB0];
	[tilespmem:s24+$0x130] =	vst v2  }
0x278: {  	[tilespmem:s24+$0xFFFFFE70] =	vst v5;
	v2 =	vmul.f32 v6, v4;
	v4 =	vld [tilespmem:s22+$0x140];
	v5 =	vperm.xlane v33, v61  }
0x279: {  	v6 =	vperm.xlane v36, v23;
	v1 =	vmul.f32 v9, v1;
	v9 =	vld [tilespmem:s22+$0xFFFFFE80];
	[tilespmem:s24+$0xFFFFFF00] =	vst v0  }
0x27a: {  	v0 =	vperm.xlane v37, v23;
	v10 =	vld [tilespmem:s22+$0xFFFFFF10];
	[tilespmem:s24+$0xFFFFFF90] =	vst v2;
	v2 =	vmul.f32 v3, v5  }
0x27b: {  	v3 =	vperm.xlane v29, v23;
	[tilespmem:s24+$0xFFFFFDE0] =	vst v1;
	v1 =	vld [tilespmem:s22+$0xFFFFFFA0];
	v5 =	vmul.f32 v7, v6  }
0x27c: {  	v6 =	vperm.xlane v42, v60;
	v7 =	vld [tilespmem:s22+$0xFFFFFDF0];
	v0 =	vmul.f32 v8, v0;
	[tilespmem:s24+$0x1F0] =	vst v2  }
0x27d: {  	v2 =	vperm.xlane v39, v60;
	[tilespmem:s24+$0x20] =	vst v5;
	v3 =	vmul.f32 v4, v3  }
0x27e: {  	v5 =	vperm.xlane v63, v60;
	v4 =	vld [tilespmem:s22+$0x200];
	v6 =	vmul.f32 v9, v6;
	[tilespmem:s24+$0xB0] =	vst v0  }
0x27f: {  	v8 =	vld [tilespmem:s22+$0x30];
	v0 =	vperm.xlane v43, v60;
	v2 =	vmul.f32 v10, v2;
	[tilespmem:s24+$0x140] =	vst v3  }
0x280: {  	v22 =	vimm.s32 $0x5;
	v9 =	vld [tilespmem:s22+$0xC0];
	[tilespmem:s24+$0xFFFFFE80] =	vst v6;
	v1 =	vmul.f32 v1, v5  }
0x281: {  	s26 =	simm.s32 $0x1D1D0;
	v3 =	vld [tilespmem:s22+$0x150];
	v5 =	vperm.xlane v33, v22;
	v0 =	vmul.f32 v7, v0;
	[tilespmem:s24+$0xFFFFFF10] =	vst v2  }
0x282: {  	v16 =	vld [tilespmem:s26+$0xFFFFFFC0];
	v6 =	vperm.xlane v36, v60;
	[tilespmem:s24+$0xFFFFFFA0] =	vst v1  }
0x283: {  	v2 =	vperm.xlane v37, v60;
	v1 =	vmul.f32 v4, v5;
	[tilespmem:s24+$0xFFFFFDF0] =	vst v0;
	v0 =	vld [tilespmem:s22+$0xFFFFFFB0]  }
0x284: {  	v21 =	vld [tilespmem:s26+$0xFFFFFFE0];
	v4 =	vperm.xlane v29, v60;
	v5 =	vmul.f32 v8, v6  }
0x285: {  	v7 =	vld [tilespmem:s22+$0xFFFFFE90];
	v2 =	vmul.f32 v9, v2;
	[tilespmem:s24+$0x200] =	vst v1  }
0x286: {  	[tilespmem:s24+$0x30] =	vst v5;
	v3 =	vmul.f32 v3, v4;
	v5 =	vperm.xlane v63, v61;
	v4 =	vld [tilespmem:s22+$0x210]  }
0x287: {  	v10 =	vld [tilespmem:s22+$0xFFFFFF20]  }
0x288: {  	v6 =	vperm.xlane v42, v61;
	v8 =	vld [tilespmem:s22+$0xFFFFFE00];
	[tilespmem:s24+$0xC0] =	vst v2;
	v0 =	vmul.f32 v0, v5;
	v5 =	vimm.s32 $0x6  }
0x289: {  	v9 =	vld [tilespmem:s22+$0xD0];
	[tilespmem:s24+$0x150] =	vst v3;
	v5 =	vperm.xlane v33, v5  }
0x28a: {  	s25 =	simm.s32 $0x1B3D0;
	v6 =	vmul.f32 v7, v6;
	v3 =	vld [tilespmem:s22+$0x160]  }
0x28b: {  	v18 =	vld [tilespmem:s25+$0xFFFFFED0];
	v1 =	vperm.xlane v39, v61;
	[tilespmem:s24+$0xFFFFFFB0] =	vst v0;
	v0 =	vmul.f32 v4, v5  }
0x28c: {  	v7 =	vld [tilespmem:s22+$0x40];
	v2 =	vperm.xlane v43, v61;
	[tilespmem:s24+$0xFFFFFE90] =	vst v6;
	v5 =	vperm.xlane v37, v61  }
0x28d: {  	v1 =	vmul.f32 v10, v1;
	v6 =	vld [tilespmem:s22+$0xFFFFFEA0];
	[tilespmem:s24+$0x210] =	vst v0;
	v0 =	vperm.xlane v29, v61  }
0x28e: {  	v2 =	vmul.f32 v8, v2;
	v5 =	vmul.f32 v9, v5;
	v9 =	vld [tilespmem:s25+$0x230]  }
0x28f: {  	[tilespmem:s24+$0xFFFFFF20] =	vst v1;
	v4 =	vperm.xlane v36, v61;
	v0 =	vmul.f32 v3, v0;
	v3 =	vld [tilespmem:s26+$0x30]  }
0x290: {  	v1 =	vld [tilespmem:s22+$0xFFFFFF30]  }
0x291: {  	[tilespmem:s24+$0xFFFFFE00] =	vst v2;
	v2 =	vld [tilespmem:s22+$0xFFFFFFC0];
	v4 =	vmul.f32 v7, v4  }
0x292: {  	v8 =	vld [tilespmem:s22+$0xFFFFFE10]  }
0x293: {  	v7 =	vld [tilespmem:s22+$0x220];
	[tilespmem:s24+$0x40] =	vst v4  }
0x294: {  	v12 =	vperm.xlane v63, v22;
	[tilespmem:s24+$0xD0] =	vst v5;
	v5 =	vperm.xlane v42, v22;
	v4 =	vld [tilespmem:s22+$0x50];
	v3 =	vadd.f32 v3, v9  }
0x295: {  	v14 =	vperm.xlane v36, v22;
	v15 =	vperm.xlane v37, v22;
	v11 =	vld [tilespmem:s22+$0xE0]  }
0x296: {  	v27 =	vimm.s32 $0x7;
	v5 =	vmul.f32 v6, v5;
	v6 =	vld [tilespmem:s25+$0xFFFFFFF0];
	v20 =	vmul.f32 $2.000000030e-01, v3  }
0x297: {  	v10 =	vperm.xlane v43, v22;
	[tilespmem:s24+$0x160] =	vst v0;
	v0 =	vperm.xlane v39, v22;
	v9 =	vld [tilespmem:s26+$0xFFFFFFD0];
	vm12 =	vge.f32 v3, $0.0e+00  }
0x298: {  	v2 =	vmul.f32 v2, v12;
	v12 =	vperm.xlane v33, v27;
	v13 =	vld [tilespmem:s22+$0x170];
	v3 =	vsel vm12, v3, v20  }
0x299: {  	v0 =	vmul.f32 v1, v0;
	v1 =	vld [tilespmem:s26+$0xFFFFFFF0];
	v3 =	vmul.f32 $1.442695020e+00, v3  }
0x29a: {  	v17 =	vperm.xlane v29, v22;
	v38 =	vmul.f32 v7, v12;
	v12 =	vld [tilespmem:s25+$0xFFFFFE40]  }
0x29b: {  	v19 =	vld [tilespmem:s25+$0xFFFFFF60];
	v8 =	vmul.f32 v8, v10;
	(erf) = vpow2.f32 v3  }
0x29c: {  	v3 =	vmul.f32 v4, v14;
	v4 =	vadd.f32 v9, v18;
	v9 =	vmul.f32 v11, v15  }
0x29d: {  	v10 =	vld [tilespmem:s26+$0x0];
	v11 =	vmul.f32 v13, v17;
	v13 =	vperm.xlane v43, v27  }
0x29e: {  	v20 =	vld [tilespmem:s25+$0x80]  }
0x29f: {  	v7 =	vld [tilespmem:s25+$0x110];
	v1 =	vadd.f32 v1, v6;
	v12 =	vadd.f32 v16, v12;
	[tilespmem:$0x1FE00] =	vst v13  }
0x2a0: {  	v28 =	vimm.s32 $0x0;
	v14 =	vadd.f32 v21, v19;
	v17 =	vperm.xlane v42, v27;
	v15 =	vld [tilespmem:s26+$0x10]  }
0x2a1: {  	vm15 =	vge.f32 v1, $0.0e+00;
	vm5 =	vge.f32 v12, $0.0e+00;
	v18 =	vmul.f32 $2.000000030e-01, v1  }
0x2a2: {  	v13 =	vmul.f32 $2.000000030e-01, v4;
	vm13 =	vge.f32 v4, $0.0e+00;
	v6 =	vmul.f32 $2.000000030e-01, v14;
	[tilespmem:$0x1FE10] =	vst v17  }
0x2a3: {  	vm14 =	vge.f32 v14, $0.0e+00;
	v10 =	vadd.f32 v10, v20;
	v1 =	vsel vm15, v1, v18;
	v17 =	vld [tilespmem:s25+$0x1A0]  }
0x2a4: {  	v1 =	vmul.f32 $1.442695020e+00, v1;
	v4 =	vsel vm13, v4, v13;
	v6 =	vsel vm14, v14, v6;
	v14 =	vld [tilespmem:s25+$0x1B0]  }
0x2a5: {  	v13 =	vld [tilespmem:s26+$0x20];
	v4 =	vmul.f32 $1.442695020e+00, v4;
	v7 =	vadd.f32 v15, v7;
	v15 =	vmul.f32 $2.000000030e-01, v12  }
0x2a6: {  	vm4 =	vge.f32 v10, $0.0e+00;
	v16 =	vmul.f32 $2.000000030e-01, v10;
	v6 =	vmul.f32 $1.442695020e+00, v6;
	v47 =	vpop (erf)  }
0x2a7: {  	(erf) = vpow2.f32 v4;
	v4 =	vperm.xlane v47, v28;
	v12 =	vsel vm5, v12, v15  }
0x2a8: {  	v27 =	vld [tilespmem:s25+$0xFFFFFDC0];
	v10 =	vsel vm4, v10, v16;
	(erf) = vpow2.f32 v6;
	v6 =	vmul.f32 $1.442695020e+00, v12  }
0x2a9: {  	v18 =	vld [tilespmem:s25+$0xFFFFFE50];
	v16 =	vimm.s32 $0x7;
	(erf) = vpow2.f32 v1;
	v4 =	vmul.f32 v14, v4  }
0x2aa: {  	v19 =	vld [tilespmem:s25+$0xFFFFFEE0];
	s26 =	simm.s32 $0x1DBD0;
	v13 =	vadd.f32 v13, v17;
	(erf) = vpow2.f32 v6;
	v6 =	vperm.xlane v39, v16  }
0x2ab: {  	v12 =	vld [tilespmem:s25+$0xFFFFFF70];
	[tilespmem:s26+$0x1B0] =	vst v4  }
0x2ac: {  	v1 =	vmul.f32 $1.442695020e+00, v10;
	v14 =	vmul.f32 $2.000000030e-01, v13;
	v4 =	vld [tilespmem:s25+$0x1C0];
	[tilespmem:$0x1FE20] =	vst v6  }
0x2ad: {  	v15 =	vmul.f32 $2.000000030e-01, v7;
	vm7 =	vge.f32 v13, $0.0e+00;
	v6 =	vld [tilespmem:s25+$0x0];
	[tilespmem:s24+$0xFFFFFEA0] =	vst v5;
	v5 =	vperm.xlane v63, v16  }
0x2ae: {  	vm6 =	vge.f32 v7, $0.0e+00;
	v10 =	vsel vm7, v13, v14;
	v13 =	vld [tilespmem:s25+$0x90];
	[tilespmem:s24+$0xFFFFFE10] =	vst v8  }
0x2af: {  	v7 =	vsel vm6, v7, v15;
	(erf) = vpow2.f32 v1;
	v1 =	vld [tilespmem:s25+$0x120];
	[tilespmem:$0x1FE30] =	vst v5  }
0x2b0: {  	v7 =	vmul.f32 $1.442695020e+00, v7;
	[tilespmem:s24+$0xFFFFFF30] =	vst v0;
	v0 =	vperm.xlane v36, v16  }
0x2b1: {  	v10 =	vmul.f32 $1.442695020e+00, v10  }
0x2b2: {  	(erf) = vpow2.f32 v7;
	v7 =	vperm.xlane v47, v35;
	v49 =	vld [tilespmem:s22+$0xFFFFFE20];
	[tilespmem:$0x1FE40] =	vst v0  }
0x2b3: {  	(erf) = vpow2.f32 v10;
	[tilespmem:s24+$0xFFFFFFC0] =	vst v2;
	v2 =	vperm.xlane v37, v16  }
0x2b4: {  	v17 =	vpop (erf);
	v0 =	vmul.f32 v4, v7;
	v4 =	vperm.xlane v29, v16  }
0x2b5: {  	v46 =	vld [tilespmem:s22+$0xFFFFFEB0];
	[tilespmem:$0x1FE50] =	vst v2;
	v2 =	vperm.xlane v17, v28  }
0x2b6: {  	v14 =	vpop (erf);
	v48 =	vld [tilespmem:s22+$0xFFFFFF40];
	[tilespmem:$0x1FE60] =	vst v4  }
0x2b7: {  	v45 =	vld [tilespmem:s22+$0xFFFFFFD0];
	[tilespmem:s26+$0x1C0] =	vst v0;
	v0 =	vmul.f32 v18, v2;
	v2 =	vperm.xlane v14, v28  }
0x2b8: {  	v20 =	vpop (erf);
	[tilespmem:s24+$0x50] =	vst v3;
	v3 =	vld [tilespmem:s25+$0x1D0]  }
0x2b9: {  	v7 =	vperm.xlane v20, v28;
	v21 =	vpop (erf);
	[tilespmem:s24+$0xE0] =	vst v9;
	v50 =	vld [tilespmem:s22+$0x60];
	v2 =	vmul.f32 v19, v2;
	v19 =	vimm.s32 $0x0  }
0x2ba: {  	[tilespmem:s24+$0x170] =	vst v11;
	v52 =	vld [tilespmem:s22+$0xF0];
	v8 =	vperm.xlane v21, v19  }
0x2bb: {  	v31 =	vpop (erf);
	v51 =	vld [tilespmem:s22+$0x180];
	[tilespmem:s26+$0xFFFFFE50] =	vst v0;
	v0 =	vmul.f32 v12, v7;
	v7 =	vperm.xlane v47, v23  }
0x2bc: {  	v30 =	vpop (erf);
	v9 =	vld [tilespmem:s25+$0xFFFFFE60];
	[tilespmem:s26+$0xFFFFFEE0] =	vst v2;
	v2 =	vperm.xlane v31, v19;
	v8 =	vmul.f32 v27, v8  }
0x2bd: {  	v18 =	vpop (erf);
	v11 =	vperm.xlane v30, v19;
	[tilespmem:s26+$0xFFFFFF70] =	vst v0;
	v10 =	vld [tilespmem:s25+$0xFFFFFEF0];
	v0 =	vmul.f32 v3, v7  }
0x2be: {  	v3 =	vperm.xlane v18, v19;
	v7 =	vld [tilespmem:s25+$0xFFFFFF80];
	v2 =	vmul.f32 v6, v2;
	[tilespmem:s26+$0xFFFFFDC0] =	vst v8  }
0x2bf: {  	v4 =	vperm.xlane v17, v35;
	v8 =	vmul.f32 v13, v11;
	v11 =	vld [tilespmem:s25+$0xFFFFFDD0];
	[tilespmem:s26+$0x1D0] =	vst v0  }
0x2c0: {  	v0 =	vperm.xlane v14, v35;
	v1 =	vmul.f32 v1, v3;
	[tilespmem:s26+$0x0] =	vst v2;
	v2 =	vld [tilespmem:s25+$0x1E0]  }
0x2c1: {  	v3 =	vperm.xlane v20, v35;
	v4 =	vmul.f32 v9, v4;
	v9 =	vld [tilespmem:s25+$0x10];
	[tilespmem:s26+$0x90] =	vst v8  }
0x2c2: {  	v8 =	vperm.xlane v21, v35;
	v0 =	vmul.f32 v10, v0;
	v10 =	vld [tilespmem:s25+$0xA0];
	[tilespmem:s26+$0x120] =	vst v1  }
0x2c3: {  	[tilespmem:s26+$0xFFFFFE60] =	vst v4;
	v4 =	vperm.xlane v47, v60;
	v1 =	vmul.f32 v7, v3;
	v3 =	vld [tilespmem:s25+$0x130]  }
0x2c4: {  	v7 =	vperm.xlane v31, v35;
	[tilespmem:s26+$0xFFFFFEF0] =	vst v0;
	v8 =	vmul.f32 v11, v8;
	v11 =	vld [tilespmem:s25+$0xFFFFFE70]  }
0x2c5: {  	v0 =	vperm.xlane v30, v35;
	v12 =	vld [tilespmem:s25+$0xFFFFFF00];
	[tilespmem:s26+$0xFFFFFF80] =	vst v1;
	v1 =	vmul.f32 v2, v4  }
0x2c6: {  	v2 =	vperm.xlane v18, v35;
	v4 =	vld [tilespmem:s25+$0xFFFFFF90];
	v7 =	vmul.f32 v9, v7;
	[tilespmem:s26+$0xFFFFFDD0] =	vst v8  }
0x2c7: {  	v5 =	vperm.xlane v17, v23;
	v0 =	vmul.f32 v10, v0;
	v9 =	vld [tilespmem:s25+$0xFFFFFDE0];
	[tilespmem:s26+$0x1E0] =	vst v1  }
0x2c8: {  	v1 =	vperm.xlane v14, v23;
	[tilespmem:s26+$0x10] =	vst v7;
	v2 =	vmul.f32 v3, v2;
	v3 =	vld [tilespmem:s25+$0x1F0]  }
0x2c9: {  	v7 =	vperm.xlane v20, v23;
	v10 =	vld [tilespmem:s25+$0x20];
	[tilespmem:s26+$0xA0] =	vst v0;
	v5 =	vmul.f32 v11, v5  }
0x2ca: {  	v0 =	vperm.xlane v21, v23;
	v1 =	vmul.f32 v12, v1;
	v11 =	vld [tilespmem:s25+$0xB0];
	[tilespmem:s26+$0x130] =	vst v2  }
0x2cb: {  	v2 =	vmul.f32 v4, v7;
	v4 =	vld [tilespmem:s25+$0x140];
	[tilespmem:s26+$0xFFFFFE70] =	vst v5;
	v5 =	vperm.xlane v47, v61  }
0x2cc: {  	v7 =	vperm.xlane v31, v23;
	[tilespmem:s26+$0xFFFFFF00] =	vst v1;
	v0 =	vmul.f32 v9, v0;
	v9 =	vld [tilespmem:s25+$0xFFFFFE80]  }
0x2cd: {  	v1 =	vperm.xlane v30, v23;
	v12 =	vld [tilespmem:s25+$0xFFFFFF10];
	[tilespmem:s26+$0xFFFFFF90] =	vst v2;
	v2 =	vmul.f32 v3, v5  }
0x2ce: {  	v3 =	vperm.xlane v18, v23;
	v5 =	vmul.f32 v10, v7;
	[tilespmem:s26+$0xFFFFFDE0] =	vst v0;
	v0 =	vld [tilespmem:s25+$0xFFFFFFA0]  }
0x2cf: {  	v6 =	vperm.xlane v17, v60;
	v1 =	vmul.f32 v11, v1;
	v10 =	vld [tilespmem:s25+$0xFFFFFDF0];
	[tilespmem:s26+$0x1F0] =	vst v2  }
0x2d0: {  	v2 =	vperm.xlane v14, v60;
	[tilespmem:s26+$0x20] =	vst v5;
	v3 =	vmul.f32 v4, v3;
	v4 =	vld [tilespmem:s25+$0x200]  }
0x2d1: {  	v5 =	vperm.xlane v20, v60;
	[tilespmem:s26+$0xB0] =	vst v1;
	v6 =	vmul.f32 v9, v6;
	v9 =	vld [tilespmem:s25+$0x30]  }
0x2d2: {  	v1 =	vperm.xlane v21, v60;
	v2 =	vmul.f32 v12, v2;
	v11 =	vld [tilespmem:s25+$0xC0];
	[tilespmem:s26+$0x140] =	vst v3  }
0x2d3: {  	v3 =	vld [tilespmem:s25+$0x150];
	[tilespmem:s26+$0xFFFFFE80] =	vst v6;
	v0 =	vmul.f32 v0, v5;
	v5 =	vperm.xlane v47, v22  }
0x2d4: {  	v6 =	vperm.xlane v31, v60;
	[tilespmem:s26+$0xFFFFFF10] =	vst v2;
	v1 =	vmul.f32 v10, v1;
	v10 =	vld [tilespmem:s25+$0xFFFFFE90]  }
0x2d5: {  	v2 =	vperm.xlane v30, v60;
	v12 =	vld [tilespmem:s25+$0xFFFFFF20];
	[tilespmem:s26+$0xFFFFFFA0] =	vst v0;
	v0 =	vmul.f32 v4, v5  }
0x2d6: {  	v4 =	vperm.xlane v18, v60;
	[tilespmem:s26+$0xFFFFFDF0] =	vst v1;
	v1 =	vld [tilespmem:s25+$0xFFFFFFB0];
	v5 =	vmul.f32 v9, v6  }
0x2d7: {  	v8 =	vperm.xlane v17, v61;
	v2 =	vmul.f32 v11, v2;
	v9 =	vld [tilespmem:s25+$0xFFFFFE00];
	[tilespmem:s26+$0x200] =	vst v0  }
0x2d8: {  	v0 =	vperm.xlane v14, v61;
	v3 =	vmul.f32 v3, v4;
	[tilespmem:s26+$0x30] =	vst v5;
	v4 =	vld [tilespmem:s25+$0x210]  }
0x2d9: {  	v5 =	vperm.xlane v20, v61;
	[tilespmem:s26+$0xC0] =	vst v2;
	v8 =	vmul.f32 v10, v8;
	v10 =	vld [tilespmem:s25+$0x40]  }
0x2da: {  	v6 =	vperm.xlane v21, v61;
	v0 =	vmul.f32 v12, v0;
	v11 =	vld [tilespmem:s25+$0xD0];
	[tilespmem:s26+$0x150] =	vst v3  }
0x2db: {  	v27 =	vimm.s32 $0x6;
	v2 =	vperm.xlane v31, v61;
	[tilespmem:s26+$0xFFFFFE90] =	vst v8;
	v1 =	vmul.f32 v1, v5;
	v5 =	vld [tilespmem:s25+$0x160]  }
0x2dc: {  	v12 =	vperm.xlane v47, v27;
	[tilespmem:s26+$0xFFFFFF20] =	vst v0;
	v6 =	vmul.f32 v9, v6;
	v9 =	vld [tilespmem:s25+$0xFFFFFEA0]  }
0x2dd: {  	v3 =	vperm.xlane v30, v61;
	v13 =	vld [tilespmem:s25+$0xFFFFFF30];
	[tilespmem:s26+$0xFFFFFFB0] =	vst v1  }
0x2de: {  	s28 =	simm.s32 $0x1B850;
	v4 =	vmul.f32 v4, v12;
	[tilespmem:s26+$0xFFFFFE00] =	vst v6;
	v6 =	vld [tilespmem:s25+$0xFFFFFFC0];
	v2 =	vmul.f32 v10, v2  }
0x2df: {  	v10 =	vld [tilespmem:s28+$0x230];
	v3 =	vmul.f32 v11, v3;
	v11 =	vperm.xlane v21, v27  }
0x2e0: {  	s20 =	simm.s32 $0x1D250;
	v8 =	vperm.xlane v18, v61;
	v12 =	vld [tilespmem:s25+$0xFFFFFE10];
	[tilespmem:s26+$0x210] =	vst v4  }
0x2e1: {  	v4 =	vld [tilespmem:s20+$0x30];
	[tilespmem:$0x1FEF0] =	vst v11  }
0x2e2: {  	[tilespmem:s26+$0x40] =	vst v2;
	v2 =	vmul.f32 v5, v8;
	v8 =	vperm.xlane v17, v27;
	_ =	sdelay $0x1  }
0x2e3: {  	v5 =	vld [tilespmem:s25+$0x220];
	[tilespmem:$0x1FE70] =	vst v8  }
0x2e4: {  	[tilespmem:s26+$0xD0] =	vst v3;
	v3 =	vperm.xlane v20, v27;
	_ =	sdelay $0x1  }
0x2e5: {  	v8 =	vld [tilespmem:s25+$0x50];
	[tilespmem:$0x1FE80] =	vst v3;
	v3 =	vperm.xlane v31, v27  }
0x2e6: {  	v25 =	vimm.s32 $0x6  }
0x2e7: {  	v41 =	vperm.xlane v42, v25;
	[tilespmem:$0x1FE90] =	vst v3  }
0x2e8: {  	v7 =	vperm.xlane v17, v22;
	[tilespmem:s26+$0x160] =	vst v2;
	v2 =	vperm.xlane v30, v27  }
0x2e9: {  	v40 =	vperm.xlane v39, v25;
	v26 =	vperm.xlane v63, v25  }
0x2ea: {  	v3 =	vld [tilespmem:s25+$0xE0];
	[tilespmem:$0x1FEA0] =	vst v2;
	v2 =	vmul.f32 v9, v7;
	v9 =	vperm.xlane v18, v27  }
0x2eb: {  	v44 =	vperm.xlane v43, v25;
	v53 =	vperm.xlane v20, v22;
	v4 =	vadd.f32 v4, v10  }
0x2ec: {  	v34 =	vperm.xlane v36, v25;
	v24 =	vperm.xlane v37, v25;
	v7 =	vld [tilespmem:s25+$0x170];
	[tilespmem:$0x1FEB0] =	vst v9  }
0x2ed: {  	v6 =	vmul.f32 v6, v53;
	v53 =	vmul.f32 $2.000000030e-01, v4;
	v9 =	vld [tilespmem:s20+$0xFFFFFFC0]  }
0x2ee: {  	v25 =	vperm.xlane v29, v25;
	v62 =	vperm.xlane v31, v22;
	vm8 =	vge.f32 v4, $0.0e+00;
	v11 =	vld [tilespmem:s28+$0xFFFFFED0]  }
0x2ef: {  	v32 =	vperm.xlane v30, v22;
	v10 =	vmul.f32 v49, v44;
	v4 =	vsel vm8, v4, v53;
	v44 =	vld [tilespmem:s20+$0xFFFFFFD0]  }
0x2f0: {  	v56 =	vperm.xlane v18, v22;
	v4 =	vmul.f32 $1.442695020e+00, v4;
	v57 =	vld [tilespmem:s28+$0xFFFFFF60]  }
0x2f1: {  	v45 =	vmul.f32 v45, v26;
	v28 =	vperm.xlane v14, v27;
	v58 =	vld [tilespmem:s20+$0xFFFFFFE0]  }
0x2f2: {  	v1 =	vperm.xlane v14, v22;
	(erf) = vpow2.f32 v4;
	v59 =	vld [tilespmem:s28+$0xFFFFFFF0]  }
0x2f3: {  	v0 =	vperm.xlane v21, v22;
	v8 =	vmul.f32 v8, v62;
	v62 =	vld [tilespmem:s20+$0xFFFFFFF0]  }
0x2f4: {  	v1 =	vmul.f32 v13, v1;
	v13 =	vperm.xlane v47, v16;
	v54 =	vld [tilespmem:s28+$0xFFFFFE40]  }
0x2f5: {  	v0 =	vmul.f32 v12, v0;
	v49 =	vmul.f32 v50, v34;
	v34 =	vld [tilespmem:s28+$0x80]  }
0x2f6: {  	v12 =	vmul.f32 v46, v41;
	[tilespmem:s24+$0x220] =	vst v38;
	v4 =	vmul.f32 v7, v56;
	v56 =	vld [tilespmem:s28+$0x110]  }
0x2f7: {  	v5 =	vmul.f32 v5, v13;
	v13 =	vmul.f32 v48, v40;
	v11 =	vadd.f32 v44, v11;
	v44 =	vld [tilespmem:s20+$0x0];
	[tilespmem:$0x1FEC0] =	vst v14  }
0x2f8: {  	v53 =	vmul.f32 v51, v25;
	v40 =	vadd.f32 v58, v57;
	v46 =	vadd.f32 v62, v59;
	v57 =	vld [tilespmem:s20+$0x10]  }
0x2f9: {  	v3 =	vmul.f32 v3, v32;
	v9 =	vadd.f32 v9, v54;
	v59 =	vld [tilespmem:s28+$0x1A0];
	v55 =	vmul.f32 $2.000000030e-01, v11  }
0x2fa: {  	[tilespmem:s26+$0xFFFFFEA0] =	vst v2;
	v2 =	vld [tilespmem:s20+$0x20];
	vm9 =	vge.f32 v11, $0.0e+00;
	v58 =	vmul.f32 $2.000000030e-01, v40;
	v62 =	vmul.f32 $2.000000030e-01, v46  }
0x2fb: {  	[tilespmem:s24+$0x230] =	vst v33;
	v54 =	vld [tilespmem:s28+$0x1B0];
	v38 =	vpop (erf);
	vm10 =	vge.f32 v40, $0.0e+00;
	vm11 =	vge.f32 v46, $0.0e+00;
	vm13 =	vge.f32 v9, $0.0e+00  }
0x2fc: {  	[tilespmem:s26+$0xFFFFFF30] =	vst v1;
	v32 =	vperm.xlane v38, v19;
	v11 =	vsel vm9, v11, v55;
	v62 =	vsel vm11, v46, v62  }
0x2fd: {  	[tilespmem:s26+$0xFFFFFFC0] =	vst v6;
	v34 =	vadd.f32 v44, v34;
	v1 =	vmul.f32 $1.442695020e+00, v11;
	v11 =	vsel vm10, v40, v58  }
0x2fe: {  	v6 =	vld [tilespmem:s28+$0xFFFFFDC0];
	[tilespmem:s26+$0xE0] =	vst v3;
	v3 =	vmul.f32 $1.442695020e+00, v62;
	v11 =	vmul.f32 $1.442695020e+00, v11;
	v41 =	vadd.f32 v57, v56  }
0x2ff: {  	[tilespmem:s26+$0xFFFFFE10] =	vst v0;
	v0 =	vld [tilespmem:s28+$0xFFFFFE50];
	v2 =	vadd.f32 v2, v59;
	(erf) = vpow2.f32 v1;
	v1 =	vmul.f32 $2.000000030e-01, v9  }
0x300: {  	[tilespmem:s26+$0x220] =	vst v5;
	v5 =	vld [tilespmem:s28+$0xFFFFFEE0];
	v33 =	vmul.f32 v54, v32;
	vm12 =	vge.f32 v34, $0.0e+00;
	v55 =	vmul.f32 $2.000000030e-01, v34  }
0x301: {  	[tilespmem:s26+$0x50] =	vst v8;
	v8 =	vld [tilespmem:s28+$0xFFFFFF70];
	(erf) = vpow2.f32 v11;
	v1 =	vsel vm13, v9, v1;
	v9 =	vmul.f32 $2.000000030e-01, v41  }
0x302: {  	[tilespmem:s26+$0x170] =	vst v4;
	v58 =	vld [tilespmem:s28+$0x0];
	v4 =	vsel vm12, v34, v55;
	(erf) = vpow2.f32 v3;
	v1 =	vmul.f32 $1.442695020e+00, v1  }
0x303: {  	s21 =	simm.s32 $0x1E050;
	[tilespmem:s24+$0xFFFFFE20] =	vst v10;
	v62 =	vld [tilespmem:s28+$0x120];
	v3 =	vmul.f32 $1.442695020e+00, v4;
	v4 =	vperm.xlane v20, v16  }
0x304: {  	v27 =	vperm.xlane v14, v16;
	v59 =	vld [tilespmem:s28+$0x90];
	vm14 =	vge.f32 v41, $0.0e+00;
	v11 =	vmul.f32 $2.000000030e-01, v2;
	[tilespmem:s21+$0x1B0] =	vst v33  }
0x305: {  	vm15 =	vge.f32 v2, $0.0e+00;
	v9 =	vsel vm14, v41, v9;
	(erf) = vpow2.f32 v1;
	v1 =	vld [tilespmem:s28+$0x1C0];
	[tilespmem:$0x1FED0] =	vst v4  }
0x306: {  	v7 =	vmul.f32 v52, v24;
	v2 =	vsel vm15, v2, v11;
	v4 =	vmul.f32 $1.442695020e+00, v9;
	[tilespmem:s24+$0xFFFFFEB0] =	vst v12  }
0x307: {  	v2 =	vmul.f32 $1.442695020e+00, v2;
	v14 =	vld [tilespmem:s25+$0xFFFFFE20];
	[tilespmem:s24+$0xFFFFFF40] =	vst v13;
	(erf) = vpow2.f32 v3  }
0x308: {  	v51 =	vld [tilespmem:s25+$0xFFFFFEB0];
	[tilespmem:s24+$0xFFFFFFD0] =	vst v45;
	v3 =	vperm.xlane v38, v35;
	(erf) = vpow2.f32 v4  }
0x309: {  	v50 =	vld [tilespmem:s25+$0xFFFFFF40];
	[tilespmem:s24+$0x60] =	vst v49;
	v33 =	vpop (erf);
	(erf) = vpow2.f32 v2;
	v2 =	vperm.xlane v30, v16  }
0x30a: {  	v52 =	vld [tilespmem:s25+$0xFFFFFFD0];
	[tilespmem:s24+$0xF0] =	vst v7  }
0x30b: {  	v55 =	vld [tilespmem:s25+$0x60];
	v1 =	vmul.f32 v1, v3;
	[tilespmem:$0x1FEE0] =	vst v2  }
0x30c: {  	[tilespmem:s24+$0x180] =	vst v53  }
0x30d: {  	v4 =	vperm.xlane v33, v19;
	[tilespmem:s21+$0x1C0] =	vst v1  }
0x30e: {  	v25 =	vperm.xlane v17, v16;
	v24 =	vperm.xlane v21, v16;
	v40 =	vpop (erf);
	v56 =	vld [tilespmem:s25+$0xF0];
	[tilespmem:s26+$0x230] =	vst v47  }
0x30f: {  	v46 =	vperm.xlane v31, v16;
	v41 =	vpop (erf);
	v0 =	vmul.f32 v0, v4;
	v49 =	vld [tilespmem:s22+$0xFFFFFE30];
	[tilespmem:s24+$0xFFFFFE40] =	vst v43  }
0x310: {  	v32 =	vmovc v31;
	v31 =	vmov v30;
	v30 =	vperm.xlane v18, v16;
	v9 =	vperm.xlane v41, v19;
	v54 =	vld [tilespmem:s22+$0xFFFFFEC0];
	[tilespmem:s24+$0xFFFFFED0] =	vst v42  }
0x311: {  	v2 =	vperm.xlane v33, v35;
	v3 =	vld [tilespmem:s28+$0x1D0];
	[tilespmem:s21+$0xFFFFFE50] =	vst v0;
	v0 =	vperm.xlane v40, v19  }
0x312: {  	v1 =	vperm.xlane v33, v23;
	v53 =	vld [tilespmem:s22+$0xFFFFFF50];
	[tilespmem:s24+$0xFFFFFF60] =	vst v39;
	v47 =	vpop (erf);
	v8 =	vmul.f32 v8, v9  }
0x313: {  	v57 =	vld [tilespmem:s22+$0xFFFFFFE0];
	[tilespmem:s24+$0xFFFFFFF0] =	vst v63;
	v0 =	vmul.f32 v5, v0;
	v5 =	vperm.xlane v47, v19  }
0x314: {  	v4 =	vperm.xlane v33, v60;
	v39 =	vld [tilespmem:s22+$0x70];
	[tilespmem:s24+$0x80] =	vst v36;
	v9 =	vperm.xlane v38, v23  }
0x315: {  	v12 =	vperm.xlane v41, v35;
	v7 =	vld [tilespmem:s28+$0xFFFFFE60];
	v42 =	vpop (erf);
	[tilespmem:s21+$0xFFFFFF70] =	vst v8;
	v5 =	vmul.f32 v6, v5  }
0x316: {  	v43 =	vpop (erf);
	[tilespmem:s21+$0xFFFFFEE0] =	vst v0;
	v0 =	vperm.xlane v42, v19;
	v3 =	vmul.f32 v3, v9;
	v9 =	vld [tilespmem:s28+$0xFFFFFF80]  }
0x317: {  	v44 =	vperm.xlane v41, v22;
	v10 =	vperm.xlane v43, v19;
	v48 =	vpop (erf);
	v6 =	vld [tilespmem:s28+$0xFFFFFEF0];
	[tilespmem:s21+$0xFFFFFDC0] =	vst v5  }
0x318: {  	v15 =	vmovc v29;
	v29 =	vmovc v20;
	v20 =	vimm.s32 $0x6;
	v8 =	vperm.xlane v48, v19;
	v0 =	vmul.f32 v58, v0;
	[tilespmem:s21+$0x1D0] =	vst v3;
	v58 =	vld [tilespmem:s22+$0x100]  }
0x319: {  	v63 =	vperm.xlane v41, v20;
	v10 =	vmul.f32 v59, v10;
	[tilespmem:s24+$0x110] =	vst v37;
	v11 =	vld [tilespmem:s28+$0xFFFFFDD0]  }
0x31a: {  	v3 =	vperm.xlane v40, v35;
	v8 =	vmul.f32 v62, v8;
	[tilespmem:s21+$0x0] =	vst v0;
	v0 =	vld [tilespmem:s28+$0x1E0]  }
0x31b: {  	v13 =	vperm.xlane v42, v61;
	v2 =	vmul.f32 v7, v2;
	[tilespmem:s21+$0x90] =	vst v10;
	v7 =	vld [tilespmem:s28+$0x10]  }
0x31c: {  	v10 =	vperm.xlane v47, v35;
	[tilespmem:s21+$0x120] =	vst v8;
	v3 =	vmul.f32 v6, v3;
	v6 =	vld [tilespmem:s28+$0xA0]  }
0x31d: {  	[tilespmem:s21+$0xFFFFFE60] =	vst v2;
	v8 =	vmul.f32 v9, v12;
	v9 =	vperm.xlane v38, v60;
	v2 =	vld [tilespmem:s28+$0x130]  }
0x31e: {  	v12 =	vperm.xlane v42, v35;
	v10 =	vmul.f32 v11, v10;
	v11 =	vld [tilespmem:s28+$0xFFFFFE70];
	[tilespmem:s21+$0xFFFFFEF0] =	vst v3  }
0x31f: {  	[tilespmem:s21+$0xFFFFFF80] =	vst v8;
	v3 =	vperm.xlane v43, v35;
	v8 =	vld [tilespmem:s28+$0xFFFFFF00];
	v0 =	vmul.f32 v0, v9  }
0x320: {  	v9 =	vperm.xlane v48, v35;
	[tilespmem:s21+$0xFFFFFDD0] =	vst v10;
	v10 =	vld [tilespmem:s28+$0xFFFFFF90];
	v7 =	vmul.f32 v7, v12  }
0x321: {  	v45 =	vperm.xlane v48, v61;
	v3 =	vmul.f32 v6, v3;
	v6 =	vld [tilespmem:s28+$0xFFFFFDE0];
	[tilespmem:s21+$0x1E0] =	vst v0  }
0x322: {  	v0 =	vperm.xlane v40, v23;
	v2 =	vmul.f32 v2, v9;
	[tilespmem:s21+$0x10] =	vst v7;
	v7 =	vld [tilespmem:s28+$0x1F0]  }
0x323: {  	v9 =	vperm.xlane v41, v23;
	v1 =	vmul.f32 v11, v1;
	v11 =	vld [tilespmem:s28+$0x20];
	[tilespmem:s21+$0xA0] =	vst v3  }
0x324: {  	v3 =	vperm.xlane v47, v23;
	[tilespmem:s21+$0x130] =	vst v2;
	v0 =	vmul.f32 v8, v0;
	v8 =	vld [tilespmem:s28+$0xB0]  }
0x325: {  	v2 =	vld [tilespmem:s28+$0x140];
	[tilespmem:s21+$0xFFFFFE70] =	vst v1;
	v1 =	vmul.f32 v10, v9;
	v9 =	vperm.xlane v38, v61  }
0x326: {  	v10 =	vperm.xlane v42, v23;
	v3 =	vmul.f32 v6, v3;
	v6 =	vld [tilespmem:s28+$0xFFFFFE80];
	[tilespmem:s21+$0xFFFFFF00] =	vst v0  }
0x327: {  	v0 =	vperm.xlane v43, v23;
	[tilespmem:s21+$0xFFFFFF90] =	vst v1;
	v1 =	vld [tilespmem:s28+$0xFFFFFF10];
	v7 =	vmul.f32 v7, v9  }
0x328: {  	v9 =	vperm.xlane v48, v23;
	[tilespmem:s21+$0xFFFFFDE0] =	vst v3;
	v3 =	vld [tilespmem:s28+$0xFFFFFFA0];
	v10 =	vmul.f32 v11, v10  }
0x329: {  	v5 =	vperm.xlane v33, v61;
	v0 =	vmul.f32 v8, v0;
	v8 =	vld [tilespmem:s28+$0xFFFFFDF0];
	[tilespmem:s21+$0x1F0] =	vst v7  }
0x32a: {  	v11 =	vperm.xlane v40, v60;
	v2 =	vmul.f32 v2, v9;
	[tilespmem:s21+$0x20] =	vst v10;
	v9 =	vld [tilespmem:s28+$0x200]  }
0x32b: {  	v10 =	vperm.xlane v41, v60;
	v4 =	vmul.f32 v6, v4;
	v6 =	vld [tilespmem:s28+$0x30];
	[tilespmem:s21+$0xB0] =	vst v0  }
0x32c: {  	v7 =	vperm.xlane v47, v60;
	[tilespmem:s21+$0x140] =	vst v2;
	v1 =	vmul.f32 v1, v11;
	v11 =	vld [tilespmem:s28+$0xC0]  }
0x32d: {  	[tilespmem:s21+$0xFFFFFE80] =	vst v4;
	v2 =	vmul.f32 v3, v10;
	v3 =	vld [tilespmem:s28+$0x150];
	v4 =	vperm.xlane v38, v22  }
0x32e: {  	v0 =	vperm.xlane v42, v60;
	v7 =	vmul.f32 v8, v7;
	v8 =	vld [tilespmem:s28+$0xFFFFFE90];
	[tilespmem:s21+$0xFFFFFF10] =	vst v1  }
0x32f: {  	v10 =	vperm.xlane v43, v60;
	[tilespmem:s21+$0xFFFFFFA0] =	vst v2;
	v2 =	vld [tilespmem:s28+$0xFFFFFF20];
	v4 =	vmul.f32 v9, v4  }
0x330: {  	v1 =	vperm.xlane v48, v60;
	[tilespmem:s21+$0xFFFFFDF0] =	vst v7;
	v7 =	vld [tilespmem:s28+$0xFFFFFFB0];
	v0 =	vmul.f32 v6, v0  }
0x331: {  	v12 =	vperm.xlane v33, v22;
	v10 =	vmul.f32 v11, v10;
	v11 =	vld [tilespmem:s28+$0xFFFFFE00];
	[tilespmem:s21+$0x200] =	vst v4  }
0x332: {  	v6 =	vperm.xlane v40, v61;
	[tilespmem:s21+$0x30] =	vst v0;
	v0 =	vmul.f32 v3, v1;
	v3 =	vld [tilespmem:s28+$0x210]  }
0x333: {  	v4 =	vperm.xlane v41, v61;
	v1 =	vmul.f32 v8, v5;
	v5 =	vld [tilespmem:s28+$0x40];
	[tilespmem:s21+$0xC0] =	vst v10  }
0x334: {  	v36 =	vld [tilespmem:s22+$0x190];
	v9 =	vperm.xlane v47, v61;
	v2 =	vmul.f32 v2, v6;
	[tilespmem:s21+$0x150] =	vst v0  }
0x335: {  	v59 =	vld [tilespmem:s25+$0x180];
	v10 =	vperm.xlane v38, v20;
	[tilespmem:s21+$0xFFFFFE90] =	vst v1;
	v4 =	vmul.f32 v7, v4  }
0x336: {  	v8 =	vperm.xlane v43, v61;
	v6 =	vld [tilespmem:s28+$0xD0];
	v35 =	vmul.f32 v11, v9;
	[tilespmem:s21+$0xFFFFFF20] =	vst v2  }
0x337: {  	v61 =	vperm.xlane v40, v20;
	v7 =	vld [tilespmem:s28+$0x160];
	v10 =	vmul.f32 v3, v10;
	[tilespmem:s21+$0xFFFFFFB0] =	vst v4  }
0x338: {  	v1 =	vperm.xlane v47, v22;
	v11 =	vld [tilespmem:s28+$0xFFFFFEA0];
	v13 =	vmul.f32 v5, v13;
	[tilespmem:s21+$0xFFFFFE00] =	vst v35  }
0x339: {  	v2 =	vperm.xlane v40, v22;
	v62 =	vld [tilespmem:s28+$0xFFFFFF30];
	v3 =	vperm.xlane v42, v22;
	[tilespmem:s21+$0x210] =	vst v10  }
0x33a: {  	v4 =	vperm.xlane v43, v22;
	v0 =	vld [tilespmem:s28+$0xFFFFFFC0];
	v5 =	vperm.xlane v48, v22;
	[tilespmem:s21+$0x40] =	vst v13  }
0x33b: {  	v35 =	vperm.xlane v47, v20;
	v6 =	vmul.f32 v6, v8;
	v10 =	vimm.s32 $0x6;
	v8 =	vld [tilespmem:$0x1FEF0]  }
0x33c: {  	v9 =	vmul.f32 v7, v45;
	v7 =	vld [tilespmem:s28+$0xFFFFFE10];
	v60 =	vperm.xlane v48, v10  }
0x33d: {  	v13 =	vperm.xlane v38, v16;
	v45 =	vmul.f32 v11, v12;
	[tilespmem:s21+$0xD0] =	vst v6;
	v6 =	vld [tilespmem:s28+$0x50]  }
0x33e: {  	v11 =	vmul.f32 v62, v2;
	v2 =	vperm.xlane v33, v20;
	[tilespmem:s21+$0x160] =	vst v9;
	v9 =	vld [tilespmem:s28+$0xE0]  }
0x33f: {  	v26 =	vmovc v21;
	v21 =	vimm.s32 $0x2;
	v62 =	vperm.xlane v42, v20;
	v12 =	vmul.f32 v0, v44;
	v10 =	vld [tilespmem:s28+$0x170]  }
0x340: {  	s13 =	simm.s32 $0x10;
	s10 =	simm.s32 $0x1E050;
	s9 =	simm.s32 $0x1BCD0;
	v0 =	vperm.xlane v43, v20;
	[tilespmem:s21+$0xFFFFFEA0] =	vst v45;
	v20 =	vimm.s32 $0x1;
	v37 =	vmul.f32 v14, v8;
	v8 =	vld [tilespmem:s28+$0x220]  }
.LBB2_7:
0x341: {  	v14 =	vld [tilespmem:s9+$0x230];
	s20 =	sadd.s32 $0x80, s20;
	[tilespmem:s21+$0xFFFFFF30] =	vst v11  }
0x342: {  	v11 =	vmov v2;
	v2 =	vld [tilespmem:s20+$0x30];
	[tilespmem:s21+$0xFFFFFFC0] =	vst v12;
	v12 =	vmov v61  }
0x343: {  	[tilespmem:$0x1FDF0] =	vst v12;
	v12 =	vld [tilespmem:s20+$0xFFFFFFC0]  }
0x344: {  	v61 =	vld [tilespmem:s20+$0xFFFFFFF0];
	v1 =	vmul.f32 v7, v1  }
0x345: {  	v7 =	vld [tilespmem:$0x1FE70];
	v8 =	vmul.f32 v8, v13  }
0x346: {  	[tilespmem:s21+$0xFFFFFE10] =	vst v1;
	v1 =	vmul.f32 v6, v3;
	v3 =	vld [tilespmem:$0x1FE80]  }
0x347: {  	v4 =	vmul.f32 v9, v4;
	v9 =	vmov v62;
	[tilespmem:s21+$0x220] =	vst v8;
	v8 =	vld [tilespmem:$0x1FE90]  }
0x348: {  	[tilespmem:$0x1FE90] =	vst v9;
	v9 =	vld [tilespmem:s20+$0xFFFFFFD0]  }
0x349: {  	v13 =	vmov v60;
	[tilespmem:s21+$0xE0] =	vst v4;
	v4 =	vld [tilespmem:$0x1FEB0]  }
0x34a: {  	v6 =	vmov v63;
	[tilespmem:$0x1FEB0] =	vst v13;
	v13 =	vld [tilespmem:s20+$0xFFFFFFE0]  }
0x34b: {  	[tilespmem:$0x1FE80] =	vst v6;
	v6 =	vld [tilespmem:s9+$0xFFFFFED0]  }
0x34c: {  	[tilespmem:$0x1FE70] =	vst v11;
	v11 =	vmul.f32 v50, v28;
	v60 =	vld [tilespmem:s9+$0x110]  }
0x34d: {  	[tilespmem:s21+$0x50] =	vst v1;
	v1 =	vmul.f32 v10, v5;
	v5 =	vld [tilespmem:$0x1FEA0]  }
0x34e: {  	v45 =	vperm.xlane v40, v16;
	v2 =	vadd.f32 v2, v14;
	v10 =	vmov v0;
	v0 =	vld [tilespmem:s9+$0xFFFFFF60];
	[tilespmem:s26+$0xFFFFFF40] =	vst v11  }
0x34f: {  	v14 =	vperm.xlane v33, v16;
	v7 =	vmul.f32 v51, v7;
	[tilespmem:$0x1FEA0] =	vst v10;
	v11 =	vld [tilespmem:s20+$0x0]  }
0x350: {  	v62 =	vmul.f32 $2.000000030e-01, v2;
	[tilespmem:s21+$0x170] =	vst v1;
	v1 =	vld [tilespmem:s9+$0xFFFFFFF0];
	v3 =	vmul.f32 v52, v3  }
0x351: {  	vm0 =	vge.f32 v2, $0.0e+00;
	v10 =	vperm.xlane v47, v16;
	v51 =	vperm.xlane v41, v16;
	[tilespmem:s26+$0xFFFFFEB0] =	vst v7;
	v7 =	vld [tilespmem:s9+$0x80]  }
0x352: {  	v52 =	vperm.xlane v42, v16;
	v6 =	vadd.f32 v9, v6;
	v9 =	vperm.xlane v48, v16;
	[tilespmem:s26+$0xFFFFFFD0] =	vst v3;
	v3 =	vld [tilespmem:$0x1FE00]  }
0x353: {  	v22 =	vsel vm0, v2, v62;
	v2 =	vmovc v24;
	v5 =	vmul.f32 v56, v5;
	v56 =	vperm.xlane v43, v16;
	v16 =	vld [tilespmem:$0x1FE10]  }
0x354: {  	[tilespmem:$0x1FE00] =	vst v2;
	v2 =	vld [tilespmem:s20+$0x10]  }
0x355: {  	v8 =	vmul.f32 v55, v8;
	v13 =	vadd.f32 v13, v0;
	v0 =	vmov v27;
	[tilespmem:s26+$0xF0] =	vst v5;
	v5 =	vld [tilespmem:$0x1FE20]  }
0x356: {  	[tilespmem:$0x1FE20] =	vst v0;
	v0 =	vld [tilespmem:$0x1FE40]  }
0x357: {  	v4 =	vmul.f32 v59, v4;
	[tilespmem:s26+$0x60] =	vst v8;
	v8 =	vld [tilespmem:$0x1FE30];
	v59 =	vmul.f32 $2.000000030e-01, v6  }
0x358: {  	[tilespmem:s26+$0xFFFFFE20] =	vst v37;
	vm10 =	vge.f32 v6, $0.0e+00;
	v7 =	vadd.f32 v11, v7;
	v11 =	vld [tilespmem:$0x1FED0];
	v3 =	vmul.f32 v49, v3  }
0x359: {  	v1 =	vadd.f32 v61, v1;
	v61 =	vld [tilespmem:s9+$0x1A0];
	[tilespmem:s26+$0x180] =	vst v4;
	v63 =	vmul.f32 v54, v16;
	v16 =	vmul.f32 $1.442695020e+00, v22  }
0x35a: {  	v4 =	vsel vm10, v6, v59;
	v6 =	vld [tilespmem:s20+$0x20];
	[tilespmem:s24+$0xFFFFFE30] =	vst v3  }
0x35b: {  	v34 =	vmovc v14;
	v5 =	vmul.f32 v53, v5;
	v3 =	vmul.f32 v39, v0;
	v0 =	vmov v51;
	v14 =	vld [tilespmem:s9+$0xFFFFFE40]  }
0x35c: {  	[tilespmem:$0x1FED0] =	vst v0;
	v0 =	vld [tilespmem:s9+$0xFFFFFDC0]  }
0x35d: {  	(erf) = vpow2.f32 v16;
	v16 =	vmov v11;
	[tilespmem:s24+$0xFFFFFF50] =	vst v5;
	v5 =	vld [tilespmem:$0x1FE50]  }
0x35e: {  	[tilespmem:$0x1FE30] =	vst v16;
	v16 =	vld [tilespmem:$0x1FEE0]  }
0x35f: {  	v28 =	vmov v10;
	v10 =	vmov v25;
	v8 =	vmul.f32 v57, v8;
	[tilespmem:s24+$0xFFFFFEC0] =	vst v63;
	v37 =	vld [tilespmem:s28+$0xFFFFFE20]  }
0x360: {  	[tilespmem:$0x1FE10] =	vst v10;
	v10 =	vmul.f32 $2.000000030e-01, v13;
	v51 =	vld [tilespmem:s28+$0xFFFFFEB0]  }
0x361: {  	vm11 =	vge.f32 v13, $0.0e+00;
	vm1 =	vge.f32 v1, $0.0e+00;
	v62 =	vmul.f32 $2.000000030e-01, v1;
	[tilespmem:s24+$0xFFFFFFE0] =	vst v8;
	v49 =	vld [tilespmem:s25+$0xFFFFFE30]  }
0x362: {  	v4 =	vmul.f32 $1.442695020e+00, v4;
	v10 =	vsel vm11, v13, v10;
	v13 =	vmul.f32 $2.000000030e-01, v7;
	v57 =	vld [tilespmem:s25+$0xFFFFFFE0];
	v11 =	vmovc v46;
	[tilespmem:s24+$0x70] =	vst v3  }
0x363: {  	v2 =	vadd.f32 v2, v60;
	v46 =	vmovc v52;
	v52 =	vld [tilespmem:s28+$0xFFFFFFD0];
	[tilespmem:$0x1FE40] =	vst v11;
	v5 =	vmul.f32 v58, v5;
	v8 =	vmov v16  }
0x364: {  	v1 =	vsel vm1, v1, v62;
	(erf) = vpow2.f32 v4;
	v11 =	vld [tilespmem:s9+$0xFFFFFE50];
	[tilespmem:$0x1FE50] =	vst v8;
	v8 =	vmul.f32 $1.442695020e+00, v10  }
0x365: {  	vm12 =	vge.f32 v7, $0.0e+00;
	v1 =	vmul.f32 $1.442695020e+00, v1;
	[tilespmem:s24+$0x100] =	vst v5;
	v5 =	vadd.f32 v12, v14;
	v12 =	vld [tilespmem:s9+$0x1B0]  }
0x366: {  	v7 =	vsel vm12, v7, v13;
	v4 =	vmul.f32 $2.000000030e-01, v2;
	v13 =	vld [tilespmem:s9+$0x0];
	[tilespmem:s21+$0x230] =	vst v38;
	v38 =	vpop (erf);
	(erf) = vpow2.f32 v8  }
0x367: {  	v6 =	vadd.f32 v6, v61;
	v7 =	vmul.f32 $1.442695020e+00, v7;
	(erf) = vpow2.f32 v1;
	v1 =	vld [tilespmem:$0x1FE60]  }
0x368: {  	vm13 =	vge.f32 v2, $0.0e+00;
	v50 =	vld [tilespmem:s28+$0xFFFFFF40];
	v63 =	vperm.xlane v38, v19;
	v14 =	vmul.f32 $2.000000030e-01, v5  }
0x369: {  	v2 =	vsel vm13, v2, v4;
	v4 =	vmul.f32 $2.000000030e-01, v6;
	v55 =	vld [tilespmem:s28+$0x60];
	vm15 =	vge.f32 v5, $0.0e+00  }
0x36a: {  	[tilespmem:s24+$0x1A0] =	vst v15;
	vm14 =	vge.f32 v6, $0.0e+00;
	v39 =	vld [tilespmem:s25+$0x70];
	v3 =	vmovc v56;
	v5 =	vsel vm15, v5, v14;
	v8 =	vmul.f32 v12, v63  }
0x36b: {  	v2 =	vmul.f32 $1.442695020e+00, v2;
	[tilespmem:$0x1FEE0] =	vst v3;
	v3 =	vld [tilespmem:s9+$0xFFFFFF70];
	v4 =	vsel vm14, v6, v4;
	s21 =	sadd.s32 $0x480, s21;
	v14 =	vmul.f32 $1.442695020e+00, v5  }
0x36c: {  	v44 =	vmovc v45;
	v25 =	vmovc v18;
	v6 =	vld [tilespmem:s9+$0x120];
	v4 =	vmul.f32 $1.442695020e+00, v4;
	v12 =	vmov v30;
	[tilespmem:s21+$0x1B0] =	vst v8;
	v1 =	vmul.f32 v36, v1  }
0x36d: {  	v45 =	vmov v9;
	v18 =	vperm.xlane v38, v21;
	[tilespmem:$0x1FE60] =	vst v12;
	(erf) = vpow2.f32 v14;
	v5 =	vpop (erf);
	v9 =	vld [tilespmem:s9+$0x1C0]  }
0x36e: {  	v10 =	vld [tilespmem:s9+$0xFFFFFEE0];
	v8 =	vperm.xlane v5, v19;
	(erf) = vpow2.f32 v7;
	[tilespmem:s24+$0x190] =	vst v1;
	s24 =	smov.u32 s26  }
0x36f: {  	v23 =	vimm.s32 $0x3;
	v15 =	vld [tilespmem:s9+$0x90];
	v7 =	vperm.xlane v38, v20;
	(erf) = vpow2.f32 v2;
	[tilespmem:s24+$0xFFFFFE40] =	vst v26  }
0x370: {  	v22 =	vimm.s32 $0x4;
	v56 =	vld [tilespmem:s28+$0xF0];
	v2 =	vmul.f32 v11, v8;
	(erf) = vpow2.f32 v4;
	[tilespmem:s24+$0xFFFFFFF0] =	vst v29  }
0x371: {  	v24 =	vimm.s32 $0x5;
	v14 =	vld [tilespmem:$0x1FEC0];
	v62 =	vperm.xlane v5, v23;
	v61 =	vperm.xlane v5, v22;
	[tilespmem:s24+$0x80] =	vst v32  }
0x372: {  	v58 =	vld [tilespmem:s25+$0x100];
	v60 =	vperm.xlane v5, v24;
	[tilespmem:s21+$0xFFFFFE50] =	vst v2;
	v8 =	vpop (erf);
	v12 =	vmul.f32 v9, v7  }
0x373: {  	v1 =	vperm.xlane v5, v20;
	[tilespmem:s24+$0x110] =	vst v31;
	v2 =	vld [tilespmem:s9+$0xFFFFFE60];
	v9 =	vperm.xlane v8, v19  }
0x374: {  	v30 =	vmov v47;
	v4 =	vperm.xlane v5, v21;
	v11 =	vperm.xlane v8, v20;
	v54 =	vld [tilespmem:s25+$0xFFFFFEC0];
	v7 =	vpop (erf);
	[tilespmem:s21+$0x1C0] =	vst v12  }
0x375: {  	v26 =	vmovc v33;
	v33 =	vmov v5;
	[tilespmem:s24+$0xFFFFFED0] =	vst v17;
	v17 =	vmul.f32 v10, v9;
	v10 =	vperm.xlane v7, v19;
	v12 =	vld [tilespmem:s9+$0x1D0]  }
0x376: {  	v53 =	vld [tilespmem:s25+$0xFFFFFF50];
	[tilespmem:s24+$0xFFFFFF60] =	vst v14;
	v14 =	vmov v40;
	v5 =	vperm.xlane v8, v21;
	v63 =	vperm.xlane v8, v23;
	v47 =	vpop (erf)  }
0x377: {  	[tilespmem:$0x1FEC0] =	vst v14;
	v14 =	vperm.xlane v47, v19;
	v36 =	vpop (erf);
	v3 =	vmul.f32 v3, v10  }
0x378: {  	v59 =	vld [tilespmem:s28+$0x180];
	v40 =	vmov v8;
	[tilespmem:s21+$0xFFFFFEE0] =	vst v17;
	v8 =	vperm.xlane v36, v19;
	v9 =	vpop (erf);
	v1 =	vmul.f32 v2, v1  }
0x379: {  	v27 =	vmov v48;
	v10 =	vld [tilespmem:s9+$0xFFFFFEF0];
	v17 =	vperm.xlane v9, v19;
	v48 =	vpop (erf);
	v0 =	vmul.f32 v0, v14;
	[tilespmem:s21+$0xFFFFFF70] =	vst v3  }
0x37a: {  	v29 =	vmovc v41;
	v41 =	vmov v7;
	v3 =	vperm.xlane v48, v19;
	v7 =	vld [tilespmem:s9+$0xFFFFFF80];
	[tilespmem:s21+$0xFFFFFE60] =	vst v1;
	v12 =	vmul.f32 v12, v18  }
0x37b: {  	v37 =	vmul.f32 v37, v35;
	v32 =	vmovc v42;
	v42 =	vmov v36;
	v36 =	vld [tilespmem:s25+$0x190];
	v8 =	vmul.f32 v13, v8;
	[tilespmem:s21+$0xFFFFFDC0] =	vst v0  }
0x37c: {  	v0 =	vmul.f32 v15, v17;
	v3 =	vmul.f32 v6, v3;
	v6 =	vld [tilespmem:s9+$0xFFFFFDD0];
	[tilespmem:s21+$0x1D0] =	vst v12  }
0x37d: {  	v31 =	vmovc v43;
	v16 =	vperm.xlane v47, v20;
	v43 =	vmov v9;
	v9 =	vperm.xlane v41, v20;
	[tilespmem:s21+$0x0] =	vst v8;
	v14 =	vld [tilespmem:s9+$0x1E0]  }
0x37e: {  	v13 =	vperm.xlane v42, v20;
	v2 =	vmul.f32 v10, v11;
	v10 =	vld [tilespmem:s9+$0x10];
	[tilespmem:s21+$0x90] =	vst v0  }
0x37f: {  	v1 =	vperm.xlane v41, v21;
	[tilespmem:s21+$0x120] =	vst v3;
	v7 =	vmul.f32 v7, v9;
	v9 =	vld [tilespmem:s9+$0xA0]  }
0x380: {  	v19 =	vperm.xlane v40, v24;
	v11 =	vperm.xlane v38, v23;
	v3 =	vld [tilespmem:s9+$0x130]  }
0x381: {  	v15 =	vld [tilespmem:s9+$0xFFFFFE70];
	v17 =	vperm.xlane v47, v23;
	[tilespmem:s21+$0xFFFFFEF0] =	vst v2;
	v6 =	vmul.f32 v6, v16  }
0x382: {  	v8 =	vperm.xlane v43, v20;
	v16 =	vld [tilespmem:s9+$0xFFFFFF00];
	[tilespmem:s21+$0xFFFFFF80] =	vst v7;
	v11 =	vmul.f32 v14, v11  }
0x383: {  	v12 =	vperm.xlane v48, v20;
	v10 =	vmul.f32 v10, v13;
	[tilespmem:s21+$0xFFFFFDD0] =	vst v6;
	v6 =	vld [tilespmem:s9+$0xFFFFFF90]  }
0x384: {  	v18 =	vperm.xlane v48, v22;
	v14 =	vld [tilespmem:s9+$0xFFFFFDE0];
	v8 =	vmul.f32 v9, v8;
	[tilespmem:s21+$0x1E0] =	vst v11  }
0x385: {  	v0 =	vperm.xlane v47, v21;
	[tilespmem:s21+$0x10] =	vst v10;
	v3 =	vmul.f32 v3, v12;
	v10 =	vld [tilespmem:s9+$0x1F0]  }
0x386: {  	v20 =	vperm.xlane v41, v24;
	v4 =	vmul.f32 v15, v4;
	v11 =	vld [tilespmem:s9+$0x20];
	[tilespmem:s21+$0xA0] =	vst v8  }
0x387: {  	v2 =	vperm.xlane v42, v21;
	v5 =	vmul.f32 v16, v5;
	[tilespmem:s21+$0x130] =	vst v3;
	v8 =	vld [tilespmem:s9+$0xB0]  }
0x388: {  	[tilespmem:s21+$0xFFFFFE70] =	vst v4;
	v4 =	vperm.xlane v38, v22;
	v3 =	vld [tilespmem:s9+$0x140];
	v1 =	vmul.f32 v6, v1  }
0x389: {  	v15 =	vperm.xlane v43, v23;
	v6 =	vld [tilespmem:s9+$0xFFFFFE80];
	[tilespmem:s21+$0xFFFFFF00] =	vst v5;
	v0 =	vmul.f32 v14, v0  }
0x38a: {  	v7 =	vperm.xlane v43, v21;
	v16 =	vld [tilespmem:s9+$0xFFFFFF10];
	[tilespmem:s21+$0xFFFFFF90] =	vst v1;
	v1 =	vmul.f32 v10, v4  }
0x38b: {  	v13 =	vperm.xlane v48, v21;
	v2 =	vmul.f32 v11, v2;
	[tilespmem:s21+$0xFFFFFDE0] =	vst v0;
	v4 =	vld [tilespmem:s9+$0xFFFFFFA0]  }
0x38c: {  	v9 =	vperm.xlane v41, v23;
	v10 =	vld [tilespmem:s9+$0xFFFFFDF0];
	v7 =	vmul.f32 v8, v7;
	[tilespmem:s21+$0x1F0] =	vst v1  }
0x38d: {  	v12 =	vperm.xlane v42, v23;
	[tilespmem:s21+$0x20] =	vst v2;
	v1 =	vmul.f32 v3, v13;
	v2 =	vld [tilespmem:s9+$0x200]  }
0x38e: {  	v5 =	vperm.xlane v48, v23;
	v3 =	vmul.f32 v6, v62;
	v6 =	vld [tilespmem:s9+$0x30];
	[tilespmem:s21+$0xB0] =	vst v7  }
0x38f: {  	v14 =	vperm.xlane v47, v22;
	v7 =	vmul.f32 v16, v63;
	v16 =	vld [tilespmem:s9+$0xC0];
	[tilespmem:s21+$0x140] =	vst v1  }
0x390: {  	[tilespmem:s21+$0xFFFFFE80] =	vst v3;
	v3 =	vmul.f32 v4, v9;
	v9 =	vld [tilespmem:s9+$0x150];
	v4 =	vperm.xlane v38, v24  }
0x391: {  	v11 =	vperm.xlane v41, v22;
	[tilespmem:s21+$0xFFFFFF10] =	vst v7;
	v10 =	vmul.f32 v10, v17;
	v17 =	vld [tilespmem:s9+$0xFFFFFE90]  }
0x392: {  	v0 =	vperm.xlane v40, v22;
	v7 =	vld [tilespmem:s9+$0xFFFFFF20];
	[tilespmem:s21+$0xFFFFFFA0] =	vst v3;
	v2 =	vmul.f32 v2, v4  }
0x393: {  	v8 =	vperm.xlane v42, v22;
	[tilespmem:s21+$0xFFFFFDF0] =	vst v10;
	v10 =	vld [tilespmem:s9+$0xFFFFFFB0];
	v4 =	vmul.f32 v6, v12  }
0x394: {  	v23 =	vimm.s32 $0x6;
	v13 =	vperm.xlane v43, v22;
	v6 =	vld [tilespmem:s9+$0xFFFFFE00];
	v12 =	vmul.f32 v16, v15;
	[tilespmem:s21+$0x200] =	vst v2  }
0x395: {  	v62 =	vperm.xlane v42, v23;
	[tilespmem:s21+$0x30] =	vst v4;
	v2 =	vmul.f32 v9, v5;
	v9 =	vld [tilespmem:s9+$0x210]  }
0x396: {  	v63 =	vperm.xlane v41, v23;
	v15 =	vmul.f32 v17, v61;
	v16 =	vld [tilespmem:s9+$0x40];
	[tilespmem:s21+$0xC0] =	vst v12  }
0x397: {  	v1 =	vperm.xlane v47, v24;
	v0 =	vmul.f32 v7, v0;
	v17 =	vld [tilespmem:s9+$0xD0];
	[tilespmem:s21+$0x150] =	vst v2  }
0x398: {  	v3 =	vperm.xlane v42, v24;
	[tilespmem:s21+$0xFFFFFE90] =	vst v15;
	v7 =	vmul.f32 v10, v11;
	v10 =	vld [tilespmem:s9+$0x160]  }
0x399: {  	v11 =	vperm.xlane v38, v23;
	[tilespmem:s21+$0xFFFFFF20] =	vst v0;
	v6 =	vmul.f32 v6, v14;
	v14 =	vld [tilespmem:s9+$0xFFFFFEA0]  }
0x39a: {  	v4 =	vperm.xlane v43, v24;
	v5 =	vperm.xlane v48, v24;
	v15 =	vld [tilespmem:s9+$0xFFFFFF30];
	[tilespmem:s21+$0xFFFFFFB0] =	vst v7  }
0x39b: {  	s13 =	sadd.s32 $0x8, s13;
	v12 =	vperm.xlane v47, v23;
	v0 =	vmul.f32 v9, v11;
	v21 =	vld [tilespmem:s9+$0xFFFFFFC0]  }
0x39c: {  	p1 =	slt.u32 s13, $0x38;
	v24 =	vmov v28;
	v28 =	vld [tilespmem:$0x1FDF0];
	v61 =	vperm.xlane v40, v23;
	[tilespmem:s21+$0xFFFFFE00] =	vst v6;
	v6 =	vmul.f32 v16, v8  }
.Ltmp2:
0x39d: {  	v2 =	vperm.xlane v33, v23;
	v7 =	vld [tilespmem:s9+$0xFFFFFE10];
	v9 =	vmul.f32 v17, v13;
	[tilespmem:s21+$0x210] =	vst v0;
	(pc) =	sbr.rel @p1 .LBB2_7-.Ltmp2, $4  }
0x39e: {  	v35 =	vmovc v12;
	v17 =	vmov v26;
	[tilespmem:s21+$0x40] =	vst v6;
	v0 =	vperm.xlane v43, v23;
	v10 =	vmul.f32 v10, v18;
	v8 =	vld [tilespmem:s9+$0x220]  }
0x39f: {  	v16 =	vimm.s32 $0x7;
	v26 =	vmovc v30;
	v30 =	vmovc v45;
	v13 =	vmul.f32 v14, v60;
	v6 =	vld [tilespmem:s9+$0x50];
	[tilespmem:s21+$0xD0] =	vst v9;
	v60 =	vperm.xlane v48, v23  }
0x3a0: {  	s25 =	smov.u32 s28;
	s28 =	smov.u32 s9;
	v18 =	vmovc v27;
	v27 =	vmovc v44;
	v11 =	vmul.f32 v15, v19;
	v19 =	vimm.s32 $0x0;
	v9 =	vld [tilespmem:s9+$0xE0];
	[tilespmem:s21+$0x160] =	vst v10;
	v12 =	vmul.f32 v21, v20  }
0x3a1: {  	s26 =	smov.u32 s10;
	s10 =	smov.u32 s21;
	v15 =	vmovc v25;
	v25 =	vmovc v34;
	s9 =	sadd.s32 $0x480, s9;
	[tilespmem:s21+$0xFFFFFEA0] =	vst v13;
	v21 =	vimm.s32 $0x2;
	v20 =	vimm.s32 $0x1;
	v10 =	vld [tilespmem:s28+$0x170];
	v13 =	vperm.xlane v38, v16  }
0x3a2: {  	v1 =	vmul.f32 v7, v1;
	[tilespmem:s21+$0xFFFFFF30] =	vst v11  }
0x3a3: {  	[tilespmem:s21+$0xFFFFFFC0] =	vst v12;
	v45 =	vmul.f32 v8, v13  }
0x3a4: {  	[tilespmem:s21+$0xFFFFFE10] =	vst v1;
	v8 =	vmul.f32 v6, v3  }
0x3a5: {  	v11 =	vmul.f32 v9, v4;
	[tilespmem:s21+$0x220] =	vst v45  }
0x3a6: {  	[tilespmem:s21+$0x50] =	vst v8;
	v34 =	vmul.f32 v10, v5  }
0x3a7: {  	[tilespmem:s21+$0xE0] =	vst v11  }
0x3a8: {  	v3 =	vld [tilespmem:$0x1FE70];
	[tilespmem:s21+$0x170] =	vst v34  }
0x3a9: {  	[tilespmem:s26+$0xFFFFFE20] =	vst v37  }
0x3aa: {  	v45 =	vld [tilespmem:$0x1FE80];
	_ =	sdelay $0x2  }
0x3ab: {  	v3 =	vmul.f32 v51, v3  }
0x3ac: {  	v44 =	vmul.f32 v50, v28  }
0x3ad: {  	v4 =	vmul.f32 v52, v45;
	[tilespmem:s26+$0xFFFFFEB0] =	vst v3  }
0x3ae: {  	v3 =	vld [tilespmem:$0x1FE90];
	[tilespmem:s26+$0xFFFFFF40] =	vst v44  }
0x3af: {  	v1 =	vld [tilespmem:$0x1FEA0];
	[tilespmem:s26+$0xFFFFFFD0] =	vst v4  }
0x3b0: {  	v4 =	vld [tilespmem:$0x1FEB0];
	_ =	sdelay $0x2  }
0x3b1: {  	v3 =	vmul.f32 v55, v3  }
0x3b2: {  	v1 =	vmul.f32 v56, v1  }
0x3b3: {  	v4 =	vmul.f32 v59, v4;
	[tilespmem:s26+$0x60] =	vst v3  }
0x3b4: {  	v3 =	vld [tilespmem:$0x1FE00];
	[tilespmem:s26+$0xF0] =	vst v1  }
0x3b5: {  	v1 =	vld [tilespmem:$0x1FE10];
	[tilespmem:s26+$0x180] =	vst v4  }
0x3b6: {  	v4 =	vld [tilespmem:$0x1FE20];
	_ =	sdelay $0x2  }
0x3b7: {  	v3 =	vmul.f32 v49, v3  }
0x3b8: {  	v1 =	vmul.f32 v54, v1  }
0x3b9: {  	v4 =	vmul.f32 v53, v4;
	[tilespmem:s24+$0xFFFFFE30] =	vst v3  }
0x3ba: {  	v3 =	vld [tilespmem:$0x1FE30];
	[tilespmem:s24+$0xFFFFFEC0] =	vst v1  }
0x3bb: {  	v1 =	vld [tilespmem:$0x1FE40];
	[tilespmem:s24+$0xFFFFFF50] =	vst v4  }
0x3bc: {  	v51 =	vld [tilespmem:$0x1FE50];
	_ =	sdelay $0x2  }
0x3bd: {  	v3 =	vmul.f32 v57, v3  }
0x3be: {  	[tilespmem:s24+$0x1A0] =	vst v15;
	v1 =	vmul.f32 v39, v1  }
0x3bf: {  	v5 =	vmul.f32 v58, v51;
	[tilespmem:s24+$0xFFFFFFE0] =	vst v3  }
0x3c0: {  	v50 =	vld [tilespmem:s28+$0xFFFFFE20];
	[tilespmem:s24+$0x70] =	vst v1  }
0x3c1: {  	v52 =	vld [tilespmem:s28+$0xFFFFFEB0];
	[tilespmem:s24+$0x100] =	vst v5  }
0x3c2: {  	v55 =	vld [tilespmem:$0x1FE60]  }
0x3c3: {  	v28 =	vld [tilespmem:s25+$0xFFFFFFE0]  }
0x3c4: {  	v56 =	vld [tilespmem:s28+$0x60]  }
0x3c5: {  	v59 =	vld [tilespmem:s25+$0xFFFFFEC0]  }
0x3c6: {  	v12 =	vld [tilespmem:s25+$0x70];
	[tilespmem:s21+$0x230] =	vst v38  }
0x3c7: {  	v58 =	vld [tilespmem:s25+$0xFFFFFE30];
	[tilespmem:s26+$0xFFFFFE40] =	vst v26;
	v6 =	vmul.f32 v36, v55  }
0x3c8: {  	v53 =	vld [tilespmem:s28+$0xFFFFFF40];
	[tilespmem:s26+$0xFFFFFED0] =	vst v17  }
0x3c9: {  	v57 =	vld [tilespmem:s28+$0xF0];
	[tilespmem:s24+$0x190] =	vst v6  }
0x3ca: {  	v11 =	vld [tilespmem:$0x1FEC0];
	[tilespmem:s26+$0xFFFFFFF0] =	vst v29  }
0x3cb: {  	v13 =	vld [tilespmem:s25+$0x100];
	v4 =	vmul.f32 v50, v35;
	[tilespmem:s26+$0x80] =	vst v32  }
0x3cc: {  	v2 =	vmul.f32 v52, v2;
	v54 =	vld [tilespmem:s28+$0xFFFFFFD0];
	[tilespmem:s26+$0x110] =	vst v31  }
0x3cd: {  	v1 =	vmul.f32 v53, v61;
	[tilespmem:s10+$0xFFFFFE20] =	vst v4  }
0x3ce: {  	v34 =	vmul.f32 v56, v62;
	v31 =	vld [tilespmem:s28+$0x180];
	[tilespmem:s10+$0xFFFFFEB0] =	vst v2  }
0x3cf: {  	v0 =	vmul.f32 v57, v0;
	[tilespmem:s10+$0xFFFFFF40] =	vst v1  }
0x3d0: {  	v26 =	vld [tilespmem:s25+$0xFFFFFF50];
	v36 =	vmul.f32 v58, v24;
	[tilespmem:s10+$0x60] =	vst v34  }
0x3d1: {  	v32 =	vmul.f32 v54, v63;
	[tilespmem:s10+$0xF0] =	vst v0  }
0x3d2: {  	[tilespmem:s26+$0xFFFFFE30] =	vst v36  }
0x3d3: {  	v39 =	vld [tilespmem:s25+$0x190];
	[tilespmem:s10+$0xFFFFFFD0] =	vst v32;
	v35 =	vmul.f32 v31, v60  }
0x3d4: {  	v37 =	vmul.f32 v59, v25;
	[tilespmem:s26+$0xFFFFFF60] =	vst v11  }
0x3d5: {  	v38 =	vmul.f32 v26, v27;
	[tilespmem:s10+$0x180] =	vst v35  }
0x3d6: {  	v45 =	vmul.f32 v12, v46;
	v44 =	vld [tilespmem:$0x1FED0];
	[tilespmem:s26+$0xFFFFFEC0] =	vst v37  }
0x3d7: {  	[tilespmem:s26+$0xFFFFFF50] =	vst v38  }
0x3d8: {  	v46 =	vmul.f32 v39, v30;
	v1 =	vld [tilespmem:$0x1FEE0];
	[tilespmem:s26+$0x70] =	vst v45  }
0x3d9: {  	v50 =	vld [tilespmem:s28+$0xFFFFFEC0];
	[tilespmem:s26+$0x1A0] =	vst v18  }
0x3da: {  	v49 =	vld [tilespmem:s28+$0xFFFFFE30];
	[tilespmem:s26+$0x190] =	vst v46  }
0x3db: {  	v55 =	vld [tilespmem:s28+$0x70];
	[tilespmem:s10+$0xFFFFFE40] =	vst v47  }
0x3dc: {  	v53 =	vperm.xlane v33, v16;
	v52 =	vld [tilespmem:s28+$0xFFFFFF50];
	[tilespmem:s10+$0xFFFFFED0] =	vst v33  }
0x3dd: {  	v54 =	vld [tilespmem:s28+$0xFFFFFFE0];
	[tilespmem:s10+$0xFFFFFF60] =	vst v40  }
0x3de: {  	v59 =	vperm.xlane v42, v16;
	v0 =	vmul.f32 v50, v53;
	[tilespmem:s10+$0xFFFFFFF0] =	vst v41  }
0x3df: {  	[tilespmem:s10+$0x80] =	vst v42  }
0x3e0: {  	v58 =	vperm.xlane v41, v16;
	v2 =	vmul.f32 v55, v59;
	v60 =	vld [tilespmem:s28+$0x190];
	[tilespmem:s10+$0xFFFFFEC0] =	vst v0  }
0x3e1: {  	v57 =	vld [tilespmem:s28+$0x100];
	[tilespmem:s10+$0x110] =	vst v43  }
0x3e2: {  	v5 =	vmul.f32 v54, v58;
	[tilespmem:s10+$0x70] =	vst v2  }
0x3e3: {  	v62 =	vperm.xlane v48, v16;
	[tilespmem:s10+$0x1A0] =	vst v48;
	v3 =	vmul.f32 v28, v44  }
0x3e4: {  	v51 =	vperm.xlane v47, v16;
	[tilespmem:s10+$0xFFFFFFE0] =	vst v5;
	v1 =	vmul.f32 v13, v1  }
0x3e5: {  	v56 =	vperm.xlane v40, v16;
	v0 =	vmul.f32 v60, v62;
	[tilespmem:s26+$0xFFFFFFE0] =	vst v3  }
0x3e6: {  	v61 =	vperm.xlane v43, v16;
	[tilespmem:s26+$0x100] =	vst v1;
	v1 =	vmul.f32 v49, v51  }
0x3e7: {  	v3 =	vmul.f32 v52, v56;
	[tilespmem:s10+$0x190] =	vst v0  }
0x3e8: {  	[tilespmem:s10+$0xFFFFFE30] =	vst v1;
	v1 =	vmul.f32 v57, v61  }
0x3e9: {  	[tilespmem:s10+$0xFFFFFF50] =	vst v3  }
0x3ea: {  	[tilespmem:s10+$0x100] =	vst v1  }
0x3eb: {  	v0 =	vld [tilespmem:$0x1AC90]  }
0x3ec: {  	v1 =	vld [tilespmem:$0x1ACA0]  }
0x3ed: {  	v2 =	vld [tilespmem:$0x1ACB0]  }
0x3ee: {  	v63 =	vld [tilespmem:$0x1ACC0]  }
0x3ef: {  	p1 =	sne.s32 s23, s8  }
.Ltmp3:
0x3f0: {  	[tilespmem:$0x1ACD0] =	vst v0;
	(pc) =	sbr.rel @p1 .LBB2_4-.Ltmp3, $4  }
0x3f1: {  	[tilespmem:$0x1ACE0] =	vst v1  }
0x3f2: {  	[tilespmem:$0x1ACF0] =	vst v2  }
0x3f3: {  	v22 =	vimm.s32 $0x3;
	[tilespmem:$0x1AD00] =	vst v63  }
0x3f4: {  	v23 =	vimm.s32 $0x4;
	v13 =	vimm.s32 $0x6;
	v63 =	vimm.s32 $0x5;
	[spmem:s2] =	stream.indirect.scatter.add.f32 [tilespmem:s5], [sflag:$0x4], $0x90, s19, s0, $0xb8;
	[tilespmem:$0x1F910] =	vst v63  }
0x3f5: {  	s9 =	simm.s32 $0x2  }
0x3f6: {  	_ =	swait.ge [sflag:s9], $0x2400  }
0x3f7: {  	[sflag:s9] =	ssyncset.done $0x0  }
0x3f8: {  	s24 =	simm.s32 $0x4;
	[sflag:s9] =	ssyncadd.s32 $0xFFFFDC00  }
0x3f9: {  	_ =	swait.ge [sflag:s24], $0x2400  }
0x3fa: {  	[sflag:s24] =	ssyncset.done $0x0  }
0x3fb: {  	[sflag:s24] =	ssyncadd.s32 $0xFFFFDC00  }
0x3fc: {  	s25 =	stileid.u32;
	[bflag:$0x0] =	sbarrier.arrive $0xFFFF  }
0x3fd: {  	s9 =	sshll.u32 s25, $0x6;
	s10 =	rddreg [dreg:$0x9]  }
0x3fe: {  	s9 =	sor.u32 $0x1C05, s9;
	s13 =	rddreg [dreg:$0x12]  }
0x3ff: {  	[hbm:s10], [sflag:s9] =	dma.local [spmem:s13], $0x2BE0  }
0x400: {  	_ =	swait.ge [sflag:s30], $0x2BE0  }
0x401: {  	[sflag:s30] =	ssyncset.done $0x0;
	s20 =	rddreg [dreg:$0x8]  }
0x402: {  	s13 =	rddreg [dreg:$0xa];
	[sflag:s30] =	ssyncadd.s32 $0xFFFFD420;
	s10 =	sshrl.u32 @!p0 s20, $0x3  }
0x403: {  	[hbm:s13], [sflag:s9] =	dma.local @!p0 [spmem:s10], $0x120  }
0x404: {  	s9 =	simm.s32 @!p0 $0x5  }
0x405: {  	_ =	swait.ge @!p0 [sflag:s9], $0x120  }
0x406: {  	s26 =	rddreg [dreg:$0x15]  }
0x407: {  	s28 =	rddreg [dreg:$0xb];
	s13 =	sadd.s32 $0x1, s26  }
0x408: {  	p1 =	sne.s32 s13, s28  }
.Ltmp4:
0x409: {  	_ = 	snop;
	(pc) =	sbr.rel @p1 .LBB2_1-.Ltmp4, $3  }
0x40a: {  	_ =	sdelay $0x1  }
0x40b: {  	[sflag:s9] =	ssyncset.done @!p0 $0x0  }
0x40c: {  	v0 =	vimm.f32 $0.0e+00;
	[sflag:s9] =	ssyncadd.s32 @!p0 $0xFFFFFEE0  }
0x40d: {  	_ =	sfence.sel $0x180000  }
0x40e: {  	[bflag:$0x0] =	sbarrier.arrive $0xFFFF  }
0x40f: {  	_ =	strace $0x9000004A  }
0x410: {  	s0 =	stileid.u32;
	[bflag:$0x2] =	sbarrier.arrive $0xFFFF  }
0x411: {  	p0 =	sne.s32 s0, $0x0;
	s0 =	rddreg [dreg:$0x3]  }
0x412: {  	s0 =	sadd.s32 @!p0 $0x100000, s0  }
0x413: {  	[sflag:s0] =	ssyncadd.tile.s32 @!p0 $0x1;
	_ =	shalt  }
.Lfunc_end2:
_tile_overlayer_lowered:
.L_overlay_start_2:
0x414: {  	(tag) =	ssettag $0x2  }
0x415: {  	s0 =	rddreg [dreg:$0x0];
	s2 =	stileid.u32  }
0x416: {  	s1 =	rddreg [dreg:$0x1];
	p0 =	sne.s32 s2, $0x0  }
0x417: {  	s3 =	rddreg [dreg:$0x2];
	[bflag:$0x3] =	sbarrier.arrive $0xFFFF;
	s2 =	simm.s32 @!p0 $0x1C05  }
0x418: {  	[timem:s3], [sflag:s2] =	dma.local @!p0 [hbm:s0], s1  }
0x419: {  	s0 =	simm.s32 @!p0 $0x5  }
0x41a: {  	_ =	swait.ge @!p0 [sflag:s0], s1  }
0x41b: {  	s1 =	ssub.s32 @!p0 $0x0, s1;
	[sflag:s0] =	ssyncset.done @!p0 $0x0  }
0x41c: {  	[sflag:s0] =	ssyncadd.s32 @!p0 s1  }
0x41d: {  	[bflag:$0x3] =	sbarrier.arrive $0xFFFF  }
0x41e: {  	_ =	shalt  }

</sc_bundles>
